<compile_context>
chip_gen: v7x
topology: tpu7x:2x2x1
jax: 0.10.2.dev20260603
libtpu: 0.0.44.dev20260713+nightly
codegen_flags: <defaults>
</compile_context>

<pallas_src>
import dataclasses
import functools

import jax
import jax.numpy as jnp
from jax import lax
from jax.experimental import pallas as pl
from jax.experimental.pallas import tpu as pltpu
from jax.experimental.pallas import tpu_sc as plsc

N = 10000
E = 320000
H1 = 64
H2 = 100
NUM_CLASSES = 40
ALPHA = 0.5

NCORE = 2
NSUB = 16
NTAB = 10240
RPS = NTAB // NSUB
KPT = 4
CE = 2048
CEA = 8192
UN = 8
EPS = 20480
EPAD = EPS * NSUB

RB = 1024
GRID = 10


def _sc_params():
    cp = pltpu.CompilerParams()
    if "needs_layout_passes" in pltpu.CompilerParams.__dataclass_fields__:
        cp = dataclasses.replace(cp, needs_layout_passes=False)
    return cp



def _deg_body(sidx, zvec, out, hist, red, tmp, hsh, ebuf, isem):
    c = lax.axis_index("c")
    s = lax.axis_index("s")
    ones16 = jnp.ones((16,), jnp.float32)
    pltpu.sync_copy(zvec, hist)
    base = s * EPS

    def chunk(j, carry):
        pltpu.async_copy(sidx.at[c, pl.ds(base + j * CE, CE)], ebuf, isem).wait()

        @plsc.parallel_loop(0, CE // 16, unroll=8)
        def vreg(i):
            iv = ebuf[pl.ds(i * 16, 16)]
            plsc.addupdate_scatter(hist, [iv], ones16)

        return carry

    lax.fori_loop(0, EPS // CE, chunk, 0)

    pltpu.sync_copy(hist, hsh.at[s])
    plsc.subcore_barrier()

    pltpu.sync_copy(zvec.at[pl.ds(s * RPS, RPS)], red)
    for t in range(NSUB):
        pltpu.sync_copy(hsh.at[t, pl.ds(s * RPS, RPS)], tmp)

        @plsc.parallel_loop(0, RPS // 16, unroll=8)
        def addv(i):
            red[pl.ds(i * 16, 16)] = red[pl.ds(i * 16, 16)] + tmp[pl.ds(i * 16, 16)]
    pltpu.sync_copy(red, out.at[c, pl.ds(s * RPS, RPS)])


def _agg_body(gt, gidx, sidx, zvec, out, g0, g1, g2, g3, a0, a1, a2, a3,
              gbufa, sbufa, gbufb, sbufb, sema, semb):
    gk = (g0, g1, g2, g3)
    ak = (a0, a1, a2, a3)
    c = lax.axis_index("c")
    s = lax.axis_index("s")
    for k in range(KPT):
        pltpu.sync_copy(gt.at[c, s, k], gk[k])
        pltpu.sync_copy(zvec, ak[k])

    nchunk = EPAD // CEA

    def compute(gbuf, sbuf):
        @plsc.parallel_loop(0, CEA // 16, unroll=UN)
        def vreg(i):
            ivg = gbuf[pl.ds(i * 16, 16)]
            ivs = sbuf[pl.ds(i * 16, 16)]
            for k in range(KPT):
                v = plsc.load_gather(gk[k], [ivg])
                plsc.addupdate_scatter(ak[k], [ivs], v)

    def fetch(j, gbuf, sbuf, sem):
        pltpu.async_copy(gidx.at[c, pl.ds(j * CEA, CEA)], gbuf, sem)
        pltpu.async_copy(sidx.at[c, pl.ds(j * CEA, CEA)], sbuf, sem)

    def drain(gbuf, sbuf, sem):
        pltpu.make_async_copy(gidx.at[c, pl.ds(0, CEA)], gbuf, sem).wait()
        pltpu.make_async_copy(sidx.at[c, pl.ds(0, CEA)], sbuf, sem).wait()

    fetch(0, gbufa, sbufa, sema)

    def pair(h, carry):
        drain(gbufa, sbufa, sema)
        fetch(2 * h + 1, gbufb, sbufb, semb)
        compute(gbufa, sbufa)
        drain(gbufb, sbufb, semb)
        fetch(jnp.minimum(2 * h + 2, nchunk - 1), gbufa, sbufa, sema)
        compute(gbufb, sbufb)
        return carry

    lax.fori_loop(0, nchunk // 2, pair, 0)
    drain(gbufa, sbufa, sema)

    for k in range(KPT):
        pltpu.sync_copy(ak[k], out.at[c, s, k])


@functools.cache
def _deg_kernel():
    return pl.kernel(
        _deg_body,
        out_type=jax.ShapeDtypeStruct((NCORE, NTAB), jnp.float32),
        mesh=plsc.VectorSubcoreMesh(core_axis_name="c", subcore_axis_name="s"),
        scratch_types=[
            pltpu.VMEM((NTAB,), jnp.float32),
            pltpu.VMEM((RPS,), jnp.float32),
            pltpu.VMEM((RPS,), jnp.float32),
            pltpu.VMEM_SHARED((NSUB, NTAB), jnp.float32),
            pltpu.VMEM((CE,), jnp.int32),
            pltpu.SemaphoreType.DMA,
        ],
        compiler_params=_sc_params(),
    )


@functools.cache
def _agg_kernel():
    return pl.kernel(
        _agg_body,
        out_type=jax.ShapeDtypeStruct((NCORE, NSUB, KPT, NTAB), jnp.float32),
        mesh=plsc.VectorSubcoreMesh(core_axis_name="c", subcore_axis_name="s"),
        scratch_types=(
            [pltpu.VMEM((NTAB,), jnp.float32) for _ in range(2 * KPT)]
            + [pltpu.VMEM((CEA,), jnp.int32) for _ in range(4)]
            + [pltpu.SemaphoreType.DMA, pltpu.SemaphoreType.DMA]
        ),
        compiler_params=_sc_params(),
    )



def _mm1_body(x_ref, w_ref, deg_ref, g_ref, gc_ref):
    m = jnp.dot(x_ref[...], w_ref[...], preferred_element_type=jnp.float32)
    dinv = lax.rsqrt(deg_ref[...] + 1.0)
    gin = m[:, 0:H1] * dinv[:, 0:1]
    gout = m[:, H1:2 * H1] * dinv[:, 1:2]
    g_ref[:, 0:H1] = gin
    g_ref[:, H1:2 * H1] = gout
    g_ref[:, 2 * H1:3 * H1] = m[:, 2 * H1:3 * H1]
    gc_ref[...] = jnp.transpose(jnp.concatenate([gin, gout], axis=1))


def _comb1_body(accin, accout, g1, deg, b1i_r, b1o_r, rb1_r, h2_ref, y_ref):
    dinv = lax.rsqrt(deg[...] + 1.0)
    di = dinv[:, 0:1]
    do = dinv[:, 1:2]
    x_in = di * (jnp.transpose(accin[0]) + g1[:, 0:H1]) + b1i_r[...]
    x_out = do * (jnp.transpose(accout[0]) + g1[:, H1:2 * H1]) + b1o_r[...]
    h = ALPHA * x_out + (1.0 - ALPHA) * x_in + g1[:, 2 * H1:3 * H1] + rb1_r[...]
    h = jnp.maximum(h, 0.0)
    h2_ref[...] = h
    y_ref[...] = jnp.transpose(jnp.concatenate([h * di, h * do], axis=1))


def _fin_body(accin, accout, h2, deg, w2i, w2o, r2, b2i_r, b2o_r, rb2_r,
              wf, bf_r, out_ref):
    dinv = lax.rsqrt(deg[...] + 1.0)
    di = dinv[:, 0:1]
    do = dinv[:, 1:2]
    h2v = h2[...]
    u_in = di * (jnp.transpose(accin[0]) + di * h2v)
    u_out = do * (jnp.transpose(accout[0]) + do * h2v)
    x_in = jnp.dot(u_in, w2i[...], preferred_element_type=jnp.float32) + b2i_r[...]
    x_out = jnp.dot(u_out, w2o[...], preferred_element_type=jnp.float32) + b2o_r[...]
    h3 = (ALPHA * x_out + (1.0 - ALPHA) * x_in
          + jnp.dot(h2v, r2[...], preferred_element_type=jnp.float32) + rb2_r[...])
    h3 = jnp.maximum(h3, 0.0)
    out_ref[...] = jnp.dot(h3, wf[...], preferred_element_type=jnp.float32) + bf_r[...]


def _row_spec(w):
    return pl.BlockSpec((RB, w), lambda i: (i, 0))


def _full_spec(shape):
    return pl.BlockSpec(shape, lambda i: tuple(0 for _ in shape))


def _acc_spec(core):
    return pl.BlockSpec((1, H1, RB), lambda i, c=core: (c, 0, i))


_mm1 = pl.pallas_call(
    _mm1_body,
    grid=(GRID,),
    in_specs=[_row_spec(128), _full_spec((128, 192)), _row_spec(2)],
    out_specs=[_row_spec(192), pl.BlockSpec((2 * H1, RB), lambda i: (0, i))],
    out_shape=[jax.ShapeDtypeStruct((N, 192), jnp.float32),
               jax.ShapeDtypeStruct((2 * H1, NTAB), jnp.float32)],
)

_comb1 = pl.pallas_call(
    _comb1_body,
    grid=(GRID,),
    in_specs=[_acc_spec(0), _acc_spec(1), _row_spec(192), _row_spec(2),
              _full_spec((1, H1)), _full_spec((1, H1)), _full_spec((1, H1))],
    out_specs=[_row_spec(H1), pl.BlockSpec((2 * H1, RB), lambda i: (0, i))],
    out_shape=[jax.ShapeDtypeStruct((N, H1), jnp.float32),
               jax.ShapeDtypeStruct((2 * H1, NTAB), jnp.float32)],
)

_fin = pl.pallas_call(
    _fin_body,
    grid=(GRID,),
    in_specs=[_acc_spec(0), _acc_spec(1), _row_spec(H1), _row_spec(2),
              _full_spec((H1, H2)), _full_spec((H1, H2)), _full_spec((H1, H2)),
              _full_spec((1, H2)), _full_spec((1, H2)), _full_spec((1, H2)),
              _full_spec((H2, NUM_CLASSES)), _full_spec((1, NUM_CLASSES))],
    out_specs=_row_spec(NUM_CLASSES),
    out_shape=jax.ShapeDtypeStruct((N, NUM_CLASSES), jnp.float32),
)



def kernel(x, edge_index, W1i, b1i, W1o, b1o, R1, rb1,
           W2i, b2i, W2o, b2o, R2, rb2, Wf, bf):
    src = edge_index[0]
    dst = edge_index[1]
    pad = jnp.full((EPAD - E,), N, jnp.int32)
    src_p = jnp.concatenate([src, pad])
    dst_p = jnp.concatenate([dst, pad])
    gidx = jnp.stack([src_p, dst_p])
    sidx = jnp.stack([dst_p, src_p])

    zvec = jnp.zeros((NTAB,), jnp.float32)

    degt = _deg_kernel()(sidx, zvec)
    degcol = jnp.stack([degt[0, :N], degt[1, :N]], axis=1)

    w1 = jnp.concatenate([W1i, W1o, R1], axis=1)
    g1, gcols = _mm1(x, w1, degcol)

    gt1 = gcols.reshape(NCORE, NSUB, KPT, NTAB)
    acc1 = _agg_kernel()(gt1, gidx, sidx, zvec)
    acc1 = acc1.reshape(NCORE, H1, NTAB)

    h2, ycols = _comb1(acc1, acc1, g1, degcol,
                       b1i.reshape(1, H1), b1o.reshape(1, H1), rb1.reshape(1, H1))

    gt2 = ycols.reshape(NCORE, NSUB, KPT, NTAB)
    acc2 = _agg_kernel()(gt2, gidx, sidx, zvec)
    acc2 = acc2.reshape(NCORE, H1, NTAB)

    return _fin(acc2, acc2, h2, degcol, W2i, W2o, R2,
                b2i.reshape(1, H2), b2o.reshape(1, H2), rb2.reshape(1, H2),
                Wf, bf.reshape(1, NUM_CLASSES))

# --- scband reference (transcript-rebuilt; emitter-appended) ---
"""Pipeline reference for scband-mini-gnn-71030169141571 (READ-ONLY COPY).

The authoritative reference and input builder live on the scoring server;
editing this copy changes nothing except your own understanding.
"""

import jax, jax.numpy as jnp
import numpy as np

N = 10000
E = 320000
D_IN = 128
H1 = 64
H2 = 100
NUM_CLASSES = 40
ALPHA = 0.5


def _p(key, i, shape, fan_in):
    return jax.random.normal(jax.random.fold_in(key, i), shape, dtype=jnp.float32) / np.sqrt(fan_in)


def setup_inputs(seed: int = 0):
    key = jax.random.key(seed)
    x = jax.random.normal(jax.random.fold_in(key, 0), (N, D_IN), dtype=jnp.float32)
    edge_index = jax.random.randint(jax.random.fold_in(key, 1), (2, E), 0, N, dtype=jnp.int32)
    inp = {"x": x, "edge_index": edge_index}
    # DirGNNConv layer 1: conv_in, conv_out (each GCNConv(D_IN, H1)) + root lin
    inp["W1i"] = _p(key, 10, (D_IN, H1), D_IN)
    inp["b1i"] = jnp.zeros((H1,), jnp.float32)
    inp["W1o"] = _p(key, 11, (D_IN, H1), D_IN)
    inp["b1o"] = jnp.zeros((H1,), jnp.float32)
    inp["R1"] = _p(key, 12, (D_IN, H1), D_IN)
    inp["rb1"] = jnp.zeros((H1,), jnp.float32)
    # DirGNNConv layer 2: GCNConv(H1, H2) x2 + root lin
    inp["W2i"] = _p(key, 20, (H1, H2), H1)
    inp["b2i"] = jnp.zeros((H2,), jnp.float32)
    inp["W2o"] = _p(key, 21, (H1, H2), H1)
    inp["b2o"] = jnp.zeros((H2,), jnp.float32)
    inp["R2"] = _p(key, 22, (H1, H2), H1)
    inp["rb2"] = jnp.zeros((H2,), jnp.float32)
    # final fc Linear(H2, NUM_CLASSES)
    inp["Wf"] = _p(key, 30, (H2, NUM_CLASSES), H2)
    inp["bf"] = jnp.zeros((NUM_CLASSES,), jnp.float32)
    return inp


def gcn_conv(x, src, dst, W, b):
    # GCNConv: linear transform, symmetric gcn_norm with self-loops, scatter-add aggregate, bias
    n = x.shape[0]
    loop = jnp.arange(n, dtype=src.dtype)
    s = jnp.concatenate([src, loop])
    d = jnp.concatenate([dst, loop])
    w = jnp.ones(s.shape[0], dtype=x.dtype)
    deg = jnp.zeros((n,), x.dtype).at[d].add(w)
    dinv = jnp.where(deg > 0, 1.0 / jnp.sqrt(deg), 0.0)
    norm = dinv[s] * dinv[d]
    h = x @ W
    msg = h[s] * norm[:, None]
    out = jnp.zeros((n, W.shape[1]), x.dtype).at[d].add(msg)
    return out + b


def dir_gnn_layer(h, src, dst, Wi, bi, Wo, bo, Wr, br):
    # DirGNNConv: conv_in on edge_index, conv_out on reversed edge_index, plus root weight
    x_in = gcn_conv(h, src, dst, Wi, bi)
    x_out = gcn_conv(h, dst, src, Wo, bo)
    out = ALPHA * x_out + (1.0 - ALPHA) * x_in
    out = out + h @ Wr + br
    return out


def reference(x, edge_index, W1i, b1i, W1o, b1o, R1, rb1, W2i, b2i, W2o, b2o, R2, rb2, Wf, bf):
    src, dst = edge_index[0], edge_index[1]
    h = dir_gnn_layer(x, src, dst, W1i, b1i, W1o, b1o, R1, rb1)
    h = jax.nn.relu(h)
    # dropout(p=0.5) is identity in eval mode
    h = dir_gnn_layer(h, src, dst, W2i, b2i, W2o, b2o, R2, rb2)
    h = jax.nn.relu(h)
    return h @ Wf + bf

if __name__ == "__main__":
    import jax
    _d = setup_inputs()
    print(jax.jit(kernel)(*tuple(_d.values())))

</pallas_src>

<mosaic_0001>
#map = affine_map<(d0, d1) -> (0, 0)>
#map1 = affine_map<(d0, d1) -> (0)>
module attributes {stable_mosaic.version = 14 : i64} {
  func.func @_deg_body(%arg0: i32, %arg1: i32, %arg2: memref<2x327680xi32, #tpu.memory_space<hbm>>, %arg3: memref<10240xf32, #tpu.memory_space<hbm>>, %arg4: memref<2x10240xf32, #tpu.memory_space<hbm>>, %arg5: memref<10240xf32, #tpu.memory_space<vmem>>, %arg6: memref<640xf32, #tpu.memory_space<vmem>>, %arg7: memref<640xf32, #tpu.memory_space<vmem>>, %arg8: memref<16x10240xf32, #tpu.memory_space<vmem_shared>>, %arg9: memref<2048xi32, #tpu.memory_space<vmem>>, %arg10: memref<!tpu.dma_semaphore, #tpu.memory_space<semaphore_mem>>) attributes {dimension_semantics = [#tpu.dimension_semantics<core_parallel>, #tpu.dimension_semantics<subcore_parallel>], iteration_bounds = array<i64: 2, 16>, scalar_prefetch = 0 : i64, scratch_operands = 6 : i64, tpu.core_type = #tpu.core_type<sc_vector_subcore>, window_params = [{transform_indices = #map}, {transform_indices = #map1}, {transform_indices = #map}]} {
    %broadcast_in_dim3A = arith.constant 1.000000e+00 : f32
    %broadcast_in_dim3A_0 = vector.broadcast %broadcast_in_dim3A : f32 to vector<16xf32>
    "tpu.region"() ({
      %run_scoped3A_105 = tpu.sem_alloc : memref<!tpu.dma_semaphore, #tpu.memory_space<semaphore_mem>>
      tpu.enqueue_dma source(%arg3 : memref<10240xf32, #tpu.memory_space<hbm>>) target(%arg5 : memref<10240xf32, #tpu.memory_space<vmem>>) target_semaphore(%run_scoped3A_105 : memref<!tpu.dma_semaphore, #tpu.memory_space<semaphore_mem>>)
      tpu.wait_dma2 semaphore(%run_scoped3A_105 : memref<!tpu.dma_semaphore, #tpu.memory_space<semaphore_mem>>) src(%arg3 : memref<10240xf32, #tpu.memory_space<hbm>>) dst(%arg5 : memref<10240xf32, #tpu.memory_space<vmem>>)
      tpu.yield
    }) : () -> ()
    %mul3A = arith.constant 20480 : i32
    %mul3A_1 = arith.muli %arg1, %mul3A : i32
    %scan3A = arith.constant 0 : i32
    %scan3A_2 = arith.constant 0 : i32
    %scan3A_3 = arith.constant 10 : i32
    %scan3A_4 = arith.addi %scan3A_2, %scan3A_3 : i32
    %scan3A_5 = arith.constant 1 : i32
    scf.for %scan3A_105 = %scan3A_2 to %scan3A_4 step %scan3A_5  : i32 {
      %mul3A_106 = arith.constant 2048 : i32
      %mul3A_107 = arith.muli %scan3A_105, %mul3A_106 : i32
      %add3A = arith.addi %mul3A_1, %mul3A_107 : i32
      %dma_start3A = tpu.memref_slice %arg2[%arg0, %add3A] : memref<2x327680xi32, #tpu.memory_space<hbm>> -> memref<1x2048xi32, #tpu.memory_space<hbm>>
      %dma_start3A_108 = tpu.memref_squeeze %dma_start3A : memref<1x2048xi32, #tpu.memory_space<hbm>> -> memref<2048xi32, #tpu.memory_space<hbm>>
      %dma_start3A_109 = tpu.memref_slice %arg2[%arg0, %add3A] : memref<2x327680xi32, #tpu.memory_space<hbm>> -> memref<1x2048xi32, #tpu.memory_space<hbm>>
      %dma_start3A_110 = tpu.memref_squeeze %dma_start3A_109 : memref<1x2048xi32, #tpu.memory_space<hbm>> -> memref<2048xi32, #tpu.memory_space<hbm>>
      tpu.enqueue_dma source(%dma_start3A_110 : memref<2048xi32, #tpu.memory_space<hbm>>) target(%arg9 : memref<2048xi32, #tpu.memory_space<vmem>>) target_semaphore(%arg10 : memref<!tpu.dma_semaphore, #tpu.memory_space<semaphore_mem>>)
      %dma_wait3A = tpu.memref_slice %arg2[%arg0, %add3A] : memref<2x327680xi32, #tpu.memory_space<hbm>> -> memref<1x2048xi32, #tpu.memory_space<hbm>>
      %dma_wait3A_111 = tpu.memref_squeeze %dma_wait3A : memref<1x2048xi32, #tpu.memory_space<hbm>> -> memref<2048xi32, #tpu.memory_space<hbm>>
      %dma_wait3A_112 = tpu.memref_slice %arg2[%arg0, %add3A] : memref<2x327680xi32, #tpu.memory_space<hbm>> -> memref<1x2048xi32, #tpu.memory_space<hbm>>
      %dma_wait3A_113 = tpu.memref_squeeze %dma_wait3A_112 : memref<1x2048xi32, #tpu.memory_space<hbm>> -> memref<2048xi32, #tpu.memory_space<hbm>>
      tpu.wait_dma2 semaphore(%arg10 : memref<!tpu.dma_semaphore, #tpu.memory_space<semaphore_mem>>) src(%dma_wait3A_113 : memref<2048xi32, #tpu.memory_space<hbm>>) dst(%arg9 : memref<2048xi32, #tpu.memory_space<vmem>>)
      %parallel_loop3A_114 = arith.constant 0 : i32
      %parallel_loop3A_115 = arith.constant 128 : i32
      %parallel_loop3A_116 = arith.constant 1 : i32
      scf.for %parallel_loop3A_117 = %parallel_loop3A_114 to %parallel_loop3A_115 step %parallel_loop3A_116  : i32 {
        %parallel_loop3A_118 = arith.constant 16 : i32
        %parallel_loop3A_119 = arith.muli %parallel_loop3A_117, %parallel_loop3A_118 : i32
        %parallel_loop3A_120 = arith.index_cast %parallel_loop3A_119 : i32 to index
        %parallel_loop3A_121 = tpu.vector_load %arg9[%parallel_loop3A_120] {strides = array<i32>} : memref<2048xi32, #tpu.memory_space<vmem>>, vector<16xi32>,
        tpu.vector_store_idx %arg5[%parallel_loop3A_121], %broadcast_in_dim3A_0 {add = true} : memref<10240xf32, #tpu.memory_space<vmem>>[vector<16xi32>], vector<16xf32>,
      } {sc.loop_unroll_factor = 8 : i64, sc.parallel_access}
    }
    %scan3A_6 = arith.constant 10 : i32
    "tpu.region"() ({
      %run_scoped3A_105 = tpu.sem_alloc : memref<!tpu.dma_semaphore, #tpu.memory_space<semaphore_mem>>
      %dma_start3A = arith.constant 0 : i32
      %dma_start3A_106 = tpu.memref_slice %arg8[%arg1, %dma_start3A] : memref<16x10240xf32, #tpu.memory_space<vmem_shared>> -> memref<1x10240xf32, #tpu.memory_space<vmem_shared>>
      %dma_start3A_107 = tpu.memref_squeeze %dma_start3A_106 : memref<1x10240xf32, #tpu.memory_space<vmem_shared>> -> memref<10240xf32, #tpu.memory_space<vmem_shared>>
      %dma_start3A_108 = arith.constant 0 : i32
      %dma_start3A_109 = tpu.memref_slice %arg8[%arg1, %dma_start3A_108] : memref<16x10240xf32, #tpu.memory_space<vmem_shared>> -> memref<1x10240xf32, #tpu.memory_space<vmem_shared>>
      %dma_start3A_110 = tpu.memref_squeeze %dma_start3A_109 : memref<1x10240xf32, #tpu.memory_space<vmem_shared>> -> memref<10240xf32, #tpu.memory_space<vmem_shared>>
      tpu.enqueue_dma source(%arg5 : memref<10240xf32, #tpu.memory_space<vmem>>) target(%dma_start3A_110 : memref<10240xf32, #tpu.memory_space<vmem_shared>>) target_semaphore(%run_scoped3A_105 : memref<!tpu.dma_semaphore, #tpu.memory_space<semaphore_mem>>)
      %dma_wait3A = arith.constant 0 : i32
      %dma_wait3A_111 = tpu.memref_slice %arg8[%arg1, %dma_wait3A] : memref<16x10240xf32, #tpu.memory_space<vmem_shared>> -> memref<1x10240xf32, #tpu.memory_space<vmem_shared>>
      %dma_wait3A_112 = tpu.memref_squeeze %dma_wait3A_111 : memref<1x10240xf32, #tpu.memory_space<vmem_shared>> -> memref<10240xf32, #tpu.memory_space<vmem_shared>>
      %dma_wait3A_113 = arith.constant 0 : i32
      %dma_wait3A_114 = tpu.memref_slice %arg8[%arg1, %dma_wait3A_113] : memref<16x10240xf32, #tpu.memory_space<vmem_shared>> -> memref<1x10240xf32, #tpu.memory_space<vmem_shared>>
      %dma_wait3A_115 = tpu.memref_squeeze %dma_wait3A_114 : memref<1x10240xf32, #tpu.memory_space<vmem_shared>> -> memref<10240xf32, #tpu.memory_space<vmem_shared>>
      tpu.wait_dma2 semaphore(%run_scoped3A_105 : memref<!tpu.dma_semaphore, #tpu.memory_space<semaphore_mem>>) src(%arg5 : memref<10240xf32, #tpu.memory_space<vmem>>) dst(%dma_wait3A_115 : memref<10240xf32, #tpu.memory_space<vmem_shared>>)
      tpu.yield
    }) : () -> ()
    %barrier3A = arith.constant 0 : index
    tpu.barrier barrier_id(%barrier3A)
    %mul3A_7 = arith.constant 640 : i32
    %mul3A_8 = arith.muli %arg1, %mul3A_7 : i32
    "tpu.region"() ({
      %run_scoped3A_105 = tpu.sem_alloc : memref<!tpu.dma_semaphore, #tpu.memory_space<semaphore_mem>>
      %dma_start3A = tpu.memref_slice %arg3[%mul3A_8] : memref<10240xf32, #tpu.memory_space<hbm>> -> memref<640xf32, #tpu.memory_space<hbm>>
      %dma_start3A_106 = tpu.memref_slice %arg3[%mul3A_8] : memref<10240xf32, #tpu.memory_space<hbm>> -> memref<640xf32, #tpu.memory_space<hbm>>
      tpu.enqueue_dma source(%dma_start3A_106 : memref<640xf32, #tpu.memory_space<hbm>>) target(%arg6 : memref<640xf32, #tpu.memory_space<vmem>>) target_semaphore(%run_scoped3A_105 : memref<!tpu.dma_semaphore, #tpu.memory_space<semaphore_mem>>)
      %dma_wait3A = tpu.memref_slice %arg3[%mul3A_8] : memref<10240xf32, #tpu.memory_space<hbm>> -> memref<640xf32, #tpu.memory_space<hbm>>
      %dma_wait3A_107 = tpu.memref_slice %arg3[%mul3A_8] : memref<10240xf32, #tpu.memory_space<hbm>> -> memref<640xf32, #tpu.memory_space<hbm>>
      tpu.wait_dma2 semaphore(%run_scoped3A_105 : memref<!tpu.dma_semaphore, #tpu.memory_space<semaphore_mem>>) src(%dma_wait3A_107 : memref<640xf32, #tpu.memory_space<hbm>>) dst(%arg6 : memref<640xf32, #tpu.memory_space<vmem>>)
      tpu.yield
    }) : () -> ()
    %mul3A_9 = arith.constant 640 : i32
    %mul3A_10 = arith.muli %arg1, %mul3A_9 : i32
    %run_scoped3A = arith.constant 0 : i32
    "tpu.region"() ({
      %run_scoped3A_105 = tpu.sem_alloc : memref<!tpu.dma_semaphore, #tpu.memory_space<semaphore_mem>>
      %dma_start3A = tpu.memref_slice %arg8[%run_scoped3A, %mul3A_10] : memref<16x10240xf32, #tpu.memory_space<vmem_shared>> -> memref<1x640xf32, #tpu.memory_space<vmem_shared>>
      %dma_start3A_106 = tpu.memref_squeeze %dma_start3A : memref<1x640xf32, #tpu.memory_space<vmem_shared>> -> memref<640xf32, #tpu.memory_space<vmem_shared>>
      %dma_start3A_107 = tpu.memref_slice %arg8[%run_scoped3A, %mul3A_10] : memref<16x10240xf32, #tpu.memory_space<vmem_shared>> -> memref<1x640xf32, #tpu.memory_space<vmem_shared>>
      %dma_start3A_108 = tpu.memref_squeeze %dma_start3A_107 : memref<1x640xf32, #tpu.memory_space<vmem_shared>> -> memref<640xf32, #tpu.memory_space<vmem_shared>>
      tpu.enqueue_dma source(%dma_start3A_108 : memref<640xf32, #tpu.memory_space<vmem_shared>>) target(%arg7 : memref<640xf32, #tpu.memory_space<vmem>>) target_semaphore(%run_scoped3A_105 : memref<!tpu.dma_semaphore, #tpu.memory_space<semaphore_mem>>)
      %dma_wait3A = tpu.memref_slice %arg8[%run_scoped3A, %mul3A_10] : memref<16x10240xf32, #tpu.memory_space<vmem_shared>> -> memref<1x640xf32, #tpu.memory_space<vmem_shared>>
      %dma_wait3A_109 = tpu.memref_squeeze %dma_wait3A : memref<1x640xf32, #tpu.memory_space<vmem_shared>> -> memref<640xf32, #tpu.memory_space<vmem_shared>>
      %dma_wait3A_110 = tpu.memref_slice %arg8[%run_scoped3A, %mul3A_10] : memref<16x10240xf32, #tpu.memory_space<vmem_shared>> -> memref<1x640xf32, #tpu.memory_space<vmem_shared>>
      %dma_wait3A_111 = tpu.memref_squeeze %dma_wait3A_110 : memref<1x640xf32, #tpu.memory_space<vmem_shared>> -> memref<640xf32, #tpu.memory_space<vmem_shared>>
      tpu.wait_dma2 semaphore(%run_scoped3A_105 : memref<!tpu.dma_semaphore, #tpu.memory_space<semaphore_mem>>) src(%dma_wait3A_111 : memref<640xf32, #tpu.memory_space<vmem_shared>>) dst(%arg7 : memref<640xf32, #tpu.memory_space<vmem>>)
      tpu.yield
    }) : () -> ()
    %parallel_loop3A = arith.constant 0 : i32
    %parallel_loop3A_11 = arith.constant 40 : i32
    %parallel_loop3A_12 = arith.constant 1 : i32
    scf.for %parallel_loop3A_105 = %parallel_loop3A to %parallel_loop3A_11 step %parallel_loop3A_12  : i32 {
      %parallel_loop3A_106 = arith.constant 16 : i32
      %parallel_loop3A_107 = arith.muli %parallel_loop3A_105, %parallel_loop3A_106 : i32
      %parallel_loop3A_108 = arith.index_cast %parallel_loop3A_107 : i32 to index
      %parallel_loop3A_109 = tpu.vector_load %arg6[%parallel_loop3A_108] {strides = array<i32>} : memref<640xf32, #tpu.memory_space<vmem>>, vector<16xf32>,
      %parallel_loop3A_110 = arith.constant 16 : i32
      %parallel_loop3A_111 = arith.muli %parallel_loop3A_105, %parallel_loop3A_110 : i32
      %parallel_loop3A_112 = arith.index_cast %parallel_loop3A_111 : i32 to index
      %parallel_loop3A_113 = tpu.vector_load %arg7[%parallel_loop3A_112] {strides = array<i32>} : memref<640xf32, #tpu.memory_space<vmem>>, vector<16xf32>,
      %parallel_loop3A_114 = arith.addf %parallel_loop3A_109, %parallel_loop3A_113 : vector<16xf32>
      %parallel_loop3A_115 = arith.constant 16 : i32
      %parallel_loop3A_116 = arith.muli %parallel_loop3A_105, %parallel_loop3A_115 : i32
      %parallel_loop3A_117 = arith.index_cast %parallel_loop3A_116 : i32 to index
      %parallel_loop3A_118 = tpu.vector_load %arg6[%parallel_loop3A_117] {strides = array<i32>} : memref<640xf32, #tpu.memory_space<vmem>>, vector<16xf32>,
      tpu.vector_store %arg6[%parallel_loop3A_117], %parallel_loop3A_114 {strides = array<i32>} : memref<640xf32, #tpu.memory_space<vmem>>, vector<16xf32>,
    } {sc.loop_unroll_factor = 8 : i64, sc.parallel_access}
    %mul3A_13 = arith.constant 640 : i32
    %mul3A_14 = arith.muli %arg1, %mul3A_13 : i32
    %run_scoped3A_15 = arith.constant 1 : i32
    "tpu.region"() ({
      %run_scoped3A_105 = tpu.sem_alloc : memref<!tpu.dma_semaphore, #tpu.memory_space<semaphore_mem>>
      %dma_start3A = tpu.memref_slice %arg8[%run_scoped3A_15, %mul3A_14] : memref<16x10240xf32, #tpu.memory_space<vmem_shared>> -> memref<1x640xf32, #tpu.memory_space<vmem_shared>>
      %dma_start3A_106 = tpu.memref_squeeze %dma_start3A : memref<1x640xf32, #tpu.memory_space<vmem_shared>> -> memref<640xf32, #tpu.memory_space<vmem_shared>>
      %dma_start3A_107 = tpu.memref_slice %arg8[%run_scoped3A_15, %mul3A_14] : memref<16x10240xf32, #tpu.memory_space<vmem_shared>> -> memref<1x640xf32, #tpu.memory_space<vmem_shared>>
      %dma_start3A_108 = tpu.memref_squeeze %dma_start3A_107 : memref<1x640xf32, #tpu.memory_space<vmem_shared>> -> memref<640xf32, #tpu.memory_space<vmem_shared>>
      tpu.enqueue_dma source(%dma_start3A_108 : memref<640xf32, #tpu.memory_space<vmem_shared>>) target(%arg7 : memref<640xf32, #tpu.memory_space<vmem>>) target_semaphore(%run_scoped3A_105 : memref<!tpu.dma_semaphore, #tpu.memory_space<semaphore_mem>>)
      %dma_wait3A = tpu.memref_slice %arg8[%run_scoped3A_15, %mul3A_14] : memref<16x10240xf32, #tpu.memory_space<vmem_shared>> -> memref<1x640xf32, #tpu.memory_space<vmem_shared>>
      %dma_wait3A_109 = tpu.memref_squeeze %dma_wait3A : memref<1x640xf32, #tpu.memory_space<vmem_shared>> -> memref<640xf32, #tpu.memory_space<vmem_shared>>
      %dma_wait3A_110 = tpu.memref_slice %arg8[%run_scoped3A_15, %mul3A_14] : memref<16x10240xf32, #tpu.memory_space<vmem_shared>> -> memref<1x640xf32, #tpu.memory_space<vmem_shared>>
      %dma_wait3A_111 = tpu.memref_squeeze %dma_wait3A_110 : memref<1x640xf32, #tpu.memory_space<vmem_shared>> -> memref<640xf32, #tpu.memory_space<vmem_shared>>
      tpu.wait_dma2 semaphore(%run_scoped3A_105 : memref<!tpu.dma_semaphore, #tpu.memory_space<semaphore_mem>>) src(%dma_wait3A_111 : memref<640xf32, #tpu.memory_space<vmem_shared>>) dst(%arg7 : memref<640xf32, #tpu.memory_space<vmem>>)
      tpu.yield
    }) : () -> ()
    %parallel_loop3A_16 = arith.constant 0 : i32
    %parallel_loop3A_17 = arith.constant 40 : i32
    %parallel_loop3A_18 = arith.constant 1 : i32
    scf.for %parallel_loop3A_105 = %parallel_loop3A_16 to %parallel_loop3A_17 step %parallel_loop3A_18  : i32 {
      %parallel_loop3A_106 = arith.constant 16 : i32
      %parallel_loop3A_107 = arith.muli %parallel_loop3A_105, %parallel_loop3A_106 : i32
      %parallel_loop3A_108 = arith.index_cast %parallel_loop3A_107 : i32 to index
      %parallel_loop3A_109 = tpu.vector_load %arg6[%parallel_loop3A_108] {strides = array<i32>} : memref<640xf32, #tpu.memory_space<vmem>>, vector<16xf32>,
      %parallel_loop3A_110 = arith.constant 16 : i32
      %parallel_loop3A_111 = arith.muli %parallel_loop3A_105, %parallel_loop3A_110 : i32
      %parallel_loop3A_112 = arith.index_cast %parallel_loop3A_111 : i32 to index
      %parallel_loop3A_113 = tpu.vector_load %arg7[%parallel_loop3A_112] {strides = array<i32>} : memref<640xf32, #tpu.memory_space<vmem>>, vector<16xf32>,
      %parallel_loop3A_114 = arith.addf %parallel_loop3A_109, %parallel_loop3A_113 : vector<16xf32>
      %parallel_loop3A_115 = arith.constant 16 : i32
      %parallel_loop3A_116 = arith.muli %parallel_loop3A_105, %parallel_loop3A_115 : i32
      %parallel_loop3A_117 = arith.index_cast %parallel_loop3A_116 : i32 to index
      %parallel_loop3A_118 = tpu.vector_load %arg6[%parallel_loop3A_117] {strides = array<i32>} : memref<640xf32, #tpu.memory_space<vmem>>, vector<16xf32>,
      tpu.vector_store %arg6[%parallel_loop3A_117], %parallel_loop3A_114 {strides = array<i32>} : memref<640xf32, #tpu.memory_space<vmem>>, vector<16xf32>,
    } {sc.loop_unroll_factor = 8 : i64, sc.parallel_access}
    %mul3A_19 = arith.constant 640 : i32
    %mul3A_20 = arith.muli %arg1, %mul3A_19 : i32
    %run_scoped3A_21 = arith.constant 2 : i32
    "tpu.region"() ({
      %run_scoped3A_105 = tpu.sem_alloc : memref<!tpu.dma_semaphore, #tpu.memory_space<semaphore_mem>>
      %dma_start3A = tpu.memref_slice %arg8[%run_scoped3A_21, %mul3A_20] : memref<16x10240xf32, #tpu.memory_space<vmem_shared>> -> memref<1x640xf32, #tpu.memory_space<vmem_shared>>
      %dma_start3A_106 = tpu.memref_squeeze %dma_start3A : memref<1x640xf32, #tpu.memory_space<vmem_shared>> -> memref<640xf32, #tpu.memory_space<vmem_shared>>
      %dma_start3A_107 = tpu.memref_slice %arg8[%run_scoped3A_21, %mul3A_20] : memref<16x10240xf32, #tpu.memory_space<vmem_shared>> -> memref<1x640xf32, #tpu.memory_space<vmem_shared>>
      %dma_start3A_108 = tpu.memref_squeeze %dma_start3A_107 : memref<1x640xf32, #tpu.memory_space<vmem_shared>> -> memref<640xf32, #tpu.memory_space<vmem_shared>>
      tpu.enqueue_dma source(%dma_start3A_108 : memref<640xf32, #tpu.memory_space<vmem_shared>>) target(%arg7 : memref<640xf32, #tpu.memory_space<vmem>>) target_semaphore(%run_scoped3A_105 : memref<!tpu.dma_semaphore, #tpu.memory_space<semaphore_mem>>)
      %dma_wait3A = tpu.memref_slice %arg8[%run_scoped3A_21, %mul3A_20] : memref<16x10240xf32, #tpu.memory_space<vmem_shared>> -> memref<1x640xf32, #tpu.memory_space<vmem_shared>>
      %dma_wait3A_109 = tpu.memref_squeeze %dma_wait3A : memref<1x640xf32, #tpu.memory_space<vmem_shared>> -> memref<640xf32, #tpu.memory_space<vmem_shared>>
      %dma_wait3A_110 = tpu.memref_slice %arg8[%run_scoped3A_21, %mul3A_20] : memref<16x10240xf32, #tpu.memory_space<vmem_shared>> -> memref<1x640xf32, #tpu.memory_space<vmem_shared>>
      %dma_wait3A_111 = tpu.memref_squeeze %dma_wait3A_110 : memref<1x640xf32, #tpu.memory_space<vmem_shared>> -> memref<640xf32, #tpu.memory_space<vmem_shared>>
      tpu.wait_dma2 semaphore(%run_scoped3A_105 : memref<!tpu.dma_semaphore, #tpu.memory_space<semaphore_mem>>) src(%dma_wait3A_111 : memref<640xf32, #tpu.memory_space<vmem_shared>>) dst(%arg7 : memref<640xf32, #tpu.memory_space<vmem>>)
      tpu.yield
    }) : () -> ()
    %parallel_loop3A_22 = arith.constant 0 : i32
    %parallel_loop3A_23 = arith.constant 40 : i32
    %parallel_loop3A_24 = arith.constant 1 : i32
    scf.for %parallel_loop3A_105 = %parallel_loop3A_22 to %parallel_loop3A_23 step %parallel_loop3A_24  : i32 {
      %parallel_loop3A_106 = arith.constant 16 : i32
      %parallel_loop3A_107 = arith.muli %parallel_loop3A_105, %parallel_loop3A_106 : i32
      %parallel_loop3A_108 = arith.index_cast %parallel_loop3A_107 : i32 to index
      %parallel_loop3A_109 = tpu.vector_load %arg6[%parallel_loop3A_108] {strides = array<i32>} : memref<640xf32, #tpu.memory_space<vmem>>, vector<16xf32>,
      %parallel_loop3A_110 = arith.constant 16 : i32
      %parallel_loop3A_111 = arith.muli %parallel_loop3A_105, %parallel_loop3A_110 : i32
      %parallel_loop3A_112 = arith.index_cast %parallel_loop3A_111 : i32 to index
      %parallel_loop3A_113 = tpu.vector_load %arg7[%parallel_loop3A_112] {strides = array<i32>} : memref<640xf32, #tpu.memory_space<vmem>>, vector<16xf32>,
      %parallel_loop3A_114 = arith.addf %parallel_loop3A_109, %parallel_loop3A_113 : vector<16xf32>
      %parallel_loop3A_115 = arith.constant 16 : i32
      %parallel_loop3A_116 = arith.muli %parallel_loop3A_105, %parallel_loop3A_115 : i32
      %parallel_loop3A_117 = arith.index_cast %parallel_loop3A_116 : i32 to index
      %parallel_loop3A_118 = tpu.vector_load %arg6[%parallel_loop3A_117] {strides = array<i32>} : memref<640xf32, #tpu.memory_space<vmem>>, vector<16xf32>,
      tpu.vector_store %arg6[%parallel_loop3A_117], %parallel_loop3A_114 {strides = array<i32>} : memref<640xf32, #tpu.memory_space<vmem>>, vector<16xf32>,
    } {sc.loop_unroll_factor = 8 : i64, sc.parallel_access}
    %mul3A_25 = arith.constant 640 : i32
    %mul3A_26 = arith.muli %arg1, %mul3A_25 : i32
    %run_scoped3A_27 = arith.constant 3 : i32
    "tpu.region"() ({
      %run_scoped3A_105 = tpu.sem_alloc : memref<!tpu.dma_semaphore, #tpu.memory_space<semaphore_mem>>
      %dma_start3A = tpu.memref_slice %arg8[%run_scoped3A_27, %mul3A_26] : memref<16x10240xf32, #tpu.memory_space<vmem_shared>> -> memref<1x640xf32, #tpu.memory_space<vmem_shared>>
      %dma_start3A_106 = tpu.memref_squeeze %dma_start3A : memref<1x640xf32, #tpu.memory_space<vmem_shared>> -> memref<640xf32, #tpu.memory_space<vmem_shared>>
      %dma_start3A_107 = tpu.memref_slice %arg8[%run_scoped3A_27, %mul3A_26] : memref<16x10240xf32, #tpu.memory_space<vmem_shared>> -> memref<1x640xf32, #tpu.memory_space<vmem_shared>>
      %dma_start3A_108 = tpu.memref_squeeze %dma_start3A_107 : memref<1x640xf32, #tpu.memory_space<vmem_shared>> -> memref<640xf32, #tpu.memory_space<vmem_shared>>
      tpu.enqueue_dma source(%dma_start3A_108 : memref<640xf32, #tpu.memory_space<vmem_shared>>) target(%arg7 : memref<640xf32, #tpu.memory_space<vmem>>) target_semaphore(%run_scoped3A_105 : memref<!tpu.dma_semaphore, #tpu.memory_space<semaphore_mem>>)
      %dma_wait3A = tpu.memref_slice %arg8[%run_scoped3A_27, %mul3A_26] : memref<16x10240xf32, #tpu.memory_space<vmem_shared>> -> memref<1x640xf32, #tpu.memory_space<vmem_shared>>
      %dma_wait3A_109 = tpu.memref_squeeze %dma_wait3A : memref<1x640xf32, #tpu.memory_space<vmem_shared>> -> memref<640xf32, #tpu.memory_space<vmem_shared>>
      %dma_wait3A_110 = tpu.memref_slice %arg8[%run_scoped3A_27, %mul3A_26] : memref<16x10240xf32, #tpu.memory_space<vmem_shared>> -> memref<1x640xf32, #tpu.memory_space<vmem_shared>>
      %dma_wait3A_111 = tpu.memref_squeeze %dma_wait3A_110 : memref<1x640xf32, #tpu.memory_space<vmem_shared>> -> memref<640xf32, #tpu.memory_space<vmem_shared>>
      tpu.wait_dma2 semaphore(%run_scoped3A_105 : memref<!tpu.dma_semaphore, #tpu.memory_space<semaphore_mem>>) src(%dma_wait3A_111 : memref<640xf32, #tpu.memory_space<vmem_shared>>) dst(%arg7 : memref<640xf32, #tpu.memory_space<vmem>>)
      tpu.yield
    }) : () -> ()
    %parallel_loop3A_28 = arith.constant 0 : i32
    %parallel_loop3A_29 = arith.constant 40 : i32
    %parallel_loop3A_30 = arith.constant 1 : i32
    scf.for %parallel_loop3A_105 = %parallel_loop3A_28 to %parallel_loop3A_29 step %parallel_loop3A_30  : i32 {
      %parallel_loop3A_106 = arith.constant 16 : i32
      %parallel_loop3A_107 = arith.muli %parallel_loop3A_105, %parallel_loop3A_106 : i32
      %parallel_loop3A_108 = arith.index_cast %parallel_loop3A_107 : i32 to index
      %parallel_loop3A_109 = tpu.vector_load %arg6[%parallel_loop3A_108] {strides = array<i32>} : memref<640xf32, #tpu.memory_space<vmem>>, vector<16xf32>,
      %parallel_loop3A_110 = arith.constant 16 : i32
      %parallel_loop3A_111 = arith.muli %parallel_loop3A_105, %parallel_loop3A_110 : i32
      %parallel_loop3A_112 = arith.index_cast %parallel_loop3A_111 : i32 to index
      %parallel_loop3A_113 = tpu.vector_load %arg7[%parallel_loop3A_112] {strides = array<i32>} : memref<640xf32, #tpu.memory_space<vmem>>, vector<16xf32>,
      %parallel_loop3A_114 = arith.addf %parallel_loop3A_109, %parallel_loop3A_113 : vector<16xf32>
      %parallel_loop3A_115 = arith.constant 16 : i32
      %parallel_loop3A_116 = arith.muli %parallel_loop3A_105, %parallel_loop3A_115 : i32
      %parallel_loop3A_117 = arith.index_cast %parallel_loop3A_116 : i32 to index
      %parallel_loop3A_118 = tpu.vector_load %arg6[%parallel_loop3A_117] {strides = array<i32>} : memref<640xf32, #tpu.memory_space<vmem>>, vector<16xf32>,
      tpu.vector_store %arg6[%parallel_loop3A_117], %parallel_loop3A_114 {strides = array<i32>} : memref<640xf32, #tpu.memory_space<vmem>>, vector<16xf32>,
    } {sc.loop_unroll_factor = 8 : i64, sc.parallel_access}
    %mul3A_31 = arith.constant 640 : i32
    %mul3A_32 = arith.muli %arg1, %mul3A_31 : i32
    %run_scoped3A_33 = arith.constant 4 : i32
    "tpu.region"() ({
      %run_scoped3A_105 = tpu.sem_alloc : memref<!tpu.dma_semaphore, #tpu.memory_space<semaphore_mem>>
      %dma_start3A = tpu.memref_slice %arg8[%run_scoped3A_33, %mul3A_32] : memref<16x10240xf32, #tpu.memory_space<vmem_shared>> -> memref<1x640xf32, #tpu.memory_space<vmem_shared>>
      %dma_start3A_106 = tpu.memref_squeeze %dma_start3A : memref<1x640xf32, #tpu.memory_space<vmem_shared>> -> memref<640xf32, #tpu.memory_space<vmem_shared>>
      %dma_start3A_107 = tpu.memref_slice %arg8[%run_scoped3A_33, %mul3A_32] : memref<16x10240xf32, #tpu.memory_space<vmem_shared>> -> memref<1x640xf32, #tpu.memory_space<vmem_shared>>
      %dma_start3A_108 = tpu.memref_squeeze %dma_start3A_107 : memref<1x640xf32, #tpu.memory_space<vmem_shared>> -> memref<640xf32, #tpu.memory_space<vmem_shared>>
      tpu.enqueue_dma source(%dma_start3A_108 : memref<640xf32, #tpu.memory_space<vmem_shared>>) target(%arg7 : memref<640xf32, #tpu.memory_space<vmem>>) target_semaphore(%run_scoped3A_105 : memref<!tpu.dma_semaphore, #tpu.memory_space<semaphore_mem>>)
      %dma_wait3A = tpu.memref_slice %arg8[%run_scoped3A_33, %mul3A_32] : memref<16x10240xf32, #tpu.memory_space<vmem_shared>> -> memref<1x640xf32, #tpu.memory_space<vmem_shared>>
      %dma_wait3A_109 = tpu.memref_squeeze %dma_wait3A : memref<1x640xf32, #tpu.memory_space<vmem_shared>> -> memref<640xf32, #tpu.memory_space<vmem_shared>>
      %dma_wait3A_110 = tpu.memref_slice %arg8[%run_scoped3A_33, %mul3A_32] : memref<16x10240xf32, #tpu.memory_space<vmem_shared>> -> memref<1x640xf32, #tpu.memory_space<vmem_shared>>
      %dma_wait3A_111 = tpu.memref_squeeze %dma_wait3A_110 : memref<1x640xf32, #tpu.memory_space<vmem_shared>> -> memref<640xf32, #tpu.memory_space<vmem_shared>>
      tpu.wait_dma2 semaphore(%run_scoped3A_105 : memref<!tpu.dma_semaphore, #tpu.memory_space<semaphore_mem>>) src(%dma_wait3A_111 : memref<640xf32, #tpu.memory_space<vmem_shared>>) dst(%arg7 : memref<640xf32, #tpu.memory_space<vmem>>)
      tpu.yield
    }) : () -> ()
    %parallel_loop3A_34 = arith.constant 0 : i32
    %parallel_loop3A_35 = arith.constant 40 : i32
    %parallel_loop3A_36 = arith.constant 1 : i32
    scf.for %parallel_loop3A_105 = %parallel_loop3A_34 to %parallel_loop3A_35 step %parallel_loop3A_36  : i32 {
      %parallel_loop3A_106 = arith.constant 16 : i32
      %parallel_loop3A_107 = arith.muli %parallel_loop3A_105, %parallel_loop3A_106 : i32
      %parallel_loop3A_108 = arith.index_cast %parallel_loop3A_107 : i32 to index
      %parallel_loop3A_109 = tpu.vector_load %arg6[%parallel_loop3A_108] {strides = array<i32>} : memref<640xf32, #tpu.memory_space<vmem>>, vector<16xf32>,
      %parallel_loop3A_110 = arith.constant 16 : i32
      %parallel_loop3A_111 = arith.muli %parallel_loop3A_105, %parallel_loop3A_110 : i32
      %parallel_loop3A_112 = arith.index_cast %parallel_loop3A_111 : i32 to index
      %parallel_loop3A_113 = tpu.vector_load %arg7[%parallel_loop3A_112] {strides = array<i32>} : memref<640xf32, #tpu.memory_space<vmem>>, vector<16xf32>,
      %parallel_loop3A_114 = arith.addf %parallel_loop3A_109, %parallel_loop3A_113 : vector<16xf32>
      %parallel_loop3A_115 = arith.constant 16 : i32
      %parallel_loop3A_116 = arith.muli %parallel_loop3A_105, %parallel_loop3A_115 : i32
      %parallel_loop3A_117 = arith.index_cast %parallel_loop3A_116 : i32 to index
      %parallel_loop3A_118 = tpu.vector_load %arg6[%parallel_loop3A_117] {strides = array<i32>} : memref<640xf32, #tpu.memory_space<vmem>>, vector<16xf32>,
      tpu.vector_store %arg6[%parallel_loop3A_117], %parallel_loop3A_114 {strides = array<i32>} : memref<640xf32, #tpu.memory_space<vmem>>, vector<16xf32>,
    } {sc.loop_unroll_factor = 8 : i64, sc.parallel_access}
    %mul3A_37 = arith.constant 640 : i32
    %mul3A_38 = arith.muli %arg1, %mul3A_37 : i32
    %run_scoped3A_39 = arith.constant 5 : i32
    "tpu.region"() ({
      %run_scoped3A_105 = tpu.sem_alloc : memref<!tpu.dma_semaphore, #tpu.memory_space<semaphore_mem>>
      %dma_start3A = tpu.memref_slice %arg8[%run_scoped3A_39, %mul3A_38] : memref<16x10240xf32, #tpu.memory_space<vmem_shared>> -> memref<1x640xf32, #tpu.memory_space<vmem_shared>>
      %dma_start3A_106 = tpu.memref_squeeze %dma_start3A : memref<1x640xf32, #tpu.memory_space<vmem_shared>> -> memref<640xf32, #tpu.memory_space<vmem_shared>>
      %dma_start3A_107 = tpu.memref_slice %arg8[%run_scoped3A_39, %mul3A_38] : memref<16x10240xf32, #tpu.memory_space<vmem_shared>> -> memref<1x640xf32, #tpu.memory_space<vmem_shared>>
      %dma_start3A_108 = tpu.memref_squeeze %dma_start3A_107 : memref<1x640xf32, #tpu.memory_space<vmem_shared>> -> memref<640xf32, #tpu.memory_space<vmem_shared>>
      tpu.enqueue_dma source(%dma_start3A_108 : memref<640xf32, #tpu.memory_space<vmem_shared>>) target(%arg7 : memref<640xf32, #tpu.memory_space<vmem>>) target_semaphore(%run_scoped3A_105 : memref<!tpu.dma_semaphore, #tpu.memory_space<semaphore_mem>>)
      %dma_wait3A = tpu.memref_slice %arg8[%run_scoped3A_39, %mul3A_38] : memref<16x10240xf32, #tpu.memory_space<vmem_shared>> -> memref<1x640xf32, #tpu.memory_space<vmem_shared>>
      %dma_wait3A_109 = tpu.memref_squeeze %dma_wait3A : memref<1x640xf32, #tpu.memory_space<vmem_shared>> -> memref<640xf32, #tpu.memory_space<vmem_shared>>
      %dma_wait3A_110 = tpu.memref_slice %arg8[%run_scoped3A_39, %mul3A_38] : memref<16x10240xf32, #tpu.memory_space<vmem_shared>> -> memref<1x640xf32, #tpu.memory_space<vmem_shared>>
      %dma_wait3A_111 = tpu.memref_squeeze %dma_wait3A_110 : memref<1x640xf32, #tpu.memory_space<vmem_shared>> -> memref<640xf32, #tpu.memory_space<vmem_shared>>
      tpu.wait_dma2 semaphore(%run_scoped3A_105 : memref<!tpu.dma_semaphore, #tpu.memory_space<semaphore_mem>>) src(%dma_wait3A_111 : memref<640xf32, #tpu.memory_space<vmem_shared>>) dst(%arg7 : memref<640xf32, #tpu.memory_space<vmem>>)
      tpu.yield
    }) : () -> ()
    %parallel_loop3A_40 = arith.constant 0 : i32
    %parallel_loop3A_41 = arith.constant 40 : i32
    %parallel_loop3A_42 = arith.constant 1 : i32
    scf.for %parallel_loop3A_105 = %parallel_loop3A_40 to %parallel_loop3A_41 step %parallel_loop3A_42  : i32 {
      %parallel_loop3A_106 = arith.constant 16 : i32
      %parallel_loop3A_107 = arith.muli %parallel_loop3A_105, %parallel_loop3A_106 : i32
      %parallel_loop3A_108 = arith.index_cast %parallel_loop3A_107 : i32 to index
      %parallel_loop3A_109 = tpu.vector_load %arg6[%parallel_loop3A_108] {strides = array<i32>} : memref<640xf32, #tpu.memory_space<vmem>>, vector<16xf32>,
      %parallel_loop3A_110 = arith.constant 16 : i32
      %parallel_loop3A_111 = arith.muli %parallel_loop3A_105, %parallel_loop3A_110 : i32
      %parallel_loop3A_112 = arith.index_cast %parallel_loop3A_111 : i32 to index
      %parallel_loop3A_113 = tpu.vector_load %arg7[%parallel_loop3A_112] {strides = array<i32>} : memref<640xf32, #tpu.memory_space<vmem>>, vector<16xf32>,
      %parallel_loop3A_114 = arith.addf %parallel_loop3A_109, %parallel_loop3A_113 : vector<16xf32>
      %parallel_loop3A_115 = arith.constant 16 : i32
      %parallel_loop3A_116 = arith.muli %parallel_loop3A_105, %parallel_loop3A_115 : i32
      %parallel_loop3A_117 = arith.index_cast %parallel_loop3A_116 : i32 to index
      %parallel_loop3A_118 = tpu.vector_load %arg6[%parallel_loop3A_117] {strides = array<i32>} : memref<640xf32, #tpu.memory_space<vmem>>, vector<16xf32>,
      tpu.vector_store %arg6[%parallel_loop3A_117], %parallel_loop3A_114 {strides = array<i32>} : memref<640xf32, #tpu.memory_space<vmem>>, vector<16xf32>,
    } {sc.loop_unroll_factor = 8 : i64, sc.parallel_access}
    %mul3A_43 = arith.constant 640 : i32
    %mul3A_44 = arith.muli %arg1, %mul3A_43 : i32
    %run_scoped3A_45 = arith.constant 6 : i32
    "tpu.region"() ({
      %run_scoped3A_105 = tpu.sem_alloc : memref<!tpu.dma_semaphore, #tpu.memory_space<semaphore_mem>>
      %dma_start3A = tpu.memref_slice %arg8[%run_scoped3A_45, %mul3A_44] : memref<16x10240xf32, #tpu.memory_space<vmem_shared>> -> memref<1x640xf32, #tpu.memory_space<vmem_shared>>
      %dma_start3A_106 = tpu.memref_squeeze %dma_start3A : memref<1x640xf32, #tpu.memory_space<vmem_shared>> -> memref<640xf32, #tpu.memory_space<vmem_shared>>
      %dma_start3A_107 = tpu.memref_slice %arg8[%run_scoped3A_45, %mul3A_44] : memref<16x10240xf32, #tpu.memory_space<vmem_shared>> -> memref<1x640xf32, #tpu.memory_space<vmem_shared>>
      %dma_start3A_108 = tpu.memref_squeeze %dma_start3A_107 : memref<1x640xf32, #tpu.memory_space<vmem_shared>> -> memref<640xf32, #tpu.memory_space<vmem_shared>>
      tpu.enqueue_dma source(%dma_start3A_108 : memref<640xf32, #tpu.memory_space<vmem_shared>>) target(%arg7 : memref<640xf32, #tpu.memory_space<vmem>>) target_semaphore(%run_scoped3A_105 : memref<!tpu.dma_semaphore, #tpu.memory_space<semaphore_mem>>)
      %dma_wait3A = tpu.memref_slice %arg8[%run_scoped3A_45, %mul3A_44] : memref<16x10240xf32, #tpu.memory_space<vmem_shared>> -> memref<1x640xf32, #tpu.memory_space<vmem_shared>>
      %dma_wait3A_109 = tpu.memref_squeeze %dma_wait3A : memref<1x640xf32, #tpu.memory_space<vmem_shared>> -> memref<640xf32, #tpu.memory_space<vmem_shared>>
      %dma_wait3A_110 = tpu.memref_slice %arg8[%run_scoped3A_45, %mul3A_44] : memref<16x10240xf32, #tpu.memory_space<vmem_shared>> -> memref<1x640xf32, #tpu.memory_space<vmem_shared>>
      %dma_wait3A_111 = tpu.memref_squeeze %dma_wait3A_110 : memref<1x640xf32, #tpu.memory_space<vmem_shared>> -> memref<640xf32, #tpu.memory_space<vmem_shared>>
      tpu.wait_dma2 semaphore(%run_scoped3A_105 : memref<!tpu.dma_semaphore, #tpu.memory_space<semaphore_mem>>) src(%dma_wait3A_111 : memref<640xf32, #tpu.memory_space<vmem_shared>>) dst(%arg7 : memref<640xf32, #tpu.memory_space<vmem>>)
      tpu.yield
    }) : () -> ()
    %parallel_loop3A_46 = arith.constant 0 : i32
    %parallel_loop3A_47 = arith.constant 40 : i32
    %parallel_loop3A_48 = arith.constant 1 : i32
    scf.for %parallel_loop3A_105 = %parallel_loop3A_46 to %parallel_loop3A_47 step %parallel_loop3A_48  : i32 {
      %parallel_loop3A_106 = arith.constant 16 : i32
      %parallel_loop3A_107 = arith.muli %parallel_loop3A_105, %parallel_loop3A_106 : i32
      %parallel_loop3A_108 = arith.index_cast %parallel_loop3A_107 : i32 to index
      %parallel_loop3A_109 = tpu.vector_load %arg6[%parallel_loop3A_108] {strides = array<i32>} : memref<640xf32, #tpu.memory_space<vmem>>, vector<16xf32>,
      %parallel_loop3A_110 = arith.constant 16 : i32
      %parallel_loop3A_111 = arith.muli %parallel_loop3A_105, %parallel_loop3A_110 : i32
      %parallel_loop3A_112 = arith.index_cast %parallel_loop3A_111 : i32 to index
      %parallel_loop3A_113 = tpu.vector_load %arg7[%parallel_loop3A_112] {strides = array<i32>} : memref<640xf32, #tpu.memory_space<vmem>>, vector<16xf32>,
      %parallel_loop3A_114 = arith.addf %parallel_loop3A_109, %parallel_loop3A_113 : vector<16xf32>
      %parallel_loop3A_115 = arith.constant 16 : i32
      %parallel_loop3A_116 = arith.muli %parallel_loop3A_105, %parallel_loop3A_115 : i32
      %parallel_loop3A_117 = arith.index_cast %parallel_loop3A_116 : i32 to index
      %parallel_loop3A_118 = tpu.vector_load %arg6[%parallel_loop3A_117] {strides = array<i32>} : memref<640xf32, #tpu.memory_space<vmem>>, vector<16xf32>,
      tpu.vector_store %arg6[%parallel_loop3A_117], %parallel_loop3A_114 {strides = array<i32>} : memref<640xf32, #tpu.memory_space<vmem>>, vector<16xf32>,
    } {sc.loop_unroll_factor = 8 : i64, sc.parallel_access}
    %mul3A_49 = arith.constant 640 : i32
    %mul3A_50 = arith.muli %arg1, %mul3A_49 : i32
    %run_scoped3A_51 = arith.constant 7 : i32
    "tpu.region"() ({
      %run_scoped3A_105 = tpu.sem_alloc : memref<!tpu.dma_semaphore, #tpu.memory_space<semaphore_mem>>
      %dma_start3A = tpu.memref_slice %arg8[%run_scoped3A_51, %mul3A_50] : memref<16x10240xf32, #tpu.memory_space<vmem_shared>> -> memref<1x640xf32, #tpu.memory_space<vmem_shared>>
      %dma_start3A_106 = tpu.memref_squeeze %dma_start3A : memref<1x640xf32, #tpu.memory_space<vmem_shared>> -> memref<640xf32, #tpu.memory_space<vmem_shared>>
      %dma_start3A_107 = tpu.memref_slice %arg8[%run_scoped3A_51, %mul3A_50] : memref<16x10240xf32, #tpu.memory_space<vmem_shared>> -> memref<1x640xf32, #tpu.memory_space<vmem_shared>>
      %dma_start3A_108 = tpu.memref_squeeze %dma_start3A_107 : memref<1x640xf32, #tpu.memory_space<vmem_shared>> -> memref<640xf32, #tpu.memory_space<vmem_shared>>
      tpu.enqueue_dma source(%dma_start3A_108 : memref<640xf32, #tpu.memory_space<vmem_shared>>) target(%arg7 : memref<640xf32, #tpu.memory_space<vmem>>) target_semaphore(%run_scoped3A_105 : memref<!tpu.dma_semaphore, #tpu.memory_space<semaphore_mem>>)
      %dma_wait3A = tpu.memref_slice %arg8[%run_scoped3A_51, %mul3A_50] : memref<16x10240xf32, #tpu.memory_space<vmem_shared>> -> memref<1x640xf32, #tpu.memory_space<vmem_shared>>
      %dma_wait3A_109 = tpu.memref_squeeze %dma_wait3A : memref<1x640xf32, #tpu.memory_space<vmem_shared>> -> memref<640xf32, #tpu.memory_space<vmem_shared>>
      %dma_wait3A_110 = tpu.memref_slice %arg8[%run_scoped3A_51, %mul3A_50] : memref<16x10240xf32, #tpu.memory_space<vmem_shared>> -> memref<1x640xf32, #tpu.memory_space<vmem_shared>>
      %dma_wait3A_111 = tpu.memref_squeeze %dma_wait3A_110 : memref<1x640xf32, #tpu.memory_space<vmem_shared>> -> memref<640xf32, #tpu.memory_space<vmem_shared>>
      tpu.wait_dma2 semaphore(%run_scoped3A_105 : memref<!tpu.dma_semaphore, #tpu.memory_space<semaphore_mem>>) src(%dma_wait3A_111 : memref<640xf32, #tpu.memory_space<vmem_shared>>) dst(%arg7 : memref<640xf32, #tpu.memory_space<vmem>>)
      tpu.yield
    }) : () -> ()
    %parallel_loop3A_52 = arith.constant 0 : i32
    %parallel_loop3A_53 = arith.constant 40 : i32
    %parallel_loop3A_54 = arith.constant 1 : i32
    scf.for %parallel_loop3A_105 = %parallel_loop3A_52 to %parallel_loop3A_53 step %parallel_loop3A_54  : i32 {
      %parallel_loop3A_106 = arith.constant 16 : i32
      %parallel_loop3A_107 = arith.muli %parallel_loop3A_105, %parallel_loop3A_106 : i32
      %parallel_loop3A_108 = arith.index_cast %parallel_loop3A_107 : i32 to index
      %parallel_loop3A_109 = tpu.vector_load %arg6[%parallel_loop3A_108] {strides = array<i32>} : memref<640xf32, #tpu.memory_space<vmem>>, vector<16xf32>,
      %parallel_loop3A_110 = arith.constant 16 : i32
      %parallel_loop3A_111 = arith.muli %parallel_loop3A_105, %parallel_loop3A_110 : i32
      %parallel_loop3A_112 = arith.index_cast %parallel_loop3A_111 : i32 to index
      %parallel_loop3A_113 = tpu.vector_load %arg7[%parallel_loop3A_112] {strides = array<i32>} : memref<640xf32, #tpu.memory_space<vmem>>, vector<16xf32>,
      %parallel_loop3A_114 = arith.addf %parallel_loop3A_109, %parallel_loop3A_113 : vector<16xf32>
      %parallel_loop3A_115 = arith.constant 16 : i32
      %parallel_loop3A_116 = arith.muli %parallel_loop3A_105, %parallel_loop3A_115 : i32
      %parallel_loop3A_117 = arith.index_cast %parallel_loop3A_116 : i32 to index
      %parallel_loop3A_118 = tpu.vector_load %arg6[%parallel_loop3A_117] {strides = array<i32>} : memref<640xf32, #tpu.memory_space<vmem>>, vector<16xf32>,
      tpu.vector_store %arg6[%parallel_loop3A_117], %parallel_loop3A_114 {strides = array<i32>} : memref<640xf32, #tpu.memory_space<vmem>>, vector<16xf32>,
    } {sc.loop_unroll_factor = 8 : i64, sc.parallel_access}
    %mul3A_55 = arith.constant 640 : i32
    %mul3A_56 = arith.muli %arg1, %mul3A_55 : i32
    %run_scoped3A_57 = arith.constant 8 : i32
    "tpu.region"() ({
      %run_scoped3A_105 = tpu.sem_alloc : memref<!tpu.dma_semaphore, #tpu.memory_space<semaphore_mem>>
      %dma_start3A = tpu.memref_slice %arg8[%run_scoped3A_57, %mul3A_56] : memref<16x10240xf32, #tpu.memory_space<vmem_shared>> -> memref<1x640xf32, #tpu.memory_space<vmem_shared>>
      %dma_start3A_106 = tpu.memref_squeeze %dma_start3A : memref<1x640xf32, #tpu.memory_space<vmem_shared>> -> memref<640xf32, #tpu.memory_space<vmem_shared>>
      %dma_start3A_107 = tpu.memref_slice %arg8[%run_scoped3A_57, %mul3A_56] : memref<16x10240xf32, #tpu.memory_space<vmem_shared>> -> memref<1x640xf32, #tpu.memory_space<vmem_shared>>
      %dma_start3A_108 = tpu.memref_squeeze %dma_start3A_107 : memref<1x640xf32, #tpu.memory_space<vmem_shared>> -> memref<640xf32, #tpu.memory_space<vmem_shared>>
      tpu.enqueue_dma source(%dma_start3A_108 : memref<640xf32, #tpu.memory_space<vmem_shared>>) target(%arg7 : memref<640xf32, #tpu.memory_space<vmem>>) target_semaphore(%run_scoped3A_105 : memref<!tpu.dma_semaphore, #tpu.memory_space<semaphore_mem>>)
      %dma_wait3A = tpu.memref_slice %arg8[%run_scoped3A_57, %mul3A_56] : memref<16x10240xf32, #tpu.memory_space<vmem_shared>> -> memref<1x640xf32, #tpu.memory_space<vmem_shared>>
      %dma_wait3A_109 = tpu.memref_squeeze %dma_wait3A : memref<1x640xf32, #tpu.memory_space<vmem_shared>> -> memref<640xf32, #tpu.memory_space<vmem_shared>>
      %dma_wait3A_110 = tpu.memref_slice %arg8[%run_scoped3A_57, %mul3A_56] : memref<16x10240xf32, #tpu.memory_space<vmem_shared>> -> memref<1x640xf32, #tpu.memory_space<vmem_shared>>
      %dma_wait3A_111 = tpu.memref_squeeze %dma_wait3A_110 : memref<1x640xf32, #tpu.memory_space<vmem_shared>> -> memref<640xf32, #tpu.memory_space<vmem_shared>>
      tpu.wait_dma2 semaphore(%run_scoped3A_105 : memref<!tpu.dma_semaphore, #tpu.memory_space<semaphore_mem>>) src(%dma_wait3A_111 : memref<640xf32, #tpu.memory_space<vmem_shared>>) dst(%arg7 : memref<640xf32, #tpu.memory_space<vmem>>)
      tpu.yield
    }) : () -> ()
    %parallel_loop3A_58 = arith.constant 0 : i32
    %parallel_loop3A_59 = arith.constant 40 : i32
    %parallel_loop3A_60 = arith.constant 1 : i32
    scf.for %parallel_loop3A_105 = %parallel_loop3A_58 to %parallel_loop3A_59 step %parallel_loop3A_60  : i32 {
      %parallel_loop3A_106 = arith.constant 16 : i32
      %parallel_loop3A_107 = arith.muli %parallel_loop3A_105, %parallel_loop3A_106 : i32
      %parallel_loop3A_108 = arith.index_cast %parallel_loop3A_107 : i32 to index
      %parallel_loop3A_109 = tpu.vector_load %arg6[%parallel_loop3A_108] {strides = array<i32>} : memref<640xf32, #tpu.memory_space<vmem>>, vector<16xf32>,
      %parallel_loop3A_110 = arith.constant 16 : i32
      %parallel_loop3A_111 = arith.muli %parallel_loop3A_105, %parallel_loop3A_110 : i32
      %parallel_loop3A_112 = arith.index_cast %parallel_loop3A_111 : i32 to index
      %parallel_loop3A_113 = tpu.vector_load %arg7[%parallel_loop3A_112] {strides = array<i32>} : memref<640xf32, #tpu.memory_space<vmem>>, vector<16xf32>,
      %parallel_loop3A_114 = arith.addf %parallel_loop3A_109, %parallel_loop3A_113 : vector<16xf32>
      %parallel_loop3A_115 = arith.constant 16 : i32
      %parallel_loop3A_116 = arith.muli %parallel_loop3A_105, %parallel_loop3A_115 : i32
      %parallel_loop3A_117 = arith.index_cast %parallel_loop3A_116 : i32 to index
      %parallel_loop3A_118 = tpu.vector_load %arg6[%parallel_loop3A_117] {strides = array<i32>} : memref<640xf32, #tpu.memory_space<vmem>>, vector<16xf32>,
      tpu.vector_store %arg6[%parallel_loop3A_117], %parallel_loop3A_114 {strides = array<i32>} : memref<640xf32, #tpu.memory_space<vmem>>, vector<16xf32>,
    } {sc.loop_unroll_factor = 8 : i64, sc.parallel_access}
    %mul3A_61 = arith.constant 640 : i32
    %mul3A_62 = arith.muli %arg1, %mul3A_61 : i32
    %run_scoped3A_63 = arith.constant 9 : i32
    "tpu.region"() ({
      %run_scoped3A_105 = tpu.sem_alloc : memref<!tpu.dma_semaphore, #tpu.memory_space<semaphore_mem>>
      %dma_start3A = tpu.memref_slice %arg8[%run_scoped3A_63, %mul3A_62] : memref<16x10240xf32, #tpu.memory_space<vmem_shared>> -> memref<1x640xf32, #tpu.memory_space<vmem_shared>>
      %dma_start3A_106 = tpu.memref_squeeze %dma_start3A : memref<1x640xf32, #tpu.memory_space<vmem_shared>> -> memref<640xf32, #tpu.memory_space<vmem_shared>>
      %dma_start3A_107 = tpu.memref_slice %arg8[%run_scoped3A_63, %mul3A_62] : memref<16x10240xf32, #tpu.memory_space<vmem_shared>> -> memref<1x640xf32, #tpu.memory_space<vmem_shared>>
      %dma_start3A_108 = tpu.memref_squeeze %dma_start3A_107 : memref<1x640xf32, #tpu.memory_space<vmem_shared>> -> memref<640xf32, #tpu.memory_space<vmem_shared>>
      tpu.enqueue_dma source(%dma_start3A_108 : memref<640xf32, #tpu.memory_space<vmem_shared>>) target(%arg7 : memref<640xf32, #tpu.memory_space<vmem>>) target_semaphore(%run_scoped3A_105 : memref<!tpu.dma_semaphore, #tpu.memory_space<semaphore_mem>>)
      %dma_wait3A = tpu.memref_slice %arg8[%run_scoped3A_63, %mul3A_62] : memref<16x10240xf32, #tpu.memory_space<vmem_shared>> -> memref<1x640xf32, #tpu.memory_space<vmem_shared>>
      %dma_wait3A_109 = tpu.memref_squeeze %dma_wait3A : memref<1x640xf32, #tpu.memory_space<vmem_shared>> -> memref<640xf32, #tpu.memory_space<vmem_shared>>
      %dma_wait3A_110 = tpu.memref_slice %arg8[%run_scoped3A_63, %mul3A_62] : memref<16x10240xf32, #tpu.memory_space<vmem_shared>> -> memref<1x640xf32, #tpu.memory_space<vmem_shared>>
      %dma_wait3A_111 = tpu.memref_squeeze %dma_wait3A_110 : memref<1x640xf32, #tpu.memory_space<vmem_shared>> -> memref<640xf32, #tpu.memory_space<vmem_shared>>
      tpu.wait_dma2 semaphore(%run_scoped3A_105 : memref<!tpu.dma_semaphore, #tpu.memory_space<semaphore_mem>>) src(%dma_wait3A_111 : memref<640xf32, #tpu.memory_space<vmem_shared>>) dst(%arg7 : memref<640xf32, #tpu.memory_space<vmem>>)
      tpu.yield
    }) : () -> ()
    %parallel_loop3A_64 = arith.constant 0 : i32
    %parallel_loop3A_65 = arith.constant 40 : i32
    %parallel_loop3A_66 = arith.constant 1 : i32
    scf.for %parallel_loop3A_105 = %parallel_loop3A_64 to %parallel_loop3A_65 step %parallel_loop3A_66  : i32 {
      %parallel_loop3A_106 = arith.constant 16 : i32
      %parallel_loop3A_107 = arith.muli %parallel_loop3A_105, %parallel_loop3A_106 : i32
      %parallel_loop3A_108 = arith.index_cast %parallel_loop3A_107 : i32 to index
      %parallel_loop3A_109 = tpu.vector_load %arg6[%parallel_loop3A_108] {strides = array<i32>} : memref<640xf32, #tpu.memory_space<vmem>>, vector<16xf32>,
      %parallel_loop3A_110 = arith.constant 16 : i32
      %parallel_loop3A_111 = arith.muli %parallel_loop3A_105, %parallel_loop3A_110 : i32
      %parallel_loop3A_112 = arith.index_cast %parallel_loop3A_111 : i32 to index
      %parallel_loop3A_113 = tpu.vector_load %arg7[%parallel_loop3A_112] {strides = array<i32>} : memref<640xf32, #tpu.memory_space<vmem>>, vector<16xf32>,
      %parallel_loop3A_114 = arith.addf %parallel_loop3A_109, %parallel_loop3A_113 : vector<16xf32>
      %parallel_loop3A_115 = arith.constant 16 : i32
      %parallel_loop3A_116 = arith.muli %parallel_loop3A_105, %parallel_loop3A_115 : i32
      %parallel_loop3A_117 = arith.index_cast %parallel_loop3A_116 : i32 to index
      %parallel_loop3A_118 = tpu.vector_load %arg6[%parallel_loop3A_117] {strides = array<i32>} : memref<640xf32, #tpu.memory_space<vmem>>, vector<16xf32>,
      tpu.vector_store %arg6[%parallel_loop3A_117], %parallel_loop3A_114 {strides = array<i32>} : memref<640xf32, #tpu.memory_space<vmem>>, vector<16xf32>,
    } {sc.loop_unroll_factor = 8 : i64, sc.parallel_access}
    %mul3A_67 = arith.constant 640 : i32
    %mul3A_68 = arith.muli %arg1, %mul3A_67 : i32
    %run_scoped3A_69 = arith.constant 10 : i32
    "tpu.region"() ({
      %run_scoped3A_105 = tpu.sem_alloc : memref<!tpu.dma_semaphore, #tpu.memory_space<semaphore_mem>>
      %dma_start3A = tpu.memref_slice %arg8[%run_scoped3A_69, %mul3A_68] : memref<16x10240xf32, #tpu.memory_space<vmem_shared>> -> memref<1x640xf32, #tpu.memory_space<vmem_shared>>
      %dma_start3A_106 = tpu.memref_squeeze %dma_start3A : memref<1x640xf32, #tpu.memory_space<vmem_shared>> -> memref<640xf32, #tpu.memory_space<vmem_shared>>
      %dma_start3A_107 = tpu.memref_slice %arg8[%run_scoped3A_69, %mul3A_68] : memref<16x10240xf32, #tpu.memory_space<vmem_shared>> -> memref<1x640xf32, #tpu.memory_space<vmem_shared>>
      %dma_start3A_108 = tpu.memref_squeeze %dma_start3A_107 : memref<1x640xf32, #tpu.memory_space<vmem_shared>> -> memref<640xf32, #tpu.memory_space<vmem_shared>>
      tpu.enqueue_dma source(%dma_start3A_108 : memref<640xf32, #tpu.memory_space<vmem_shared>>) target(%arg7 : memref<640xf32, #tpu.memory_space<vmem>>) target_semaphore(%run_scoped3A_105 : memref<!tpu.dma_semaphore, #tpu.memory_space<semaphore_mem>>)
      %dma_wait3A = tpu.memref_slice %arg8[%run_scoped3A_69, %mul3A_68] : memref<16x10240xf32, #tpu.memory_space<vmem_shared>> -> memref<1x640xf32, #tpu.memory_space<vmem_shared>>
      %dma_wait3A_109 = tpu.memref_squeeze %dma_wait3A : memref<1x640xf32, #tpu.memory_space<vmem_shared>> -> memref<640xf32, #tpu.memory_space<vmem_shared>>
      %dma_wait3A_110 = tpu.memref_slice %arg8[%run_scoped3A_69, %mul3A_68] : memref<16x10240xf32, #tpu.memory_space<vmem_shared>> -> memref<1x640xf32, #tpu.memory_space<vmem_shared>>
      %dma_wait3A_111 = tpu.memref_squeeze %dma_wait3A_110 : memref<1x640xf32, #tpu.memory_space<vmem_shared>> -> memref<640xf32, #tpu.memory_space<vmem_shared>>
      tpu.wait_dma2 semaphore(%run_scoped3A_105 : memref<!tpu.dma_semaphore, #tpu.memory_space<semaphore_mem>>) src(%dma_wait3A_111 : memref<640xf32, #tpu.memory_space<vmem_shared>>) dst(%arg7 : memref<640xf32, #tpu.memory_space<vmem>>)
      tpu.yield
    }) : () -> ()
    %parallel_loop3A_70 = arith.constant 0 : i32
    %parallel_loop3A_71 = arith.constant 40 : i32
    %parallel_loop3A_72 = arith.constant 1 : i32
    scf.for %parallel_loop3A_105 = %parallel_loop3A_70 to %parallel_loop3A_71 step %parallel_loop3A_72  : i32 {
      %parallel_loop3A_106 = arith.constant 16 : i32
      %parallel_loop3A_107 = arith.muli %parallel_loop3A_105, %parallel_loop3A_106 : i32
      %parallel_loop3A_108 = arith.index_cast %parallel_loop3A_107 : i32 to index
      %parallel_loop3A_109 = tpu.vector_load %arg6[%parallel_loop3A_108] {strides = array<i32>} : memref<640xf32, #tpu.memory_space<vmem>>, vector<16xf32>,
      %parallel_loop3A_110 = arith.constant 16 : i32
      %parallel_loop3A_111 = arith.muli %parallel_loop3A_105, %parallel_loop3A_110 : i32
      %parallel_loop3A_112 = arith.index_cast %parallel_loop3A_111 : i32 to index
      %parallel_loop3A_113 = tpu.vector_load %arg7[%parallel_loop3A_112] {strides = array<i32>} : memref<640xf32, #tpu.memory_space<vmem>>, vector<16xf32>,
      %parallel_loop3A_114 = arith.addf %parallel_loop3A_109, %parallel_loop3A_113 : vector<16xf32>
      %parallel_loop3A_115 = arith.constant 16 : i32
      %parallel_loop3A_116 = arith.muli %parallel_loop3A_105, %parallel_loop3A_115 : i32
      %parallel_loop3A_117 = arith.index_cast %parallel_loop3A_116 : i32 to index
      %parallel_loop3A_118 = tpu.vector_load %arg6[%parallel_loop3A_117] {strides = array<i32>} : memref<640xf32, #tpu.memory_space<vmem>>, vector<16xf32>,
      tpu.vector_store %arg6[%parallel_loop3A_117], %parallel_loop3A_114 {strides = array<i32>} : memref<640xf32, #tpu.memory_space<vmem>>, vector<16xf32>,
    } {sc.loop_unroll_factor = 8 : i64, sc.parallel_access}
    %mul3A_73 = arith.constant 640 : i32
    %mul3A_74 = arith.muli %arg1, %mul3A_73 : i32
    %run_scoped3A_75 = arith.constant 11 : i32
    "tpu.region"() ({
      %run_scoped3A_105 = tpu.sem_alloc : memref<!tpu.dma_semaphore, #tpu.memory_space<semaphore_mem>>
      %dma_start3A = tpu.memref_slice %arg8[%run_scoped3A_75, %mul3A_74] : memref<16x10240xf32, #tpu.memory_space<vmem_shared>> -> memref<1x640xf32, #tpu.memory_space<vmem_shared>>
      %dma_start3A_106 = tpu.memref_squeeze %dma_start3A : memref<1x640xf32, #tpu.memory_space<vmem_shared>> -> memref<640xf32, #tpu.memory_space<vmem_shared>>
      %dma_start3A_107 = tpu.memref_slice %arg8[%run_scoped3A_75, %mul3A_74] : memref<16x10240xf32, #tpu.memory_space<vmem_shared>> -> memref<1x640xf32, #tpu.memory_space<vmem_shared>>
      %dma_start3A_108 = tpu.memref_squeeze %dma_start3A_107 : memref<1x640xf32, #tpu.memory_space<vmem_shared>> -> memref<640xf32, #tpu.memory_space<vmem_shared>>
      tpu.enqueue_dma source(%dma_start3A_108 : memref<640xf32, #tpu.memory_space<vmem_shared>>) target(%arg7 : memref<640xf32, #tpu.memory_space<vmem>>) target_semaphore(%run_scoped3A_105 : memref<!tpu.dma_semaphore, #tpu.memory_space<semaphore_mem>>)
      %dma_wait3A = tpu.memref_slice %arg8[%run_scoped3A_75, %mul3A_74] : memref<16x10240xf32, #tpu.memory_space<vmem_shared>> -> memref<1x640xf32, #tpu.memory_space<vmem_shared>>
      %dma_wait3A_109 = tpu.memref_squeeze %dma_wait3A : memref<1x640xf32, #tpu.memory_space<vmem_shared>> -> memref<640xf32, #tpu.memory_space<vmem_shared>>
      %dma_wait3A_110 = tpu.memref_slice %arg8[%run_scoped3A_75, %mul3A_74] : memref<16x10240xf32, #tpu.memory_space<vmem_shared>> -> memref<1x640xf32, #tpu.memory_space<vmem_shared>>
      %dma_wait3A_111 = tpu.memref_squeeze %dma_wait3A_110 : memref<1x640xf32, #tpu.memory_space<vmem_shared>> -> memref<640xf32, #tpu.memory_space<vmem_shared>>
      tpu.wait_dma2 semaphore(%run_scoped3A_105 : memref<!tpu.dma_semaphore, #tpu.memory_space<semaphore_mem>>) src(%dma_wait3A_111 : memref<640xf32, #tpu.memory_space<vmem_shared>>) dst(%arg7 : memref<640xf32, #tpu.memory_space<vmem>>)
      tpu.yield
    }) : () -> ()
    %parallel_loop3A_76 = arith.constant 0 : i32
    %parallel_loop3A_77 = arith.constant 40 : i32
    %parallel_loop3A_78 = arith.constant 1 : i32
    scf.for %parallel_loop3A_105 = %parallel_loop3A_76 to %parallel_loop3A_77 step %parallel_loop3A_78  : i32 {
      %parallel_loop3A_106 = arith.constant 16 : i32
      %parallel_loop3A_107 = arith.muli %parallel_loop3A_105, %parallel_loop3A_106 : i32
      %parallel_loop3A_108 = arith.index_cast %parallel_loop3A_107 : i32 to index
      %parallel_loop3A_109 = tpu.vector_load %arg6[%parallel_loop3A_108] {strides = array<i32>} : memref<640xf32, #tpu.memory_space<vmem>>, vector<16xf32>,
      %parallel_loop3A_110 = arith.constant 16 : i32
      %parallel_loop3A_111 = arith.muli %parallel_loop3A_105, %parallel_loop3A_110 : i32
      %parallel_loop3A_112 = arith.index_cast %parallel_loop3A_111 : i32 to index
      %parallel_loop3A_113 = tpu.vector_load %arg7[%parallel_loop3A_112] {strides = array<i32>} : memref<640xf32, #tpu.memory_space<vmem>>, vector<16xf32>,
      %parallel_loop3A_114 = arith.addf %parallel_loop3A_109, %parallel_loop3A_113 : vector<16xf32>
      %parallel_loop3A_115 = arith.constant 16 : i32
      %parallel_loop3A_116 = arith.muli %parallel_loop3A_105, %parallel_loop3A_115 : i32
      %parallel_loop3A_117 = arith.index_cast %parallel_loop3A_116 : i32 to index
      %parallel_loop3A_118 = tpu.vector_load %arg6[%parallel_loop3A_117] {strides = array<i32>} : memref<640xf32, #tpu.memory_space<vmem>>, vector<16xf32>,
      tpu.vector_store %arg6[%parallel_loop3A_117], %parallel_loop3A_114 {strides = array<i32>} : memref<640xf32, #tpu.memory_space<vmem>>, vector<16xf32>,
    } {sc.loop_unroll_factor = 8 : i64, sc.parallel_access}
    %mul3A_79 = arith.constant 640 : i32
    %mul3A_80 = arith.muli %arg1, %mul3A_79 : i32
    %run_scoped3A_81 = arith.constant 12 : i32
    "tpu.region"() ({
      %run_scoped3A_105 = tpu.sem_alloc : memref<!tpu.dma_semaphore, #tpu.memory_space<semaphore_mem>>
      %dma_start3A = tpu.memref_slice %arg8[%run_scoped3A_81, %mul3A_80] : memref<16x10240xf32, #tpu.memory_space<vmem_shared>> -> memref<1x640xf32, #tpu.memory_space<vmem_shared>>
      %dma_start3A_106 = tpu.memref_squeeze %dma_start3A : memref<1x640xf32, #tpu.memory_space<vmem_shared>> -> memref<640xf32, #tpu.memory_space<vmem_shared>>
      %dma_start3A_107 = tpu.memref_slice %arg8[%run_scoped3A_81, %mul3A_80] : memref<16x10240xf32, #tpu.memory_space<vmem_shared>> -> memref<1x640xf32, #tpu.memory_space<vmem_shared>>
      %dma_start3A_108 = tpu.memref_squeeze %dma_start3A_107 : memref<1x640xf32, #tpu.memory_space<vmem_shared>> -> memref<640xf32, #tpu.memory_space<vmem_shared>>
      tpu.enqueue_dma source(%dma_start3A_108 : memref<640xf32, #tpu.memory_space<vmem_shared>>) target(%arg7 : memref<640xf32, #tpu.memory_space<vmem>>) target_semaphore(%run_scoped3A_105 : memref<!tpu.dma_semaphore, #tpu.memory_space<semaphore_mem>>)
      %dma_wait3A = tpu.memref_slice %arg8[%run_scoped3A_81, %mul3A_80] : memref<16x10240xf32, #tpu.memory_space<vmem_shared>> -> memref<1x640xf32, #tpu.memory_space<vmem_shared>>
      %dma_wait3A_109 = tpu.memref_squeeze %dma_wait3A : memref<1x640xf32, #tpu.memory_space<vmem_shared>> -> memref<640xf32, #tpu.memory_space<vmem_shared>>
      %dma_wait3A_110 = tpu.memref_slice %arg8[%run_scoped3A_81, %mul3A_80] : memref<16x10240xf32, #tpu.memory_space<vmem_shared>> -> memref<1x640xf32, #tpu.memory_space<vmem_shared>>
      %dma_wait3A_111 = tpu.memref_squeeze %dma_wait3A_110 : memref<1x640xf32, #tpu.memory_space<vmem_shared>> -> memref<640xf32, #tpu.memory_space<vmem_shared>>
      tpu.wait_dma2 semaphore(%run_scoped3A_105 : memref<!tpu.dma_semaphore, #tpu.memory_space<semaphore_mem>>) src(%dma_wait3A_111 : memref<640xf32, #tpu.memory_space<vmem_shared>>) dst(%arg7 : memref<640xf32, #tpu.memory_space<vmem>>)
      tpu.yield
    }) : () -> ()
    %parallel_loop3A_82 = arith.constant 0 : i32
    %parallel_loop3A_83 = arith.constant 40 : i32
    %parallel_loop3A_84 = arith.constant 1 : i32
    scf.for %parallel_loop3A_105 = %parallel_loop3A_82 to %parallel_loop3A_83 step %parallel_loop3A_84  : i32 {
      %parallel_loop3A_106 = arith.constant 16 : i32
      %parallel_loop3A_107 = arith.muli %parallel_loop3A_105, %parallel_loop3A_106 : i32
      %parallel_loop3A_108 = arith.index_cast %parallel_loop3A_107 : i32 to index
      %parallel_loop3A_109 = tpu.vector_load %arg6[%parallel_loop3A_108] {strides = array<i32>} : memref<640xf32, #tpu.memory_space<vmem>>, vector<16xf32>,
      %parallel_loop3A_110 = arith.constant 16 : i32
      %parallel_loop3A_111 = arith.muli %parallel_loop3A_105, %parallel_loop3A_110 : i32
      %parallel_loop3A_112 = arith.index_cast %parallel_loop3A_111 : i32 to index
      %parallel_loop3A_113 = tpu.vector_load %arg7[%parallel_loop3A_112] {strides = array<i32>} : memref<640xf32, #tpu.memory_space<vmem>>, vector<16xf32>,
      %parallel_loop3A_114 = arith.addf %parallel_loop3A_109, %parallel_loop3A_113 : vector<16xf32>
      %parallel_loop3A_115 = arith.constant 16 : i32
      %parallel_loop3A_116 = arith.muli %parallel_loop3A_105, %parallel_loop3A_115 : i32
      %parallel_loop3A_117 = arith.index_cast %parallel_loop3A_116 : i32 to index
      %parallel_loop3A_118 = tpu.vector_load %arg6[%parallel_loop3A_117] {strides = array<i32>} : memref<640xf32, #tpu.memory_space<vmem>>, vector<16xf32>,
      tpu.vector_store %arg6[%parallel_loop3A_117], %parallel_loop3A_114 {strides = array<i32>} : memref<640xf32, #tpu.memory_space<vmem>>, vector<16xf32>,
    } {sc.loop_unroll_factor = 8 : i64, sc.parallel_access}
    %mul3A_85 = arith.constant 640 : i32
    %mul3A_86 = arith.muli %arg1, %mul3A_85 : i32
    %run_scoped3A_87 = arith.constant 13 : i32
    "tpu.region"() ({
      %run_scoped3A_105 = tpu.sem_alloc : memref<!tpu.dma_semaphore, #tpu.memory_space<semaphore_mem>>
      %dma_start3A = tpu.memref_slice %arg8[%run_scoped3A_87, %mul3A_86] : memref<16x10240xf32, #tpu.memory_space<vmem_shared>> -> memref<1x640xf32, #tpu.memory_space<vmem_shared>>
      %dma_start3A_106 = tpu.memref_squeeze %dma_start3A : memref<1x640xf32, #tpu.memory_space<vmem_shared>> -> memref<640xf32, #tpu.memory_space<vmem_shared>>
      %dma_start3A_107 = tpu.memref_slice %arg8[%run_scoped3A_87, %mul3A_86] : memref<16x10240xf32, #tpu.memory_space<vmem_shared>> -> memref<1x640xf32, #tpu.memory_space<vmem_shared>>
      %dma_start3A_108 = tpu.memref_squeeze %dma_start3A_107 : memref<1x640xf32, #tpu.memory_space<vmem_shared>> -> memref<640xf32, #tpu.memory_space<vmem_shared>>
      tpu.enqueue_dma source(%dma_start3A_108 : memref<640xf32, #tpu.memory_space<vmem_shared>>) target(%arg7 : memref<640xf32, #tpu.memory_space<vmem>>) target_semaphore(%run_scoped3A_105 : memref<!tpu.dma_semaphore, #tpu.memory_space<semaphore_mem>>)
      %dma_wait3A = tpu.memref_slice %arg8[%run_scoped3A_87, %mul3A_86] : memref<16x10240xf32, #tpu.memory_space<vmem_shared>> -> memref<1x640xf32, #tpu.memory_space<vmem_shared>>
      %dma_wait3A_109 = tpu.memref_squeeze %dma_wait3A : memref<1x640xf32, #tpu.memory_space<vmem_shared>> -> memref<640xf32, #tpu.memory_space<vmem_shared>>
      %dma_wait3A_110 = tpu.memref_slice %arg8[%run_scoped3A_87, %mul3A_86] : memref<16x10240xf32, #tpu.memory_space<vmem_shared>> -> memref<1x640xf32, #tpu.memory_space<vmem_shared>>
      %dma_wait3A_111 = tpu.memref_squeeze %dma_wait3A_110 : memref<1x640xf32, #tpu.memory_space<vmem_shared>> -> memref<640xf32, #tpu.memory_space<vmem_shared>>
      tpu.wait_dma2 semaphore(%run_scoped3A_105 : memref<!tpu.dma_semaphore, #tpu.memory_space<semaphore_mem>>) src(%dma_wait3A_111 : memref<640xf32, #tpu.memory_space<vmem_shared>>) dst(%arg7 : memref<640xf32, #tpu.memory_space<vmem>>)
      tpu.yield
    }) : () -> ()
    %parallel_loop3A_88 = arith.constant 0 : i32
    %parallel_loop3A_89 = arith.constant 40 : i32
    %parallel_loop3A_90 = arith.constant 1 : i32
    scf.for %parallel_loop3A_105 = %parallel_loop3A_88 to %parallel_loop3A_89 step %parallel_loop3A_90  : i32 {
      %parallel_loop3A_106 = arith.constant 16 : i32
      %parallel_loop3A_107 = arith.muli %parallel_loop3A_105, %parallel_loop3A_106 : i32
      %parallel_loop3A_108 = arith.index_cast %parallel_loop3A_107 : i32 to index
      %parallel_loop3A_109 = tpu.vector_load %arg6[%parallel_loop3A_108] {strides = array<i32>} : memref<640xf32, #tpu.memory_space<vmem>>, vector<16xf32>,
      %parallel_loop3A_110 = arith.constant 16 : i32
      %parallel_loop3A_111 = arith.muli %parallel_loop3A_105, %parallel_loop3A_110 : i32
      %parallel_loop3A_112 = arith.index_cast %parallel_loop3A_111 : i32 to index
      %parallel_loop3A_113 = tpu.vector_load %arg7[%parallel_loop3A_112] {strides = array<i32>} : memref<640xf32, #tpu.memory_space<vmem>>, vector<16xf32>,
      %parallel_loop3A_114 = arith.addf %parallel_loop3A_109, %parallel_loop3A_113 : vector<16xf32>
      %parallel_loop3A_115 = arith.constant 16 : i32
      %parallel_loop3A_116 = arith.muli %parallel_loop3A_105, %parallel_loop3A_115 : i32
      %parallel_loop3A_117 = arith.index_cast %parallel_loop3A_116 : i32 to index
      %parallel_loop3A_118 = tpu.vector_load %arg6[%parallel_loop3A_117] {strides = array<i32>} : memref<640xf32, #tpu.memory_space<vmem>>, vector<16xf32>,
      tpu.vector_store %arg6[%parallel_loop3A_117], %parallel_loop3A_114 {strides = array<i32>} : memref<640xf32, #tpu.memory_space<vmem>>, vector<16xf32>,
    } {sc.loop_unroll_factor = 8 : i64, sc.parallel_access}
    %mul3A_91 = arith.constant 640 : i32
    %mul3A_92 = arith.muli %arg1, %mul3A_91 : i32
    %run_scoped3A_93 = arith.constant 14 : i32
    "tpu.region"() ({
      %run_scoped3A_105 = tpu.sem_alloc : memref<!tpu.dma_semaphore, #tpu.memory_space<semaphore_mem>>
      %dma_start3A = tpu.memref_slice %arg8[%run_scoped3A_93, %mul3A_92] : memref<16x10240xf32, #tpu.memory_space<vmem_shared>> -> memref<1x640xf32, #tpu.memory_space<vmem_shared>>
      %dma_start3A_106 = tpu.memref_squeeze %dma_start3A : memref<1x640xf32, #tpu.memory_space<vmem_shared>> -> memref<640xf32, #tpu.memory_space<vmem_shared>>
      %dma_start3A_107 = tpu.memref_slice %arg8[%run_scoped3A_93, %mul3A_92] : memref<16x10240xf32, #tpu.memory_space<vmem_shared>> -> memref<1x640xf32, #tpu.memory_space<vmem_shared>>
      %dma_start3A_108 = tpu.memref_squeeze %dma_start3A_107 : memref<1x640xf32, #tpu.memory_space<vmem_shared>> -> memref<640xf32, #tpu.memory_space<vmem_shared>>
      tpu.enqueue_dma source(%dma_start3A_108 : memref<640xf32, #tpu.memory_space<vmem_shared>>) target(%arg7 : memref<640xf32, #tpu.memory_space<vmem>>) target_semaphore(%run_scoped3A_105 : memref<!tpu.dma_semaphore, #tpu.memory_space<semaphore_mem>>)
      %dma_wait3A = tpu.memref_slice %arg8[%run_scoped3A_93, %mul3A_92] : memref<16x10240xf32, #tpu.memory_space<vmem_shared>> -> memref<1x640xf32, #tpu.memory_space<vmem_shared>>
      %dma_wait3A_109 = tpu.memref_squeeze %dma_wait3A : memref<1x640xf32, #tpu.memory_space<vmem_shared>> -> memref<640xf32, #tpu.memory_space<vmem_shared>>
      %dma_wait3A_110 = tpu.memref_slice %arg8[%run_scoped3A_93, %mul3A_92] : memref<16x10240xf32, #tpu.memory_space<vmem_shared>> -> memref<1x640xf32, #tpu.memory_space<vmem_shared>>
      %dma_wait3A_111 = tpu.memref_squeeze %dma_wait3A_110 : memref<1x640xf32, #tpu.memory_space<vmem_shared>> -> memref<640xf32, #tpu.memory_space<vmem_shared>>
      tpu.wait_dma2 semaphore(%run_scoped3A_105 : memref<!tpu.dma_semaphore, #tpu.memory_space<semaphore_mem>>) src(%dma_wait3A_111 : memref<640xf32, #tpu.memory_space<vmem_shared>>) dst(%arg7 : memref<640xf32, #tpu.memory_space<vmem>>)
      tpu.yield
    }) : () -> ()
    %parallel_loop3A_94 = arith.constant 0 : i32
    %parallel_loop3A_95 = arith.constant 40 : i32
    %parallel_loop3A_96 = arith.constant 1 : i32
    scf.for %parallel_loop3A_105 = %parallel_loop3A_94 to %parallel_loop3A_95 step %parallel_loop3A_96  : i32 {
      %parallel_loop3A_106 = arith.constant 16 : i32
      %parallel_loop3A_107 = arith.muli %parallel_loop3A_105, %parallel_loop3A_106 : i32
      %parallel_loop3A_108 = arith.index_cast %parallel_loop3A_107 : i32 to index
      %parallel_loop3A_109 = tpu.vector_load %arg6[%parallel_loop3A_108] {strides = array<i32>} : memref<640xf32, #tpu.memory_space<vmem>>, vector<16xf32>,
      %parallel_loop3A_110 = arith.constant 16 : i32
      %parallel_loop3A_111 = arith.muli %parallel_loop3A_105, %parallel_loop3A_110 : i32
      %parallel_loop3A_112 = arith.index_cast %parallel_loop3A_111 : i32 to index
      %parallel_loop3A_113 = tpu.vector_load %arg7[%parallel_loop3A_112] {strides = array<i32>} : memref<640xf32, #tpu.memory_space<vmem>>, vector<16xf32>,
      %parallel_loop3A_114 = arith.addf %parallel_loop3A_109, %parallel_loop3A_113 : vector<16xf32>
      %parallel_loop3A_115 = arith.constant 16 : i32
      %parallel_loop3A_116 = arith.muli %parallel_loop3A_105, %parallel_loop3A_115 : i32
      %parallel_loop3A_117 = arith.index_cast %parallel_loop3A_116 : i32 to index
      %parallel_loop3A_118 = tpu.vector_load %arg6[%parallel_loop3A_117] {strides = array<i32>} : memref<640xf32, #tpu.memory_space<vmem>>, vector<16xf32>,
      tpu.vector_store %arg6[%parallel_loop3A_117], %parallel_loop3A_114 {strides = array<i32>} : memref<640xf32, #tpu.memory_space<vmem>>, vector<16xf32>,
    } {sc.loop_unroll_factor = 8 : i64, sc.parallel_access}
    %mul3A_97 = arith.constant 640 : i32
    %mul3A_98 = arith.muli %arg1, %mul3A_97 : i32
    %run_scoped3A_99 = arith.constant 15 : i32
    "tpu.region"() ({
      %run_scoped3A_105 = tpu.sem_alloc : memref<!tpu.dma_semaphore, #tpu.memory_space<semaphore_mem>>
      %dma_start3A = tpu.memref_slice %arg8[%run_scoped3A_99, %mul3A_98] : memref<16x10240xf32, #tpu.memory_space<vmem_shared>> -> memref<1x640xf32, #tpu.memory_space<vmem_shared>>
      %dma_start3A_106 = tpu.memref_squeeze %dma_start3A : memref<1x640xf32, #tpu.memory_space<vmem_shared>> -> memref<640xf32, #tpu.memory_space<vmem_shared>>
      %dma_start3A_107 = tpu.memref_slice %arg8[%run_scoped3A_99, %mul3A_98] : memref<16x10240xf32, #tpu.memory_space<vmem_shared>> -> memref<1x640xf32, #tpu.memory_space<vmem_shared>>
      %dma_start3A_108 = tpu.memref_squeeze %dma_start3A_107 : memref<1x640xf32, #tpu.memory_space<vmem_shared>> -> memref<640xf32, #tpu.memory_space<vmem_shared>>
      tpu.enqueue_dma source(%dma_start3A_108 : memref<640xf32, #tpu.memory_space<vmem_shared>>) target(%arg7 : memref<640xf32, #tpu.memory_space<vmem>>) target_semaphore(%run_scoped3A_105 : memref<!tpu.dma_semaphore, #tpu.memory_space<semaphore_mem>>)
      %dma_wait3A = tpu.memref_slice %arg8[%run_scoped3A_99, %mul3A_98] : memref<16x10240xf32, #tpu.memory_space<vmem_shared>> -> memref<1x640xf32, #tpu.memory_space<vmem_shared>>
      %dma_wait3A_109 = tpu.memref_squeeze %dma_wait3A : memref<1x640xf32, #tpu.memory_space<vmem_shared>> -> memref<640xf32, #tpu.memory_space<vmem_shared>>
      %dma_wait3A_110 = tpu.memref_slice %arg8[%run_scoped3A_99, %mul3A_98] : memref<16x10240xf32, #tpu.memory_space<vmem_shared>> -> memref<1x640xf32, #tpu.memory_space<vmem_shared>>
      %dma_wait3A_111 = tpu.memref_squeeze %dma_wait3A_110 : memref<1x640xf32, #tpu.memory_space<vmem_shared>> -> memref<640xf32, #tpu.memory_space<vmem_shared>>
      tpu.wait_dma2 semaphore(%run_scoped3A_105 : memref<!tpu.dma_semaphore, #tpu.memory_space<semaphore_mem>>) src(%dma_wait3A_111 : memref<640xf32, #tpu.memory_space<vmem_shared>>) dst(%arg7 : memref<640xf32, #tpu.memory_space<vmem>>)
      tpu.yield
    }) : () -> ()
    %parallel_loop3A_100 = arith.constant 0 : i32
    %parallel_loop3A_101 = arith.constant 40 : i32
    %parallel_loop3A_102 = arith.constant 1 : i32
    scf.for %parallel_loop3A_105 = %parallel_loop3A_100 to %parallel_loop3A_101 step %parallel_loop3A_102  : i32 {
      %parallel_loop3A_106 = arith.constant 16 : i32
      %parallel_loop3A_107 = arith.muli %parallel_loop3A_105, %parallel_loop3A_106 : i32
      %parallel_loop3A_108 = arith.index_cast %parallel_loop3A_107 : i32 to index
      %parallel_loop3A_109 = tpu.vector_load %arg6[%parallel_loop3A_108] {strides = array<i32>} : memref<640xf32, #tpu.memory_space<vmem>>, vector<16xf32>,
      %parallel_loop3A_110 = arith.constant 16 : i32
      %parallel_loop3A_111 = arith.muli %parallel_loop3A_105, %parallel_loop3A_110 : i32
      %parallel_loop3A_112 = arith.index_cast %parallel_loop3A_111 : i32 to index
      %parallel_loop3A_113 = tpu.vector_load %arg7[%parallel_loop3A_112] {strides = array<i32>} : memref<640xf32, #tpu.memory_space<vmem>>, vector<16xf32>,
      %parallel_loop3A_114 = arith.addf %parallel_loop3A_109, %parallel_loop3A_113 : vector<16xf32>
      %parallel_loop3A_115 = arith.constant 16 : i32
      %parallel_loop3A_116 = arith.muli %parallel_loop3A_105, %parallel_loop3A_115 : i32
      %parallel_loop3A_117 = arith.index_cast %parallel_loop3A_116 : i32 to index
      %parallel_loop3A_118 = tpu.vector_load %arg6[%parallel_loop3A_117] {strides = array<i32>} : memref<640xf32, #tpu.memory_space<vmem>>, vector<16xf32>,
      tpu.vector_store %arg6[%parallel_loop3A_117], %parallel_loop3A_114 {strides = array<i32>} : memref<640xf32, #tpu.memory_space<vmem>>, vector<16xf32>,
    } {sc.loop_unroll_factor = 8 : i64, sc.parallel_access}
    %mul3A_103 = arith.constant 640 : i32
    %mul3A_104 = arith.muli %arg1, %mul3A_103 : i32
    "tpu.region"() ({
      %run_scoped3A_105 = tpu.sem_alloc : memref<!tpu.dma_semaphore, #tpu.memory_space<semaphore_mem>>
      %dma_start3A = tpu.memref_slice %arg4[%arg0, %mul3A_104] : memref<2x10240xf32, #tpu.memory_space<hbm>> -> memref<1x640xf32, #tpu.memory_space<hbm>>
      %dma_start3A_106 = tpu.memref_squeeze %dma_start3A : memref<1x640xf32, #tpu.memory_space<hbm>> -> memref<640xf32, #tpu.memory_space<hbm>>
      %dma_start3A_107 = tpu.memref_slice %arg4[%arg0, %mul3A_104] : memref<2x10240xf32, #tpu.memory_space<hbm>> -> memref<1x640xf32, #tpu.memory_space<hbm>>
      %dma_start3A_108 = tpu.memref_squeeze %dma_start3A_107 : memref<1x640xf32, #tpu.memory_space<hbm>> -> memref<640xf32, #tpu.memory_space<hbm>>
      tpu.enqueue_dma source(%arg6 : memref<640xf32, #tpu.memory_space<vmem>>) target(%dma_start3A_108 : memref<640xf32, #tpu.memory_space<hbm>>) target_semaphore(%run_scoped3A_105 : memref<!tpu.dma_semaphore, #tpu.memory_space<semaphore_mem>>)
      %dma_wait3A = tpu.memref_slice %arg4[%arg0, %mul3A_104] : memref<2x10240xf32, #tpu.memory_space<hbm>> -> memref<1x640xf32, #tpu.memory_space<hbm>>
      %dma_wait3A_109 = tpu.memref_squeeze %dma_wait3A : memref<1x640xf32, #tpu.memory_space<hbm>> -> memref<640xf32, #tpu.memory_space<hbm>>
      %dma_wait3A_110 = tpu.memref_slice %arg4[%arg0, %mul3A_104] : memref<2x10240xf32, #tpu.memory_space<hbm>> -> memref<1x640xf32, #tpu.memory_space<hbm>>
      %dma_wait3A_111 = tpu.memref_squeeze %dma_wait3A_110 : memref<1x640xf32, #tpu.memory_space<hbm>> -> memref<640xf32, #tpu.memory_space<hbm>>
      tpu.wait_dma2 semaphore(%run_scoped3A_105 : memref<!tpu.dma_semaphore, #tpu.memory_space<semaphore_mem>>) src(%arg6 : memref<640xf32, #tpu.memory_space<vmem>>) dst(%dma_wait3A_111 : memref<640xf32, #tpu.memory_space<hbm>>)
      tpu.yield
    }) : () -> ()
    return
  }
}

#map = affine_map<(d0, d1) -> (0, 0, 0, 0)>
#map1 = affine_map<(d0, d1) -> (0, 0)>
#map2 = affine_map<(d0, d1) -> (0)>
module attributes {stable_mosaic.version = 14 : i64} {
  func.func @_agg_body(%arg0: i32, %arg1: i32, %arg2: memref<2x16x4x10240xf32, #tpu.memory_space<hbm>>, %arg3: memref<2x327680xi32, #tpu.memory_space<hbm>>, %arg4: memref<2x327680xi32, #tpu.memory_space<hbm>>, %arg5: memref<10240xf32, #tpu.memory_space<hbm>>, %arg6: memref<2x16x4x10240xf32, #tpu.memory_space<hbm>>, %arg7: memref<10240xf32, #tpu.memory_space<vmem>>, %arg8: memref<10240xf32, #tpu.memory_space<vmem>>, %arg9: memref<10240xf32, #tpu.memory_space<vmem>>, %arg10: memref<10240xf32, #tpu.memory_space<vmem>>, %arg11: memref<10240xf32, #tpu.memory_space<vmem>>, %arg12: memref<10240xf32, #tpu.memory_space<vmem>>, %arg13: memref<10240xf32, #tpu.memory_space<vmem>>, %arg14: memref<10240xf32, #tpu.memory_space<vmem>>, %arg15: memref<8192xi32, #tpu.memory_space<vmem>>, %arg16: memref<8192xi32, #tpu.memory_space<vmem>>, %arg17: memref<8192xi32, #tpu.memory_space<vmem>>, %arg18: memref<8192xi32, #tpu.memory_space<vmem>>, %arg19: memref<!tpu.dma_semaphore, #tpu.memory_space<semaphore_mem>>, %arg20: memref<!tpu.dma_semaphore, #tpu.memory_space<semaphore_mem>>) attributes {dimension_semantics = [#tpu.dimension_semantics<core_parallel>, #tpu.dimension_semantics<subcore_parallel>], iteration_bounds = array<i64: 2, 16>, scalar_prefetch = 0 : i64, scratch_operands = 14 : i64, tpu.core_type = #tpu.core_type<sc_vector_subcore>, window_params = [{transform_indices = #map}, {transform_indices = #map1}, {transform_indices = #map1}, {transform_indices = #map2}, {transform_indices = #map}]} {
    %run_scoped3A = arith.constant 0 : i32
    "tpu.region"() ({
      %run_scoped3A_34 = tpu.sem_alloc : memref<!tpu.dma_semaphore, #tpu.memory_space<semaphore_mem>>
      %dma_start3A_35 = arith.constant 0 : i32
      %dma_start3A_36 = tpu.memref_slice %arg2[%arg0, %arg1, %run_scoped3A, %dma_start3A_35] : memref<2x16x4x10240xf32, #tpu.memory_space<hbm>> -> memref<1x1x1x10240xf32, #tpu.memory_space<hbm>>
      %dma_start3A_37 = tpu.memref_squeeze %dma_start3A_36 : memref<1x1x1x10240xf32, #tpu.memory_space<hbm>> -> memref<10240xf32, #tpu.memory_space<hbm>>
      %dma_start3A_38 = arith.constant 0 : i32
      %dma_start3A_39 = tpu.memref_slice %arg2[%arg0, %arg1, %run_scoped3A, %dma_start3A_38] : memref<2x16x4x10240xf32, #tpu.memory_space<hbm>> -> memref<1x1x1x10240xf32, #tpu.memory_space<hbm>>
      %dma_start3A_40 = tpu.memref_squeeze %dma_start3A_39 : memref<1x1x1x10240xf32, #tpu.memory_space<hbm>> -> memref<10240xf32, #tpu.memory_space<hbm>>
      tpu.enqueue_dma source(%dma_start3A_40 : memref<10240xf32, #tpu.memory_space<hbm>>) target(%arg7 : memref<10240xf32, #tpu.memory_space<vmem>>) target_semaphore(%run_scoped3A_34 : memref<!tpu.dma_semaphore, #tpu.memory_space<semaphore_mem>>)
      %dma_wait3A_41 = arith.constant 0 : i32
      %dma_wait3A_42 = tpu.memref_slice %arg2[%arg0, %arg1, %run_scoped3A, %dma_wait3A_41] : memref<2x16x4x10240xf32, #tpu.memory_space<hbm>> -> memref<1x1x1x10240xf32, #tpu.memory_space<hbm>>
      %dma_wait3A_43 = tpu.memref_squeeze %dma_wait3A_42 : memref<1x1x1x10240xf32, #tpu.memory_space<hbm>> -> memref<10240xf32, #tpu.memory_space<hbm>>
      %dma_wait3A_44 = arith.constant 0 : i32
      %dma_wait3A_45 = tpu.memref_slice %arg2[%arg0, %arg1, %run_scoped3A, %dma_wait3A_44] : memref<2x16x4x10240xf32, #tpu.memory_space<hbm>> -> memref<1x1x1x10240xf32, #tpu.memory_space<hbm>>
      %dma_wait3A_46 = tpu.memref_squeeze %dma_wait3A_45 : memref<1x1x1x10240xf32, #tpu.memory_space<hbm>> -> memref<10240xf32, #tpu.memory_space<hbm>>
      tpu.wait_dma2 semaphore(%run_scoped3A_34 : memref<!tpu.dma_semaphore, #tpu.memory_space<semaphore_mem>>) src(%dma_wait3A_46 : memref<10240xf32, #tpu.memory_space<hbm>>) dst(%arg7 : memref<10240xf32, #tpu.memory_space<vmem>>)
      tpu.yield
    }) : () -> ()
    "tpu.region"() ({
      %run_scoped3A_34 = tpu.sem_alloc : memref<!tpu.dma_semaphore, #tpu.memory_space<semaphore_mem>>
      tpu.enqueue_dma source(%arg5 : memref<10240xf32, #tpu.memory_space<hbm>>) target(%arg11 : memref<10240xf32, #tpu.memory_space<vmem>>) target_semaphore(%run_scoped3A_34 : memref<!tpu.dma_semaphore, #tpu.memory_space<semaphore_mem>>)
      tpu.wait_dma2 semaphore(%run_scoped3A_34 : memref<!tpu.dma_semaphore, #tpu.memory_space<semaphore_mem>>) src(%arg5 : memref<10240xf32, #tpu.memory_space<hbm>>) dst(%arg11 : memref<10240xf32, #tpu.memory_space<vmem>>)
      tpu.yield
    }) : () -> ()
    %run_scoped3A_0 = arith.constant 1 : i32
    "tpu.region"() ({
      %run_scoped3A_34 = tpu.sem_alloc : memref<!tpu.dma_semaphore, #tpu.memory_space<semaphore_mem>>
      %dma_start3A_35 = arith.constant 0 : i32
      %dma_start3A_36 = tpu.memref_slice %arg2[%arg0, %arg1, %run_scoped3A_0, %dma_start3A_35] : memref<2x16x4x10240xf32, #tpu.memory_space<hbm>> -> memref<1x1x1x10240xf32, #tpu.memory_space<hbm>>
      %dma_start3A_37 = tpu.memref_squeeze %dma_start3A_36 : memref<1x1x1x10240xf32, #tpu.memory_space<hbm>> -> memref<10240xf32, #tpu.memory_space<hbm>>
      %dma_start3A_38 = arith.constant 0 : i32
      %dma_start3A_39 = tpu.memref_slice %arg2[%arg0, %arg1, %run_scoped3A_0, %dma_start3A_38] : memref<2x16x4x10240xf32, #tpu.memory_space<hbm>> -> memref<1x1x1x10240xf32, #tpu.memory_space<hbm>>
      %dma_start3A_40 = tpu.memref_squeeze %dma_start3A_39 : memref<1x1x1x10240xf32, #tpu.memory_space<hbm>> -> memref<10240xf32, #tpu.memory_space<hbm>>
      tpu.enqueue_dma source(%dma_start3A_40 : memref<10240xf32, #tpu.memory_space<hbm>>) target(%arg8 : memref<10240xf32, #tpu.memory_space<vmem>>) target_semaphore(%run_scoped3A_34 : memref<!tpu.dma_semaphore, #tpu.memory_space<semaphore_mem>>)
      %dma_wait3A_41 = arith.constant 0 : i32
      %dma_wait3A_42 = tpu.memref_slice %arg2[%arg0, %arg1, %run_scoped3A_0, %dma_wait3A_41] : memref<2x16x4x10240xf32, #tpu.memory_space<hbm>> -> memref<1x1x1x10240xf32, #tpu.memory_space<hbm>>
      %dma_wait3A_43 = tpu.memref_squeeze %dma_wait3A_42 : memref<1x1x1x10240xf32, #tpu.memory_space<hbm>> -> memref<10240xf32, #tpu.memory_space<hbm>>
      %dma_wait3A_44 = arith.constant 0 : i32
      %dma_wait3A_45 = tpu.memref_slice %arg2[%arg0, %arg1, %run_scoped3A_0, %dma_wait3A_44] : memref<2x16x4x10240xf32, #tpu.memory_space<hbm>> -> memref<1x1x1x10240xf32, #tpu.memory_space<hbm>>
      %dma_wait3A_46 = tpu.memref_squeeze %dma_wait3A_45 : memref<1x1x1x10240xf32, #tpu.memory_space<hbm>> -> memref<10240xf32, #tpu.memory_space<hbm>>
      tpu.wait_dma2 semaphore(%run_scoped3A_34 : memref<!tpu.dma_semaphore, #tpu.memory_space<semaphore_mem>>) src(%dma_wait3A_46 : memref<10240xf32, #tpu.memory_space<hbm>>) dst(%arg8 : memref<10240xf32, #tpu.memory_space<vmem>>)
      tpu.yield
    }) : () -> ()
    "tpu.region"() ({
      %run_scoped3A_34 = tpu.sem_alloc : memref<!tpu.dma_semaphore, #tpu.memory_space<semaphore_mem>>
      tpu.enqueue_dma source(%arg5 : memref<10240xf32, #tpu.memory_space<hbm>>) target(%arg12 : memref<10240xf32, #tpu.memory_space<vmem>>) target_semaphore(%run_scoped3A_34 : memref<!tpu.dma_semaphore, #tpu.memory_space<semaphore_mem>>)
      tpu.wait_dma2 semaphore(%run_scoped3A_34 : memref<!tpu.dma_semaphore, #tpu.memory_space<semaphore_mem>>) src(%arg5 : memref<10240xf32, #tpu.memory_space<hbm>>) dst(%arg12 : memref<10240xf32, #tpu.memory_space<vmem>>)
      tpu.yield
    }) : () -> ()
    %run_scoped3A_1 = arith.constant 2 : i32
    "tpu.region"() ({
      %run_scoped3A_34 = tpu.sem_alloc : memref<!tpu.dma_semaphore, #tpu.memory_space<semaphore_mem>>
      %dma_start3A_35 = arith.constant 0 : i32
      %dma_start3A_36 = tpu.memref_slice %arg2[%arg0, %arg1, %run_scoped3A_1, %dma_start3A_35] : memref<2x16x4x10240xf32, #tpu.memory_space<hbm>> -> memref<1x1x1x10240xf32, #tpu.memory_space<hbm>>
      %dma_start3A_37 = tpu.memref_squeeze %dma_start3A_36 : memref<1x1x1x10240xf32, #tpu.memory_space<hbm>> -> memref<10240xf32, #tpu.memory_space<hbm>>
      %dma_start3A_38 = arith.constant 0 : i32
      %dma_start3A_39 = tpu.memref_slice %arg2[%arg0, %arg1, %run_scoped3A_1, %dma_start3A_38] : memref<2x16x4x10240xf32, #tpu.memory_space<hbm>> -> memref<1x1x1x10240xf32, #tpu.memory_space<hbm>>
      %dma_start3A_40 = tpu.memref_squeeze %dma_start3A_39 : memref<1x1x1x10240xf32, #tpu.memory_space<hbm>> -> memref<10240xf32, #tpu.memory_space<hbm>>
      tpu.enqueue_dma source(%dma_start3A_40 : memref<10240xf32, #tpu.memory_space<hbm>>) target(%arg9 : memref<10240xf32, #tpu.memory_space<vmem>>) target_semaphore(%run_scoped3A_34 : memref<!tpu.dma_semaphore, #tpu.memory_space<semaphore_mem>>)
      %dma_wait3A_41 = arith.constant 0 : i32
      %dma_wait3A_42 = tpu.memref_slice %arg2[%arg0, %arg1, %run_scoped3A_1, %dma_wait3A_41] : memref<2x16x4x10240xf32, #tpu.memory_space<hbm>> -> memref<1x1x1x10240xf32, #tpu.memory_space<hbm>>
      %dma_wait3A_43 = tpu.memref_squeeze %dma_wait3A_42 : memref<1x1x1x10240xf32, #tpu.memory_space<hbm>> -> memref<10240xf32, #tpu.memory_space<hbm>>
      %dma_wait3A_44 = arith.constant 0 : i32
      %dma_wait3A_45 = tpu.memref_slice %arg2[%arg0, %arg1, %run_scoped3A_1, %dma_wait3A_44] : memref<2x16x4x10240xf32, #tpu.memory_space<hbm>> -> memref<1x1x1x10240xf32, #tpu.memory_space<hbm>>
      %dma_wait3A_46 = tpu.memref_squeeze %dma_wait3A_45 : memref<1x1x1x10240xf32, #tpu.memory_space<hbm>> -> memref<10240xf32, #tpu.memory_space<hbm>>
      tpu.wait_dma2 semaphore(%run_scoped3A_34 : memref<!tpu.dma_semaphore, #tpu.memory_space<semaphore_mem>>) src(%dma_wait3A_46 : memref<10240xf32, #tpu.memory_space<hbm>>) dst(%arg9 : memref<10240xf32, #tpu.memory_space<vmem>>)
      tpu.yield
    }) : () -> ()
    "tpu.region"() ({
      %run_scoped3A_34 = tpu.sem_alloc : memref<!tpu.dma_semaphore, #tpu.memory_space<semaphore_mem>>
      tpu.enqueue_dma source(%arg5 : memref<10240xf32, #tpu.memory_space<hbm>>) target(%arg13 : memref<10240xf32, #tpu.memory_space<vmem>>) target_semaphore(%run_scoped3A_34 : memref<!tpu.dma_semaphore, #tpu.memory_space<semaphore_mem>>)
      tpu.wait_dma2 semaphore(%run_scoped3A_34 : memref<!tpu.dma_semaphore, #tpu.memory_space<semaphore_mem>>) src(%arg5 : memref<10240xf32, #tpu.memory_space<hbm>>) dst(%arg13 : memref<10240xf32, #tpu.memory_space<vmem>>)
      tpu.yield
    }) : () -> ()
    %run_scoped3A_2 = arith.constant 3 : i32
    "tpu.region"() ({
      %run_scoped3A_34 = tpu.sem_alloc : memref<!tpu.dma_semaphore, #tpu.memory_space<semaphore_mem>>
      %dma_start3A_35 = arith.constant 0 : i32
      %dma_start3A_36 = tpu.memref_slice %arg2[%arg0, %arg1, %run_scoped3A_2, %dma_start3A_35] : memref<2x16x4x10240xf32, #tpu.memory_space<hbm>> -> memref<1x1x1x10240xf32, #tpu.memory_space<hbm>>
      %dma_start3A_37 = tpu.memref_squeeze %dma_start3A_36 : memref<1x1x1x10240xf32, #tpu.memory_space<hbm>> -> memref<10240xf32, #tpu.memory_space<hbm>>
      %dma_start3A_38 = arith.constant 0 : i32
      %dma_start3A_39 = tpu.memref_slice %arg2[%arg0, %arg1, %run_scoped3A_2, %dma_start3A_38] : memref<2x16x4x10240xf32, #tpu.memory_space<hbm>> -> memref<1x1x1x10240xf32, #tpu.memory_space<hbm>>
      %dma_start3A_40 = tpu.memref_squeeze %dma_start3A_39 : memref<1x1x1x10240xf32, #tpu.memory_space<hbm>> -> memref<10240xf32, #tpu.memory_space<hbm>>
      tpu.enqueue_dma source(%dma_start3A_40 : memref<10240xf32, #tpu.memory_space<hbm>>) target(%arg10 : memref<10240xf32, #tpu.memory_space<vmem>>) target_semaphore(%run_scoped3A_34 : memref<!tpu.dma_semaphore, #tpu.memory_space<semaphore_mem>>)
      %dma_wait3A_41 = arith.constant 0 : i32
      %dma_wait3A_42 = tpu.memref_slice %arg2[%arg0, %arg1, %run_scoped3A_2, %dma_wait3A_41] : memref<2x16x4x10240xf32, #tpu.memory_space<hbm>> -> memref<1x1x1x10240xf32, #tpu.memory_space<hbm>>
      %dma_wait3A_43 = tpu.memref_squeeze %dma_wait3A_42 : memref<1x1x1x10240xf32, #tpu.memory_space<hbm>> -> memref<10240xf32, #tpu.memory_space<hbm>>
      %dma_wait3A_44 = arith.constant 0 : i32
      %dma_wait3A_45 = tpu.memref_slice %arg2[%arg0, %arg1, %run_scoped3A_2, %dma_wait3A_44] : memref<2x16x4x10240xf32, #tpu.memory_space<hbm>> -> memref<1x1x1x10240xf32, #tpu.memory_space<hbm>>
      %dma_wait3A_46 = tpu.memref_squeeze %dma_wait3A_45 : memref<1x1x1x10240xf32, #tpu.memory_space<hbm>> -> memref<10240xf32, #tpu.memory_space<hbm>>
      tpu.wait_dma2 semaphore(%run_scoped3A_34 : memref<!tpu.dma_semaphore, #tpu.memory_space<semaphore_mem>>) src(%dma_wait3A_46 : memref<10240xf32, #tpu.memory_space<hbm>>) dst(%arg10 : memref<10240xf32, #tpu.memory_space<vmem>>)
      tpu.yield
    }) : () -> ()
    "tpu.region"() ({
      %run_scoped3A_34 = tpu.sem_alloc : memref<!tpu.dma_semaphore, #tpu.memory_space<semaphore_mem>>
      tpu.enqueue_dma source(%arg5 : memref<10240xf32, #tpu.memory_space<hbm>>) target(%arg14 : memref<10240xf32, #tpu.memory_space<vmem>>) target_semaphore(%run_scoped3A_34 : memref<!tpu.dma_semaphore, #tpu.memory_space<semaphore_mem>>)
      tpu.wait_dma2 semaphore(%run_scoped3A_34 : memref<!tpu.dma_semaphore, #tpu.memory_space<semaphore_mem>>) src(%arg5 : memref<10240xf32, #tpu.memory_space<hbm>>) dst(%arg14 : memref<10240xf32, #tpu.memory_space<vmem>>)
      tpu.yield
    }) : () -> ()
    %dma_start3A = arith.constant 0 : i32
    %dma_start3A_3 = tpu.memref_slice %arg3[%arg0, %dma_start3A] : memref<2x327680xi32, #tpu.memory_space<hbm>> -> memref<1x8192xi32, #tpu.memory_space<hbm>>
    %dma_start3A_4 = tpu.memref_squeeze %dma_start3A_3 : memref<1x8192xi32, #tpu.memory_space<hbm>> -> memref<8192xi32, #tpu.memory_space<hbm>>
    %dma_start3A_5 = arith.constant 0 : i32
    %dma_start3A_6 = tpu.memref_slice %arg3[%arg0, %dma_start3A_5] : memref<2x327680xi32, #tpu.memory_space<hbm>> -> memref<1x8192xi32, #tpu.memory_space<hbm>>
    %dma_start3A_7 = tpu.memref_squeeze %dma_start3A_6 : memref<1x8192xi32, #tpu.memory_space<hbm>> -> memref<8192xi32, #tpu.memory_space<hbm>>
    tpu.enqueue_dma source(%dma_start3A_7 : memref<8192xi32, #tpu.memory_space<hbm>>) target(%arg15 : memref<8192xi32, #tpu.memory_space<vmem>>) target_semaphore(%arg19 : memref<!tpu.dma_semaphore, #tpu.memory_space<semaphore_mem>>)
    %dma_start3A_8 = arith.constant 0 : i32
    %dma_start3A_9 = tpu.memref_slice %arg4[%arg0, %dma_start3A_8] : memref<2x327680xi32, #tpu.memory_space<hbm>> -> memref<1x8192xi32, #tpu.memory_space<hbm>>
    %dma_start3A_10 = tpu.memref_squeeze %dma_start3A_9 : memref<1x8192xi32, #tpu.memory_space<hbm>> -> memref<8192xi32, #tpu.memory_space<hbm>>
    %dma_start3A_11 = arith.constant 0 : i32
    %dma_start3A_12 = tpu.memref_slice %arg4[%arg0, %dma_start3A_11] : memref<2x327680xi32, #tpu.memory_space<hbm>> -> memref<1x8192xi32, #tpu.memory_space<hbm>>
    %dma_start3A_13 = tpu.memref_squeeze %dma_start3A_12 : memref<1x8192xi32, #tpu.memory_space<hbm>> -> memref<8192xi32, #tpu.memory_space<hbm>>
    tpu.enqueue_dma source(%dma_start3A_13 : memref<8192xi32, #tpu.memory_space<hbm>>) target(%arg16 : memref<8192xi32, #tpu.memory_space<vmem>>) target_semaphore(%arg19 : memref<!tpu.dma_semaphore, #tpu.memory_space<semaphore_mem>>)
    %scan3A = arith.constant 0 : i32
    %scan3A_14 = arith.constant 0 : i32
    %scan3A_15 = arith.constant 20 : i32
    %scan3A_16 = arith.addi %scan3A_14, %scan3A_15 : i32
    %scan3A_17 = arith.constant 1 : i32
    scf.for %scan3A_34 = %scan3A_14 to %scan3A_16 step %scan3A_17  : i32 {
      %dma_wait3A_35 = arith.constant 0 : i32
      %dma_wait3A_36 = tpu.memref_slice %arg3[%arg0, %dma_wait3A_35] : memref<2x327680xi32, #tpu.memory_space<hbm>> -> memref<1x8192xi32, #tpu.memory_space<hbm>>
      %dma_wait3A_37 = tpu.memref_squeeze %dma_wait3A_36 : memref<1x8192xi32, #tpu.memory_space<hbm>> -> memref<8192xi32, #tpu.memory_space<hbm>>
      %dma_wait3A_38 = arith.constant 0 : i32
      %dma_wait3A_39 = tpu.memref_slice %arg3[%arg0, %dma_wait3A_38] : memref<2x327680xi32, #tpu.memory_space<hbm>> -> memref<1x8192xi32, #tpu.memory_space<hbm>>
      %dma_wait3A_40 = tpu.memref_squeeze %dma_wait3A_39 : memref<1x8192xi32, #tpu.memory_space<hbm>> -> memref<8192xi32, #tpu.memory_space<hbm>>
      tpu.wait_dma2 semaphore(%arg19 : memref<!tpu.dma_semaphore, #tpu.memory_space<semaphore_mem>>) src(%dma_wait3A_40 : memref<8192xi32, #tpu.memory_space<hbm>>) dst(%arg15 : memref<8192xi32, #tpu.memory_space<vmem>>)
      %dma_wait3A_41 = arith.constant 0 : i32
      %dma_wait3A_42 = tpu.memref_slice %arg4[%arg0, %dma_wait3A_41] : memref<2x327680xi32, #tpu.memory_space<hbm>> -> memref<1x8192xi32, #tpu.memory_space<hbm>>
      %dma_wait3A_43 = tpu.memref_squeeze %dma_wait3A_42 : memref<1x8192xi32, #tpu.memory_space<hbm>> -> memref<8192xi32, #tpu.memory_space<hbm>>
      %dma_wait3A_44 = arith.constant 0 : i32
      %dma_wait3A_45 = tpu.memref_slice %arg4[%arg0, %dma_wait3A_44] : memref<2x327680xi32, #tpu.memory_space<hbm>> -> memref<1x8192xi32, #tpu.memory_space<hbm>>
      %dma_wait3A_46 = tpu.memref_squeeze %dma_wait3A_45 : memref<1x8192xi32, #tpu.memory_space<hbm>> -> memref<8192xi32, #tpu.memory_space<hbm>>
      tpu.wait_dma2 semaphore(%arg19 : memref<!tpu.dma_semaphore, #tpu.memory_space<semaphore_mem>>) src(%dma_wait3A_46 : memref<8192xi32, #tpu.memory_space<hbm>>) dst(%arg16 : memref<8192xi32, #tpu.memory_space<vmem>>)
      %mul3A = arith.constant 2 : i32
      %mul3A_47 = arith.muli %mul3A, %scan3A_34 : i32
      %add3A = arith.constant 1 : i32
      %add3A_48 = arith.addi %mul3A_47, %add3A : i32
      %mul3A_49 = arith.constant 8192 : i32
      %mul3A_50 = arith.muli %add3A_48, %mul3A_49 : i32
      %dma_start3A_51 = tpu.memref_slice %arg3[%arg0, %mul3A_50] : memref<2x327680xi32, #tpu.memory_space<hbm>> -> memref<1x8192xi32, #tpu.memory_space<hbm>>
      %dma_start3A_52 = tpu.memref_squeeze %dma_start3A_51 : memref<1x8192xi32, #tpu.memory_space<hbm>> -> memref<8192xi32, #tpu.memory_space<hbm>>
      %dma_start3A_53 = tpu.memref_slice %arg3[%arg0, %mul3A_50] : memref<2x327680xi32, #tpu.memory_space<hbm>> -> memref<1x8192xi32, #tpu.memory_space<hbm>>
      %dma_start3A_54 = tpu.memref_squeeze %dma_start3A_53 : memref<1x8192xi32, #tpu.memory_space<hbm>> -> memref<8192xi32, #tpu.memory_space<hbm>>
      tpu.enqueue_dma source(%dma_start3A_54 : memref<8192xi32, #tpu.memory_space<hbm>>) target(%arg17 : memref<8192xi32, #tpu.memory_space<vmem>>) target_semaphore(%arg20 : memref<!tpu.dma_semaphore, #tpu.memory_space<semaphore_mem>>)
      %mul3A_55 = arith.constant 8192 : i32
      %mul3A_56 = arith.muli %add3A_48, %mul3A_55 : i32
      %dma_start3A_57 = tpu.memref_slice %arg4[%arg0, %mul3A_56] : memref<2x327680xi32, #tpu.memory_space<hbm>> -> memref<1x8192xi32, #tpu.memory_space<hbm>>
      %dma_start3A_58 = tpu.memref_squeeze %dma_start3A_57 : memref<1x8192xi32, #tpu.memory_space<hbm>> -> memref<8192xi32, #tpu.memory_space<hbm>>
      %dma_start3A_59 = tpu.memref_slice %arg4[%arg0, %mul3A_56] : memref<2x327680xi32, #tpu.memory_space<hbm>> -> memref<1x8192xi32, #tpu.memory_space<hbm>>
      %dma_start3A_60 = tpu.memref_squeeze %dma_start3A_59 : memref<1x8192xi32, #tpu.memory_space<hbm>> -> memref<8192xi32, #tpu.memory_space<hbm>>
      tpu.enqueue_dma source(%dma_start3A_60 : memref<8192xi32, #tpu.memory_space<hbm>>) target(%arg18 : memref<8192xi32, #tpu.memory_space<vmem>>) target_semaphore(%arg20 : memref<!tpu.dma_semaphore, #tpu.memory_space<semaphore_mem>>)
      %parallel_loop3A = arith.constant 0 : i32
      %parallel_loop3A_61 = arith.constant 512 : i32
      %parallel_loop3A_62 = arith.constant 1 : i32
      scf.for %parallel_loop3A_95 = %parallel_loop3A to %parallel_loop3A_61 step %parallel_loop3A_62  : i32 {
        %parallel_loop3A_96 = arith.constant 16 : i32
        %parallel_loop3A_97 = arith.muli %parallel_loop3A_95, %parallel_loop3A_96 : i32
        %parallel_loop3A_98 = arith.index_cast %parallel_loop3A_97 : i32 to index
        %parallel_loop3A_99 = tpu.vector_load %arg15[%parallel_loop3A_98] {strides = array<i32>} : memref<8192xi32, #tpu.memory_space<vmem>>, vector<16xi32>,
        %parallel_loop3A_100 = arith.constant 16 : i32
        %parallel_loop3A_101 = arith.muli %parallel_loop3A_95, %parallel_loop3A_100 : i32
        %parallel_loop3A_102 = arith.index_cast %parallel_loop3A_101 : i32 to index
        %parallel_loop3A_103 = tpu.vector_load %arg16[%parallel_loop3A_102] {strides = array<i32>} : memref<8192xi32, #tpu.memory_space<vmem>>, vector<16xi32>,
        %parallel_loop3A_104 = tpu.vector_load_idx %arg7[%parallel_loop3A_99] : memref<10240xf32, #tpu.memory_space<vmem>>[vector<16xi32>], vector<16xf32>,
        tpu.vector_store_idx %arg11[%parallel_loop3A_103], %parallel_loop3A_104 {add = true} : memref<10240xf32, #tpu.memory_space<vmem>>[vector<16xi32>], vector<16xf32>,
        %parallel_loop3A_105 = tpu.vector_load_idx %arg8[%parallel_loop3A_99] : memref<10240xf32, #tpu.memory_space<vmem>>[vector<16xi32>], vector<16xf32>,
        tpu.vector_store_idx %arg12[%parallel_loop3A_103], %parallel_loop3A_105 {add = true} : memref<10240xf32, #tpu.memory_space<vmem>>[vector<16xi32>], vector<16xf32>,
        %parallel_loop3A_106 = tpu.vector_load_idx %arg9[%parallel_loop3A_99] : memref<10240xf32, #tpu.memory_space<vmem>>[vector<16xi32>], vector<16xf32>,
        tpu.vector_store_idx %arg13[%parallel_loop3A_103], %parallel_loop3A_106 {add = true} : memref<10240xf32, #tpu.memory_space<vmem>>[vector<16xi32>], vector<16xf32>,
        %parallel_loop3A_107 = tpu.vector_load_idx %arg10[%parallel_loop3A_99] : memref<10240xf32, #tpu.memory_space<vmem>>[vector<16xi32>], vector<16xf32>,
        tpu.vector_store_idx %arg14[%parallel_loop3A_103], %parallel_loop3A_107 {add = true} : memref<10240xf32, #tpu.memory_space<vmem>>[vector<16xi32>], vector<16xf32>,
      } {sc.loop_unroll_factor = 8 : i64, sc.parallel_access}
      %dma_wait3A_63 = arith.constant 0 : i32
      %dma_wait3A_64 = tpu.memref_slice %arg3[%arg0, %dma_wait3A_63] : memref<2x327680xi32, #tpu.memory_space<hbm>> -> memref<1x8192xi32, #tpu.memory_space<hbm>>
      %dma_wait3A_65 = tpu.memref_squeeze %dma_wait3A_64 : memref<1x8192xi32, #tpu.memory_space<hbm>> -> memref<8192xi32, #tpu.memory_space<hbm>>
      %dma_wait3A_66 = arith.constant 0 : i32
      %dma_wait3A_67 = tpu.memref_slice %arg3[%arg0, %dma_wait3A_66] : memref<2x327680xi32, #tpu.memory_space<hbm>> -> memref<1x8192xi32, #tpu.memory_space<hbm>>
      %dma_wait3A_68 = tpu.memref_squeeze %dma_wait3A_67 : memref<1x8192xi32, #tpu.memory_space<hbm>> -> memref<8192xi32, #tpu.memory_space<hbm>>
      tpu.wait_dma2 semaphore(%arg20 : memref<!tpu.dma_semaphore, #tpu.memory_space<semaphore_mem>>) src(%dma_wait3A_68 : memref<8192xi32, #tpu.memory_space<hbm>>) dst(%arg17 : memref<8192xi32, #tpu.memory_space<vmem>>)
      %dma_wait3A_69 = arith.constant 0 : i32
      %dma_wait3A_70 = tpu.memref_slice %arg4[%arg0, %dma_wait3A_69] : memref<2x327680xi32, #tpu.memory_space<hbm>> -> memref<1x8192xi32, #tpu.memory_space<hbm>>
      %dma_wait3A_71 = tpu.memref_squeeze %dma_wait3A_70 : memref<1x8192xi32, #tpu.memory_space<hbm>> -> memref<8192xi32, #tpu.memory_space<hbm>>
      %dma_wait3A_72 = arith.constant 0 : i32
      %dma_wait3A_73 = tpu.memref_slice %arg4[%arg0, %dma_wait3A_72] : memref<2x327680xi32, #tpu.memory_space<hbm>> -> memref<1x8192xi32, #tpu.memory_space<hbm>>
      %dma_wait3A_74 = tpu.memref_squeeze %dma_wait3A_73 : memref<1x8192xi32, #tpu.memory_space<hbm>> -> memref<8192xi32, #tpu.memory_space<hbm>>
      tpu.wait_dma2 semaphore(%arg20 : memref<!tpu.dma_semaphore, #tpu.memory_space<semaphore_mem>>) src(%dma_wait3A_74 : memref<8192xi32, #tpu.memory_space<hbm>>) dst(%arg18 : memref<8192xi32, #tpu.memory_space<vmem>>)
      %mul3A_75 = arith.constant 2 : i32
      %mul3A_76 = arith.muli %mul3A_75, %scan3A_34 : i32
      %add3A_77 = arith.constant 2 : i32
      %add3A_78 = arith.addi %mul3A_76, %add3A_77 : i32
      %min3A = arith.constant 39 : i32
      %min3A_79 = arith.minsi %add3A_78, %min3A : i32
      %mul3A_80 = arith.constant 8192 : i32
      %mul3A_81 = arith.muli %min3A_79, %mul3A_80 : i32
      %dma_start3A_82 = tpu.memref_slice %arg3[%arg0, %mul3A_81] : memref<2x327680xi32, #tpu.memory_space<hbm>> -> memref<1x8192xi32, #tpu.memory_space<hbm>>
      %dma_start3A_83 = tpu.memref_squeeze %dma_start3A_82 : memref<1x8192xi32, #tpu.memory_space<hbm>> -> memref<8192xi32, #tpu.memory_space<hbm>>
      %dma_start3A_84 = tpu.memref_slice %arg3[%arg0, %mul3A_81] : memref<2x327680xi32, #tpu.memory_space<hbm>> -> memref<1x8192xi32, #tpu.memory_space<hbm>>
      %dma_start3A_85 = tpu.memref_squeeze %dma_start3A_84 : memref<1x8192xi32, #tpu.memory_space<hbm>> -> memref<8192xi32, #tpu.memory_space<hbm>>
      tpu.enqueue_dma source(%dma_start3A_85 : memref<8192xi32, #tpu.memory_space<hbm>>) target(%arg15 : memref<8192xi32, #tpu.memory_space<vmem>>) target_semaphore(%arg19 : memref<!tpu.dma_semaphore, #tpu.memory_space<semaphore_mem>>)
      %mul3A_86 = arith.constant 8192 : i32
      %mul3A_87 = arith.muli %min3A_79, %mul3A_86 : i32
      %dma_start3A_88 = tpu.memref_slice %arg4[%arg0, %mul3A_87] : memref<2x327680xi32, #tpu.memory_space<hbm>> -> memref<1x8192xi32, #tpu.memory_space<hbm>>
      %dma_start3A_89 = tpu.memref_squeeze %dma_start3A_88 : memref<1x8192xi32, #tpu.memory_space<hbm>> -> memref<8192xi32, #tpu.memory_space<hbm>>
      %dma_start3A_90 = tpu.memref_slice %arg4[%arg0, %mul3A_87] : memref<2x327680xi32, #tpu.memory_space<hbm>> -> memref<1x8192xi32, #tpu.memory_space<hbm>>
      %dma_start3A_91 = tpu.memref_squeeze %dma_start3A_90 : memref<1x8192xi32, #tpu.memory_space<hbm>> -> memref<8192xi32, #tpu.memory_space<hbm>>
      tpu.enqueue_dma source(%dma_start3A_91 : memref<8192xi32, #tpu.memory_space<hbm>>) target(%arg16 : memref<8192xi32, #tpu.memory_space<vmem>>) target_semaphore(%arg19 : memref<!tpu.dma_semaphore, #tpu.memory_space<semaphore_mem>>)
      %parallel_loop3A_92 = arith.constant 0 : i32
      %parallel_loop3A_93 = arith.constant 512 : i32
      %parallel_loop3A_94 = arith.constant 1 : i32
      scf.for %parallel_loop3A_95 = %parallel_loop3A_92 to %parallel_loop3A_93 step %parallel_loop3A_94  : i32 {
        %parallel_loop3A_96 = arith.constant 16 : i32
        %parallel_loop3A_97 = arith.muli %parallel_loop3A_95, %parallel_loop3A_96 : i32
        %parallel_loop3A_98 = arith.index_cast %parallel_loop3A_97 : i32 to index
        %parallel_loop3A_99 = tpu.vector_load %arg17[%parallel_loop3A_98] {strides = array<i32>} : memref<8192xi32, #tpu.memory_space<vmem>>, vector<16xi32>,
        %parallel_loop3A_100 = arith.constant 16 : i32
        %parallel_loop3A_101 = arith.muli %parallel_loop3A_95, %parallel_loop3A_100 : i32
        %parallel_loop3A_102 = arith.index_cast %parallel_loop3A_101 : i32 to index
        %parallel_loop3A_103 = tpu.vector_load %arg18[%parallel_loop3A_102] {strides = array<i32>} : memref<8192xi32, #tpu.memory_space<vmem>>, vector<16xi32>,
        %parallel_loop3A_104 = tpu.vector_load_idx %arg7[%parallel_loop3A_99] : memref<10240xf32, #tpu.memory_space<vmem>>[vector<16xi32>], vector<16xf32>,
        tpu.vector_store_idx %arg11[%parallel_loop3A_103], %parallel_loop3A_104 {add = true} : memref<10240xf32, #tpu.memory_space<vmem>>[vector<16xi32>], vector<16xf32>,
        %parallel_loop3A_105 = tpu.vector_load_idx %arg8[%parallel_loop3A_99] : memref<10240xf32, #tpu.memory_space<vmem>>[vector<16xi32>], vector<16xf32>,
        tpu.vector_store_idx %arg12[%parallel_loop3A_103], %parallel_loop3A_105 {add = true} : memref<10240xf32, #tpu.memory_space<vmem>>[vector<16xi32>], vector<16xf32>,
        %parallel_loop3A_106 = tpu.vector_load_idx %arg9[%parallel_loop3A_99] : memref<10240xf32, #tpu.memory_space<vmem>>[vector<16xi32>], vector<16xf32>,
        tpu.vector_store_idx %arg13[%parallel_loop3A_103], %parallel_loop3A_106 {add = true} : memref<10240xf32, #tpu.memory_space<vmem>>[vector<16xi32>], vector<16xf32>,
        %parallel_loop3A_107 = tpu.vector_load_idx %arg10[%parallel_loop3A_99] : memref<10240xf32, #tpu.memory_space<vmem>>[vector<16xi32>], vector<16xf32>,
        tpu.vector_store_idx %arg14[%parallel_loop3A_103], %parallel_loop3A_107 {add = true} : memref<10240xf32, #tpu.memory_space<vmem>>[vector<16xi32>], vector<16xf32>,
      } {sc.loop_unroll_factor = 8 : i64, sc.parallel_access}
    }
    %scan3A_18 = arith.constant 20 : i32
    %dma_wait3A = arith.constant 0 : i32
    %dma_wait3A_19 = tpu.memref_slice %arg3[%arg0, %dma_wait3A] : memref<2x327680xi32, #tpu.memory_space<hbm>> -> memref<1x8192xi32, #tpu.memory_space<hbm>>
    %dma_wait3A_20 = tpu.memref_squeeze %dma_wait3A_19 : memref<1x8192xi32, #tpu.memory_space<hbm>> -> memref<8192xi32, #tpu.memory_space<hbm>>
    %dma_wait3A_21 = arith.constant 0 : i32
    %dma_wait3A_22 = tpu.memref_slice %arg3[%arg0, %dma_wait3A_21] : memref<2x327680xi32, #tpu.memory_space<hbm>> -> memref<1x8192xi32, #tpu.memory_space<hbm>>
    %dma_wait3A_23 = tpu.memref_squeeze %dma_wait3A_22 : memref<1x8192xi32, #tpu.memory_space<hbm>> -> memref<8192xi32, #tpu.memory_space<hbm>>
    tpu.wait_dma2 semaphore(%arg19 : memref<!tpu.dma_semaphore, #tpu.memory_space<semaphore_mem>>) src(%dma_wait3A_23 : memref<8192xi32, #tpu.memory_space<hbm>>) dst(%arg15 : memref<8192xi32, #tpu.memory_space<vmem>>)
    %dma_wait3A_24 = arith.constant 0 : i32
    %dma_wait3A_25 = tpu.memref_slice %arg4[%arg0, %dma_wait3A_24] : memref<2x327680xi32, #tpu.memory_space<hbm>> -> memref<1x8192xi32, #tpu.memory_space<hbm>>
    %dma_wait3A_26 = tpu.memref_squeeze %dma_wait3A_25 : memref<1x8192xi32, #tpu.memory_space<hbm>> -> memref<8192xi32, #tpu.memory_space<hbm>>
    %dma_wait3A_27 = arith.constant 0 : i32
    %dma_wait3A_28 = tpu.memref_slice %arg4[%arg0, %dma_wait3A_27] : memref<2x327680xi32, #tpu.memory_space<hbm>> -> memref<1x8192xi32, #tpu.memory_space<hbm>>
    %dma_wait3A_29 = tpu.memref_squeeze %dma_wait3A_28 : memref<1x8192xi32, #tpu.memory_space<hbm>> -> memref<8192xi32, #tpu.memory_space<hbm>>
    tpu.wait_dma2 semaphore(%arg19 : memref<!tpu.dma_semaphore, #tpu.memory_space<semaphore_mem>>) src(%dma_wait3A_29 : memref<8192xi32, #tpu.memory_space<hbm>>) dst(%arg16 : memref<8192xi32, #tpu.memory_space<vmem>>)
    %run_scoped3A_30 = arith.constant 0 : i32
    "tpu.region"() ({
      %run_scoped3A_34 = tpu.sem_alloc : memref<!tpu.dma_semaphore, #tpu.memory_space<semaphore_mem>>
      %dma_start3A_35 = arith.constant 0 : i32
      %dma_start3A_36 = tpu.memref_slice %arg6[%arg0, %arg1, %run_scoped3A_30, %dma_start3A_35] : memref<2x16x4x10240xf32, #tpu.memory_space<hbm>> -> memref<1x1x1x10240xf32, #tpu.memory_space<hbm>>
      %dma_start3A_37 = tpu.memref_squeeze %dma_start3A_36 : memref<1x1x1x10240xf32, #tpu.memory_space<hbm>> -> memref<10240xf32, #tpu.memory_space<hbm>>
      %dma_start3A_38 = arith.constant 0 : i32
      %dma_start3A_39 = tpu.memref_slice %arg6[%arg0, %arg1, %run_scoped3A_30, %dma_start3A_38] : memref<2x16x4x10240xf32, #tpu.memory_space<hbm>> -> memref<1x1x1x10240xf32, #tpu.memory_space<hbm>>
      %dma_start3A_40 = tpu.memref_squeeze %dma_start3A_39 : memref<1x1x1x10240xf32, #tpu.memory_space<hbm>> -> memref<10240xf32, #tpu.memory_space<hbm>>
      tpu.enqueue_dma source(%arg11 : memref<10240xf32, #tpu.memory_space<vmem>>) target(%dma_start3A_40 : memref<10240xf32, #tpu.memory_space<hbm>>) target_semaphore(%run_scoped3A_34 : memref<!tpu.dma_semaphore, #tpu.memory_space<semaphore_mem>>)
      %dma_wait3A_41 = arith.constant 0 : i32
      %dma_wait3A_42 = tpu.memref_slice %arg6[%arg0, %arg1, %run_scoped3A_30, %dma_wait3A_41] : memref<2x16x4x10240xf32, #tpu.memory_space<hbm>> -> memref<1x1x1x10240xf32, #tpu.memory_space<hbm>>
      %dma_wait3A_43 = tpu.memref_squeeze %dma_wait3A_42 : memref<1x1x1x10240xf32, #tpu.memory_space<hbm>> -> memref<10240xf32, #tpu.memory_space<hbm>>
      %dma_wait3A_44 = arith.constant 0 : i32
      %dma_wait3A_45 = tpu.memref_slice %arg6[%arg0, %arg1, %run_scoped3A_30, %dma_wait3A_44] : memref<2x16x4x10240xf32, #tpu.memory_space<hbm>> -> memref<1x1x1x10240xf32, #tpu.memory_space<hbm>>
      %dma_wait3A_46 = tpu.memref_squeeze %dma_wait3A_45 : memref<1x1x1x10240xf32, #tpu.memory_space<hbm>> -> memref<10240xf32, #tpu.memory_space<hbm>>
      tpu.wait_dma2 semaphore(%run_scoped3A_34 : memref<!tpu.dma_semaphore, #tpu.memory_space<semaphore_mem>>) src(%arg11 : memref<10240xf32, #tpu.memory_space<vmem>>) dst(%dma_wait3A_46 : memref<10240xf32, #tpu.memory_space<hbm>>)
      tpu.yield
    }) : () -> ()
    %run_scoped3A_31 = arith.constant 1 : i32
    "tpu.region"() ({
      %run_scoped3A_34 = tpu.sem_alloc : memref<!tpu.dma_semaphore, #tpu.memory_space<semaphore_mem>>
      %dma_start3A_35 = arith.constant 0 : i32
      %dma_start3A_36 = tpu.memref_slice %arg6[%arg0, %arg1, %run_scoped3A_31, %dma_start3A_35] : memref<2x16x4x10240xf32, #tpu.memory_space<hbm>> -> memref<1x1x1x10240xf32, #tpu.memory_space<hbm>>
      %dma_start3A_37 = tpu.memref_squeeze %dma_start3A_36 : memref<1x1x1x10240xf32, #tpu.memory_space<hbm>> -> memref<10240xf32, #tpu.memory_space<hbm>>
      %dma_start3A_38 = arith.constant 0 : i32
      %dma_start3A_39 = tpu.memref_slice %arg6[%arg0, %arg1, %run_scoped3A_31, %dma_start3A_38] : memref<2x16x4x10240xf32, #tpu.memory_space<hbm>> -> memref<1x1x1x10240xf32, #tpu.memory_space<hbm>>
      %dma_start3A_40 = tpu.memref_squeeze %dma_start3A_39 : memref<1x1x1x10240xf32, #tpu.memory_space<hbm>> -> memref<10240xf32, #tpu.memory_space<hbm>>
      tpu.enqueue_dma source(%arg12 : memref<10240xf32, #tpu.memory_space<vmem>>) target(%dma_start3A_40 : memref<10240xf32, #tpu.memory_space<hbm>>) target_semaphore(%run_scoped3A_34 : memref<!tpu.dma_semaphore, #tpu.memory_space<semaphore_mem>>)
      %dma_wait3A_41 = arith.constant 0 : i32
      %dma_wait3A_42 = tpu.memref_slice %arg6[%arg0, %arg1, %run_scoped3A_31, %dma_wait3A_41] : memref<2x16x4x10240xf32, #tpu.memory_space<hbm>> -> memref<1x1x1x10240xf32, #tpu.memory_space<hbm>>
      %dma_wait3A_43 = tpu.memref_squeeze %dma_wait3A_42 : memref<1x1x1x10240xf32, #tpu.memory_space<hbm>> -> memref<10240xf32, #tpu.memory_space<hbm>>
      %dma_wait3A_44 = arith.constant 0 : i32
      %dma_wait3A_45 = tpu.memref_slice %arg6[%arg0, %arg1, %run_scoped3A_31, %dma_wait3A_44] : memref<2x16x4x10240xf32, #tpu.memory_space<hbm>> -> memref<1x1x1x10240xf32, #tpu.memory_space<hbm>>
      %dma_wait3A_46 = tpu.memref_squeeze %dma_wait3A_45 : memref<1x1x1x10240xf32, #tpu.memory_space<hbm>> -> memref<10240xf32, #tpu.memory_space<hbm>>
      tpu.wait_dma2 semaphore(%run_scoped3A_34 : memref<!tpu.dma_semaphore, #tpu.memory_space<semaphore_mem>>) src(%arg12 : memref<10240xf32, #tpu.memory_space<vmem>>) dst(%dma_wait3A_46 : memref<10240xf32, #tpu.memory_space<hbm>>)
      tpu.yield
    }) : () -> ()
    %run_scoped3A_32 = arith.constant 2 : i32
    "tpu.region"() ({
      %run_scoped3A_34 = tpu.sem_alloc : memref<!tpu.dma_semaphore, #tpu.memory_space<semaphore_mem>>
      %dma_start3A_35 = arith.constant 0 : i32
      %dma_start3A_36 = tpu.memref_slice %arg6[%arg0, %arg1, %run_scoped3A_32, %dma_start3A_35] : memref<2x16x4x10240xf32, #tpu.memory_space<hbm>> -> memref<1x1x1x10240xf32, #tpu.memory_space<hbm>>
      %dma_start3A_37 = tpu.memref_squeeze %dma_start3A_36 : memref<1x1x1x10240xf32, #tpu.memory_space<hbm>> -> memref<10240xf32, #tpu.memory_space<hbm>>
      %dma_start3A_38 = arith.constant 0 : i32
      %dma_start3A_39 = tpu.memref_slice %arg6[%arg0, %arg1, %run_scoped3A_32, %dma_start3A_38] : memref<2x16x4x10240xf32, #tpu.memory_space<hbm>> -> memref<1x1x1x10240xf32, #tpu.memory_space<hbm>>
      %dma_start3A_40 = tpu.memref_squeeze %dma_start3A_39 : memref<1x1x1x10240xf32, #tpu.memory_space<hbm>> -> memref<10240xf32, #tpu.memory_space<hbm>>
      tpu.enqueue_dma source(%arg13 : memref<10240xf32, #tpu.memory_space<vmem>>) target(%dma_start3A_40 : memref<10240xf32, #tpu.memory_space<hbm>>) target_semaphore(%run_scoped3A_34 : memref<!tpu.dma_semaphore, #tpu.memory_space<semaphore_mem>>)
      %dma_wait3A_41 = arith.constant 0 : i32
      %dma_wait3A_42 = tpu.memref_slice %arg6[%arg0, %arg1, %run_scoped3A_32, %dma_wait3A_41] : memref<2x16x4x10240xf32, #tpu.memory_space<hbm>> -> memref<1x1x1x10240xf32, #tpu.memory_space<hbm>>
      %dma_wait3A_43 = tpu.memref_squeeze %dma_wait3A_42 : memref<1x1x1x10240xf32, #tpu.memory_space<hbm>> -> memref<10240xf32, #tpu.memory_space<hbm>>
      %dma_wait3A_44 = arith.constant 0 : i32
      %dma_wait3A_45 = tpu.memref_slice %arg6[%arg0, %arg1, %run_scoped3A_32, %dma_wait3A_44] : memref<2x16x4x10240xf32, #tpu.memory_space<hbm>> -> memref<1x1x1x10240xf32, #tpu.memory_space<hbm>>
      %dma_wait3A_46 = tpu.memref_squeeze %dma_wait3A_45 : memref<1x1x1x10240xf32, #tpu.memory_space<hbm>> -> memref<10240xf32, #tpu.memory_space<hbm>>
      tpu.wait_dma2 semaphore(%run_scoped3A_34 : memref<!tpu.dma_semaphore, #tpu.memory_space<semaphore_mem>>) src(%arg13 : memref<10240xf32, #tpu.memory_space<vmem>>) dst(%dma_wait3A_46 : memref<10240xf32, #tpu.memory_space<hbm>>)
      tpu.yield
    }) : () -> ()
    %run_scoped3A_33 = arith.constant 3 : i32
    "tpu.region"() ({
      %run_scoped3A_34 = tpu.sem_alloc : memref<!tpu.dma_semaphore, #tpu.memory_space<semaphore_mem>>
      %dma_start3A_35 = arith.constant 0 : i32
      %dma_start3A_36 = tpu.memref_slice %arg6[%arg0, %arg1, %run_scoped3A_33, %dma_start3A_35] : memref<2x16x4x10240xf32, #tpu.memory_space<hbm>> -> memref<1x1x1x10240xf32, #tpu.memory_space<hbm>>
      %dma_start3A_37 = tpu.memref_squeeze %dma_start3A_36 : memref<1x1x1x10240xf32, #tpu.memory_space<hbm>> -> memref<10240xf32, #tpu.memory_space<hbm>>
      %dma_start3A_38 = arith.constant 0 : i32
      %dma_start3A_39 = tpu.memref_slice %arg6[%arg0, %arg1, %run_scoped3A_33, %dma_start3A_38] : memref<2x16x4x10240xf32, #tpu.memory_space<hbm>> -> memref<1x1x1x10240xf32, #tpu.memory_space<hbm>>
      %dma_start3A_40 = tpu.memref_squeeze %dma_start3A_39 : memref<1x1x1x10240xf32, #tpu.memory_space<hbm>> -> memref<10240xf32, #tpu.memory_space<hbm>>
      tpu.enqueue_dma source(%arg14 : memref<10240xf32, #tpu.memory_space<vmem>>) target(%dma_start3A_40 : memref<10240xf32, #tpu.memory_space<hbm>>) target_semaphore(%run_scoped3A_34 : memref<!tpu.dma_semaphore, #tpu.memory_space<semaphore_mem>>)
      %dma_wait3A_41 = arith.constant 0 : i32
      %dma_wait3A_42 = tpu.memref_slice %arg6[%arg0, %arg1, %run_scoped3A_33, %dma_wait3A_41] : memref<2x16x4x10240xf32, #tpu.memory_space<hbm>> -> memref<1x1x1x10240xf32, #tpu.memory_space<hbm>>
      %dma_wait3A_43 = tpu.memref_squeeze %dma_wait3A_42 : memref<1x1x1x10240xf32, #tpu.memory_space<hbm>> -> memref<10240xf32, #tpu.memory_space<hbm>>
      %dma_wait3A_44 = arith.constant 0 : i32
      %dma_wait3A_45 = tpu.memref_slice %arg6[%arg0, %arg1, %run_scoped3A_33, %dma_wait3A_44] : memref<2x16x4x10240xf32, #tpu.memory_space<hbm>> -> memref<1x1x1x10240xf32, #tpu.memory_space<hbm>>
      %dma_wait3A_46 = tpu.memref_squeeze %dma_wait3A_45 : memref<1x1x1x10240xf32, #tpu.memory_space<hbm>> -> memref<10240xf32, #tpu.memory_space<hbm>>
      tpu.wait_dma2 semaphore(%run_scoped3A_34 : memref<!tpu.dma_semaphore, #tpu.memory_space<semaphore_mem>>) src(%arg14 : memref<10240xf32, #tpu.memory_space<vmem>>) dst(%dma_wait3A_46 : memref<10240xf32, #tpu.memory_space<hbm>>)
      tpu.yield
    }) : () -> ()
    return
  }
}

#map = affine_map<(d0, d1) -> (0, 0, 0, 0)>
#map1 = affine_map<(d0, d1) -> (0, 0)>
#map2 = affine_map<(d0, d1) -> (0)>
module attributes {stable_mosaic.version = 14 : i64} {
  func.func @_agg_body(%arg0: i32, %arg1: i32, %arg2: memref<2x16x4x10240xf32, #tpu.memory_space<hbm>>, %arg3: memref<2x327680xi32, #tpu.memory_space<hbm>>, %arg4: memref<2x327680xi32, #tpu.memory_space<hbm>>, %arg5: memref<10240xf32, #tpu.memory_space<hbm>>, %arg6: memref<2x16x4x10240xf32, #tpu.memory_space<hbm>>, %arg7: memref<10240xf32, #tpu.memory_space<vmem>>, %arg8: memref<10240xf32, #tpu.memory_space<vmem>>, %arg9: memref<10240xf32, #tpu.memory_space<vmem>>, %arg10: memref<10240xf32, #tpu.memory_space<vmem>>, %arg11: memref<10240xf32, #tpu.memory_space<vmem>>, %arg12: memref<10240xf32, #tpu.memory_space<vmem>>, %arg13: memref<10240xf32, #tpu.memory_space<vmem>>, %arg14: memref<10240xf32, #tpu.memory_space<vmem>>, %arg15: memref<8192xi32, #tpu.memory_space<vmem>>, %arg16: memref<8192xi32, #tpu.memory_space<vmem>>, %arg17: memref<8192xi32, #tpu.memory_space<vmem>>, %arg18: memref<8192xi32, #tpu.memory_space<vmem>>, %arg19: memref<!tpu.dma_semaphore, #tpu.memory_space<semaphore_mem>>, %arg20: memref<!tpu.dma_semaphore, #tpu.memory_space<semaphore_mem>>) attributes {dimension_semantics = [#tpu.dimension_semantics<core_parallel>, #tpu.dimension_semantics<subcore_parallel>], iteration_bounds = array<i64: 2, 16>, scalar_prefetch = 0 : i64, scratch_operands = 14 : i64, tpu.core_type = #tpu.core_type<sc_vector_subcore>, window_params = [{transform_indices = #map}, {transform_indices = #map1}, {transform_indices = #map1}, {transform_indices = #map2}, {transform_indices = #map}]} {
    %run_scoped3A = arith.constant 0 : i32
    "tpu.region"() ({
      %run_scoped3A_34 = tpu.sem_alloc : memref<!tpu.dma_semaphore, #tpu.memory_space<semaphore_mem>>
      %dma_start3A_35 = arith.constant 0 : i32
      %dma_start3A_36 = tpu.memref_slice %arg2[%arg0, %arg1, %run_scoped3A, %dma_start3A_35] : memref<2x16x4x10240xf32, #tpu.memory_space<hbm>> -> memref<1x1x1x10240xf32, #tpu.memory_space<hbm>>
      %dma_start3A_37 = tpu.memref_squeeze %dma_start3A_36 : memref<1x1x1x10240xf32, #tpu.memory_space<hbm>> -> memref<10240xf32, #tpu.memory_space<hbm>>
      %dma_start3A_38 = arith.constant 0 : i32
      %dma_start3A_39 = tpu.memref_slice %arg2[%arg0, %arg1, %run_scoped3A, %dma_start3A_38] : memref<2x16x4x10240xf32, #tpu.memory_space<hbm>> -> memref<1x1x1x10240xf32, #tpu.memory_space<hbm>>
      %dma_start3A_40 = tpu.memref_squeeze %dma_start3A_39 : memref<1x1x1x10240xf32, #tpu.memory_space<hbm>> -> memref<10240xf32, #tpu.memory_space<hbm>>
      tpu.enqueue_dma source(%dma_start3A_40 : memref<10240xf32, #tpu.memory_space<hbm>>) target(%arg7 : memref<10240xf32, #tpu.memory_space<vmem>>) target_semaphore(%run_scoped3A_34 : memref<!tpu.dma_semaphore, #tpu.memory_space<semaphore_mem>>)
      %dma_wait3A_41 = arith.constant 0 : i32
      %dma_wait3A_42 = tpu.memref_slice %arg2[%arg0, %arg1, %run_scoped3A, %dma_wait3A_41] : memref<2x16x4x10240xf32, #tpu.memory_space<hbm>> -> memref<1x1x1x10240xf32, #tpu.memory_space<hbm>>
      %dma_wait3A_43 = tpu.memref_squeeze %dma_wait3A_42 : memref<1x1x1x10240xf32, #tpu.memory_space<hbm>> -> memref<10240xf32, #tpu.memory_space<hbm>>
      %dma_wait3A_44 = arith.constant 0 : i32
      %dma_wait3A_45 = tpu.memref_slice %arg2[%arg0, %arg1, %run_scoped3A, %dma_wait3A_44] : memref<2x16x4x10240xf32, #tpu.memory_space<hbm>> -> memref<1x1x1x10240xf32, #tpu.memory_space<hbm>>
      %dma_wait3A_46 = tpu.memref_squeeze %dma_wait3A_45 : memref<1x1x1x10240xf32, #tpu.memory_space<hbm>> -> memref<10240xf32, #tpu.memory_space<hbm>>
      tpu.wait_dma2 semaphore(%run_scoped3A_34 : memref<!tpu.dma_semaphore, #tpu.memory_space<semaphore_mem>>) src(%dma_wait3A_46 : memref<10240xf32, #tpu.memory_space<hbm>>) dst(%arg7 : memref<10240xf32, #tpu.memory_space<vmem>>)
      tpu.yield
    }) : () -> ()
    "tpu.region"() ({
      %run_scoped3A_34 = tpu.sem_alloc : memref<!tpu.dma_semaphore, #tpu.memory_space<semaphore_mem>>
      tpu.enqueue_dma source(%arg5 : memref<10240xf32, #tpu.memory_space<hbm>>) target(%arg11 : memref<10240xf32, #tpu.memory_space<vmem>>) target_semaphore(%run_scoped3A_34 : memref<!tpu.dma_semaphore, #tpu.memory_space<semaphore_mem>>)
      tpu.wait_dma2 semaphore(%run_scoped3A_34 : memref<!tpu.dma_semaphore, #tpu.memory_space<semaphore_mem>>) src(%arg5 : memref<10240xf32, #tpu.memory_space<hbm>>) dst(%arg11 : memref<10240xf32, #tpu.memory_space<vmem>>)
      tpu.yield
    }) : () -> ()
    %run_scoped3A_0 = arith.constant 1 : i32
    "tpu.region"() ({
      %run_scoped3A_34 = tpu.sem_alloc : memref<!tpu.dma_semaphore, #tpu.memory_space<semaphore_mem>>
      %dma_start3A_35 = arith.constant 0 : i32
      %dma_start3A_36 = tpu.memref_slice %arg2[%arg0, %arg1, %run_scoped3A_0, %dma_start3A_35] : memref<2x16x4x10240xf32, #tpu.memory_space<hbm>> -> memref<1x1x1x10240xf32, #tpu.memory_space<hbm>>
      %dma_start3A_37 = tpu.memref_squeeze %dma_start3A_36 : memref<1x1x1x10240xf32, #tpu.memory_space<hbm>> -> memref<10240xf32, #tpu.memory_space<hbm>>
      %dma_start3A_38 = arith.constant 0 : i32
      %dma_start3A_39 = tpu.memref_slice %arg2[%arg0, %arg1, %run_scoped3A_0, %dma_start3A_38] : memref<2x16x4x10240xf32, #tpu.memory_space<hbm>> -> memref<1x1x1x10240xf32, #tpu.memory_space<hbm>>
      %dma_start3A_40 = tpu.memref_squeeze %dma_start3A_39 : memref<1x1x1x10240xf32, #tpu.memory_space<hbm>> -> memref<10240xf32, #tpu.memory_space<hbm>>
      tpu.enqueue_dma source(%dma_start3A_40 : memref<10240xf32, #tpu.memory_space<hbm>>) target(%arg8 : memref<10240xf32, #tpu.memory_space<vmem>>) target_semaphore(%run_scoped3A_34 : memref<!tpu.dma_semaphore, #tpu.memory_space<semaphore_mem>>)
      %dma_wait3A_41 = arith.constant 0 : i32
      %dma_wait3A_42 = tpu.memref_slice %arg2[%arg0, %arg1, %run_scoped3A_0, %dma_wait3A_41] : memref<2x16x4x10240xf32, #tpu.memory_space<hbm>> -> memref<1x1x1x10240xf32, #tpu.memory_space<hbm>>
      %dma_wait3A_43 = tpu.memref_squeeze %dma_wait3A_42 : memref<1x1x1x10240xf32, #tpu.memory_space<hbm>> -> memref<10240xf32, #tpu.memory_space<hbm>>
      %dma_wait3A_44 = arith.constant 0 : i32
      %dma_wait3A_45 = tpu.memref_slice %arg2[%arg0, %arg1, %run_scoped3A_0, %dma_wait3A_44] : memref<2x16x4x10240xf32, #tpu.memory_space<hbm>> -> memref<1x1x1x10240xf32, #tpu.memory_space<hbm>>
      %dma_wait3A_46 = tpu.memref_squeeze %dma_wait3A_45 : memref<1x1x1x10240xf32, #tpu.memory_space<hbm>> -> memref<10240xf32, #tpu.memory_space<hbm>>
      tpu.wait_dma2 semaphore(%run_scoped3A_34 : memref<!tpu.dma_semaphore, #tpu.memory_space<semaphore_mem>>) src(%dma_wait3A_46 : memref<10240xf32, #tpu.memory_space<hbm>>) dst(%arg8 : memref<10240xf32, #tpu.memory_space<vmem>>)
      tpu.yield
    }) : () -> ()
    "tpu.region"() ({
      %run_scoped3A_34 = tpu.sem_alloc : memref<!tpu.dma_semaphore, #tpu.memory_space<semaphore_mem>>
      tpu.enqueue_dma source(%arg5 : memref<10240xf32, #tpu.memory_space<hbm>>) target(%arg12 : memref<10240xf32, #tpu.memory_space<vmem>>) target_semaphore(%run_scoped3A_34 : memref<!tpu.dma_semaphore, #tpu.memory_space<semaphore_mem>>)
      tpu.wait_dma2 semaphore(%run_scoped3A_34 : memref<!tpu.dma_semaphore, #tpu.memory_space<semaphore_mem>>) src(%arg5 : memref<10240xf32, #tpu.memory_space<hbm>>) dst(%arg12 : memref<10240xf32, #tpu.memory_space<vmem>>)
      tpu.yield
    }) : () -> ()
    %run_scoped3A_1 = arith.constant 2 : i32
    "tpu.region"() ({
      %run_scoped3A_34 = tpu.sem_alloc : memref<!tpu.dma_semaphore, #tpu.memory_space<semaphore_mem>>
      %dma_start3A_35 = arith.constant 0 : i32
      %dma_start3A_36 = tpu.memref_slice %arg2[%arg0, %arg1, %run_scoped3A_1, %dma_start3A_35] : memref<2x16x4x10240xf32, #tpu.memory_space<hbm>> -> memref<1x1x1x10240xf32, #tpu.memory_space<hbm>>
      %dma_start3A_37 = tpu.memref_squeeze %dma_start3A_36 : memref<1x1x1x10240xf32, #tpu.memory_space<hbm>> -> memref<10240xf32, #tpu.memory_space<hbm>>
      %dma_start3A_38 = arith.constant 0 : i32
      %dma_start3A_39 = tpu.memref_slice %arg2[%arg0, %arg1, %run_scoped3A_1, %dma_start3A_38] : memref<2x16x4x10240xf32, #tpu.memory_space<hbm>> -> memref<1x1x1x10240xf32, #tpu.memory_space<hbm>>
      %dma_start3A_40 = tpu.memref_squeeze %dma_start3A_39 : memref<1x1x1x10240xf32, #tpu.memory_space<hbm>> -> memref<10240xf32, #tpu.memory_space<hbm>>
      tpu.enqueue_dma source(%dma_start3A_40 : memref<10240xf32, #tpu.memory_space<hbm>>) target(%arg9 : memref<10240xf32, #tpu.memory_space<vmem>>) target_semaphore(%run_scoped3A_34 : memref<!tpu.dma_semaphore, #tpu.memory_space<semaphore_mem>>)
      %dma_wait3A_41 = arith.constant 0 : i32
      %dma_wait3A_42 = tpu.memref_slice %arg2[%arg0, %arg1, %run_scoped3A_1, %dma_wait3A_41] : memref<2x16x4x10240xf32, #tpu.memory_space<hbm>> -> memref<1x1x1x10240xf32, #tpu.memory_space<hbm>>
      %dma_wait3A_43 = tpu.memref_squeeze %dma_wait3A_42 : memref<1x1x1x10240xf32, #tpu.memory_space<hbm>> -> memref<10240xf32, #tpu.memory_space<hbm>>
      %dma_wait3A_44 = arith.constant 0 : i32
      %dma_wait3A_45 = tpu.memref_slice %arg2[%arg0, %arg1, %run_scoped3A_1, %dma_wait3A_44] : memref<2x16x4x10240xf32, #tpu.memory_space<hbm>> -> memref<1x1x1x10240xf32, #tpu.memory_space<hbm>>
      %dma_wait3A_46 = tpu.memref_squeeze %dma_wait3A_45 : memref<1x1x1x10240xf32, #tpu.memory_space<hbm>> -> memref<10240xf32, #tpu.memory_space<hbm>>
      tpu.wait_dma2 semaphore(%run_scoped3A_34 : memref<!tpu.dma_semaphore, #tpu.memory_space<semaphore_mem>>) src(%dma_wait3A_46 : memref<10240xf32, #tpu.memory_space<hbm>>) dst(%arg9 : memref<10240xf32, #tpu.memory_space<vmem>>)
      tpu.yield
    }) : () -> ()
    "tpu.region"() ({
      %run_scoped3A_34 = tpu.sem_alloc : memref<!tpu.dma_semaphore, #tpu.memory_space<semaphore_mem>>
      tpu.enqueue_dma source(%arg5 : memref<10240xf32, #tpu.memory_space<hbm>>) target(%arg13 : memref<10240xf32, #tpu.memory_space<vmem>>) target_semaphore(%run_scoped3A_34 : memref<!tpu.dma_semaphore, #tpu.memory_space<semaphore_mem>>)
      tpu.wait_dma2 semaphore(%run_scoped3A_34 : memref<!tpu.dma_semaphore, #tpu.memory_space<semaphore_mem>>) src(%arg5 : memref<10240xf32, #tpu.memory_space<hbm>>) dst(%arg13 : memref<10240xf32, #tpu.memory_space<vmem>>)
      tpu.yield
    }) : () -> ()
    %run_scoped3A_2 = arith.constant 3 : i32
    "tpu.region"() ({
      %run_scoped3A_34 = tpu.sem_alloc : memref<!tpu.dma_semaphore, #tpu.memory_space<semaphore_mem>>
      %dma_start3A_35 = arith.constant 0 : i32
      %dma_start3A_36 = tpu.memref_slice %arg2[%arg0, %arg1, %run_scoped3A_2, %dma_start3A_35] : memref<2x16x4x10240xf32, #tpu.memory_space<hbm>> -> memref<1x1x1x10240xf32, #tpu.memory_space<hbm>>
      %dma_start3A_37 = tpu.memref_squeeze %dma_start3A_36 : memref<1x1x1x10240xf32, #tpu.memory_space<hbm>> -> memref<10240xf32, #tpu.memory_space<hbm>>
      %dma_start3A_38 = arith.constant 0 : i32
      %dma_start3A_39 = tpu.memref_slice %arg2[%arg0, %arg1, %run_scoped3A_2, %dma_start3A_38] : memref<2x16x4x10240xf32, #tpu.memory_space<hbm>> -> memref<1x1x1x10240xf32, #tpu.memory_space<hbm>>
      %dma_start3A_40 = tpu.memref_squeeze %dma_start3A_39 : memref<1x1x1x10240xf32, #tpu.memory_space<hbm>> -> memref<10240xf32, #tpu.memory_space<hbm>>
      tpu.enqueue_dma source(%dma_start3A_40 : memref<10240xf32, #tpu.memory_space<hbm>>) target(%arg10 : memref<10240xf32, #tpu.memory_space<vmem>>) target_semaphore(%run_scoped3A_34 : memref<!tpu.dma_semaphore, #tpu.memory_space<semaphore_mem>>)
      %dma_wait3A_41 = arith.constant 0 : i32
      %dma_wait3A_42 = tpu.memref_slice %arg2[%arg0, %arg1, %run_scoped3A_2, %dma_wait3A_41] : memref<2x16x4x10240xf32, #tpu.memory_space<hbm>> -> memref<1x1x1x10240xf32, #tpu.memory_space<hbm>>
      %dma_wait3A_43 = tpu.memref_squeeze %dma_wait3A_42 : memref<1x1x1x10240xf32, #tpu.memory_space<hbm>> -> memref<10240xf32, #tpu.memory_space<hbm>>
      %dma_wait3A_44 = arith.constant 0 : i32
      %dma_wait3A_45 = tpu.memref_slice %arg2[%arg0, %arg1, %run_scoped3A_2, %dma_wait3A_44] : memref<2x16x4x10240xf32, #tpu.memory_space<hbm>> -> memref<1x1x1x10240xf32, #tpu.memory_space<hbm>>
      %dma_wait3A_46 = tpu.memref_squeeze %dma_wait3A_45 : memref<1x1x1x10240xf32, #tpu.memory_space<hbm>> -> memref<10240xf32, #tpu.memory_space<hbm>>
      tpu.wait_dma2 semaphore(%run_scoped3A_34 : memref<!tpu.dma_semaphore, #tpu.memory_space<semaphore_mem>>) src(%dma_wait3A_46 : memref<10240xf32, #tpu.memory_space<hbm>>) dst(%arg10 : memref<10240xf32, #tpu.memory_space<vmem>>)
      tpu.yield
    }) : () -> ()
    "tpu.region"() ({
      %run_scoped3A_34 = tpu.sem_alloc : memref<!tpu.dma_semaphore, #tpu.memory_space<semaphore_mem>>
      tpu.enqueue_dma source(%arg5 : memref<10240xf32, #tpu.memory_space<hbm>>) target(%arg14 : memref<10240xf32, #tpu.memory_space<vmem>>) target_semaphore(%run_scoped3A_34 : memref<!tpu.dma_semaphore, #tpu.memory_space<semaphore_mem>>)
      tpu.wait_dma2 semaphore(%run_scoped3A_34 : memref<!tpu.dma_semaphore, #tpu.memory_space<semaphore_mem>>) src(%arg5 : memref<10240xf32, #tpu.memory_space<hbm>>) dst(%arg14 : memref<10240xf32, #tpu.memory_space<vmem>>)
      tpu.yield
    }) : () -> ()
    %dma_start3A = arith.constant 0 : i32
    %dma_start3A_3 = tpu.memref_slice %arg3[%arg0, %dma_start3A] : memref<2x327680xi32, #tpu.memory_space<hbm>> -> memref<1x8192xi32, #tpu.memory_space<hbm>>
    %dma_start3A_4 = tpu.memref_squeeze %dma_start3A_3 : memref<1x8192xi32, #tpu.memory_space<hbm>> -> memref<8192xi32, #tpu.memory_space<hbm>>
    %dma_start3A_5 = arith.constant 0 : i32
    %dma_start3A_6 = tpu.memref_slice %arg3[%arg0, %dma_start3A_5] : memref<2x327680xi32, #tpu.memory_space<hbm>> -> memref<1x8192xi32, #tpu.memory_space<hbm>>
    %dma_start3A_7 = tpu.memref_squeeze %dma_start3A_6 : memref<1x8192xi32, #tpu.memory_space<hbm>> -> memref<8192xi32, #tpu.memory_space<hbm>>
    tpu.enqueue_dma source(%dma_start3A_7 : memref<8192xi32, #tpu.memory_space<hbm>>) target(%arg15 : memref<8192xi32, #tpu.memory_space<vmem>>) target_semaphore(%arg19 : memref<!tpu.dma_semaphore, #tpu.memory_space<semaphore_mem>>)
    %dma_start3A_8 = arith.constant 0 : i32
    %dma_start3A_9 = tpu.memref_slice %arg4[%arg0, %dma_start3A_8] : memref<2x327680xi32, #tpu.memory_space<hbm>> -> memref<1x8192xi32, #tpu.memory_space<hbm>>
    %dma_start3A_10 = tpu.memref_squeeze %dma_start3A_9 : memref<1x8192xi32, #tpu.memory_space<hbm>> -> memref<8192xi32, #tpu.memory_space<hbm>>
    %dma_start3A_11 = arith.constant 0 : i32
    %dma_start3A_12 = tpu.memref_slice %arg4[%arg0, %dma_start3A_11] : memref<2x327680xi32, #tpu.memory_space<hbm>> -> memref<1x8192xi32, #tpu.memory_space<hbm>>
    %dma_start3A_13 = tpu.memref_squeeze %dma_start3A_12 : memref<1x8192xi32, #tpu.memory_space<hbm>> -> memref<8192xi32, #tpu.memory_space<hbm>>
    tpu.enqueue_dma source(%dma_start3A_13 : memref<8192xi32, #tpu.memory_space<hbm>>) target(%arg16 : memref<8192xi32, #tpu.memory_space<vmem>>) target_semaphore(%arg19 : memref<!tpu.dma_semaphore, #tpu.memory_space<semaphore_mem>>)
    %scan3A = arith.constant 0 : i32
    %scan3A_14 = arith.constant 0 : i32
    %scan3A_15 = arith.constant 20 : i32
    %scan3A_16 = arith.addi %scan3A_14, %scan3A_15 : i32
    %scan3A_17 = arith.constant 1 : i32
    scf.for %scan3A_34 = %scan3A_14 to %scan3A_16 step %scan3A_17  : i32 {
      %dma_wait3A_35 = arith.constant 0 : i32
      %dma_wait3A_36 = tpu.memref_slice %arg3[%arg0, %dma_wait3A_35] : memref<2x327680xi32, #tpu.memory_space<hbm>> -> memref<1x8192xi32, #tpu.memory_space<hbm>>
      %dma_wait3A_37 = tpu.memref_squeeze %dma_wait3A_36 : memref<1x8192xi32, #tpu.memory_space<hbm>> -> memref<8192xi32, #tpu.memory_space<hbm>>
      %dma_wait3A_38 = arith.constant 0 : i32
      %dma_wait3A_39 = tpu.memref_slice %arg3[%arg0, %dma_wait3A_38] : memref<2x327680xi32, #tpu.memory_space<hbm>> -> memref<1x8192xi32, #tpu.memory_space<hbm>>
      %dma_wait3A_40 = tpu.memref_squeeze %dma_wait3A_39 : memref<1x8192xi32, #tpu.memory_space<hbm>> -> memref<8192xi32, #tpu.memory_space<hbm>>
      tpu.wait_dma2 semaphore(%arg19 : memref<!tpu.dma_semaphore, #tpu.memory_space<semaphore_mem>>) src(%dma_wait3A_40 : memref<8192xi32, #tpu.memory_space<hbm>>) dst(%arg15 : memref<8192xi32, #tpu.memory_space<vmem>>)
      %dma_wait3A_41 = arith.constant 0 : i32
      %dma_wait3A_42 = tpu.memref_slice %arg4[%arg0, %dma_wait3A_41] : memref<2x327680xi32, #tpu.memory_space<hbm>> -> memref<1x8192xi32, #tpu.memory_space<hbm>>
      %dma_wait3A_43 = tpu.memref_squeeze %dma_wait3A_42 : memref<1x8192xi32, #tpu.memory_space<hbm>> -> memref<8192xi32, #tpu.memory_space<hbm>>
      %dma_wait3A_44 = arith.constant 0 : i32
      %dma_wait3A_45 = tpu.memref_slice %arg4[%arg0, %dma_wait3A_44] : memref<2x327680xi32, #tpu.memory_space<hbm>> -> memref<1x8192xi32, #tpu.memory_space<hbm>>
      %dma_wait3A_46 = tpu.memref_squeeze %dma_wait3A_45 : memref<1x8192xi32, #tpu.memory_space<hbm>> -> memref<8192xi32, #tpu.memory_space<hbm>>
      tpu.wait_dma2 semaphore(%arg19 : memref<!tpu.dma_semaphore, #tpu.memory_space<semaphore_mem>>) src(%dma_wait3A_46 : memref<8192xi32, #tpu.memory_space<hbm>>) dst(%arg16 : memref<8192xi32, #tpu.memory_space<vmem>>)
      %mul3A = arith.constant 2 : i32
      %mul3A_47 = arith.muli %mul3A, %scan3A_34 : i32
      %add3A = arith.constant 1 : i32
      %add3A_48 = arith.addi %mul3A_47, %add3A : i32
      %mul3A_49 = arith.constant 8192 : i32
      %mul3A_50 = arith.muli %add3A_48, %mul3A_49 : i32
      %dma_start3A_51 = tpu.memref_slice %arg3[%arg0, %mul3A_50] : memref<2x327680xi32, #tpu.memory_space<hbm>> -> memref<1x8192xi32, #tpu.memory_space<hbm>>
      %dma_start3A_52 = tpu.memref_squeeze %dma_start3A_51 : memref<1x8192xi32, #tpu.memory_space<hbm>> -> memref<8192xi32, #tpu.memory_space<hbm>>
      %dma_start3A_53 = tpu.memref_slice %arg3[%arg0, %mul3A_50] : memref<2x327680xi32, #tpu.memory_space<hbm>> -> memref<1x8192xi32, #tpu.memory_space<hbm>>
      %dma_start3A_54 = tpu.memref_squeeze %dma_start3A_53 : memref<1x8192xi32, #tpu.memory_space<hbm>> -> memref<8192xi32, #tpu.memory_space<hbm>>
      tpu.enqueue_dma source(%dma_start3A_54 : memref<8192xi32, #tpu.memory_space<hbm>>) target(%arg17 : memref<8192xi32, #tpu.memory_space<vmem>>) target_semaphore(%arg20 : memref<!tpu.dma_semaphore, #tpu.memory_space<semaphore_mem>>)
      %mul3A_55 = arith.constant 8192 : i32
      %mul3A_56 = arith.muli %add3A_48, %mul3A_55 : i32
      %dma_start3A_57 = tpu.memref_slice %arg4[%arg0, %mul3A_56] : memref<2x327680xi32, #tpu.memory_space<hbm>> -> memref<1x8192xi32, #tpu.memory_space<hbm>>
      %dma_start3A_58 = tpu.memref_squeeze %dma_start3A_57 : memref<1x8192xi32, #tpu.memory_space<hbm>> -> memref<8192xi32, #tpu.memory_space<hbm>>
      %dma_start3A_59 = tpu.memref_slice %arg4[%arg0, %mul3A_56] : memref<2x327680xi32, #tpu.memory_space<hbm>> -> memref<1x8192xi32, #tpu.memory_space<hbm>>
      %dma_start3A_60 = tpu.memref_squeeze %dma_start3A_59 : memref<1x8192xi32, #tpu.memory_space<hbm>> -> memref<8192xi32, #tpu.memory_space<hbm>>
      tpu.enqueue_dma source(%dma_start3A_60 : memref<8192xi32, #tpu.memory_space<hbm>>) target(%arg18 : memref<8192xi32, #tpu.memory_space<vmem>>) target_semaphore(%arg20 : memref<!tpu.dma_semaphore, #tpu.memory_space<semaphore_mem>>)
      %parallel_loop3A = arith.constant 0 : i32
      %parallel_loop3A_61 = arith.constant 512 : i32
      %parallel_loop3A_62 = arith.constant 1 : i32
      scf.for %parallel_loop3A_95 = %parallel_loop3A to %parallel_loop3A_61 step %parallel_loop3A_62  : i32 {
        %parallel_loop3A_96 = arith.constant 16 : i32
        %parallel_loop3A_97 = arith.muli %parallel_loop3A_95, %parallel_loop3A_96 : i32
        %parallel_loop3A_98 = arith.index_cast %parallel_loop3A_97 : i32 to index
        %parallel_loop3A_99 = tpu.vector_load %arg15[%parallel_loop3A_98] {strides = array<i32>} : memref<8192xi32, #tpu.memory_space<vmem>>, vector<16xi32>,
        %parallel_loop3A_100 = arith.constant 16 : i32
        %parallel_loop3A_101 = arith.muli %parallel_loop3A_95, %parallel_loop3A_100 : i32
        %parallel_loop3A_102 = arith.index_cast %parallel_loop3A_101 : i32 to index
        %parallel_loop3A_103 = tpu.vector_load %arg16[%parallel_loop3A_102] {strides = array<i32>} : memref<8192xi32, #tpu.memory_space<vmem>>, vector<16xi32>,
        %parallel_loop3A_104 = tpu.vector_load_idx %arg7[%parallel_loop3A_99] : memref<10240xf32, #tpu.memory_space<vmem>>[vector<16xi32>], vector<16xf32>,
        tpu.vector_store_idx %arg11[%parallel_loop3A_103], %parallel_loop3A_104 {add = true} : memref<10240xf32, #tpu.memory_space<vmem>>[vector<16xi32>], vector<16xf32>,
        %parallel_loop3A_105 = tpu.vector_load_idx %arg8[%parallel_loop3A_99] : memref<10240xf32, #tpu.memory_space<vmem>>[vector<16xi32>], vector<16xf32>,
        tpu.vector_store_idx %arg12[%parallel_loop3A_103], %parallel_loop3A_105 {add = true} : memref<10240xf32, #tpu.memory_space<vmem>>[vector<16xi32>], vector<16xf32>,
        %parallel_loop3A_106 = tpu.vector_load_idx %arg9[%parallel_loop3A_99] : memref<10240xf32, #tpu.memory_space<vmem>>[vector<16xi32>], vector<16xf32>,
        tpu.vector_store_idx %arg13[%parallel_loop3A_103], %parallel_loop3A_106 {add = true} : memref<10240xf32, #tpu.memory_space<vmem>>[vector<16xi32>], vector<16xf32>,
        %parallel_loop3A_107 = tpu.vector_load_idx %arg10[%parallel_loop3A_99] : memref<10240xf32, #tpu.memory_space<vmem>>[vector<16xi32>], vector<16xf32>,
        tpu.vector_store_idx %arg14[%parallel_loop3A_103], %parallel_loop3A_107 {add = true} : memref<10240xf32, #tpu.memory_space<vmem>>[vector<16xi32>], vector<16xf32>,
      } {sc.loop_unroll_factor = 8 : i64, sc.parallel_access}
      %dma_wait3A_63 = arith.constant 0 : i32
      %dma_wait3A_64 = tpu.memref_slice %arg3[%arg0, %dma_wait3A_63] : memref<2x327680xi32, #tpu.memory_space<hbm>> -> memref<1x8192xi32, #tpu.memory_space<hbm>>
      %dma_wait3A_65 = tpu.memref_squeeze %dma_wait3A_64 : memref<1x8192xi32, #tpu.memory_space<hbm>> -> memref<8192xi32, #tpu.memory_space<hbm>>
      %dma_wait3A_66 = arith.constant 0 : i32
      %dma_wait3A_67 = tpu.memref_slice %arg3[%arg0, %dma_wait3A_66] : memref<2x327680xi32, #tpu.memory_space<hbm>> -> memref<1x8192xi32, #tpu.memory_space<hbm>>
      %dma_wait3A_68 = tpu.memref_squeeze %dma_wait3A_67 : memref<1x8192xi32, #tpu.memory_space<hbm>> -> memref<8192xi32, #tpu.memory_space<hbm>>
      tpu.wait_dma2 semaphore(%arg20 : memref<!tpu.dma_semaphore, #tpu.memory_space<semaphore_mem>>) src(%dma_wait3A_68 : memref<8192xi32, #tpu.memory_space<hbm>>) dst(%arg17 : memref<8192xi32, #tpu.memory_space<vmem>>)
      %dma_wait3A_69 = arith.constant 0 : i32
      %dma_wait3A_70 = tpu.memref_slice %arg4[%arg0, %dma_wait3A_69] : memref<2x327680xi32, #tpu.memory_space<hbm>> -> memref<1x8192xi32, #tpu.memory_space<hbm>>
      %dma_wait3A_71 = tpu.memref_squeeze %dma_wait3A_70 : memref<1x8192xi32, #tpu.memory_space<hbm>> -> memref<8192xi32, #tpu.memory_space<hbm>>
      %dma_wait3A_72 = arith.constant 0 : i32
      %dma_wait3A_73 = tpu.memref_slice %arg4[%arg0, %dma_wait3A_72] : memref<2x327680xi32, #tpu.memory_space<hbm>> -> memref<1x8192xi32, #tpu.memory_space<hbm>>
      %dma_wait3A_74 = tpu.memref_squeeze %dma_wait3A_73 : memref<1x8192xi32, #tpu.memory_space<hbm>> -> memref<8192xi32, #tpu.memory_space<hbm>>
      tpu.wait_dma2 semaphore(%arg20 : memref<!tpu.dma_semaphore, #tpu.memory_space<semaphore_mem>>) src(%dma_wait3A_74 : memref<8192xi32, #tpu.memory_space<hbm>>) dst(%arg18 : memref<8192xi32, #tpu.memory_space<vmem>>)
      %mul3A_75 = arith.constant 2 : i32
      %mul3A_76 = arith.muli %mul3A_75, %scan3A_34 : i32
      %add3A_77 = arith.constant 2 : i32
      %add3A_78 = arith.addi %mul3A_76, %add3A_77 : i32
      %min3A = arith.constant 39 : i32
      %min3A_79 = arith.minsi %add3A_78, %min3A : i32
      %mul3A_80 = arith.constant 8192 : i32
      %mul3A_81 = arith.muli %min3A_79, %mul3A_80 : i32
      %dma_start3A_82 = tpu.memref_slice %arg3[%arg0, %mul3A_81] : memref<2x327680xi32, #tpu.memory_space<hbm>> -> memref<1x8192xi32, #tpu.memory_space<hbm>>
      %dma_start3A_83 = tpu.memref_squeeze %dma_start3A_82 : memref<1x8192xi32, #tpu.memory_space<hbm>> -> memref<8192xi32, #tpu.memory_space<hbm>>
      %dma_start3A_84 = tpu.memref_slice %arg3[%arg0, %mul3A_81] : memref<2x327680xi32, #tpu.memory_space<hbm>> -> memref<1x8192xi32, #tpu.memory_space<hbm>>
      %dma_start3A_85 = tpu.memref_squeeze %dma_start3A_84 : memref<1x8192xi32, #tpu.memory_space<hbm>> -> memref<8192xi32, #tpu.memory_space<hbm>>
      tpu.enqueue_dma source(%dma_start3A_85 : memref<8192xi32, #tpu.memory_space<hbm>>) target(%arg15 : memref<8192xi32, #tpu.memory_space<vmem>>) target_semaphore(%arg19 : memref<!tpu.dma_semaphore, #tpu.memory_space<semaphore_mem>>)
      %mul3A_86 = arith.constant 8192 : i32
      %mul3A_87 = arith.muli %min3A_79, %mul3A_86 : i32
      %dma_start3A_88 = tpu.memref_slice %arg4[%arg0, %mul3A_87] : memref<2x327680xi32, #tpu.memory_space<hbm>> -> memref<1x8192xi32, #tpu.memory_space<hbm>>
      %dma_start3A_89 = tpu.memref_squeeze %dma_start3A_88 : memref<1x8192xi32, #tpu.memory_space<hbm>> -> memref<8192xi32, #tpu.memory_space<hbm>>
      %dma_start3A_90 = tpu.memref_slice %arg4[%arg0, %mul3A_87] : memref<2x327680xi32, #tpu.memory_space<hbm>> -> memref<1x8192xi32, #tpu.memory_space<hbm>>
      %dma_start3A_91 = tpu.memref_squeeze %dma_start3A_90 : memref<1x8192xi32, #tpu.memory_space<hbm>> -> memref<8192xi32, #tpu.memory_space<hbm>>
      tpu.enqueue_dma source(%dma_start3A_91 : memref<8192xi32, #tpu.memory_space<hbm>>) target(%arg16 : memref<8192xi32, #tpu.memory_space<vmem>>) target_semaphore(%arg19 : memref<!tpu.dma_semaphore, #tpu.memory_space<semaphore_mem>>)
      %parallel_loop3A_92 = arith.constant 0 : i32
      %parallel_loop3A_93 = arith.constant 512 : i32
      %parallel_loop3A_94 = arith.constant 1 : i32
      scf.for %parallel_loop3A_95 = %parallel_loop3A_92 to %parallel_loop3A_93 step %parallel_loop3A_94  : i32 {
        %parallel_loop3A_96 = arith.constant 16 : i32
        %parallel_loop3A_97 = arith.muli %parallel_loop3A_95, %parallel_loop3A_96 : i32
        %parallel_loop3A_98 = arith.index_cast %parallel_loop3A_97 : i32 to index
        %parallel_loop3A_99 = tpu.vector_load %arg17[%parallel_loop3A_98] {strides = array<i32>} : memref<8192xi32, #tpu.memory_space<vmem>>, vector<16xi32>,
        %parallel_loop3A_100 = arith.constant 16 : i32
        %parallel_loop3A_101 = arith.muli %parallel_loop3A_95, %parallel_loop3A_100 : i32
        %parallel_loop3A_102 = arith.index_cast %parallel_loop3A_101 : i32 to index
        %parallel_loop3A_103 = tpu.vector_load %arg18[%parallel_loop3A_102] {strides = array<i32>} : memref<8192xi32, #tpu.memory_space<vmem>>, vector<16xi32>,
        %parallel_loop3A_104 = tpu.vector_load_idx %arg7[%parallel_loop3A_99] : memref<10240xf32, #tpu.memory_space<vmem>>[vector<16xi32>], vector<16xf32>,
        tpu.vector_store_idx %arg11[%parallel_loop3A_103], %parallel_loop3A_104 {add = true} : memref<10240xf32, #tpu.memory_space<vmem>>[vector<16xi32>], vector<16xf32>,
        %parallel_loop3A_105 = tpu.vector_load_idx %arg8[%parallel_loop3A_99] : memref<10240xf32, #tpu.memory_space<vmem>>[vector<16xi32>], vector<16xf32>,
        tpu.vector_store_idx %arg12[%parallel_loop3A_103], %parallel_loop3A_105 {add = true} : memref<10240xf32, #tpu.memory_space<vmem>>[vector<16xi32>], vector<16xf32>,
        %parallel_loop3A_106 = tpu.vector_load_idx %arg9[%parallel_loop3A_99] : memref<10240xf32, #tpu.memory_space<vmem>>[vector<16xi32>], vector<16xf32>,
        tpu.vector_store_idx %arg13[%parallel_loop3A_103], %parallel_loop3A_106 {add = true} : memref<10240xf32, #tpu.memory_space<vmem>>[vector<16xi32>], vector<16xf32>,
        %parallel_loop3A_107 = tpu.vector_load_idx %arg10[%parallel_loop3A_99] : memref<10240xf32, #tpu.memory_space<vmem>>[vector<16xi32>], vector<16xf32>,
        tpu.vector_store_idx %arg14[%parallel_loop3A_103], %parallel_loop3A_107 {add = true} : memref<10240xf32, #tpu.memory_space<vmem>>[vector<16xi32>], vector<16xf32>,
      } {sc.loop_unroll_factor = 8 : i64, sc.parallel_access}
    }
    %scan3A_18 = arith.constant 20 : i32
    %dma_wait3A = arith.constant 0 : i32
    %dma_wait3A_19 = tpu.memref_slice %arg3[%arg0, %dma_wait3A] : memref<2x327680xi32, #tpu.memory_space<hbm>> -> memref<1x8192xi32, #tpu.memory_space<hbm>>
    %dma_wait3A_20 = tpu.memref_squeeze %dma_wait3A_19 : memref<1x8192xi32, #tpu.memory_space<hbm>> -> memref<8192xi32, #tpu.memory_space<hbm>>
    %dma_wait3A_21 = arith.constant 0 : i32
    %dma_wait3A_22 = tpu.memref_slice %arg3[%arg0, %dma_wait3A_21] : memref<2x327680xi32, #tpu.memory_space<hbm>> -> memref<1x8192xi32, #tpu.memory_space<hbm>>
    %dma_wait3A_23 = tpu.memref_squeeze %dma_wait3A_22 : memref<1x8192xi32, #tpu.memory_space<hbm>> -> memref<8192xi32, #tpu.memory_space<hbm>>
    tpu.wait_dma2 semaphore(%arg19 : memref<!tpu.dma_semaphore, #tpu.memory_space<semaphore_mem>>) src(%dma_wait3A_23 : memref<8192xi32, #tpu.memory_space<hbm>>) dst(%arg15 : memref<8192xi32, #tpu.memory_space<vmem>>)
    %dma_wait3A_24 = arith.constant 0 : i32
    %dma_wait3A_25 = tpu.memref_slice %arg4[%arg0, %dma_wait3A_24] : memref<2x327680xi32, #tpu.memory_space<hbm>> -> memref<1x8192xi32, #tpu.memory_space<hbm>>
    %dma_wait3A_26 = tpu.memref_squeeze %dma_wait3A_25 : memref<1x8192xi32, #tpu.memory_space<hbm>> -> memref<8192xi32, #tpu.memory_space<hbm>>
    %dma_wait3A_27 = arith.constant 0 : i32
    %dma_wait3A_28 = tpu.memref_slice %arg4[%arg0, %dma_wait3A_27] : memref<2x327680xi32, #tpu.memory_space<hbm>> -> memref<1x8192xi32, #tpu.memory_space<hbm>>
    %dma_wait3A_29 = tpu.memref_squeeze %dma_wait3A_28 : memref<1x8192xi32, #tpu.memory_space<hbm>> -> memref<8192xi32, #tpu.memory_space<hbm>>
    tpu.wait_dma2 semaphore(%arg19 : memref<!tpu.dma_semaphore, #tpu.memory_space<semaphore_mem>>) src(%dma_wait3A_29 : memref<8192xi32, #tpu.memory_space<hbm>>) dst(%arg16 : memref<8192xi32, #tpu.memory_space<vmem>>)
    %run_scoped3A_30 = arith.constant 0 : i32
    "tpu.region"() ({
      %run_scoped3A_34 = tpu.sem_alloc : memref<!tpu.dma_semaphore, #tpu.memory_space<semaphore_mem>>
      %dma_start3A_35 = arith.constant 0 : i32
      %dma_start3A_36 = tpu.memref_slice %arg6[%arg0, %arg1, %run_scoped3A_30, %dma_start3A_35] : memref<2x16x4x10240xf32, #tpu.memory_space<hbm>> -> memref<1x1x1x10240xf32, #tpu.memory_space<hbm>>
      %dma_start3A_37 = tpu.memref_squeeze %dma_start3A_36 : memref<1x1x1x10240xf32, #tpu.memory_space<hbm>> -> memref<10240xf32, #tpu.memory_space<hbm>>
      %dma_start3A_38 = arith.constant 0 : i32
      %dma_start3A_39 = tpu.memref_slice %arg6[%arg0, %arg1, %run_scoped3A_30, %dma_start3A_38] : memref<2x16x4x10240xf32, #tpu.memory_space<hbm>> -> memref<1x1x1x10240xf32, #tpu.memory_space<hbm>>
      %dma_start3A_40 = tpu.memref_squeeze %dma_start3A_39 : memref<1x1x1x10240xf32, #tpu.memory_space<hbm>> -> memref<10240xf32, #tpu.memory_space<hbm>>
      tpu.enqueue_dma source(%arg11 : memref<10240xf32, #tpu.memory_space<vmem>>) target(%dma_start3A_40 : memref<10240xf32, #tpu.memory_space<hbm>>) target_semaphore(%run_scoped3A_34 : memref<!tpu.dma_semaphore, #tpu.memory_space<semaphore_mem>>)
      %dma_wait3A_41 = arith.constant 0 : i32
      %dma_wait3A_42 = tpu.memref_slice %arg6[%arg0, %arg1, %run_scoped3A_30, %dma_wait3A_41] : memref<2x16x4x10240xf32, #tpu.memory_space<hbm>> -> memref<1x1x1x10240xf32, #tpu.memory_space<hbm>>
      %dma_wait3A_43 = tpu.memref_squeeze %dma_wait3A_42 : memref<1x1x1x10240xf32, #tpu.memory_space<hbm>> -> memref<10240xf32, #tpu.memory_space<hbm>>
      %dma_wait3A_44 = arith.constant 0 : i32
      %dma_wait3A_45 = tpu.memref_slice %arg6[%arg0, %arg1, %run_scoped3A_30, %dma_wait3A_44] : memref<2x16x4x10240xf32, #tpu.memory_space<hbm>> -> memref<1x1x1x10240xf32, #tpu.memory_space<hbm>>
      %dma_wait3A_46 = tpu.memref_squeeze %dma_wait3A_45 : memref<1x1x1x10240xf32, #tpu.memory_space<hbm>> -> memref<10240xf32, #tpu.memory_space<hbm>>
      tpu.wait_dma2 semaphore(%run_scoped3A_34 : memref<!tpu.dma_semaphore, #tpu.memory_space<semaphore_mem>>) src(%arg11 : memref<10240xf32, #tpu.memory_space<vmem>>) dst(%dma_wait3A_46 : memref<10240xf32, #tpu.memory_space<hbm>>)
      tpu.yield
    }) : () -> ()
    %run_scoped3A_31 = arith.constant 1 : i32
    "tpu.region"() ({
      %run_scoped3A_34 = tpu.sem_alloc : memref<!tpu.dma_semaphore, #tpu.memory_space<semaphore_mem>>
      %dma_start3A_35 = arith.constant 0 : i32
      %dma_start3A_36 = tpu.memref_slice %arg6[%arg0, %arg1, %run_scoped3A_31, %dma_start3A_35] : memref<2x16x4x10240xf32, #tpu.memory_space<hbm>> -> memref<1x1x1x10240xf32, #tpu.memory_space<hbm>>
      %dma_start3A_37 = tpu.memref_squeeze %dma_start3A_36 : memref<1x1x1x10240xf32, #tpu.memory_space<hbm>> -> memref<10240xf32, #tpu.memory_space<hbm>>
      %dma_start3A_38 = arith.constant 0 : i32
      %dma_start3A_39 = tpu.memref_slice %arg6[%arg0, %arg1, %run_scoped3A_31, %dma_start3A_38] : memref<2x16x4x10240xf32, #tpu.memory_space<hbm>> -> memref<1x1x1x10240xf32, #tpu.memory_space<hbm>>
      %dma_start3A_40 = tpu.memref_squeeze %dma_start3A_39 : memref<1x1x1x10240xf32, #tpu.memory_space<hbm>> -> memref<10240xf32, #tpu.memory_space<hbm>>
      tpu.enqueue_dma source(%arg12 : memref<10240xf32, #tpu.memory_space<vmem>>) target(%dma_start3A_40 : memref<10240xf32, #tpu.memory_space<hbm>>) target_semaphore(%run_scoped3A_34 : memref<!tpu.dma_semaphore, #tpu.memory_space<semaphore_mem>>)
      %dma_wait3A_41 = arith.constant 0 : i32
      %dma_wait3A_42 = tpu.memref_slice %arg6[%arg0, %arg1, %run_scoped3A_31, %dma_wait3A_41] : memref<2x16x4x10240xf32, #tpu.memory_space<hbm>> -> memref<1x1x1x10240xf32, #tpu.memory_space<hbm>>
      %dma_wait3A_43 = tpu.memref_squeeze %dma_wait3A_42 : memref<1x1x1x10240xf32, #tpu.memory_space<hbm>> -> memref<10240xf32, #tpu.memory_space<hbm>>
      %dma_wait3A_44 = arith.constant 0 : i32
      %dma_wait3A_45 = tpu.memref_slice %arg6[%arg0, %arg1, %run_scoped3A_31, %dma_wait3A_44] : memref<2x16x4x10240xf32, #tpu.memory_space<hbm>> -> memref<1x1x1x10240xf32, #tpu.memory_space<hbm>>
      %dma_wait3A_46 = tpu.memref_squeeze %dma_wait3A_45 : memref<1x1x1x10240xf32, #tpu.memory_space<hbm>> -> memref<10240xf32, #tpu.memory_space<hbm>>
      tpu.wait_dma2 semaphore(%run_scoped3A_34 : memref<!tpu.dma_semaphore, #tpu.memory_space<semaphore_mem>>) src(%arg12 : memref<10240xf32, #tpu.memory_space<vmem>>) dst(%dma_wait3A_46 : memref<10240xf32, #tpu.memory_space<hbm>>)
      tpu.yield
    }) : () -> ()
    %run_scoped3A_32 = arith.constant 2 : i32
    "tpu.region"() ({
      %run_scoped3A_34 = tpu.sem_alloc : memref<!tpu.dma_semaphore, #tpu.memory_space<semaphore_mem>>
      %dma_start3A_35 = arith.constant 0 : i32
      %dma_start3A_36 = tpu.memref_slice %arg6[%arg0, %arg1, %run_scoped3A_32, %dma_start3A_35] : memref<2x16x4x10240xf32, #tpu.memory_space<hbm>> -> memref<1x1x1x10240xf32, #tpu.memory_space<hbm>>
      %dma_start3A_37 = tpu.memref_squeeze %dma_start3A_36 : memref<1x1x1x10240xf32, #tpu.memory_space<hbm>> -> memref<10240xf32, #tpu.memory_space<hbm>>
      %dma_start3A_38 = arith.constant 0 : i32
      %dma_start3A_39 = tpu.memref_slice %arg6[%arg0, %arg1, %run_scoped3A_32, %dma_start3A_38] : memref<2x16x4x10240xf32, #tpu.memory_space<hbm>> -> memref<1x1x1x10240xf32, #tpu.memory_space<hbm>>
      %dma_start3A_40 = tpu.memref_squeeze %dma_start3A_39 : memref<1x1x1x10240xf32, #tpu.memory_space<hbm>> -> memref<10240xf32, #tpu.memory_space<hbm>>
      tpu.enqueue_dma source(%arg13 : memref<10240xf32, #tpu.memory_space<vmem>>) target(%dma_start3A_40 : memref<10240xf32, #tpu.memory_space<hbm>>) target_semaphore(%run_scoped3A_34 : memref<!tpu.dma_semaphore, #tpu.memory_space<semaphore_mem>>)
      %dma_wait3A_41 = arith.constant 0 : i32
      %dma_wait3A_42 = tpu.memref_slice %arg6[%arg0, %arg1, %run_scoped3A_32, %dma_wait3A_41] : memref<2x16x4x10240xf32, #tpu.memory_space<hbm>> -> memref<1x1x1x10240xf32, #tpu.memory_space<hbm>>
      %dma_wait3A_43 = tpu.memref_squeeze %dma_wait3A_42 : memref<1x1x1x10240xf32, #tpu.memory_space<hbm>> -> memref<10240xf32, #tpu.memory_space<hbm>>
      %dma_wait3A_44 = arith.constant 0 : i32
      %dma_wait3A_45 = tpu.memref_slice %arg6[%arg0, %arg1, %run_scoped3A_32, %dma_wait3A_44] : memref<2x16x4x10240xf32, #tpu.memory_space<hbm>> -> memref<1x1x1x10240xf32, #tpu.memory_space<hbm>>
      %dma_wait3A_46 = tpu.memref_squeeze %dma_wait3A_45 : memref<1x1x1x10240xf32, #tpu.memory_space<hbm>> -> memref<10240xf32, #tpu.memory_space<hbm>>
      tpu.wait_dma2 semaphore(%run_scoped3A_34 : memref<!tpu.dma_semaphore, #tpu.memory_space<semaphore_mem>>) src(%arg13 : memref<10240xf32, #tpu.memory_space<vmem>>) dst(%dma_wait3A_46 : memref<10240xf32, #tpu.memory_space<hbm>>)
      tpu.yield
    }) : () -> ()
    %run_scoped3A_33 = arith.constant 3 : i32
    "tpu.region"() ({
      %run_scoped3A_34 = tpu.sem_alloc : memref<!tpu.dma_semaphore, #tpu.memory_space<semaphore_mem>>
      %dma_start3A_35 = arith.constant 0 : i32
      %dma_start3A_36 = tpu.memref_slice %arg6[%arg0, %arg1, %run_scoped3A_33, %dma_start3A_35] : memref<2x16x4x10240xf32, #tpu.memory_space<hbm>> -> memref<1x1x1x10240xf32, #tpu.memory_space<hbm>>
      %dma_start3A_37 = tpu.memref_squeeze %dma_start3A_36 : memref<1x1x1x10240xf32, #tpu.memory_space<hbm>> -> memref<10240xf32, #tpu.memory_space<hbm>>
      %dma_start3A_38 = arith.constant 0 : i32
      %dma_start3A_39 = tpu.memref_slice %arg6[%arg0, %arg1, %run_scoped3A_33, %dma_start3A_38] : memref<2x16x4x10240xf32, #tpu.memory_space<hbm>> -> memref<1x1x1x10240xf32, #tpu.memory_space<hbm>>
      %dma_start3A_40 = tpu.memref_squeeze %dma_start3A_39 : memref<1x1x1x10240xf32, #tpu.memory_space<hbm>> -> memref<10240xf32, #tpu.memory_space<hbm>>
      tpu.enqueue_dma source(%arg14 : memref<10240xf32, #tpu.memory_space<vmem>>) target(%dma_start3A_40 : memref<10240xf32, #tpu.memory_space<hbm>>) target_semaphore(%run_scoped3A_34 : memref<!tpu.dma_semaphore, #tpu.memory_space<semaphore_mem>>)
      %dma_wait3A_41 = arith.constant 0 : i32
      %dma_wait3A_42 = tpu.memref_slice %arg6[%arg0, %arg1, %run_scoped3A_33, %dma_wait3A_41] : memref<2x16x4x10240xf32, #tpu.memory_space<hbm>> -> memref<1x1x1x10240xf32, #tpu.memory_space<hbm>>
      %dma_wait3A_43 = tpu.memref_squeeze %dma_wait3A_42 : memref<1x1x1x10240xf32, #tpu.memory_space<hbm>> -> memref<10240xf32, #tpu.memory_space<hbm>>
      %dma_wait3A_44 = arith.constant 0 : i32
      %dma_wait3A_45 = tpu.memref_slice %arg6[%arg0, %arg1, %run_scoped3A_33, %dma_wait3A_44] : memref<2x16x4x10240xf32, #tpu.memory_space<hbm>> -> memref<1x1x1x10240xf32, #tpu.memory_space<hbm>>
      %dma_wait3A_46 = tpu.memref_squeeze %dma_wait3A_45 : memref<1x1x1x10240xf32, #tpu.memory_space<hbm>> -> memref<10240xf32, #tpu.memory_space<hbm>>
      tpu.wait_dma2 semaphore(%run_scoped3A_34 : memref<!tpu.dma_semaphore, #tpu.memory_space<semaphore_mem>>) src(%arg14 : memref<10240xf32, #tpu.memory_space<vmem>>) dst(%dma_wait3A_46 : memref<10240xf32, #tpu.memory_space<hbm>>)
      tpu.yield
    }) : () -> ()
    return
  }
}

module attributes {stable_mosaic.version = 14 : i64} {
  func.func @_mm1_body(%arg0: i32, %arg1: memref<1024x128xf32, #tpu.memory_space<vmem>>, %arg2: memref<128x192xf32, #tpu.memory_space<vmem>>, %arg3: memref<1024x2xf32, #tpu.memory_space<vmem>>, %arg4: memref<1024x192xf32, #tpu.memory_space<vmem>>, %arg5: memref<128x1024xf32, #tpu.memory_space<vmem>>) attributes {dimension_semantics = [#tpu.dimension_semantics<arbitrary>], iteration_bounds = array<i64: 10>, scalar_prefetch = 0 : i64, scratch_operands = 0 : i64, tpu.core_type = #tpu.core_type<tc>, window_params = [{transform_indices = @transform_0, window_bounds = array<i64: 1024, 128>}, {pipeline_mode = #tpu.pipeline_mode<synchronous>, transform_indices = @transform_1, window_bounds = array<i64: 128, 192>}, {transform_indices = @transform_2, window_bounds = array<i64: 1024, 2>}, {transform_indices = @transform_3, window_bounds = array<i64: 1024, 192>}, {transform_indices = @transform_4, window_bounds = array<i64: 128, 1024>}]} {
    %get3A = arith.constant 0 : index
    %get3A_0 = arith.constant 0 : index
    %get3A_1 = vector.load %arg1[%get3A, %get3A_0] : memref<1024x128xf32, #tpu.memory_space<vmem>>, vector<1024x128xf32>
    %get3A_2 = arith.constant 0 : index
    %get3A_3 = arith.constant 0 : index
    %get3A_4 = vector.load %arg2[%get3A_2, %get3A_3] : memref<128x192xf32, #tpu.memory_space<vmem>>, vector<128x192xf32>
    %dot_general3A = arith.constant dense<0.000000e+00> : vector<1024x192xf32>
    %dot_general3A_5 = tpu.matmul %get3A_1, %get3A_4, %dot_general3A {dimension_numbers = #tpu.dot_dimension_numbers<[1], [0], [0], [1], [0, 0, 1, 1], [], []>, transpose_lhs_hint = false} : vector<1024x128xf32>, vector<128x192xf32>, vector<1024x192xf32> -> vector<1024x192xf32>
    %get3A_6 = arith.constant 0 : index
    %get3A_7 = arith.constant 0 : index
    %get3A_8 = vector.load %arg3[%get3A_6, %get3A_7] : memref<1024x2xf32, #tpu.memory_space<vmem>>, vector<1024x2xf32>
    %add3A = arith.constant 1.000000e+00 : f32
    %add3A_9 = vector.broadcast %add3A : f32 to vector<1024x2xf32>
    %add3A_10 = arith.addf %get3A_8, %add3A_9 : vector<1024x2xf32>
    %rsqrt3A = math.rsqrt %add3A_10 : vector<1024x2xf32>
    %slice3A = vector.extract_strided_slice %dot_general3A_5 {offsets = [0, 0], sizes = [1024, 64], strides = [1, 1]} : vector<1024x192xf32> to vector<1024x64xf32>
    %slice3A_11 = vector.extract_strided_slice %rsqrt3A {offsets = [0, 0], sizes = [1024, 1], strides = [1, 1]} : vector<1024x2xf32> to vector<1024x1xf32>
    %mul3A = vector.broadcast %slice3A_11 : vector<1024x1xf32> to vector<1024x64xf32>
    %mul3A_12 = arith.mulf %slice3A, %mul3A : vector<1024x64xf32>
    %slice3A_13 = vector.extract_strided_slice %dot_general3A_5 {offsets = [0, 64], sizes = [1024, 64], strides = [1, 1]} : vector<1024x192xf32> to vector<1024x64xf32>
    %slice3A_14 = vector.extract_strided_slice %rsqrt3A {offsets = [0, 1], sizes = [1024, 1], strides = [1, 1]} : vector<1024x2xf32> to vector<1024x1xf32>
    %mul3A_15 = vector.broadcast %slice3A_14 : vector<1024x1xf32> to vector<1024x64xf32>
    %mul3A_16 = arith.mulf %slice3A_13, %mul3A_15 : vector<1024x64xf32>
    %swap3A = arith.constant 0 : index
    %swap3A_17 = arith.constant 0 : index
    %swap3A_18 = vector.load %arg4[%swap3A, %swap3A_17] : memref<1024x192xf32, #tpu.memory_space<vmem>>, vector<1024x64xf32>
    tpu.vector_store %arg4[%swap3A, %swap3A_17], %mul3A_12 {strides = array<i32>} : memref<1024x192xf32, #tpu.memory_space<vmem>>, vector<1024x64xf32>,
    %swap3A_19 = arith.constant 0 : index
    %swap3A_20 = arith.constant 64 : index
    %swap3A_21 = vector.load %arg4[%swap3A_19, %swap3A_20] : memref<1024x192xf32, #tpu.memory_space<vmem>>, vector<1024x64xf32>
    tpu.vector_store %arg4[%swap3A_19, %swap3A_20], %mul3A_16 {strides = array<i32>} : memref<1024x192xf32, #tpu.memory_space<vmem>>, vector<1024x64xf32>,
    %slice3A_22 = vector.extract_strided_slice %dot_general3A_5 {offsets = [0, 128], sizes = [1024, 64], strides = [1, 1]} : vector<1024x192xf32> to vector<1024x64xf32>
    %swap3A_23 = arith.constant 0 : index
    %swap3A_24 = arith.constant 128 : index
    %swap3A_25 = vector.load %arg4[%swap3A_23, %swap3A_24] : memref<1024x192xf32, #tpu.memory_space<vmem>>, vector<1024x64xf32>
    tpu.vector_store %arg4[%swap3A_23, %swap3A_24], %slice3A_22 {strides = array<i32>} : memref<1024x192xf32, #tpu.memory_space<vmem>>, vector<1024x64xf32>,
    %concatenate3A = tpu.concatenate %mul3A_12, %mul3A_16 in 1 : vector<1024x64xf32>, vector<1024x64xf32> -> vector<1024x128xf32>
    %transpose3A = tpu.transpose %concatenate3A, [1, 0] : vector<1024x128xf32> -> vector<128x1024xf32>
    %swap3A_26 = arith.constant 0 : index
    %swap3A_27 = arith.constant 0 : index
    %swap3A_28 = vector.load %arg5[%swap3A_26, %swap3A_27] : memref<128x1024xf32, #tpu.memory_space<vmem>>, vector<128x1024xf32>
    tpu.vector_store %arg5[%swap3A_26, %swap3A_27], %transpose3A {strides = array<i32>} : memref<128x1024xf32, #tpu.memory_space<vmem>>, vector<128x1024xf32>,
    return
  }
  func.func @transform_0(%arg0: i32) -> (i32, i32) {
    %c0_i32 = arith.constant 0 : i32
    %c0_i32_0 = arith.constant 0 : i32
    return %arg0, %c0_i32 : i32, i32
  }
  func.func @transform_1(%arg0: i32) -> (i32, i32) {
    %c0_i32 = arith.constant 0 : i32
    %c0_i32_0 = arith.constant 0 : i32
    %c0_i32_1 = arith.constant 0 : i32
    return %c0_i32, %c0_i32_0 : i32, i32
  }
  func.func @transform_2(%arg0: i32) -> (i32, i32) {
    %c0_i32 = arith.constant 0 : i32
    %c0_i32_0 = arith.constant 0 : i32
    return %arg0, %c0_i32 : i32, i32
  }
  func.func @transform_3(%arg0: i32) -> (i32, i32) {
    %c0_i32 = arith.constant 0 : i32
    %c0_i32_0 = arith.constant 0 : i32
    return %arg0, %c0_i32 : i32, i32
  }
  func.func @transform_4(%arg0: i32) -> (i32, i32) {
    %c0_i32 = arith.constant 0 : i32
    %c0_i32_0 = arith.constant 0 : i32
    return %c0_i32, %arg0 : i32, i32
  }
}

module attributes {stable_mosaic.version = 14 : i64} {
  func.func @_comb1_body(%arg0: i32, %arg1: memref<1x64x1024xf32, #tpu.memory_space<vmem>>, %arg2: memref<1x64x1024xf32, #tpu.memory_space<vmem>>, %arg3: memref<1024x192xf32, #tpu.memory_space<vmem>>, %arg4: memref<1024x2xf32, #tpu.memory_space<vmem>>, %arg5: memref<1x64xf32, #tpu.memory_space<vmem>>, %arg6: memref<1x64xf32, #tpu.memory_space<vmem>>, %arg7: memref<1x64xf32, #tpu.memory_space<vmem>>, %arg8: memref<1024x64xf32, #tpu.memory_space<vmem>>, %arg9: memref<128x1024xf32, #tpu.memory_space<vmem>>) attributes {dimension_semantics = [#tpu.dimension_semantics<arbitrary>], iteration_bounds = array<i64: 10>, scalar_prefetch = 0 : i64, scratch_operands = 0 : i64, tpu.core_type = #tpu.core_type<tc>, window_params = [{transform_indices = @transform_0, window_bounds = array<i64: 1, 64, 1024>}, {transform_indices = @transform_1, window_bounds = array<i64: 1, 64, 1024>}, {transform_indices = @transform_2, window_bounds = array<i64: 1024, 192>}, {transform_indices = @transform_3, window_bounds = array<i64: 1024, 2>}, {pipeline_mode = #tpu.pipeline_mode<synchronous>, transform_indices = @transform_4, window_bounds = array<i64: 1, 64>}, {pipeline_mode = #tpu.pipeline_mode<synchronous>, transform_indices = @transform_5, window_bounds = array<i64: 1, 64>}, {pipeline_mode = #tpu.pipeline_mode<synchronous>, transform_indices = @transform_6, window_bounds = array<i64: 1, 64>}, {transform_indices = @transform_7, window_bounds = array<i64: 1024, 64>}, {transform_indices = @transform_8, window_bounds = array<i64: 128, 1024>}]} {
    %get3A = arith.constant 0 : index
    %get3A_0 = arith.constant 0 : index
    %get3A_1 = vector.load %arg4[%get3A, %get3A_0] : memref<1024x2xf32, #tpu.memory_space<vmem>>, vector<1024x2xf32>
    %add3A = arith.constant 1.000000e+00 : f32
    %add3A_2 = vector.broadcast %add3A : f32 to vector<1024x2xf32>
    %add3A_3 = arith.addf %get3A_1, %add3A_2 : vector<1024x2xf32>
    %rsqrt3A = math.rsqrt %add3A_3 : vector<1024x2xf32>
    %slice3A = vector.extract_strided_slice %rsqrt3A {offsets = [0, 0], sizes = [1024, 1], strides = [1, 1]} : vector<1024x2xf32> to vector<1024x1xf32>
    %slice3A_4 = vector.extract_strided_slice %rsqrt3A {offsets = [0, 1], sizes = [1024, 1], strides = [1, 1]} : vector<1024x2xf32> to vector<1024x1xf32>
    %get3A_5 = arith.constant 0 : index
    %get3A_6 = arith.constant 0 : index
    %get3A_7 = arith.constant 0 : index
    %get3A_8 = vector.load %arg1[%get3A_5, %get3A_6, %get3A_7] : memref<1x64x1024xf32, #tpu.memory_space<vmem>>, vector<1x64x1024xf32>
    %get3A_9 = vector.shape_cast %get3A_8 : vector<1x64x1024xf32> to vector<64x1024xf32>
    %transpose3A = tpu.transpose %get3A_9, [1, 0] : vector<64x1024xf32> -> vector<1024x64xf32>
    %get3A_10 = arith.constant 0 : index
    %get3A_11 = arith.constant 0 : index
    %get3A_12 = vector.load %arg3[%get3A_10, %get3A_11] : memref<1024x192xf32, #tpu.memory_space<vmem>>, vector<1024x64xf32>
    %add3A_13 = arith.addf %transpose3A, %get3A_12 : vector<1024x64xf32>
    %mul3A = vector.broadcast %slice3A : vector<1024x1xf32> to vector<1024x64xf32>
    %mul3A_14 = arith.mulf %mul3A, %add3A_13 : vector<1024x64xf32>
    %get3A_15 = arith.constant 0 : index
    %get3A_16 = arith.constant 0 : index
    %get3A_17 = vector.load %arg5[%get3A_15, %get3A_16] : memref<1x64xf32, #tpu.memory_space<vmem>>, vector<1x64xf32>
    %add3A_18 = vector.broadcast %get3A_17 : vector<1x64xf32> to vector<1024x64xf32>
    %add3A_19 = arith.addf %mul3A_14, %add3A_18 : vector<1024x64xf32>
    %get3A_20 = arith.constant 0 : index
    %get3A_21 = arith.constant 0 : index
    %get3A_22 = arith.constant 0 : index
    %get3A_23 = vector.load %arg2[%get3A_20, %get3A_21, %get3A_22] : memref<1x64x1024xf32, #tpu.memory_space<vmem>>, vector<1x64x1024xf32>
    %get3A_24 = vector.shape_cast %get3A_23 : vector<1x64x1024xf32> to vector<64x1024xf32>
    %transpose3A_25 = tpu.transpose %get3A_24, [1, 0] : vector<64x1024xf32> -> vector<1024x64xf32>
    %get3A_26 = arith.constant 0 : index
    %get3A_27 = arith.constant 64 : index
    %get3A_28 = vector.load %arg3[%get3A_26, %get3A_27] : memref<1024x192xf32, #tpu.memory_space<vmem>>, vector<1024x64xf32>
    %add3A_29 = arith.addf %transpose3A_25, %get3A_28 : vector<1024x64xf32>
    %mul3A_30 = vector.broadcast %slice3A_4 : vector<1024x1xf32> to vector<1024x64xf32>
    %mul3A_31 = arith.mulf %mul3A_30, %add3A_29 : vector<1024x64xf32>
    %get3A_32 = arith.constant 0 : index
    %get3A_33 = arith.constant 0 : index
    %get3A_34 = vector.load %arg6[%get3A_32, %get3A_33] : memref<1x64xf32, #tpu.memory_space<vmem>>, vector<1x64xf32>
    %add3A_35 = vector.broadcast %get3A_34 : vector<1x64xf32> to vector<1024x64xf32>
    %add3A_36 = arith.addf %mul3A_31, %add3A_35 : vector<1024x64xf32>
    %mul3A_37 = arith.constant 5.000000e-01 : f32
    %mul3A_38 = vector.broadcast %mul3A_37 : f32 to vector<1024x64xf32>
    %mul3A_39 = arith.mulf %mul3A_38, %add3A_36 : vector<1024x64xf32>
    %mul3A_40 = arith.constant 5.000000e-01 : f32
    %mul3A_41 = vector.broadcast %mul3A_40 : f32 to vector<1024x64xf32>
    %mul3A_42 = arith.mulf %mul3A_41, %add3A_19 : vector<1024x64xf32>
    %add3A_43 = arith.addf %mul3A_39, %mul3A_42 : vector<1024x64xf32>
    %get3A_44 = arith.constant 0 : index
    %get3A_45 = arith.constant 128 : index
    %get3A_46 = vector.load %arg3[%get3A_44, %get3A_45] : memref<1024x192xf32, #tpu.memory_space<vmem>>, vector<1024x64xf32>
    %add3A_47 = arith.addf %add3A_43, %get3A_46 : vector<1024x64xf32>
    %get3A_48 = arith.constant 0 : index
    %get3A_49 = arith.constant 0 : index
    %get3A_50 = vector.load %arg7[%get3A_48, %get3A_49] : memref<1x64xf32, #tpu.memory_space<vmem>>, vector<1x64xf32>
    %add3A_51 = vector.broadcast %get3A_50 : vector<1x64xf32> to vector<1024x64xf32>
    %add3A_52 = arith.addf %add3A_47, %add3A_51 : vector<1024x64xf32>
    %max3A = arith.constant 0.000000e+00 : f32
    %max3A_53 = vector.broadcast %max3A : f32 to vector<1024x64xf32>
    %max3A_54 = arith.maximumf %add3A_52, %max3A_53 : vector<1024x64xf32>
    %swap3A = arith.constant 0 : index
    %swap3A_55 = arith.constant 0 : index
    %swap3A_56 = vector.load %arg8[%swap3A, %swap3A_55] : memref<1024x64xf32, #tpu.memory_space<vmem>>, vector<1024x64xf32>
    tpu.vector_store %arg8[%swap3A, %swap3A_55], %max3A_54 {strides = array<i32>} : memref<1024x64xf32, #tpu.memory_space<vmem>>, vector<1024x64xf32>,
    %mul3A_57 = vector.broadcast %slice3A : vector<1024x1xf32> to vector<1024x64xf32>
    %mul3A_58 = arith.mulf %max3A_54, %mul3A_57 : vector<1024x64xf32>
    %mul3A_59 = vector.broadcast %slice3A_4 : vector<1024x1xf32> to vector<1024x64xf32>
    %mul3A_60 = arith.mulf %max3A_54, %mul3A_59 : vector<1024x64xf32>
    %concatenate3A = tpu.concatenate %mul3A_58, %mul3A_60 in 1 : vector<1024x64xf32>, vector<1024x64xf32> -> vector<1024x128xf32>
    %transpose3A_61 = tpu.transpose %concatenate3A, [1, 0] : vector<1024x128xf32> -> vector<128x1024xf32>
    %swap3A_62 = arith.constant 0 : index
    %swap3A_63 = arith.constant 0 : index
    %swap3A_64 = vector.load %arg9[%swap3A_62, %swap3A_63] : memref<128x1024xf32, #tpu.memory_space<vmem>>, vector<128x1024xf32>
    tpu.vector_store %arg9[%swap3A_62, %swap3A_63], %transpose3A_61 {strides = array<i32>} : memref<128x1024xf32, #tpu.memory_space<vmem>>, vector<128x1024xf32>,
    return
  }
  func.func @transform_0(%arg0: i32) -> (i32, i32, i32) {
    %c0_i32 = arith.constant 0 : i32
    %c0_i32_0 = arith.constant 0 : i32
    %c0_i32_1 = arith.constant 0 : i32
    return %c0_i32, %c0_i32_0, %arg0 : i32, i32, i32
  }
  func.func @transform_1(%arg0: i32) -> (i32, i32, i32) {
    %c1_i32 = arith.constant 1 : i32
    %c0_i32 = arith.constant 0 : i32
    %c0_i32_0 = arith.constant 0 : i32
    return %c1_i32, %c0_i32, %arg0 : i32, i32, i32
  }
  func.func @transform_2(%arg0: i32) -> (i32, i32) {
    %c0_i32 = arith.constant 0 : i32
    %c0_i32_0 = arith.constant 0 : i32
    return %arg0, %c0_i32 : i32, i32
  }
  func.func @transform_3(%arg0: i32) -> (i32, i32) {
    %c0_i32 = arith.constant 0 : i32
    %c0_i32_0 = arith.constant 0 : i32
    return %arg0, %c0_i32 : i32, i32
  }
  func.func @transform_4(%arg0: i32) -> (i32, i32) {
    %c0_i32 = arith.constant 0 : i32
    %c0_i32_0 = arith.constant 0 : i32
    %c0_i32_1 = arith.constant 0 : i32
    return %c0_i32, %c0_i32_0 : i32, i32
  }
  func.func @transform_5(%arg0: i32) -> (i32, i32) {
    %c0_i32 = arith.constant 0 : i32
    %c0_i32_0 = arith.constant 0 : i32
    %c0_i32_1 = arith.constant 0 : i32
    return %c0_i32, %c0_i32_0 : i32, i32
  }
  func.func @transform_6(%arg0: i32) -> (i32, i32) {
    %c0_i32 = arith.constant 0 : i32
    %c0_i32_0 = arith.constant 0 : i32
    %c0_i32_1 = arith.constant 0 : i32
    return %c0_i32, %c0_i32_0 : i32, i32
  }
  func.func @transform_7(%arg0: i32) -> (i32, i32) {
    %c0_i32 = arith.constant 0 : i32
    %c0_i32_0 = arith.constant 0 : i32
    return %arg0, %c0_i32 : i32, i32
  }
  func.func @transform_8(%arg0: i32) -> (i32, i32) {
    %c0_i32 = arith.constant 0 : i32
    %c0_i32_0 = arith.constant 0 : i32
    return %c0_i32, %arg0 : i32, i32
  }
}

module attributes {stable_mosaic.version = 14 : i64} {
  func.func @_fin_body(%arg0: i32, %arg1: memref<1x64x1024xf32, #tpu.memory_space<vmem>>, %arg2: memref<1x64x1024xf32, #tpu.memory_space<vmem>>, %arg3: memref<1024x64xf32, #tpu.memory_space<vmem>>, %arg4: memref<1024x2xf32, #tpu.memory_space<vmem>>, %arg5: memref<64x100xf32, #tpu.memory_space<vmem>>, %arg6: memref<64x100xf32, #tpu.memory_space<vmem>>, %arg7: memref<64x100xf32, #tpu.memory_space<vmem>>, %arg8: memref<1x100xf32, #tpu.memory_space<vmem>>, %arg9: memref<1x100xf32, #tpu.memory_space<vmem>>, %arg10: memref<1x100xf32, #tpu.memory_space<vmem>>, %arg11: memref<100x40xf32, #tpu.memory_space<vmem>>, %arg12: memref<1x40xf32, #tpu.memory_space<vmem>>, %arg13: memref<1024x40xf32, #tpu.memory_space<vmem>>) attributes {dimension_semantics = [#tpu.dimension_semantics<arbitrary>], iteration_bounds = array<i64: 10>, scalar_prefetch = 0 : i64, scratch_operands = 0 : i64, tpu.core_type = #tpu.core_type<tc>, window_params = [{transform_indices = @transform_0, window_bounds = array<i64: 1, 64, 1024>}, {transform_indices = @transform_1, window_bounds = array<i64: 1, 64, 1024>}, {transform_indices = @transform_2, window_bounds = array<i64: 1024, 64>}, {transform_indices = @transform_3, window_bounds = array<i64: 1024, 2>}, {pipeline_mode = #tpu.pipeline_mode<synchronous>, transform_indices = @transform_4, window_bounds = array<i64: 64, 100>}, {pipeline_mode = #tpu.pipeline_mode<synchronous>, transform_indices = @transform_5, window_bounds = array<i64: 64, 100>}, {pipeline_mode = #tpu.pipeline_mode<synchronous>, transform_indices = @transform_6, window_bounds = array<i64: 64, 100>}, {pipeline_mode = #tpu.pipeline_mode<synchronous>, transform_indices = @transform_7, window_bounds = array<i64: 1, 100>}, {pipeline_mode = #tpu.pipeline_mode<synchronous>, transform_indices = @transform_8, window_bounds = array<i64: 1, 100>}, {pipeline_mode = #tpu.pipeline_mode<synchronous>, transform_indices = @transform_9, window_bounds = array<i64: 1, 100>}, {pipeline_mode = #tpu.pipeline_mode<synchronous>, transform_indices = @transform_10, window_bounds = array<i64: 100, 40>}, {pipeline_mode = #tpu.pipeline_mode<synchronous>, transform_indices = @transform_11, window_bounds = array<i64: 1, 40>}, {transform_indices = @transform_12, window_bounds = array<i64: 1024, 40>}]} {
    %get3A = arith.constant 0 : index
    %get3A_0 = arith.constant 0 : index
    %get3A_1 = vector.load %arg4[%get3A, %get3A_0] : memref<1024x2xf32, #tpu.memory_space<vmem>>, vector<1024x2xf32>
    %add3A = arith.constant 1.000000e+00 : f32
    %add3A_2 = vector.broadcast %add3A : f32 to vector<1024x2xf32>
    %add3A_3 = arith.addf %get3A_1, %add3A_2 : vector<1024x2xf32>
    %rsqrt3A = math.rsqrt %add3A_3 : vector<1024x2xf32>
    %slice3A = vector.extract_strided_slice %rsqrt3A {offsets = [0, 0], sizes = [1024, 1], strides = [1, 1]} : vector<1024x2xf32> to vector<1024x1xf32>
    %slice3A_4 = vector.extract_strided_slice %rsqrt3A {offsets = [0, 1], sizes = [1024, 1], strides = [1, 1]} : vector<1024x2xf32> to vector<1024x1xf32>
    %get3A_5 = arith.constant 0 : index
    %get3A_6 = arith.constant 0 : index
    %get3A_7 = vector.load %arg3[%get3A_5, %get3A_6] : memref<1024x64xf32, #tpu.memory_space<vmem>>, vector<1024x64xf32>
    %get3A_8 = arith.constant 0 : index
    %get3A_9 = arith.constant 0 : index
    %get3A_10 = arith.constant 0 : index
    %get3A_11 = vector.load %arg1[%get3A_8, %get3A_9, %get3A_10] : memref<1x64x1024xf32, #tpu.memory_space<vmem>>, vector<1x64x1024xf32>
    %get3A_12 = vector.shape_cast %get3A_11 : vector<1x64x1024xf32> to vector<64x1024xf32>
    %transpose3A = tpu.transpose %get3A_12, [1, 0] : vector<64x1024xf32> -> vector<1024x64xf32>
    %mul3A = vector.broadcast %slice3A : vector<1024x1xf32> to vector<1024x64xf32>
    %mul3A_13 = arith.mulf %mul3A, %get3A_7 : vector<1024x64xf32>
    %add3A_14 = arith.addf %transpose3A, %mul3A_13 : vector<1024x64xf32>
    %mul3A_15 = vector.broadcast %slice3A : vector<1024x1xf32> to vector<1024x64xf32>
    %mul3A_16 = arith.mulf %mul3A_15, %add3A_14 : vector<1024x64xf32>
    %get3A_17 = arith.constant 0 : index
    %get3A_18 = arith.constant 0 : index
    %get3A_19 = arith.constant 0 : index
    %get3A_20 = vector.load %arg2[%get3A_17, %get3A_18, %get3A_19] : memref<1x64x1024xf32, #tpu.memory_space<vmem>>, vector<1x64x1024xf32>
    %get3A_21 = vector.shape_cast %get3A_20 : vector<1x64x1024xf32> to vector<64x1024xf32>
    %transpose3A_22 = tpu.transpose %get3A_21, [1, 0] : vector<64x1024xf32> -> vector<1024x64xf32>
    %mul3A_23 = vector.broadcast %slice3A_4 : vector<1024x1xf32> to vector<1024x64xf32>
    %mul3A_24 = arith.mulf %mul3A_23, %get3A_7 : vector<1024x64xf32>
    %add3A_25 = arith.addf %transpose3A_22, %mul3A_24 : vector<1024x64xf32>
    %mul3A_26 = vector.broadcast %slice3A_4 : vector<1024x1xf32> to vector<1024x64xf32>
    %mul3A_27 = arith.mulf %mul3A_26, %add3A_25 : vector<1024x64xf32>
    %get3A_28 = arith.constant 0 : index
    %get3A_29 = arith.constant 0 : index
    %get3A_30 = vector.load %arg5[%get3A_28, %get3A_29] : memref<64x100xf32, #tpu.memory_space<vmem>>, vector<64x100xf32>
    %dot_general3A = arith.constant dense<0.000000e+00> : vector<1024x100xf32>
    %dot_general3A_31 = tpu.matmul %mul3A_16, %get3A_30, %dot_general3A {dimension_numbers = #tpu.dot_dimension_numbers<[1], [0], [0], [1], [0, 0, 1, 1], [], []>, transpose_lhs_hint = false} : vector<1024x64xf32>, vector<64x100xf32>, vector<1024x100xf32> -> vector<1024x100xf32>
    %get3A_32 = arith.constant 0 : index
    %get3A_33 = arith.constant 0 : index
    %get3A_34 = vector.load %arg8[%get3A_32, %get3A_33] : memref<1x100xf32, #tpu.memory_space<vmem>>, vector<1x100xf32>
    %add3A_35 = vector.broadcast %get3A_34 : vector<1x100xf32> to vector<1024x100xf32>
    %add3A_36 = arith.addf %dot_general3A_31, %add3A_35 : vector<1024x100xf32>
    %get3A_37 = arith.constant 0 : index
    %get3A_38 = arith.constant 0 : index
    %get3A_39 = vector.load %arg6[%get3A_37, %get3A_38] : memref<64x100xf32, #tpu.memory_space<vmem>>, vector<64x100xf32>
    %dot_general3A_40 = arith.constant dense<0.000000e+00> : vector<1024x100xf32>
    %dot_general3A_41 = tpu.matmul %mul3A_27, %get3A_39, %dot_general3A_40 {dimension_numbers = #tpu.dot_dimension_numbers<[1], [0], [0], [1], [0, 0, 1, 1], [], []>, transpose_lhs_hint = false} : vector<1024x64xf32>, vector<64x100xf32>, vector<1024x100xf32> -> vector<1024x100xf32>
    %get3A_42 = arith.constant 0 : index
    %get3A_43 = arith.constant 0 : index
    %get3A_44 = vector.load %arg9[%get3A_42, %get3A_43] : memref<1x100xf32, #tpu.memory_space<vmem>>, vector<1x100xf32>
    %add3A_45 = vector.broadcast %get3A_44 : vector<1x100xf32> to vector<1024x100xf32>
    %add3A_46 = arith.addf %dot_general3A_41, %add3A_45 : vector<1024x100xf32>
    %mul3A_47 = arith.constant 5.000000e-01 : f32
    %mul3A_48 = vector.broadcast %mul3A_47 : f32 to vector<1024x100xf32>
    %mul3A_49 = arith.mulf %mul3A_48, %add3A_46 : vector<1024x100xf32>
    %mul3A_50 = arith.constant 5.000000e-01 : f32
    %mul3A_51 = vector.broadcast %mul3A_50 : f32 to vector<1024x100xf32>
    %mul3A_52 = arith.mulf %mul3A_51, %add3A_36 : vector<1024x100xf32>
    %add3A_53 = arith.addf %mul3A_49, %mul3A_52 : vector<1024x100xf32>
    %get3A_54 = arith.constant 0 : index
    %get3A_55 = arith.constant 0 : index
    %get3A_56 = vector.load %arg7[%get3A_54, %get3A_55] : memref<64x100xf32, #tpu.memory_space<vmem>>, vector<64x100xf32>
    %dot_general3A_57 = arith.constant dense<0.000000e+00> : vector<1024x100xf32>
    %dot_general3A_58 = tpu.matmul %get3A_7, %get3A_56, %dot_general3A_57 {dimension_numbers = #tpu.dot_dimension_numbers<[1], [0], [0], [1], [0, 0, 1, 1], [], []>, transpose_lhs_hint = false} : vector<1024x64xf32>, vector<64x100xf32>, vector<1024x100xf32> -> vector<1024x100xf32>
    %add3A_59 = arith.addf %add3A_53, %dot_general3A_58 : vector<1024x100xf32>
    %get3A_60 = arith.constant 0 : index
    %get3A_61 = arith.constant 0 : index
    %get3A_62 = vector.load %arg10[%get3A_60, %get3A_61] : memref<1x100xf32, #tpu.memory_space<vmem>>, vector<1x100xf32>
    %add3A_63 = vector.broadcast %get3A_62 : vector<1x100xf32> to vector<1024x100xf32>
    %add3A_64 = arith.addf %add3A_59, %add3A_63 : vector<1024x100xf32>
    %max3A = arith.constant 0.000000e+00 : f32
    %max3A_65 = vector.broadcast %max3A : f32 to vector<1024x100xf32>
    %max3A_66 = arith.maximumf %add3A_64, %max3A_65 : vector<1024x100xf32>
    %get3A_67 = arith.constant 0 : index
    %get3A_68 = arith.constant 0 : index
    %get3A_69 = vector.load %arg11[%get3A_67, %get3A_68] : memref<100x40xf32, #tpu.memory_space<vmem>>, vector<100x40xf32>
    %dot_general3A_70 = arith.constant dense<0.000000e+00> : vector<1024x40xf32>
    %dot_general3A_71 = tpu.matmul %max3A_66, %get3A_69, %dot_general3A_70 {dimension_numbers = #tpu.dot_dimension_numbers<[1], [0], [0], [1], [0, 0, 1, 1], [], []>, transpose_lhs_hint = false} : vector<1024x100xf32>, vector<100x40xf32>, vector<1024x40xf32> -> vector<1024x40xf32>
    %get3A_72 = arith.constant 0 : index
    %get3A_73 = arith.constant 0 : index
    %get3A_74 = vector.load %arg12[%get3A_72, %get3A_73] : memref<1x40xf32, #tpu.memory_space<vmem>>, vector<1x40xf32>
    %add3A_75 = vector.broadcast %get3A_74 : vector<1x40xf32> to vector<1024x40xf32>
    %add3A_76 = arith.addf %dot_general3A_71, %add3A_75 : vector<1024x40xf32>
    %swap3A = arith.constant 0 : index
    %swap3A_77 = arith.constant 0 : index
    %swap3A_78 = vector.load %arg13[%swap3A, %swap3A_77] : memref<1024x40xf32, #tpu.memory_space<vmem>>, vector<1024x40xf32>
    tpu.vector_store %arg13[%swap3A, %swap3A_77], %add3A_76 {strides = array<i32>} : memref<1024x40xf32, #tpu.memory_space<vmem>>, vector<1024x40xf32>,
    return
  }
  func.func @transform_0(%arg0: i32) -> (i32, i32, i32) {
    %c0_i32 = arith.constant 0 : i32
    %c0_i32_0 = arith.constant 0 : i32
    %c0_i32_1 = arith.constant 0 : i32
    return %c0_i32, %c0_i32_0, %arg0 : i32, i32, i32
  }
  func.func @transform_1(%arg0: i32) -> (i32, i32, i32) {
    %c1_i32 = arith.constant 1 : i32
    %c0_i32 = arith.constant 0 : i32
    %c0_i32_0 = arith.constant 0 : i32
    return %c1_i32, %c0_i32, %arg0 : i32, i32, i32
  }
  func.func @transform_2(%arg0: i32) -> (i32, i32) {
    %c0_i32 = arith.constant 0 : i32
    %c0_i32_0 = arith.constant 0 : i32
    return %arg0, %c0_i32 : i32, i32
  }
  func.func @transform_3(%arg0: i32) -> (i32, i32) {
    %c0_i32 = arith.constant 0 : i32
    %c0_i32_0 = arith.constant 0 : i32
    return %arg0, %c0_i32 : i32, i32
  }
  func.func @transform_4(%arg0: i32) -> (i32, i32) {
    %c0_i32 = arith.constant 0 : i32
    %c0_i32_0 = arith.constant 0 : i32
    %c0_i32_1 = arith.constant 0 : i32
    return %c0_i32, %c0_i32_0 : i32, i32
  }
  func.func @transform_5(%arg0: i32) -> (i32, i32) {
    %c0_i32 = arith.constant 0 : i32
    %c0_i32_0 = arith.constant 0 : i32
    %c0_i32_1 = arith.constant 0 : i32
    return %c0_i32, %c0_i32_0 : i32, i32
  }
  func.func @transform_6(%arg0: i32) -> (i32, i32) {
    %c0_i32 = arith.constant 0 : i32
    %c0_i32_0 = arith.constant 0 : i32
    %c0_i32_1 = arith.constant 0 : i32
    return %c0_i32, %c0_i32_0 : i32, i32
  }
  func.func @transform_7(%arg0: i32) -> (i32, i32) {
    %c0_i32 = arith.constant 0 : i32
    %c0_i32_0 = arith.constant 0 : i32
    %c0_i32_1 = arith.constant 0 : i32
    return %c0_i32, %c0_i32_0 : i32, i32
  }
  func.func @transform_8(%arg0: i32) -> (i32, i32) {
    %c0_i32 = arith.constant 0 : i32
    %c0_i32_0 = arith.constant 0 : i32
    %c0_i32_1 = arith.constant 0 : i32
    return %c0_i32, %c0_i32_0 : i32, i32
  }
  func.func @transform_9(%arg0: i32) -> (i32, i32) {
    %c0_i32 = arith.constant 0 : i32
    %c0_i32_0 = arith.constant 0 : i32
    %c0_i32_1 = arith.constant 0 : i32
    return %c0_i32, %c0_i32_0 : i32, i32
  }
  func.func @transform_10(%arg0: i32) -> (i32, i32) {
    %c0_i32 = arith.constant 0 : i32
    %c0_i32_0 = arith.constant 0 : i32
    %c0_i32_1 = arith.constant 0 : i32
    return %c0_i32, %c0_i32_0 : i32, i32
  }
  func.func @transform_11(%arg0: i32) -> (i32, i32) {
    %c0_i32 = arith.constant 0 : i32
    %c0_i32_0 = arith.constant 0 : i32
    %c0_i32_1 = arith.constant 0 : i32
    return %c0_i32, %c0_i32_0 : i32, i32
  }
  func.func @transform_12(%arg0: i32) -> (i32, i32) {
    %c0_i32 = arith.constant 0 : i32
    %c0_i32_0 = arith.constant 0 : i32
    return %arg0, %c0_i32 : i32, i32
  }
}

</mosaic_0001>

<sc_bundles>
// kernel: kernel.11.cloned.1.call-start
scs
__scs_entry_jumppad:
0x0: {  	(pc) =	sbr.rel $0x88, $3  }
0x1: {  	(tag) =	ssettag $0x0;
	lr =	simm.s32 $0x1  }
0x2: {  	[smem:$0x3F91] =	sst lr;
	_ =	strace $0xD0000000  }
0x3: {  	_ = 	snop  }
0x4: {  	_ = 	snop  }
0x5: {  	_ = 	snop  }
0x6: {  	_ = 	snop  }
0x7: {  	_ = 	snop  }
__scs_overlays_trampoline_lowered:
0x8: {  	[smem:$0x3FA0] =	sst s0  }
0x9: {  	[smem:$0x3FA1] =	sst s1  }
0xa: {  	[smem:$0x3FA2] =	sst s2  }
0xb: {  	[smem:$0x3FA3] =	sst s3  }
0xc: {  	[smem:$0x3FA4] =	sst s4  }
0xd: {  	[smem:$0x3FA5] =	sst s5  }
0xe: {  	[smem:$0x3FA6] =	sst s6  }
0xf: {  	[smem:$0x3FA7] =	sst s7  }
0x10: {  	[smem:$0x3FA8] =	sst s8  }
0x11: {  	[smem:$0x3FA9] =	sst s9;
	s0 =	simm.s32 @!p0 $0x0  }
0x12: {  	s1 =	sld [smem:$0x3F8F];
	s0 =	simm.s32 @p0 $0x1  }
0x13: {  	[smem:$0x3FAA] =	sst s0;
	s0 =	simm.s32 @!p1 $0x0  }
0x14: {  	s2 =	sld [smem:$0x3F8E];
	s0 =	simm.s32 @p1 $0x1  }
0x15: {  	[smem:$0x3FAB] =	sst s0;
	s0 =	simm.s32 @!p2 $0x0  }
0x16: {  	s3 =	sld [smem:$0x3FDB];
	s0 =	simm.s32 @p2 $0x1  }
0x17: {  	s4 =	simm.s32 $0x1BF5;
	[smem:$0x3FAD] =	sst s0  }
0x18: {  	s0 =	sld [smem:$0x3F90];
	_ =	swait.ge [sflag:s4], $0x0  }
0x19: {  	s7 =	sld [smem:$0x3F91]  }
0x1a: {  	s8 =	sadd.s32 $0xFFFFE003, lr  }
0x1b: {  	s9 =	sadd.s32 $0xFFFFFEF7, lr;
	s5 =	simm.s32 $0xFFFFFFFF;
	p2 =	slt.u32 s8, $0xFFFFF086  }
0x1c: {  	p1 =	slt.u32 s9, $0xF7A;
	s5 =	simm.s32 @!p2 $0x0  }
0x1d: {  	s5 =	simm.s32 @p1 $0x1;
	p0 =	seq.s32 s7, s2  }
0x1e: {  	s7 =	smul.u32 @!p0 $0xF7A, s2;
	p2 =	seq.s32 @!p0 s5, $0x0  }
0x1f: {  	s9 =	smul.u32 $0xF7A, s1;
	s8 =	simm.s32 @!p0 $0x1BF5;
	p2 =	por !p2, p0  }
0x20: {  	[sflag:s8] =	ssyncset.s32 @!p0 $0xFFFFF086;
	s6 =	sadd.s32 @!p0 s3, s7;
	s7 =	simm.s32 @!p0 $0x108  }
0x21: {  	s3 =	sadd.s32 s3, s9;
	s6 =	sadd.s32 @!p0 $0x88, s6;
	s7 =	simm.s32 @p2 $0x1082  }
0x22: {  	[simem:s7], [sflag:s8] =	dma.local @!p0 [hbm:s6], $0xF7A  }
0x23: {  	s9 =	sor.u32 $0xD0000000, s2;
	s6 =	simm.s32 $0x108;
	_ =	swait.ge @!p0 [sflag:s8], $0x0  }
0x24: {  	s3 =	sadd.s32 $0x88, s3;
	s6 =	simm.s32 @!p1 $0x1082;
	[sflag:s4] =	ssyncset.s32 $0xFFFFF086  }
0x25: {  	[simem:s6], [sflag:s4] =	dma.local [hbm:s3], $0xF7A  }
0x26: {  	[smem:$0x3F91] =	sst s1;
	(tag) =	ssettag s2;
	_ =	strace s9  }
0x27: {  	s1 =	sld [smem:$0x3FA1]  }
0x28: {  	s2 =	sld [smem:$0x3FA2]  }
0x29: {  	s4 =	sld [smem:$0x3FA4]  }
0x2a: {  	p0 =	seq.s32 s5, $0x0;
	s5 =	sld [smem:$0x3FA5]  }
0x2b: {  	s6 =	sld [smem:$0x3FA6]  }
0x2c: {  	s7 =	sld [smem:$0x3FA7]  }
0x2d: {  	s3 =	simm.s32 $0x108;
	s8 =	sld [smem:$0x3FA8]  }
0x2e: {  	s3 =	simm.s32 @!p0 $0x1082;
	s9 =	sld [smem:$0x3FA9]  }
0x2f: {  	lr =	sadd.s32 s0, s3;
	s0 =	sld [smem:$0x3FA0]  }
0x30: {  	s3 =	sld [smem:$0x3FA3]  }
0x31: {  	[smem:$0x3FAC] =	sst s10  }
0x32: {  	s10 =	sld [smem:$0x3FAA];
	_ =	sdelay $0x3  }
0x33: {  	p0 =	seq.s32 s10, $0x1;
	s10 =	sld [smem:$0x3FAC];
	_ =	sdelay $0x3  }
0x34: {  	[smem:$0x3FAC] =	sst s10  }
0x35: {  	s10 =	sld [smem:$0x3FAB];
	_ =	sdelay $0x3  }
0x36: {  	p1 =	seq.s32 s10, $0x1;
	s10 =	sld [smem:$0x3FAC];
	_ =	sdelay $0x3  }
0x37: {  	[smem:$0x3FAC] =	sst s10  }
0x38: {  	s10 =	sld [smem:$0x3FAD]  }
0x39: {  	_ = 	snop;
	(pc) =	sbr.ind lr, $3  }
0x3a: {  	_ = 	snop  }
0x3b: {  	_ = 	snop  }
0x3c: {  	p2 =	seq.s32 s10, $0x1;
	s10 =	sld [smem:$0x3FAC]  }
0x3d: {  	_ =	shalt  }
0x3e: {  	_ =	shalt  }
0x3f: {  	_ =	shalt  }
0x40: {  	_ =	shalt  }
0x41: {  	_ =	shalt  }
0x42: {  	_ =	shalt  }
0x43: {  	_ =	shalt  }
0x44: {  	_ =	shalt  }
0x45: {  	_ =	shalt  }
0x46: {  	_ =	shalt  }
0x47: {  	_ =	shalt  }
0x48: {  	_ =	shalt  }
0x49: {  	_ =	shalt  }
0x4a: {  	_ =	shalt  }
0x4b: {  	_ =	shalt  }
0x4c: {  	_ =	shalt  }
0x4d: {  	_ =	shalt  }
0x4e: {  	_ =	shalt  }
0x4f: {  	_ =	shalt  }
0x50: {  	_ =	shalt  }
0x51: {  	_ =	shalt  }
0x52: {  	_ =	shalt  }
0x53: {  	_ =	shalt  }
0x54: {  	_ =	shalt  }
0x55: {  	_ =	shalt  }
0x56: {  	_ =	shalt  }
0x57: {  	_ =	shalt  }
0x58: {  	_ =	shalt  }
0x59: {  	_ =	shalt  }
0x5a: {  	_ =	shalt  }
0x5b: {  	_ =	shalt  }
0x5c: {  	_ =	shalt  }
0x5d: {  	_ =	shalt  }
0x5e: {  	_ =	shalt  }
0x5f: {  	_ =	shalt  }
0x60: {  	_ =	shalt  }
0x61: {  	_ =	shalt  }
0x62: {  	_ =	shalt  }
0x63: {  	_ =	shalt  }
0x64: {  	_ =	shalt  }
0x65: {  	_ =	shalt  }
0x66: {  	_ =	shalt  }
0x67: {  	_ =	shalt  }
0x68: {  	_ =	shalt  }
0x69: {  	_ =	shalt  }
0x6a: {  	_ =	shalt  }
0x6b: {  	_ =	shalt  }
0x6c: {  	_ =	shalt  }
0x6d: {  	_ =	shalt  }
0x6e: {  	_ =	shalt  }
0x6f: {  	_ =	shalt  }
0x70: {  	_ =	shalt  }
0x71: {  	_ =	shalt  }
0x72: {  	_ =	shalt  }
0x73: {  	_ =	shalt  }
0x74: {  	_ =	shalt  }
0x75: {  	_ =	shalt  }
0x76: {  	_ =	shalt  }
0x77: {  	_ =	shalt  }
0x78: {  	_ =	shalt  }
0x79: {  	_ =	shalt  }
0x7a: {  	_ =	shalt  }
0x7b: {  	_ =	shalt  }
0x7c: {  	_ =	shalt  }
0x7d: {  	_ =	shalt  }
0x7e: {  	_ =	shalt  }
0x7f: {  	_ =	shalt  }
0x80: {  	_ =	shalt  }
0x81: {  	_ =	shalt  }
0x82: {  	_ =	shalt  }
0x83: {  	_ =	shalt  }
0x84: {  	_ =	shalt  }
0x85: {  	_ =	shalt  }
0x86: {  	_ =	shalt  }
0x87: {  	_ =	shalt  }
.Lfunc_end0:
.L_simem_size_0:
called_computation.1_lowered:
.L_overlay_start_0:
0x88: {  	s2 =	sld [smem:$0x3FD9]  }
0x89: {  	s3 =	sld [smem:$0x3FFE];
	_ =	sdelay $0x1  }
0x8a: {  	s1 =	srdreg.scid  }
0x8b: {  	s0 =	sand.u32 $0x1, s1  }
0x8c: {  	s16 =	sshll.u32 s0, $0xA;
	s2 =	sadd.s32 s3, s2  }
0x8d: {  	s2 =	sadd.s32 s2, s16  }
0x8e: {  	[smem:$0x3FB8] =	sst s2  }
0x8f: {  	_ = 	snop  }
0x90: {  	(tm) =	ssettm $0x1  }
0x91: {  	s17 =	sld [smem:$0x3FFB];
	_ =	sdelay $0x3  }
0x92: {  	_ =	strace s17  }
0x93: {  	s2 =	sld [smem:$0x3FFC];
	_ =	sdelay $0x3  }
0x94: {  	_ =	strace s2  }
0x95: {  	s2 =	sld [smem:$0x3FFD];
	_ =	sdelay $0x3  }
0x96: {  	_ =	strace s2  }
0x97: {  	_ =	strace $0x8FFFFFFF  }
0x98: {  	s18 =	sld [smem:$0x3FDB];
	_ =	sdelay $0x1  }
0x99: {  	s19 =	simm.s32 $_scs_section_size  }
0x9a: {  	s4 =	simm.s32 $_size__tile_overlayer_lowered;
	s5 =	simm.s32 $_tile_overlayer_lowered  }
0x9b: {  	s22 =	simm.s32 $0x1BFF;
	s21 =	sshll.u32 s5, $0x1;
	s2 =	sadd.s32 s19, s18  }
0x9c: {  	s6 =	simm.s32 $0x0;
	s20 =	sshll.u32 s4, $0x1;
	s4 =	sadd.s32 s21, s2  }
0x9d: {  	[timem:s6], [sflag:s22] =	dma.local [hbm:s4], s20  }
0x9e: {  	_ =	swait.ge [sflag:s22], s20  }
0x9f: {  	s3 =	ssub.s32 $0x0, s20;
	[sflag:s22] =	ssyncset.done $0x0  }
0xa0: {  	[sflag:s22] =	ssyncadd.s32 s3;
	_ =	sdelay $0x1  }
0xa1: {  	s23 =	simm.s32 $0x1B8B  }
0xa2: {  	_ =	swait.ge [sflag:s23], $0x1  }
0xa3: {  	[sflag:s23] =	ssyncset.done $0x0  }
0xa4: {  	s25 =	simm.s32 $0x1B8E;
	s24 =	sld [smem:$0x3FFE];
	[sflag:s23] =	ssyncadd.s32 $0xFFFFFFFF  }
0xa5: {  	s26 =	simm.s32 $execute0_lowered;
	[smem:$0x3FD2] =	sst s25  }
0xa6: {  	s4 =	sshll.u32 s26, $0x1;
	_ =	strace $0x80000049;
	[dreg:$0x1] =	wrdreg $0xFFFFFFFF  }
0xa7: {  	s28 =	simm.s32 $_size_execute0_lowered;
	s2 =	sadd.s32 s2, s4;
	[dreg:$0x0] =	wrdreg $0x0  }
0xa8: {  	s4 =	sshll.u32 s28, $0x1;
	[dreg:$0x2] =	wrdreg s2  }
0xa9: {  	[dreg:$0x3] =	wrdreg s4  }
0xaa: {  	[dreg:$0x4] =	wrdreg $0xC0  }
0xab: {  	_ =	task [dreg:s6], $0x5FFFF  }
0xac: {  	[dreg:$0x1] =	wrdreg $0xFFFFFFFF  }
0xad: {  	[dreg:$0x0] =	wrdreg $0x60  }
0xae: {  	[dreg:$0x2] =	wrdreg s24  }
0xaf: {  	[dreg:$0x3] =	wrdreg $0x9  }
0xb0: {  	_ =	task.clear_ibuf [dreg:s6], $0x4FFFF;
	_ =	strace $0x90000049  }
0xb1: {  	s29 =	simm.s32 $0x9;
	_ =	strace $0x8000004B  }
0xb2: {  	_ =	swait.ge [sflag:s29], $0x1  }
0xb3: {  	[sflag:s29] =	ssyncadd.s32 $0xFFFFFFFF  }
0xb4: {  	_ =	strace $0x9000004B  }
0xb5: {  	_ =	sfence  }
0xb6: {  	s30 =	sld [smem:$0x0];
	_ =	sdelay $0x2  }
0xb7: {  	s31 =	sshll.u32 s1, $0xD;
	s1 =	sshrl.u32 s1, $0x2  }
0xb8: {  	s3 =	sand.u32 $0x4000, s31;
	s1 =	sadd.s32 s1, s30  }
0xb9: {  	s0 =	sor.u32 s3, s0;
	s1 =	sshll.u32 s1, $0x11  }
0xba: {  	s0 =	sor.u32 s1, s0  }
0xbb: {  	s0 =	sadd.s32 $0x8F2B, s0  }
0xbc: {  	[sflag:s0] =	ssyncadd.remote.s32 $0x1  }
0xbd: {  	_ =	sfence.sel $0xFFFF  }
0xbe: {  	[dreg:$0x0] =	wrdreg $0xFFFFFFFF;
	(pc) =	sbr.abs _section_cstart, $3  }
0xbf: {  	[dreg:$0x1] =	wrdreg $0xFFFFFFFF  }
0xc0: {  	_ =	task.clear_ibuf [dreg:s6], $0x2FFFF;
	_ =	strace $0x9FFFFFFF  }
0xc1: {  	(tm) =	ssettm $0x7FFFFFFF  }
tec
execute0_lowered:
.L_overlay_start_1:
0x0: {  	(tag) =	ssettag $0x1  }
0x1: {  	s0 =	rddreg [dreg:$0x0];
	s2 =	simm.s32 $0x0  }
0x2: {  	s1 =	srdreg.scid;
	s3 =	stileid.u32;
	s28 =	simm.s32 $0x7800  }
0x3: {  	s29 =	simm.s32 $0x11800;
	s30 =	simm.s32 $0x100;
	s31 =	simm.s32 $0x14000  }
0x4: {  	[smem:$0x7FF] =	sst s2;
	s1 =	sand.u32 $0x1, s1;
	s7 =	smul.u32 $0xA000, s3  }
0x5: {  	s8 =	sadd.s32 $0x79800, s0;
	s3 =	sadd.s32 $0x3000, s0;
	s4 =	sadd.s32 $0x17000, s0  }
0x6: {  	s5 =	sadd.s32 $0x2B000, s0;
	s0 =	sadd.s32 $0xA1800, s0;
	s6 =	smul.u32 $0xA0000, s1  }
0x7: {  	_ =	strace $0x8000004A;
	s9 =	ssub.s32 $0x2, s1;
	s22 =	sshll.u32 s1, $0x4  }
0x8: {  	s18 =	sshrl.u32 s9, $0x1;
	s23 =	sadd.s32 s3, s22;
	s24 =	sadd.s32 s4, s22  }
0x9: {  	s22 =	simm.s32 $0xA000;
	s6 =	sadd.s32 s7, s6;
	[dreg:$0x6] =	wrdreg s23  }
0xa: {  	s7 =	ssub.s32 s9, s18;
	[dreg:$0x7] =	wrdreg s24;
	s23 =	simm.s32 $0x2800  }
0xb: {  	s24 =	simm.s32 $0xC800;
	s9 =	simm.s32 $0x0;
	s6 =	sshrl.u32 s6, $0x3  }
0xc: {  	s18 =	smax.u32 s7, $0x1;
	s7 =	simm.s32 $0x1A000;
	s19 =	sadd.s32 s8, s6  }
0xd: {  	s20 =	sor.u32 $0x10, s6;
	s11 =	sor.u32 $0x20, s6;
	s12 =	sor.u32 $0x30, s6  }
0xe: {  	s25 =	sadd.s32 s0, s6;
	s6 =	simm.s32 $0x18000;
	[dreg:$0x2] =	wrdreg s19  }
0xf: {  	s10 =	sadd.s32 s8, s20;
	s21 =	sadd.s32 s8, s11;
	s8 =	sadd.s32 s8, s12  }
0x10: {  	[dreg:$0x8] =	wrdreg s25;
	s26 =	sadd.s32 s0, s20;
	s16 =	sadd.s32 s0, s11  }
0x11: {  	s17 =	sadd.s32 s0, s12;
	s19 =	simm.s32 $0x80;
	[dreg:$0x3] =	wrdreg s10  }
0x12: {  	s20 =	simm.s32 $0x200;
	s25 =	simm.s32 $0x5000;
	[dreg:$0x4] =	wrdreg s21  }
0x13: {  	s0 =	simm.s32 $0x16000;
	[dreg:$0x5] =	wrdreg s8;
	s10 =	sshll.u32 s1, $0x7  }
0x14: {  	[dreg:$0x9] =	wrdreg s26;
	s21 =	simm.s32 $0x3;
	s26 =	simm.s32 $0xF000  }
0x15: {  	s1 =	simm.s32 $0x1;
	s8 =	simm.s32 $0x2;
	s13 =	sor.u32 $0x8000, s10  }
.LBB2_1:
0x16: {  	s11 =	rddreg [dreg:$0x2]  }
0x17: {  	[tilespmem:s2], [sflag:$0x3] =	stream.strided.gather [hbm4b:s11+s19], $0x2800, s20, s19, $0x38;
	[tilespmem:$0x1C000] =	vst v63  }
0x18: {  	_ =	swait.ge [sflag:s21], $0x2800  }
0x19: {  	[sflag:s21] =	ssyncset.done $0x0  }
0x1a: {  	[sflag:s21] =	ssyncadd.s32 $0xFFFFD800  }
0x1b: {  	[tilespmem:s22], [sflag:$0x3] =	stream.linear.gather [hbm4b:s5+s2], $0x2800, $0x38;
	[tilespmem:$0x1C000] =	vst v63  }
0x1c: {  	_ =	swait.ge [sflag:s21], $0x2800  }
0x1d: {  	[sflag:s21] =	ssyncset.done $0x0  }
0x1e: {  	s14 =	rddreg [dreg:$0x3];
	[sflag:s21] =	ssyncadd.s32 $0xFFFFD800  }
0x1f: {  	[tilespmem:s23], [sflag:$0x3] =	stream.strided.gather [hbm4b:s14+s19], $0x2800, s20, s19, $0x38;
	[tilespmem:$0x1C000] =	vst v63  }
0x20: {  	_ =	swait.ge [sflag:s21], $0x2800  }
0x21: {  	[sflag:s21] =	ssyncset.done $0x0  }
0x22: {  	[sflag:s21] =	ssyncadd.s32 $0xFFFFD800  }
0x23: {  	[tilespmem:s24], [sflag:$0x3] =	stream.linear.gather [hbm4b:s5+s2], $0x2800, $0x38;
	[tilespmem:$0x1C000] =	vst v63  }
0x24: {  	_ =	swait.ge [sflag:s21], $0x2800  }
0x25: {  	[sflag:s21] =	ssyncset.done $0x0  }
0x26: {  	s15 =	rddreg [dreg:$0x4];
	[sflag:s21] =	ssyncadd.s32 $0xFFFFD800  }
0x27: {  	[tilespmem:s25], [sflag:$0x3] =	stream.strided.gather [hbm4b:s15+s19], $0x2800, s20, s19, $0x38;
	[tilespmem:$0x1C000] =	vst v63  }
0x28: {  	_ =	swait.ge [sflag:s21], $0x2800  }
0x29: {  	[sflag:s21] =	ssyncset.done $0x0  }
0x2a: {  	[sflag:s21] =	ssyncadd.s32 $0xFFFFD800  }
0x2b: {  	[tilespmem:s26], [sflag:$0x3] =	stream.linear.gather [hbm4b:s5+s2], $0x2800, $0x38;
	[tilespmem:$0x1C000] =	vst v63  }
0x2c: {  	_ =	swait.ge [sflag:s21], $0x2800  }
0x2d: {  	[sflag:s21] =	ssyncset.done $0x0  }
0x2e: {  	s12 =	rddreg [dreg:$0x5];
	[sflag:s21] =	ssyncadd.s32 $0xFFFFD800  }
0x2f: {  	[tilespmem:s28], [sflag:$0x3] =	stream.strided.gather [hbm4b:s12+s19], $0x2800, s20, s19, $0x38;
	[tilespmem:$0x1C000] =	vst v63  }
0x30: {  	_ =	swait.ge [sflag:s21], $0x2800  }
0x31: {  	[sflag:s21] =	ssyncset.done $0x0  }
0x32: {  	[sflag:s21] =	ssyncadd.s32 $0xFFFFD800  }
0x33: {  	[tilespmem:s29], [sflag:$0x3] =	stream.linear.gather [hbm4b:s5+s2], $0x2800, $0x38;
	[tilespmem:$0x1C000] =	vst v63  }
0x34: {  	_ =	swait.ge [sflag:s21], $0x2800  }
0x35: {  	[sflag:s21] =	ssyncset.done $0x0  }
0x36: {  	s14 =	rddreg [dreg:$0x6];
	[sflag:s21] =	ssyncadd.s32 $0xFFFFD800  }
0x37: {  	[tilespmem:s31], [sflag:$0x1] =	stream.strided.gather [hbm4b:s14+s19], $0x2000, s30, s19, $0x38;
	[tilespmem:$0x1C000] =	vst v63  }
0x38: {  	s11 =	simm.s32 $0x0;
	s15 =	rddreg [dreg:$0x7]  }
0x39: {  	[tilespmem:s0], [sflag:$0x1] =	stream.strided.gather [hbm4b:s15+s19], $0x2000, s30, s19, $0x38;
	[tilespmem:$0x1C000] =	vst v63  }
.LBB2_2:
0x3a: {  	_ =	swait.ge [sflag:s1], $0x2000  }
0x3b: {  	s12 =	sshll.u32 s11, $0xF;
	[sflag:s1] =	ssyncset.done $0x0  }
0x3c: {  	s12 =	sor.u32 s10, s12;
	[sflag:s1] =	ssyncadd.s32 $0xFFFFE000  }
0x3d: {  	s12 =	sshrl.u32 s12, $0x3;
	_ =	swait.ge [sflag:s1], $0x2000  }
0x3e: {  	s12 =	sor.u32 $0x800, s12;
	[sflag:s1] =	ssyncset.done $0x0  }
0x3f: {  	s14 =	sadd.s32 s3, s12;
	[sflag:s1] =	ssyncadd.s32 $0xFFFFE000  }
0x40: {  	[tilespmem:s6], [sflag:$0x2] =	stream.strided.gather [hbm4b:s14+s19], $0x2000, s30, s19, $0x38;
	[tilespmem:$0x1C000] =	vst v63  }
0x41: {  	s15 =	simm.s32 $0x14040;
	s12 =	sadd.s32 s4, s12  }
0x42: {  	[tilespmem:s7], [sflag:$0x2] =	stream.strided.gather [hbm4b:s12+s19], $0x2000, s30, s19, $0x38;
	[tilespmem:$0x1C000] =	vst v63  }
0x43: {  	v0 =	vld [tilespmem:s15+$0x30]  }
0x44: {  	v1 =	vld [tilespmem:s15+$0xFFFFFFD0]  }
0x45: {  	v2 =	vld [tilespmem:s15+$0xFFFFFFE0]  }
0x46: {  	v3 =	vld [tilespmem:s15+$0xFFFFFFF0]  }
0x47: {  	v4 =	vld [tilespmem:s15+$0x0]  }
0x48: {  	s12 =	simm.s32 $0x16040;
	v5 =	vld [tilespmem:s15+$0x10]  }
0x49: {  	v6 =	vld [tilespmem:s12+$0x30]  }
0x4a: {  	v7 =	vld [tilespmem:s15+$0x20]  }
0x4b: {  	v9 =	vld [tilespmem:s15+$0xFFFFFFC0]  }
0x4c: {  	v17 =	vld [tilespmem:s12+$0xFFFFFFC0]  }
0x4d: {  	v18 =	vld [tilespmem:s12+$0xFFFFFFD0]  }
0x4e: {  	v19 =	vld [tilespmem:s12+$0xFFFFFFE0]  }
0x4f: {  	v20 =	vld [tilespmem:s12+$0xFFFFFFF0]  }
0x50: {  	v21 =	vld [tilespmem:s12+$0x0]  }
0x51: {  	v22 =	vld [tilespmem:s12+$0x10]  }
0x52: {  	v23 =	vld [tilespmem:s12+$0x20]  }
0x53: {  	v8 =	vld.idx.msk [tilespmem:v0+s2+$0x0], $0xffff  }
0x54: {  	v10 =	vld.idx.msk [tilespmem:v1+s2+$0x0], $0xffff  }
0x55: {  	v11 =	vld.idx.msk [tilespmem:v2+s2+$0x0], $0xffff  }
0x56: {  	v12 =	vld.idx.msk [tilespmem:v3+s2+$0x0], $0xffff  }
0x57: {  	v15 =	vld.idx.msk [tilespmem:v9+s2+$0x0], $0xffff  }
0x58: {  	v13 =	vld.idx.msk [tilespmem:v4+s2+$0x0], $0xffff  }
0x59: {  	v14 =	vld.idx.msk [tilespmem:v5+s2+$0x0], $0xffff  }
0x5a: {  	v16 =	vld.idx.msk [tilespmem:v7+s2+$0x0], $0xffff  }
0x5b: {  	[tilespmem:v6+s22+$0x0] =	vst.idx.add.f32.msk $0xffff, v8  }
0x5c: {  	[tilespmem:v17+s22+$0x0] =	vst.idx.add.f32.msk $0xffff, v15  }
0x5d: {  	[tilespmem:v18+s22+$0x0] =	vst.idx.add.f32.msk $0xffff, v10  }
0x5e: {  	[tilespmem:v19+s22+$0x0] =	vst.idx.add.f32.msk $0xffff, v11  }
0x5f: {  	[tilespmem:v20+s22+$0x0] =	vst.idx.add.f32.msk $0xffff, v12  }
0x60: {  	[tilespmem:v21+s22+$0x0] =	vst.idx.add.f32.msk $0xffff, v13  }
0x61: {  	[tilespmem:v22+s22+$0x0] =	vst.idx.add.f32.msk $0xffff, v14  }
0x62: {  	[tilespmem:v23+s22+$0x0] =	vst.idx.add.f32.msk $0xffff, v16  }
0x63: {  	v8 =	vld.idx.msk [tilespmem:v0+s23+$0x0], $0xffff  }
0x64: {  	v56 =	vld.idx.msk [tilespmem:v9+s23+$0x0], $0xffff  }
0x65: {  	v57 =	vld.idx.msk [tilespmem:v1+s23+$0x0], $0xffff  }
0x66: {  	v58 =	vld.idx.msk [tilespmem:v2+s23+$0x0], $0xffff  }
0x67: {  	v59 =	vld.idx.msk [tilespmem:v3+s23+$0x0], $0xffff  }
0x68: {  	v60 =	vld.idx.msk [tilespmem:v4+s23+$0x0], $0xffff  }
0x69: {  	v61 =	vld.idx.msk [tilespmem:v5+s23+$0x0], $0xffff  }
0x6a: {  	v62 =	vld.idx.msk [tilespmem:v7+s23+$0x0], $0xffff  }
0x6b: {  	[tilespmem:v6+s24+$0x0] =	vst.idx.add.f32.msk $0xffff, v8  }
0x6c: {  	[tilespmem:v17+s24+$0x0] =	vst.idx.add.f32.msk $0xffff, v56  }
0x6d: {  	[tilespmem:v18+s24+$0x0] =	vst.idx.add.f32.msk $0xffff, v57  }
0x6e: {  	[tilespmem:v19+s24+$0x0] =	vst.idx.add.f32.msk $0xffff, v58  }
0x6f: {  	[tilespmem:v20+s24+$0x0] =	vst.idx.add.f32.msk $0xffff, v59  }
0x70: {  	[tilespmem:v21+s24+$0x0] =	vst.idx.add.f32.msk $0xffff, v60  }
0x71: {  	[tilespmem:v22+s24+$0x0] =	vst.idx.add.f32.msk $0xffff, v61  }
0x72: {  	[tilespmem:v23+s24+$0x0] =	vst.idx.add.f32.msk $0xffff, v62  }
0x73: {  	v8 =	vld.idx.msk [tilespmem:v0+s25+$0x0], $0xffff  }
0x74: {  	v10 =	vld.idx.msk [tilespmem:v3+s25+$0x0], $0xffff  }
0x75: {  	v11 =	vld.idx.msk [tilespmem:v4+s25+$0x0], $0xffff  }
0x76: {  	v12 =	vld.idx.msk [tilespmem:v5+s25+$0x0], $0xffff  }
0x77: {  	v13 =	vld.idx.msk [tilespmem:v7+s25+$0x0], $0xffff  }
0x78: {  	[tilespmem:v6+s26+$0x0] =	vst.idx.add.f32.msk $0xffff, v8  }
0x79: {  	v8 =	vld.idx.msk [tilespmem:v2+s25+$0x0], $0xffff  }
0x7a: {  	[tilespmem:v20+s26+$0x0] =	vst.idx.add.f32.msk $0xffff, v10  }
0x7b: {  	[tilespmem:v21+s26+$0x0] =	vst.idx.add.f32.msk $0xffff, v11  }
0x7c: {  	[tilespmem:v22+s26+$0x0] =	vst.idx.add.f32.msk $0xffff, v12  }
0x7d: {  	[tilespmem:v23+s26+$0x0] =	vst.idx.add.f32.msk $0xffff, v13  }
0x7e: {  	v0 =	vld.idx.msk [tilespmem:v0+s28+$0x0], $0xffff  }
0x7f: {  	v3 =	vld.idx.msk [tilespmem:v3+s28+$0x0], $0xffff  }
0x80: {  	v4 =	vld.idx.msk [tilespmem:v4+s28+$0x0], $0xffff  }
0x81: {  	v5 =	vld.idx.msk [tilespmem:v5+s28+$0x0], $0xffff  }
0x82: {  	v63 =	vld.idx.msk [tilespmem:v7+s28+$0x0], $0xffff  }
0x83: {  	[tilespmem:v19+s26+$0x0] =	vst.idx.add.f32.msk $0xffff, v8  }
0x84: {  	[tilespmem:v6+s29+$0x0] =	vst.idx.add.f32.msk $0xffff, v0  }
0x85: {  	v0 =	vld.idx.msk [tilespmem:v9+s25+$0x0], $0xffff  }
0x86: {  	v6 =	vld.idx.msk [tilespmem:v1+s25+$0x0], $0xffff  }
0x87: {  	v2 =	vld.idx.msk [tilespmem:v2+s28+$0x0], $0xffff  }
0x88: {  	[tilespmem:v20+s29+$0x0] =	vst.idx.add.f32.msk $0xffff, v3  }
0x89: {  	[tilespmem:v21+s29+$0x0] =	vst.idx.add.f32.msk $0xffff, v4  }
0x8a: {  	[tilespmem:v17+s26+$0x0] =	vst.idx.add.f32.msk $0xffff, v0  }
0x8b: {  	[tilespmem:v18+s26+$0x0] =	vst.idx.add.f32.msk $0xffff, v6  }
0x8c: {  	v0 =	vld.idx.msk [tilespmem:v9+s28+$0x0], $0xffff  }
0x8d: {  	v1 =	vld.idx.msk [tilespmem:v1+s28+$0x0], $0xffff  }
0x8e: {  	[tilespmem:v22+s29+$0x0] =	vst.idx.add.f32.msk $0xffff, v5  }
0x8f: {  	[tilespmem:v23+s29+$0x0] =	vst.idx.add.f32.msk $0xffff, v63  }
0x90: {  	[tilespmem:v19+s29+$0x0] =	vst.idx.add.f32.msk $0xffff, v2  }
0x91: {  	[tilespmem:v17+s29+$0x0] =	vst.idx.add.f32.msk $0xffff, v0  }
0x92: {  	s14 =	simm.s32 $0x0;
	s15 =	simm.s32 $0x140C0;
	[tilespmem:v18+s29+$0x0] =	vst.idx.add.f32.msk $0xffff, v1  }
.LBB2_3:
0x93: {  	v6 =	vld [tilespmem:s15+$0x30];
	s14 =	sadd.s32 $0x8, s14  }
0x94: {  	v0 =	vld [tilespmem:s15+$0xFFFFFFD0];
	p0 =	slt.u32 s14, $0x1F8  }
0x95: {  	v1 =	vld [tilespmem:s15+$0xFFFFFFE0]  }
0x96: {  	v2 =	vld [tilespmem:s15+$0xFFFFFFF0]  }
0x97: {  	v3 =	vld [tilespmem:s15+$0x0]  }
0x98: {  	s12 =	sadd.s32 $0x80, s12;
	v4 =	vld [tilespmem:s15+$0x10]  }
0x99: {  	v7 =	vld [tilespmem:s12+$0x30]  }
0x9a: {  	v5 =	vld [tilespmem:s15+$0x20]  }
0x9b: {  	v8 =	vld.idx.msk [tilespmem:v6+s2+$0x0], $0xffff  }
0x9c: {  	v9 =	vld [tilespmem:s15+$0xFFFFFFC0]  }
0x9d: {  	v10 =	vld.idx.msk [tilespmem:v0+s2+$0x0], $0xffff  }
0x9e: {  	v11 =	vld.idx.msk [tilespmem:v1+s2+$0x0], $0xffff  }
0x9f: {  	v12 =	vld.idx.msk [tilespmem:v2+s2+$0x0], $0xffff  }
0xa0: {  	v13 =	vld.idx.msk [tilespmem:v3+s2+$0x0], $0xffff  }
0xa1: {  	[tilespmem:v7+s22+$0x0] =	vst.idx.add.f32.msk $0xffff, v8  }
0xa2: {  	v8 =	vld.idx.msk [tilespmem:v6+s23+$0x0], $0xffff  }
0xa3: {  	v14 =	vld.idx.msk [tilespmem:v4+s2+$0x0], $0xffff  }
0xa4: {  	v15 =	vld.idx.msk [tilespmem:v9+s2+$0x0], $0xffff  }
0xa5: {  	v16 =	vld.idx.msk [tilespmem:v5+s2+$0x0], $0xffff  }
0xa6: {  	v17 =	vld [tilespmem:s12+$0xFFFFFFC0]  }
0xa7: {  	v18 =	vld [tilespmem:s12+$0xFFFFFFD0]  }
0xa8: {  	[tilespmem:v7+s24+$0x0] =	vst.idx.add.f32.msk $0xffff, v8  }
0xa9: {  	v8 =	vld.idx.msk [tilespmem:v6+s25+$0x0], $0xffff  }
0xaa: {  	v19 =	vld [tilespmem:s12+$0xFFFFFFE0]  }
0xab: {  	v20 =	vld [tilespmem:s12+$0xFFFFFFF0]  }
0xac: {  	v21 =	vld [tilespmem:s12+$0x0]  }
0xad: {  	v22 =	vld [tilespmem:s12+$0x10]  }
0xae: {  	v23 =	vld [tilespmem:s12+$0x20]  }
0xaf: {  	[tilespmem:v7+s26+$0x0] =	vst.idx.add.f32.msk $0xffff, v8  }
0xb0: {  	v6 =	vld.idx.msk [tilespmem:v6+s28+$0x0], $0xffff  }
0xb1: {  	[tilespmem:v17+s22+$0x0] =	vst.idx.add.f32.msk $0xffff, v15  }
0xb2: {  	[tilespmem:v18+s22+$0x0] =	vst.idx.add.f32.msk $0xffff, v10  }
0xb3: {  	[tilespmem:v19+s22+$0x0] =	vst.idx.add.f32.msk $0xffff, v11  }
0xb4: {  	[tilespmem:v20+s22+$0x0] =	vst.idx.add.f32.msk $0xffff, v12  }
0xb5: {  	[tilespmem:v21+s22+$0x0] =	vst.idx.add.f32.msk $0xffff, v13  }
0xb6: {  	[tilespmem:v7+s29+$0x0] =	vst.idx.add.f32.msk $0xffff, v6  }
0xb7: {  	[tilespmem:v22+s22+$0x0] =	vst.idx.add.f32.msk $0xffff, v14  }
0xb8: {  	[tilespmem:v23+s22+$0x0] =	vst.idx.add.f32.msk $0xffff, v16  }
0xb9: {  	v6 =	vld.idx.msk [tilespmem:v9+s23+$0x0], $0xffff  }
0xba: {  	v7 =	vld.idx.msk [tilespmem:v0+s23+$0x0], $0xffff  }
0xbb: {  	v8 =	vld.idx.msk [tilespmem:v1+s23+$0x0], $0xffff  }
0xbc: {  	v10 =	vld.idx.msk [tilespmem:v2+s23+$0x0], $0xffff  }
0xbd: {  	v11 =	vld.idx.msk [tilespmem:v3+s23+$0x0], $0xffff  }
0xbe: {  	v12 =	vld.idx.msk [tilespmem:v4+s23+$0x0], $0xffff  }
0xbf: {  	v13 =	vld.idx.msk [tilespmem:v5+s23+$0x0], $0xffff  }
0xc0: {  	[tilespmem:v17+s24+$0x0] =	vst.idx.add.f32.msk $0xffff, v6  }
0xc1: {  	[tilespmem:v18+s24+$0x0] =	vst.idx.add.f32.msk $0xffff, v7  }
0xc2: {  	[tilespmem:v19+s24+$0x0] =	vst.idx.add.f32.msk $0xffff, v8  }
0xc3: {  	[tilespmem:v20+s24+$0x0] =	vst.idx.add.f32.msk $0xffff, v10  }
0xc4: {  	[tilespmem:v21+s24+$0x0] =	vst.idx.add.f32.msk $0xffff, v11  }
0xc5: {  	[tilespmem:v22+s24+$0x0] =	vst.idx.add.f32.msk $0xffff, v12  }
0xc6: {  	[tilespmem:v23+s24+$0x0] =	vst.idx.add.f32.msk $0xffff, v13  }
0xc7: {  	v6 =	vld.idx.msk [tilespmem:v9+s25+$0x0], $0xffff  }
0xc8: {  	v7 =	vld.idx.msk [tilespmem:v0+s25+$0x0], $0xffff  }
0xc9: {  	v8 =	vld.idx.msk [tilespmem:v1+s25+$0x0], $0xffff  }
0xca: {  	v10 =	vld.idx.msk [tilespmem:v2+s25+$0x0], $0xffff  }
0xcb: {  	v11 =	vld.idx.msk [tilespmem:v3+s25+$0x0], $0xffff  }
0xcc: {  	v12 =	vld.idx.msk [tilespmem:v4+s25+$0x0], $0xffff  }
0xcd: {  	v13 =	vld.idx.msk [tilespmem:v5+s25+$0x0], $0xffff  }
0xce: {  	[tilespmem:v17+s26+$0x0] =	vst.idx.add.f32.msk $0xffff, v6  }
0xcf: {  	[tilespmem:v18+s26+$0x0] =	vst.idx.add.f32.msk $0xffff, v7  }
0xd0: {  	[tilespmem:v19+s26+$0x0] =	vst.idx.add.f32.msk $0xffff, v8  }
0xd1: {  	[tilespmem:v20+s26+$0x0] =	vst.idx.add.f32.msk $0xffff, v10  }
0xd2: {  	[tilespmem:v21+s26+$0x0] =	vst.idx.add.f32.msk $0xffff, v11  }
0xd3: {  	[tilespmem:v22+s26+$0x0] =	vst.idx.add.f32.msk $0xffff, v12  }
0xd4: {  	[tilespmem:v23+s26+$0x0] =	vst.idx.add.f32.msk $0xffff, v13  }
0xd5: {  	v6 =	vld.idx.msk [tilespmem:v9+s28+$0x0], $0xffff  }
0xd6: {  	v0 =	vld.idx.msk [tilespmem:v0+s28+$0x0], $0xffff  }
0xd7: {  	v1 =	vld.idx.msk [tilespmem:v1+s28+$0x0], $0xffff  }
0xd8: {  	v2 =	vld.idx.msk [tilespmem:v2+s28+$0x0], $0xffff  }
0xd9: {  	v3 =	vld.idx.msk [tilespmem:v3+s28+$0x0], $0xffff  }
0xda: {  	v4 =	vld.idx.msk [tilespmem:v4+s28+$0x0], $0xffff  }
0xdb: {  	v5 =	vld.idx.msk [tilespmem:v5+s28+$0x0], $0xffff  }
0xdc: {  	[tilespmem:v17+s29+$0x0] =	vst.idx.add.f32.msk $0xffff, v6  }
0xdd: {  	[tilespmem:v18+s29+$0x0] =	vst.idx.add.f32.msk $0xffff, v0  }
.Ltmp0:
0xde: {  	[tilespmem:v19+s29+$0x0] =	vst.idx.add.f32.msk $0xffff, v1;
	(pc) =	sbr.rel @p0 .LBB2_3-.Ltmp0, $4  }
0xdf: {  	[tilespmem:v20+s29+$0x0] =	vst.idx.add.f32.msk $0xffff, v2  }
0xe0: {  	[tilespmem:v21+s29+$0x0] =	vst.idx.add.f32.msk $0xffff, v3  }
0xe1: {  	[tilespmem:v22+s29+$0x0] =	vst.idx.add.f32.msk $0xffff, v4  }
0xe2: {  	s15 =	sadd.s32 $0x80, s15;
	[tilespmem:v23+s29+$0x0] =	vst.idx.add.f32.msk $0xffff, v5  }
0xe3: {  	s12 =	sshll.u32 s11, $0x1;
	_ =	swait.ge [sflag:s8], $0x2000  }
0xe4: {  	[sflag:s8] =	ssyncset.done $0x0;
	s12 =	smin.u32 s12, $0x25  }
0xe5: {  	[sflag:s8] =	ssyncadd.s32 $0xFFFFE000;
	s12 =	sshll.u32 s12, $0xE  }
0xe6: {  	_ =	swait.ge [sflag:s8], $0x2000;
	s12 =	sadd.s32 s13, s12  }
0xe7: {  	[sflag:s8] =	ssyncset.done $0x0;
	s12 =	sshrl.u32 s12, $0x3  }
0xe8: {  	[sflag:s8] =	ssyncadd.s32 $0xFFFFE000;
	s14 =	sadd.s32 s3, s12  }
0xe9: {  	[tilespmem:s31], [sflag:$0x1] =	stream.strided.gather [hbm4b:s14+s19], $0x2000, s30, s19, $0x38;
	[tilespmem:$0x1C000] =	vst v63  }
0xea: {  	s15 =	simm.s32 $0x18040;
	s12 =	sadd.s32 s4, s12  }
0xeb: {  	[tilespmem:s0], [sflag:$0x1] =	stream.strided.gather [hbm4b:s12+s19], $0x2000, s30, s19, $0x38;
	[tilespmem:$0x1C000] =	vst v63  }
0xec: {  	v0 =	vld [tilespmem:s15+$0x30]  }
0xed: {  	v1 =	vld [tilespmem:s15+$0xFFFFFFD0]  }
0xee: {  	v2 =	vld [tilespmem:s15+$0xFFFFFFE0]  }
0xef: {  	v3 =	vld [tilespmem:s15+$0xFFFFFFF0]  }
0xf0: {  	v4 =	vld [tilespmem:s15+$0x0]  }
0xf1: {  	s12 =	simm.s32 $0x1A040;
	v5 =	vld [tilespmem:s15+$0x10]  }
0xf2: {  	v6 =	vld [tilespmem:s12+$0x30]  }
0xf3: {  	v7 =	vld [tilespmem:s15+$0x20]  }
0xf4: {  	v9 =	vld [tilespmem:s15+$0xFFFFFFC0]  }
0xf5: {  	v17 =	vld [tilespmem:s12+$0xFFFFFFC0]  }
0xf6: {  	v18 =	vld [tilespmem:s12+$0xFFFFFFD0]  }
0xf7: {  	v19 =	vld [tilespmem:s12+$0xFFFFFFE0]  }
0xf8: {  	v20 =	vld [tilespmem:s12+$0xFFFFFFF0]  }
0xf9: {  	v21 =	vld [tilespmem:s12+$0x0]  }
0xfa: {  	v22 =	vld [tilespmem:s12+$0x10]  }
0xfb: {  	v23 =	vld [tilespmem:s12+$0x20]  }
0xfc: {  	v8 =	vld.idx.msk [tilespmem:v0+s2+$0x0], $0xffff  }
0xfd: {  	v10 =	vld.idx.msk [tilespmem:v1+s2+$0x0], $0xffff  }
0xfe: {  	v11 =	vld.idx.msk [tilespmem:v2+s2+$0x0], $0xffff  }
0xff: {  	v12 =	vld.idx.msk [tilespmem:v3+s2+$0x0], $0xffff  }
0x100: {  	v15 =	vld.idx.msk [tilespmem:v9+s2+$0x0], $0xffff  }
0x101: {  	v13 =	vld.idx.msk [tilespmem:v4+s2+$0x0], $0xffff  }
0x102: {  	v14 =	vld.idx.msk [tilespmem:v5+s2+$0x0], $0xffff  }
0x103: {  	v16 =	vld.idx.msk [tilespmem:v7+s2+$0x0], $0xffff  }
0x104: {  	[tilespmem:v6+s22+$0x0] =	vst.idx.add.f32.msk $0xffff, v8  }
0x105: {  	[tilespmem:v17+s22+$0x0] =	vst.idx.add.f32.msk $0xffff, v15  }
0x106: {  	[tilespmem:v18+s22+$0x0] =	vst.idx.add.f32.msk $0xffff, v10  }
0x107: {  	[tilespmem:v19+s22+$0x0] =	vst.idx.add.f32.msk $0xffff, v11  }
0x108: {  	[tilespmem:v20+s22+$0x0] =	vst.idx.add.f32.msk $0xffff, v12  }
0x109: {  	[tilespmem:v21+s22+$0x0] =	vst.idx.add.f32.msk $0xffff, v13  }
0x10a: {  	[tilespmem:v22+s22+$0x0] =	vst.idx.add.f32.msk $0xffff, v14  }
0x10b: {  	[tilespmem:v23+s22+$0x0] =	vst.idx.add.f32.msk $0xffff, v16  }
0x10c: {  	v8 =	vld.idx.msk [tilespmem:v0+s23+$0x0], $0xffff  }
0x10d: {  	v56 =	vld.idx.msk [tilespmem:v9+s23+$0x0], $0xffff  }
0x10e: {  	v57 =	vld.idx.msk [tilespmem:v1+s23+$0x0], $0xffff  }
0x10f: {  	v58 =	vld.idx.msk [tilespmem:v2+s23+$0x0], $0xffff  }
0x110: {  	v59 =	vld.idx.msk [tilespmem:v3+s23+$0x0], $0xffff  }
0x111: {  	v60 =	vld.idx.msk [tilespmem:v4+s23+$0x0], $0xffff  }
0x112: {  	v61 =	vld.idx.msk [tilespmem:v5+s23+$0x0], $0xffff  }
0x113: {  	v62 =	vld.idx.msk [tilespmem:v7+s23+$0x0], $0xffff  }
0x114: {  	[tilespmem:v6+s24+$0x0] =	vst.idx.add.f32.msk $0xffff, v8  }
0x115: {  	[tilespmem:v17+s24+$0x0] =	vst.idx.add.f32.msk $0xffff, v56  }
0x116: {  	[tilespmem:v18+s24+$0x0] =	vst.idx.add.f32.msk $0xffff, v57  }
0x117: {  	[tilespmem:v19+s24+$0x0] =	vst.idx.add.f32.msk $0xffff, v58  }
0x118: {  	[tilespmem:v20+s24+$0x0] =	vst.idx.add.f32.msk $0xffff, v59  }
0x119: {  	[tilespmem:v21+s24+$0x0] =	vst.idx.add.f32.msk $0xffff, v60  }
0x11a: {  	[tilespmem:v22+s24+$0x0] =	vst.idx.add.f32.msk $0xffff, v61  }
0x11b: {  	[tilespmem:v23+s24+$0x0] =	vst.idx.add.f32.msk $0xffff, v62  }
0x11c: {  	v8 =	vld.idx.msk [tilespmem:v0+s25+$0x0], $0xffff  }
0x11d: {  	v10 =	vld.idx.msk [tilespmem:v3+s25+$0x0], $0xffff  }
0x11e: {  	v11 =	vld.idx.msk [tilespmem:v4+s25+$0x0], $0xffff  }
0x11f: {  	v12 =	vld.idx.msk [tilespmem:v5+s25+$0x0], $0xffff  }
0x120: {  	v13 =	vld.idx.msk [tilespmem:v7+s25+$0x0], $0xffff  }
0x121: {  	[tilespmem:v6+s26+$0x0] =	vst.idx.add.f32.msk $0xffff, v8  }
0x122: {  	v8 =	vld.idx.msk [tilespmem:v2+s25+$0x0], $0xffff  }
0x123: {  	[tilespmem:v20+s26+$0x0] =	vst.idx.add.f32.msk $0xffff, v10  }
0x124: {  	[tilespmem:v21+s26+$0x0] =	vst.idx.add.f32.msk $0xffff, v11  }
0x125: {  	[tilespmem:v22+s26+$0x0] =	vst.idx.add.f32.msk $0xffff, v12  }
0x126: {  	[tilespmem:v23+s26+$0x0] =	vst.idx.add.f32.msk $0xffff, v13  }
0x127: {  	v0 =	vld.idx.msk [tilespmem:v0+s28+$0x0], $0xffff  }
0x128: {  	v3 =	vld.idx.msk [tilespmem:v3+s28+$0x0], $0xffff  }
0x129: {  	v4 =	vld.idx.msk [tilespmem:v4+s28+$0x0], $0xffff  }
0x12a: {  	v5 =	vld.idx.msk [tilespmem:v5+s28+$0x0], $0xffff  }
0x12b: {  	v63 =	vld.idx.msk [tilespmem:v7+s28+$0x0], $0xffff  }
0x12c: {  	[tilespmem:v19+s26+$0x0] =	vst.idx.add.f32.msk $0xffff, v8  }
0x12d: {  	[tilespmem:v6+s29+$0x0] =	vst.idx.add.f32.msk $0xffff, v0  }
0x12e: {  	v0 =	vld.idx.msk [tilespmem:v9+s25+$0x0], $0xffff  }
0x12f: {  	v6 =	vld.idx.msk [tilespmem:v1+s25+$0x0], $0xffff  }
0x130: {  	v2 =	vld.idx.msk [tilespmem:v2+s28+$0x0], $0xffff  }
0x131: {  	[tilespmem:v20+s29+$0x0] =	vst.idx.add.f32.msk $0xffff, v3  }
0x132: {  	[tilespmem:v21+s29+$0x0] =	vst.idx.add.f32.msk $0xffff, v4  }
0x133: {  	[tilespmem:v17+s26+$0x0] =	vst.idx.add.f32.msk $0xffff, v0  }
0x134: {  	[tilespmem:v18+s26+$0x0] =	vst.idx.add.f32.msk $0xffff, v6  }
0x135: {  	v0 =	vld.idx.msk [tilespmem:v9+s28+$0x0], $0xffff  }
0x136: {  	v1 =	vld.idx.msk [tilespmem:v1+s28+$0x0], $0xffff  }
0x137: {  	[tilespmem:v22+s29+$0x0] =	vst.idx.add.f32.msk $0xffff, v5  }
0x138: {  	[tilespmem:v23+s29+$0x0] =	vst.idx.add.f32.msk $0xffff, v63  }
0x139: {  	[tilespmem:v19+s29+$0x0] =	vst.idx.add.f32.msk $0xffff, v2  }
0x13a: {  	[tilespmem:v17+s29+$0x0] =	vst.idx.add.f32.msk $0xffff, v0  }
0x13b: {  	s14 =	simm.s32 $0x0;
	s15 =	simm.s32 $0x180C0;
	[tilespmem:v18+s29+$0x0] =	vst.idx.add.f32.msk $0xffff, v1  }
.LBB2_5:
0x13c: {  	v6 =	vld [tilespmem:s15+$0x30];
	s14 =	sadd.s32 $0x8, s14  }
0x13d: {  	v0 =	vld [tilespmem:s15+$0xFFFFFFD0];
	p0 =	slt.u32 s14, $0x1F8  }
0x13e: {  	v1 =	vld [tilespmem:s15+$0xFFFFFFE0]  }
0x13f: {  	v2 =	vld [tilespmem:s15+$0xFFFFFFF0]  }
0x140: {  	v3 =	vld [tilespmem:s15+$0x0]  }
0x141: {  	s12 =	sadd.s32 $0x80, s12;
	v4 =	vld [tilespmem:s15+$0x10]  }
0x142: {  	v7 =	vld [tilespmem:s12+$0x30]  }
0x143: {  	v5 =	vld [tilespmem:s15+$0x20]  }
0x144: {  	v8 =	vld.idx.msk [tilespmem:v6+s2+$0x0], $0xffff  }
0x145: {  	v9 =	vld [tilespmem:s15+$0xFFFFFFC0]  }
0x146: {  	v10 =	vld.idx.msk [tilespmem:v0+s2+$0x0], $0xffff  }
0x147: {  	v11 =	vld.idx.msk [tilespmem:v1+s2+$0x0], $0xffff  }
0x148: {  	v12 =	vld.idx.msk [tilespmem:v2+s2+$0x0], $0xffff  }
0x149: {  	v13 =	vld.idx.msk [tilespmem:v3+s2+$0x0], $0xffff  }
0x14a: {  	[tilespmem:v7+s22+$0x0] =	vst.idx.add.f32.msk $0xffff, v8  }
0x14b: {  	v8 =	vld.idx.msk [tilespmem:v6+s23+$0x0], $0xffff  }
0x14c: {  	v14 =	vld.idx.msk [tilespmem:v4+s2+$0x0], $0xffff  }
0x14d: {  	v15 =	vld.idx.msk [tilespmem:v9+s2+$0x0], $0xffff  }
0x14e: {  	v16 =	vld.idx.msk [tilespmem:v5+s2+$0x0], $0xffff  }
0x14f: {  	v17 =	vld [tilespmem:s12+$0xFFFFFFC0]  }
0x150: {  	v18 =	vld [tilespmem:s12+$0xFFFFFFD0]  }
0x151: {  	[tilespmem:v7+s24+$0x0] =	vst.idx.add.f32.msk $0xffff, v8  }
0x152: {  	v8 =	vld.idx.msk [tilespmem:v6+s25+$0x0], $0xffff  }
0x153: {  	v19 =	vld [tilespmem:s12+$0xFFFFFFE0]  }
0x154: {  	v20 =	vld [tilespmem:s12+$0xFFFFFFF0]  }
0x155: {  	v21 =	vld [tilespmem:s12+$0x0]  }
0x156: {  	v22 =	vld [tilespmem:s12+$0x10]  }
0x157: {  	v23 =	vld [tilespmem:s12+$0x20]  }
0x158: {  	[tilespmem:v7+s26+$0x0] =	vst.idx.add.f32.msk $0xffff, v8  }
0x159: {  	v6 =	vld.idx.msk [tilespmem:v6+s28+$0x0], $0xffff  }
0x15a: {  	[tilespmem:v17+s22+$0x0] =	vst.idx.add.f32.msk $0xffff, v15  }
0x15b: {  	[tilespmem:v18+s22+$0x0] =	vst.idx.add.f32.msk $0xffff, v10  }
0x15c: {  	[tilespmem:v19+s22+$0x0] =	vst.idx.add.f32.msk $0xffff, v11  }
0x15d: {  	[tilespmem:v20+s22+$0x0] =	vst.idx.add.f32.msk $0xffff, v12  }
0x15e: {  	[tilespmem:v21+s22+$0x0] =	vst.idx.add.f32.msk $0xffff, v13  }
0x15f: {  	[tilespmem:v7+s29+$0x0] =	vst.idx.add.f32.msk $0xffff, v6  }
0x160: {  	[tilespmem:v22+s22+$0x0] =	vst.idx.add.f32.msk $0xffff, v14  }
0x161: {  	[tilespmem:v23+s22+$0x0] =	vst.idx.add.f32.msk $0xffff, v16  }
0x162: {  	v6 =	vld.idx.msk [tilespmem:v9+s23+$0x0], $0xffff  }
0x163: {  	v7 =	vld.idx.msk [tilespmem:v0+s23+$0x0], $0xffff  }
0x164: {  	v8 =	vld.idx.msk [tilespmem:v1+s23+$0x0], $0xffff  }
0x165: {  	v10 =	vld.idx.msk [tilespmem:v2+s23+$0x0], $0xffff  }
0x166: {  	v11 =	vld.idx.msk [tilespmem:v3+s23+$0x0], $0xffff  }
0x167: {  	v12 =	vld.idx.msk [tilespmem:v4+s23+$0x0], $0xffff  }
0x168: {  	v13 =	vld.idx.msk [tilespmem:v5+s23+$0x0], $0xffff  }
0x169: {  	[tilespmem:v17+s24+$0x0] =	vst.idx.add.f32.msk $0xffff, v6  }
0x16a: {  	[tilespmem:v18+s24+$0x0] =	vst.idx.add.f32.msk $0xffff, v7  }
0x16b: {  	[tilespmem:v19+s24+$0x0] =	vst.idx.add.f32.msk $0xffff, v8  }
0x16c: {  	[tilespmem:v20+s24+$0x0] =	vst.idx.add.f32.msk $0xffff, v10  }
0x16d: {  	[tilespmem:v21+s24+$0x0] =	vst.idx.add.f32.msk $0xffff, v11  }
0x16e: {  	[tilespmem:v22+s24+$0x0] =	vst.idx.add.f32.msk $0xffff, v12  }
0x16f: {  	[tilespmem:v23+s24+$0x0] =	vst.idx.add.f32.msk $0xffff, v13  }
0x170: {  	v6 =	vld.idx.msk [tilespmem:v9+s25+$0x0], $0xffff  }
0x171: {  	v7 =	vld.idx.msk [tilespmem:v0+s25+$0x0], $0xffff  }
0x172: {  	v8 =	vld.idx.msk [tilespmem:v1+s25+$0x0], $0xffff  }
0x173: {  	v10 =	vld.idx.msk [tilespmem:v2+s25+$0x0], $0xffff  }
0x174: {  	v11 =	vld.idx.msk [tilespmem:v3+s25+$0x0], $0xffff  }
0x175: {  	v12 =	vld.idx.msk [tilespmem:v4+s25+$0x0], $0xffff  }
0x176: {  	v13 =	vld.idx.msk [tilespmem:v5+s25+$0x0], $0xffff  }
0x177: {  	[tilespmem:v17+s26+$0x0] =	vst.idx.add.f32.msk $0xffff, v6  }
0x178: {  	[tilespmem:v18+s26+$0x0] =	vst.idx.add.f32.msk $0xffff, v7  }
0x179: {  	[tilespmem:v19+s26+$0x0] =	vst.idx.add.f32.msk $0xffff, v8  }
0x17a: {  	[tilespmem:v20+s26+$0x0] =	vst.idx.add.f32.msk $0xffff, v10  }
0x17b: {  	[tilespmem:v21+s26+$0x0] =	vst.idx.add.f32.msk $0xffff, v11  }
0x17c: {  	[tilespmem:v22+s26+$0x0] =	vst.idx.add.f32.msk $0xffff, v12  }
0x17d: {  	[tilespmem:v23+s26+$0x0] =	vst.idx.add.f32.msk $0xffff, v13  }
0x17e: {  	v6 =	vld.idx.msk [tilespmem:v9+s28+$0x0], $0xffff  }
0x17f: {  	v0 =	vld.idx.msk [tilespmem:v0+s28+$0x0], $0xffff  }
0x180: {  	v1 =	vld.idx.msk [tilespmem:v1+s28+$0x0], $0xffff  }
0x181: {  	v2 =	vld.idx.msk [tilespmem:v2+s28+$0x0], $0xffff  }
0x182: {  	v3 =	vld.idx.msk [tilespmem:v3+s28+$0x0], $0xffff  }
0x183: {  	v4 =	vld.idx.msk [tilespmem:v4+s28+$0x0], $0xffff  }
0x184: {  	v5 =	vld.idx.msk [tilespmem:v5+s28+$0x0], $0xffff  }
0x185: {  	[tilespmem:v17+s29+$0x0] =	vst.idx.add.f32.msk $0xffff, v6  }
0x186: {  	[tilespmem:v18+s29+$0x0] =	vst.idx.add.f32.msk $0xffff, v0  }
.Ltmp1:
0x187: {  	[tilespmem:v19+s29+$0x0] =	vst.idx.add.f32.msk $0xffff, v1;
	(pc) =	sbr.rel @p0 .LBB2_5-.Ltmp1, $4  }
0x188: {  	[tilespmem:v20+s29+$0x0] =	vst.idx.add.f32.msk $0xffff, v2  }
0x189: {  	[tilespmem:v21+s29+$0x0] =	vst.idx.add.f32.msk $0xffff, v3  }
0x18a: {  	[tilespmem:v22+s29+$0x0] =	vst.idx.add.f32.msk $0xffff, v4  }
0x18b: {  	s15 =	sadd.s32 $0x80, s15;
	[tilespmem:v23+s29+$0x0] =	vst.idx.add.f32.msk $0xffff, v5  }
0x18c: {  	s11 =	sadd.s32 $0x1, s11  }
0x18d: {  	p0 =	sne.s32 s11, $0x14  }
.Ltmp2:
0x18e: {  	_ = 	snop;
	(pc) =	sbr.rel @p0 .LBB2_2-.Ltmp2, $1  }
0x18f: {  	_ =	sdelay $0x3  }
0x190: {  	_ =	swait.ge [sflag:s1], $0x2000  }
0x191: {  	[sflag:s1] =	ssyncset.done $0x0  }
0x192: {  	[sflag:s1] =	ssyncadd.s32 $0xFFFFE000  }
0x193: {  	_ =	swait.ge [sflag:s1], $0x2000  }
0x194: {  	[sflag:s1] =	ssyncset.done $0x0  }
0x195: {  	s11 =	rddreg [dreg:$0x8];
	[sflag:s1] =	ssyncadd.s32 $0xFFFFE000  }
0x196: {  	[hbm4b:s11+s19] =	stream.strided.scatter [tilespmem:s22], [sflag:$0x3], $0x2800, s20, s19, $0x38;
	[tilespmem:$0x1C000] =	vst v63  }
0x197: {  	_ =	swait.ge [sflag:s21], $0x2800  }
0x198: {  	[sflag:s21] =	ssyncset.done $0x0  }
0x199: {  	s15 =	rddreg [dreg:$0x9];
	[sflag:s21] =	ssyncadd.s32 $0xFFFFD800  }
0x19a: {  	[hbm4b:s15+s19] =	stream.strided.scatter [tilespmem:s24], [sflag:$0x3], $0x2800, s20, s19, $0x38;
	[tilespmem:$0x1C000] =	vst v63  }
0x19b: {  	_ =	swait.ge [sflag:s21], $0x2800  }
0x19c: {  	[sflag:s21] =	ssyncset.done $0x0  }
0x19d: {  	[sflag:s21] =	ssyncadd.s32 $0xFFFFD800  }
0x19e: {  	[hbm4b:s16+s19] =	stream.strided.scatter [tilespmem:s26], [sflag:$0x3], $0x2800, s20, s19, $0x38;
	[tilespmem:$0x1C000] =	vst v63  }
0x19f: {  	s9 =	sadd.s32 $0x1, s9;
	_ =	swait.ge [sflag:s21], $0x2800  }
0x1a0: {  	p0 =	sne.s32 s9, s18;
	[sflag:s21] =	ssyncset.done $0x0  }
.Ltmp3:
0x1a1: {  	[sflag:s21] =	ssyncadd.s32 $0xFFFFD800;
	(pc) =	sbr.rel @p0 .LBB2_1-.Ltmp3, $4  }
0x1a2: {  	[hbm4b:s17+s19] =	stream.strided.scatter [tilespmem:s29], [sflag:$0x3], $0x2800, s20, s19, $0x38;
	[tilespmem:$0x1C000] =	vst v63  }
0x1a3: {  	_ =	swait.ge [sflag:s21], $0x2800  }
0x1a4: {  	[sflag:s21] =	ssyncset.done $0x0  }
0x1a5: {  	[sflag:s21] =	ssyncadd.s32 $0xFFFFD800  }
0x1a6: {  	_ =	sfence.sel $0x180000  }
0x1a7: {  	[bflag:$0x0] =	sbarrier.arrive $0xFFFF  }
0x1a8: {  	_ =	strace $0x9000004A  }
0x1a9: {  	s0 =	stileid.u32;
	[bflag:$0x2] =	sbarrier.arrive $0xFFFF  }
0x1aa: {  	p0 =	sne.s32 s0, $0x0;
	s0 =	rddreg [dreg:$0x1]  }
0x1ab: {  	s0 =	sadd.s32 @!p0 $0x100000, s0  }
0x1ac: {  	[sflag:s0] =	ssyncadd.tile.s32 @!p0 $0x1;
	_ =	shalt  }
.Lfunc_end2:
_tile_overlayer_lowered:
.L_overlay_start_2:
0x1ad: {  	(tag) =	ssettag $0x2  }
0x1ae: {  	s0 =	rddreg [dreg:$0x0];
	s2 =	stileid.u32  }
0x1af: {  	s1 =	rddreg [dreg:$0x1];
	p0 =	sne.s32 s2, $0x0  }
0x1b0: {  	s3 =	rddreg [dreg:$0x2];
	[bflag:$0x3] =	sbarrier.arrive $0xFFFF;
	s2 =	simm.s32 @!p0 $0x1C03  }
0x1b1: {  	[timem:s3], [sflag:s2] =	dma.local @!p0 [hbm:s0], s1  }
0x1b2: {  	s0 =	simm.s32 @!p0 $0x3  }
0x1b3: {  	_ =	swait.ge @!p0 [sflag:s0], s1  }
0x1b4: {  	s1 =	ssub.s32 @!p0 $0x0, s1;
	[sflag:s0] =	ssyncset.done @!p0 $0x0  }
0x1b5: {  	[sflag:s0] =	ssyncadd.s32 @!p0 s1  }
0x1b6: {  	[bflag:$0x3] =	sbarrier.arrive $0xFFFF  }
0x1b7: {  	_ =	shalt  }

// kernel: kernel.14.cloned.1.call-start
scs
__scs_entry_jumppad:
0x0: {  	(pc) =	sbr.rel $0x88, $3  }
0x1: {  	(tag) =	ssettag $0x0;
	lr =	simm.s32 $0x1  }
0x2: {  	[smem:$0x3F91] =	sst lr;
	_ =	strace $0xD0000000  }
0x3: {  	_ = 	snop  }
0x4: {  	_ = 	snop  }
0x5: {  	_ = 	snop  }
0x6: {  	_ = 	snop  }
0x7: {  	_ = 	snop  }
__scs_overlays_trampoline_lowered:
0x8: {  	[smem:$0x3FA0] =	sst s0  }
0x9: {  	[smem:$0x3FA1] =	sst s1  }
0xa: {  	[smem:$0x3FA2] =	sst s2  }
0xb: {  	[smem:$0x3FA3] =	sst s3  }
0xc: {  	[smem:$0x3FA4] =	sst s4  }
0xd: {  	[smem:$0x3FA5] =	sst s5  }
0xe: {  	[smem:$0x3FA6] =	sst s6  }
0xf: {  	[smem:$0x3FA7] =	sst s7  }
0x10: {  	[smem:$0x3FA8] =	sst s8  }
0x11: {  	[smem:$0x3FA9] =	sst s9;
	s0 =	simm.s32 @!p0 $0x0  }
0x12: {  	s1 =	sld [smem:$0x3F8F];
	s0 =	simm.s32 @p0 $0x1  }
0x13: {  	[smem:$0x3FAA] =	sst s0;
	s0 =	simm.s32 @!p1 $0x0  }
0x14: {  	s2 =	sld [smem:$0x3F8E];
	s0 =	simm.s32 @p1 $0x1  }
0x15: {  	[smem:$0x3FAB] =	sst s0;
	s0 =	simm.s32 @!p2 $0x0  }
0x16: {  	s3 =	sld [smem:$0x3FDB];
	s0 =	simm.s32 @p2 $0x1  }
0x17: {  	s4 =	simm.s32 $0x1BF5;
	[smem:$0x3FAD] =	sst s0  }
0x18: {  	s0 =	sld [smem:$0x3F90];
	_ =	swait.ge [sflag:s4], $0x0  }
0x19: {  	s7 =	sld [smem:$0x3F91]  }
0x1a: {  	s8 =	sadd.s32 $0xFFFFE003, lr  }
0x1b: {  	s9 =	sadd.s32 $0xFFFFFEF7, lr;
	s5 =	simm.s32 $0xFFFFFFFF;
	p2 =	slt.u32 s8, $0xFFFFF086  }
0x1c: {  	p1 =	slt.u32 s9, $0xF7A;
	s5 =	simm.s32 @!p2 $0x0  }
0x1d: {  	s5 =	simm.s32 @p1 $0x1;
	p0 =	seq.s32 s7, s2  }
0x1e: {  	s7 =	smul.u32 @!p0 $0xF7A, s2;
	p2 =	seq.s32 @!p0 s5, $0x0  }
0x1f: {  	s9 =	smul.u32 $0xF7A, s1;
	s8 =	simm.s32 @!p0 $0x1BF5;
	p2 =	por !p2, p0  }
0x20: {  	[sflag:s8] =	ssyncset.s32 @!p0 $0xFFFFF086;
	s6 =	sadd.s32 @!p0 s3, s7;
	s7 =	simm.s32 @!p0 $0x108  }
0x21: {  	s3 =	sadd.s32 s3, s9;
	s6 =	sadd.s32 @!p0 $0x88, s6;
	s7 =	simm.s32 @p2 $0x1082  }
0x22: {  	[simem:s7], [sflag:s8] =	dma.local @!p0 [hbm:s6], $0xF7A  }
0x23: {  	s9 =	sor.u32 $0xD0000000, s2;
	s6 =	simm.s32 $0x108;
	_ =	swait.ge @!p0 [sflag:s8], $0x0  }
0x24: {  	s3 =	sadd.s32 $0x88, s3;
	s6 =	simm.s32 @!p1 $0x1082;
	[sflag:s4] =	ssyncset.s32 $0xFFFFF086  }
0x25: {  	[simem:s6], [sflag:s4] =	dma.local [hbm:s3], $0xF7A  }
0x26: {  	[smem:$0x3F91] =	sst s1;
	(tag) =	ssettag s2;
	_ =	strace s9  }
0x27: {  	s1 =	sld [smem:$0x3FA1]  }
0x28: {  	s2 =	sld [smem:$0x3FA2]  }
0x29: {  	s4 =	sld [smem:$0x3FA4]  }
0x2a: {  	p0 =	seq.s32 s5, $0x0;
	s5 =	sld [smem:$0x3FA5]  }
0x2b: {  	s6 =	sld [smem:$0x3FA6]  }
0x2c: {  	s7 =	sld [smem:$0x3FA7]  }
0x2d: {  	s3 =	simm.s32 $0x108;
	s8 =	sld [smem:$0x3FA8]  }
0x2e: {  	s3 =	simm.s32 @!p0 $0x1082;
	s9 =	sld [smem:$0x3FA9]  }
0x2f: {  	lr =	sadd.s32 s0, s3;
	s0 =	sld [smem:$0x3FA0]  }
0x30: {  	s3 =	sld [smem:$0x3FA3]  }
0x31: {  	[smem:$0x3FAC] =	sst s10  }
0x32: {  	s10 =	sld [smem:$0x3FAA];
	_ =	sdelay $0x3  }
0x33: {  	p0 =	seq.s32 s10, $0x1;
	s10 =	sld [smem:$0x3FAC];
	_ =	sdelay $0x3  }
0x34: {  	[smem:$0x3FAC] =	sst s10  }
0x35: {  	s10 =	sld [smem:$0x3FAB];
	_ =	sdelay $0x3  }
0x36: {  	p1 =	seq.s32 s10, $0x1;
	s10 =	sld [smem:$0x3FAC];
	_ =	sdelay $0x3  }
0x37: {  	[smem:$0x3FAC] =	sst s10  }
0x38: {  	s10 =	sld [smem:$0x3FAD]  }
0x39: {  	_ = 	snop;
	(pc) =	sbr.ind lr, $3  }
0x3a: {  	_ = 	snop  }
0x3b: {  	_ = 	snop  }
0x3c: {  	p2 =	seq.s32 s10, $0x1;
	s10 =	sld [smem:$0x3FAC]  }
0x3d: {  	_ =	shalt  }
0x3e: {  	_ =	shalt  }
0x3f: {  	_ =	shalt  }
0x40: {  	_ =	shalt  }
0x41: {  	_ =	shalt  }
0x42: {  	_ =	shalt  }
0x43: {  	_ =	shalt  }
0x44: {  	_ =	shalt  }
0x45: {  	_ =	shalt  }
0x46: {  	_ =	shalt  }
0x47: {  	_ =	shalt  }
0x48: {  	_ =	shalt  }
0x49: {  	_ =	shalt  }
0x4a: {  	_ =	shalt  }
0x4b: {  	_ =	shalt  }
0x4c: {  	_ =	shalt  }
0x4d: {  	_ =	shalt  }
0x4e: {  	_ =	shalt  }
0x4f: {  	_ =	shalt  }
0x50: {  	_ =	shalt  }
0x51: {  	_ =	shalt  }
0x52: {  	_ =	shalt  }
0x53: {  	_ =	shalt  }
0x54: {  	_ =	shalt  }
0x55: {  	_ =	shalt  }
0x56: {  	_ =	shalt  }
0x57: {  	_ =	shalt  }
0x58: {  	_ =	shalt  }
0x59: {  	_ =	shalt  }
0x5a: {  	_ =	shalt  }
0x5b: {  	_ =	shalt  }
0x5c: {  	_ =	shalt  }
0x5d: {  	_ =	shalt  }
0x5e: {  	_ =	shalt  }
0x5f: {  	_ =	shalt  }
0x60: {  	_ =	shalt  }
0x61: {  	_ =	shalt  }
0x62: {  	_ =	shalt  }
0x63: {  	_ =	shalt  }
0x64: {  	_ =	shalt  }
0x65: {  	_ =	shalt  }
0x66: {  	_ =	shalt  }
0x67: {  	_ =	shalt  }
0x68: {  	_ =	shalt  }
0x69: {  	_ =	shalt  }
0x6a: {  	_ =	shalt  }
0x6b: {  	_ =	shalt  }
0x6c: {  	_ =	shalt  }
0x6d: {  	_ =	shalt  }
0x6e: {  	_ =	shalt  }
0x6f: {  	_ =	shalt  }
0x70: {  	_ =	shalt  }
0x71: {  	_ =	shalt  }
0x72: {  	_ =	shalt  }
0x73: {  	_ =	shalt  }
0x74: {  	_ =	shalt  }
0x75: {  	_ =	shalt  }
0x76: {  	_ =	shalt  }
0x77: {  	_ =	shalt  }
0x78: {  	_ =	shalt  }
0x79: {  	_ =	shalt  }
0x7a: {  	_ =	shalt  }
0x7b: {  	_ =	shalt  }
0x7c: {  	_ =	shalt  }
0x7d: {  	_ =	shalt  }
0x7e: {  	_ =	shalt  }
0x7f: {  	_ =	shalt  }
0x80: {  	_ =	shalt  }
0x81: {  	_ =	shalt  }
0x82: {  	_ =	shalt  }
0x83: {  	_ =	shalt  }
0x84: {  	_ =	shalt  }
0x85: {  	_ =	shalt  }
0x86: {  	_ =	shalt  }
0x87: {  	_ =	shalt  }
.Lfunc_end0:
.L_simem_size_0:
called_computation.2_lowered:
.L_overlay_start_0:
0x88: {  	s2 =	sld [smem:$0x3FD9]  }
0x89: {  	s3 =	sld [smem:$0x3FFE];
	_ =	sdelay $0x1  }
0x8a: {  	s1 =	srdreg.scid  }
0x8b: {  	s0 =	sand.u32 $0x1, s1  }
0x8c: {  	s16 =	sshll.u32 s0, $0xA;
	s2 =	sadd.s32 s3, s2  }
0x8d: {  	s2 =	sadd.s32 s2, s16  }
0x8e: {  	[smem:$0x3FB8] =	sst s2  }
0x8f: {  	_ = 	snop  }
0x90: {  	(tm) =	ssettm $0x1  }
0x91: {  	s17 =	sld [smem:$0x3FFB];
	_ =	sdelay $0x3  }
0x92: {  	_ =	strace s17  }
0x93: {  	s2 =	sld [smem:$0x3FFC];
	_ =	sdelay $0x3  }
0x94: {  	_ =	strace s2  }
0x95: {  	s2 =	sld [smem:$0x3FFD];
	_ =	sdelay $0x3  }
0x96: {  	_ =	strace s2  }
0x97: {  	_ =	strace $0x8FFFFFFF  }
0x98: {  	s18 =	sld [smem:$0x3FDB];
	_ =	sdelay $0x1  }
0x99: {  	s19 =	simm.s32 $_scs_section_size  }
0x9a: {  	s4 =	simm.s32 $_size__tile_overlayer_lowered;
	s5 =	simm.s32 $_tile_overlayer_lowered  }
0x9b: {  	s22 =	simm.s32 $0x1BFF;
	s21 =	sshll.u32 s5, $0x1;
	s2 =	sadd.s32 s19, s18  }
0x9c: {  	s6 =	simm.s32 $0x0;
	s20 =	sshll.u32 s4, $0x1;
	s4 =	sadd.s32 s21, s2  }
0x9d: {  	[timem:s6], [sflag:s22] =	dma.local [hbm:s4], s20  }
0x9e: {  	_ =	swait.ge [sflag:s22], s20  }
0x9f: {  	s3 =	ssub.s32 $0x0, s20;
	[sflag:s22] =	ssyncset.done $0x0  }
0xa0: {  	[sflag:s22] =	ssyncadd.s32 s3;
	_ =	sdelay $0x1  }
0xa1: {  	s23 =	simm.s32 $0x1B8B  }
0xa2: {  	_ =	swait.ge [sflag:s23], $0x1  }
0xa3: {  	[sflag:s23] =	ssyncset.done $0x0  }
0xa4: {  	s25 =	simm.s32 $0x1B8E;
	s24 =	sld [smem:$0x3FFE];
	[sflag:s23] =	ssyncadd.s32 $0xFFFFFFFF  }
0xa5: {  	s26 =	simm.s32 $execute0_lowered;
	[smem:$0x3FD2] =	sst s25  }
0xa6: {  	s4 =	sshll.u32 s26, $0x1;
	_ =	strace $0x8000004C;
	[dreg:$0x1] =	wrdreg $0xFFFFFFFF  }
0xa7: {  	s28 =	simm.s32 $_size_execute0_lowered;
	s2 =	sadd.s32 s2, s4;
	[dreg:$0x0] =	wrdreg $0x0  }
0xa8: {  	s4 =	sshll.u32 s28, $0x1;
	[dreg:$0x2] =	wrdreg s2  }
0xa9: {  	[dreg:$0x3] =	wrdreg s4  }
0xaa: {  	[dreg:$0x4] =	wrdreg $0xC0  }
0xab: {  	_ =	task [dreg:s6], $0x5FFFF  }
0xac: {  	[dreg:$0x1] =	wrdreg $0xFFFFFFFF  }
0xad: {  	[dreg:$0x0] =	wrdreg $0x60  }
0xae: {  	[dreg:$0x2] =	wrdreg s24  }
0xaf: {  	[dreg:$0x3] =	wrdreg $0x9  }
0xb0: {  	_ =	task.clear_ibuf [dreg:s6], $0x4FFFF;
	_ =	strace $0x9000004C  }
0xb1: {  	s29 =	simm.s32 $0x9;
	_ =	strace $0x8000004E  }
0xb2: {  	_ =	swait.ge [sflag:s29], $0x1  }
0xb3: {  	[sflag:s29] =	ssyncadd.s32 $0xFFFFFFFF  }
0xb4: {  	_ =	strace $0x9000004E  }
0xb5: {  	_ =	sfence  }
0xb6: {  	s30 =	sld [smem:$0x0];
	_ =	sdelay $0x2  }
0xb7: {  	s31 =	sshll.u32 s1, $0xD;
	s1 =	sshrl.u32 s1, $0x2  }
0xb8: {  	s3 =	sand.u32 $0x4000, s31;
	s1 =	sadd.s32 s1, s30  }
0xb9: {  	s0 =	sor.u32 s3, s0;
	s1 =	sshll.u32 s1, $0x11  }
0xba: {  	s0 =	sor.u32 s1, s0  }
0xbb: {  	s0 =	sadd.s32 $0x8F2B, s0  }
0xbc: {  	[sflag:s0] =	ssyncadd.remote.s32 $0x1  }
0xbd: {  	_ =	sfence.sel $0xFFFF  }
0xbe: {  	[dreg:$0x0] =	wrdreg $0xFFFFFFFF;
	(pc) =	sbr.abs _section_cstart, $3  }
0xbf: {  	[dreg:$0x1] =	wrdreg $0xFFFFFFFF  }
0xc0: {  	_ =	task.clear_ibuf [dreg:s6], $0x2FFFF;
	_ =	strace $0x9FFFFFFF  }
0xc1: {  	(tm) =	ssettm $0x7FFFFFFF  }
tec
execute0_lowered:
.L_overlay_start_1:
0x0: {  	(tag) =	ssettag $0x1  }
0x1: {  	s0 =	rddreg [dreg:$0x0];
	s2 =	simm.s32 $0x0  }
0x2: {  	s1 =	srdreg.scid;
	s3 =	stileid.u32;
	s28 =	simm.s32 $0x7800  }
0x3: {  	s29 =	simm.s32 $0x11800;
	s30 =	simm.s32 $0x100;
	s31 =	simm.s32 $0x14000  }
0x4: {  	[smem:$0x7FF] =	sst s2;
	s1 =	sand.u32 $0x1, s1;
	s7 =	smul.u32 $0xA000, s3  }
0x5: {  	s8 =	sadd.s32 $0x2B600, s0;
	s3 =	sadd.s32 $0x3000, s0;
	s4 =	sadd.s32 $0x17000, s0  }
0x6: {  	s5 =	sadd.s32 $0x2B000, s0;
	s0 =	sadd.s32 $0x53600, s0;
	s6 =	smul.u32 $0xA0000, s1  }
0x7: {  	_ =	strace $0x8000004D;
	s9 =	ssub.s32 $0x2, s1;
	s22 =	sshll.u32 s1, $0x4  }
0x8: {  	s18 =	sshrl.u32 s9, $0x1;
	s23 =	sadd.s32 s3, s22;
	s24 =	sadd.s32 s4, s22  }
0x9: {  	s22 =	simm.s32 $0xA000;
	s6 =	sadd.s32 s7, s6;
	[dreg:$0x6] =	wrdreg s23  }
0xa: {  	s7 =	ssub.s32 s9, s18;
	[dreg:$0x7] =	wrdreg s24;
	s23 =	simm.s32 $0x2800  }
0xb: {  	s24 =	simm.s32 $0xC800;
	s9 =	simm.s32 $0x0;
	s6 =	sshrl.u32 s6, $0x3  }
0xc: {  	s18 =	smax.u32 s7, $0x1;
	s7 =	simm.s32 $0x1A000;
	s19 =	sadd.s32 s8, s6  }
0xd: {  	s20 =	sor.u32 $0x10, s6;
	s11 =	sor.u32 $0x20, s6;
	s12 =	sor.u32 $0x30, s6  }
0xe: {  	s25 =	sadd.s32 s0, s6;
	s6 =	simm.s32 $0x18000;
	[dreg:$0x2] =	wrdreg s19  }
0xf: {  	s10 =	sadd.s32 s8, s20;
	s21 =	sadd.s32 s8, s11;
	s8 =	sadd.s32 s8, s12  }
0x10: {  	[dreg:$0x8] =	wrdreg s25;
	s26 =	sadd.s32 s0, s20;
	s16 =	sadd.s32 s0, s11  }
0x11: {  	s17 =	sadd.s32 s0, s12;
	s19 =	simm.s32 $0x80;
	[dreg:$0x3] =	wrdreg s10  }
0x12: {  	s20 =	simm.s32 $0x200;
	s25 =	simm.s32 $0x5000;
	[dreg:$0x4] =	wrdreg s21  }
0x13: {  	s0 =	simm.s32 $0x16000;
	[dreg:$0x5] =	wrdreg s8;
	s10 =	sshll.u32 s1, $0x7  }
0x14: {  	[dreg:$0x9] =	wrdreg s26;
	s21 =	simm.s32 $0x3;
	s26 =	simm.s32 $0xF000  }
0x15: {  	s1 =	simm.s32 $0x1;
	s8 =	simm.s32 $0x2;
	s13 =	sor.u32 $0x8000, s10  }
.LBB2_1:
0x16: {  	s11 =	rddreg [dreg:$0x2]  }
0x17: {  	[tilespmem:s2], [sflag:$0x3] =	stream.strided.gather [hbm4b:s11+s19], $0x2800, s20, s19, $0x38;
	[tilespmem:$0x1C000] =	vst v63  }
0x18: {  	_ =	swait.ge [sflag:s21], $0x2800  }
0x19: {  	[sflag:s21] =	ssyncset.done $0x0  }
0x1a: {  	[sflag:s21] =	ssyncadd.s32 $0xFFFFD800  }
0x1b: {  	[tilespmem:s22], [sflag:$0x3] =	stream.linear.gather [hbm4b:s5+s2], $0x2800, $0x38;
	[tilespmem:$0x1C000] =	vst v63  }
0x1c: {  	_ =	swait.ge [sflag:s21], $0x2800  }
0x1d: {  	[sflag:s21] =	ssyncset.done $0x0  }
0x1e: {  	s14 =	rddreg [dreg:$0x3];
	[sflag:s21] =	ssyncadd.s32 $0xFFFFD800  }
0x1f: {  	[tilespmem:s23], [sflag:$0x3] =	stream.strided.gather [hbm4b:s14+s19], $0x2800, s20, s19, $0x38;
	[tilespmem:$0x1C000] =	vst v63  }
0x20: {  	_ =	swait.ge [sflag:s21], $0x2800  }
0x21: {  	[sflag:s21] =	ssyncset.done $0x0  }
0x22: {  	[sflag:s21] =	ssyncadd.s32 $0xFFFFD800  }
0x23: {  	[tilespmem:s24], [sflag:$0x3] =	stream.linear.gather [hbm4b:s5+s2], $0x2800, $0x38;
	[tilespmem:$0x1C000] =	vst v63  }
0x24: {  	_ =	swait.ge [sflag:s21], $0x2800  }
0x25: {  	[sflag:s21] =	ssyncset.done $0x0  }
0x26: {  	s15 =	rddreg [dreg:$0x4];
	[sflag:s21] =	ssyncadd.s32 $0xFFFFD800  }
0x27: {  	[tilespmem:s25], [sflag:$0x3] =	stream.strided.gather [hbm4b:s15+s19], $0x2800, s20, s19, $0x38;
	[tilespmem:$0x1C000] =	vst v63  }
0x28: {  	_ =	swait.ge [sflag:s21], $0x2800  }
0x29: {  	[sflag:s21] =	ssyncset.done $0x0  }
0x2a: {  	[sflag:s21] =	ssyncadd.s32 $0xFFFFD800  }
0x2b: {  	[tilespmem:s26], [sflag:$0x3] =	stream.linear.gather [hbm4b:s5+s2], $0x2800, $0x38;
	[tilespmem:$0x1C000] =	vst v63  }
0x2c: {  	_ =	swait.ge [sflag:s21], $0x2800  }
0x2d: {  	[sflag:s21] =	ssyncset.done $0x0  }
0x2e: {  	s12 =	rddreg [dreg:$0x5];
	[sflag:s21] =	ssyncadd.s32 $0xFFFFD800  }
0x2f: {  	[tilespmem:s28], [sflag:$0x3] =	stream.strided.gather [hbm4b:s12+s19], $0x2800, s20, s19, $0x38;
	[tilespmem:$0x1C000] =	vst v63  }
0x30: {  	_ =	swait.ge [sflag:s21], $0x2800  }
0x31: {  	[sflag:s21] =	ssyncset.done $0x0  }
0x32: {  	[sflag:s21] =	ssyncadd.s32 $0xFFFFD800  }
0x33: {  	[tilespmem:s29], [sflag:$0x3] =	stream.linear.gather [hbm4b:s5+s2], $0x2800, $0x38;
	[tilespmem:$0x1C000] =	vst v63  }
0x34: {  	_ =	swait.ge [sflag:s21], $0x2800  }
0x35: {  	[sflag:s21] =	ssyncset.done $0x0  }
0x36: {  	s14 =	rddreg [dreg:$0x6];
	[sflag:s21] =	ssyncadd.s32 $0xFFFFD800  }
0x37: {  	[tilespmem:s31], [sflag:$0x1] =	stream.strided.gather [hbm4b:s14+s19], $0x2000, s30, s19, $0x38;
	[tilespmem:$0x1C000] =	vst v63  }
0x38: {  	s11 =	simm.s32 $0x0;
	s15 =	rddreg [dreg:$0x7]  }
0x39: {  	[tilespmem:s0], [sflag:$0x1] =	stream.strided.gather [hbm4b:s15+s19], $0x2000, s30, s19, $0x38;
	[tilespmem:$0x1C000] =	vst v63  }
.LBB2_2:
0x3a: {  	_ =	swait.ge [sflag:s1], $0x2000  }
0x3b: {  	s12 =	sshll.u32 s11, $0xF;
	[sflag:s1] =	ssyncset.done $0x0  }
0x3c: {  	s12 =	sor.u32 s10, s12;
	[sflag:s1] =	ssyncadd.s32 $0xFFFFE000  }
0x3d: {  	s12 =	sshrl.u32 s12, $0x3;
	_ =	swait.ge [sflag:s1], $0x2000  }
0x3e: {  	s12 =	sor.u32 $0x800, s12;
	[sflag:s1] =	ssyncset.done $0x0  }
0x3f: {  	s14 =	sadd.s32 s3, s12;
	[sflag:s1] =	ssyncadd.s32 $0xFFFFE000  }
0x40: {  	[tilespmem:s6], [sflag:$0x2] =	stream.strided.gather [hbm4b:s14+s19], $0x2000, s30, s19, $0x38;
	[tilespmem:$0x1C000] =	vst v63  }
0x41: {  	s15 =	simm.s32 $0x14040;
	s12 =	sadd.s32 s4, s12  }
0x42: {  	[tilespmem:s7], [sflag:$0x2] =	stream.strided.gather [hbm4b:s12+s19], $0x2000, s30, s19, $0x38;
	[tilespmem:$0x1C000] =	vst v63  }
0x43: {  	v0 =	vld [tilespmem:s15+$0x30]  }
0x44: {  	v1 =	vld [tilespmem:s15+$0xFFFFFFD0]  }
0x45: {  	v2 =	vld [tilespmem:s15+$0xFFFFFFE0]  }
0x46: {  	v3 =	vld [tilespmem:s15+$0xFFFFFFF0]  }
0x47: {  	v4 =	vld [tilespmem:s15+$0x0]  }
0x48: {  	s12 =	simm.s32 $0x16040;
	v5 =	vld [tilespmem:s15+$0x10]  }
0x49: {  	v6 =	vld [tilespmem:s12+$0x30]  }
0x4a: {  	v7 =	vld [tilespmem:s15+$0x20]  }
0x4b: {  	v9 =	vld [tilespmem:s15+$0xFFFFFFC0]  }
0x4c: {  	v17 =	vld [tilespmem:s12+$0xFFFFFFC0]  }
0x4d: {  	v18 =	vld [tilespmem:s12+$0xFFFFFFD0]  }
0x4e: {  	v19 =	vld [tilespmem:s12+$0xFFFFFFE0]  }
0x4f: {  	v20 =	vld [tilespmem:s12+$0xFFFFFFF0]  }
0x50: {  	v21 =	vld [tilespmem:s12+$0x0]  }
0x51: {  	v22 =	vld [tilespmem:s12+$0x10]  }
0x52: {  	v23 =	vld [tilespmem:s12+$0x20]  }
0x53: {  	v8 =	vld.idx.msk [tilespmem:v0+s2+$0x0], $0xffff  }
0x54: {  	v10 =	vld.idx.msk [tilespmem:v1+s2+$0x0], $0xffff  }
0x55: {  	v11 =	vld.idx.msk [tilespmem:v2+s2+$0x0], $0xffff  }
0x56: {  	v12 =	vld.idx.msk [tilespmem:v3+s2+$0x0], $0xffff  }
0x57: {  	v15 =	vld.idx.msk [tilespmem:v9+s2+$0x0], $0xffff  }
0x58: {  	v13 =	vld.idx.msk [tilespmem:v4+s2+$0x0], $0xffff  }
0x59: {  	v14 =	vld.idx.msk [tilespmem:v5+s2+$0x0], $0xffff  }
0x5a: {  	v16 =	vld.idx.msk [tilespmem:v7+s2+$0x0], $0xffff  }
0x5b: {  	[tilespmem:v6+s22+$0x0] =	vst.idx.add.f32.msk $0xffff, v8  }
0x5c: {  	[tilespmem:v17+s22+$0x0] =	vst.idx.add.f32.msk $0xffff, v15  }
0x5d: {  	[tilespmem:v18+s22+$0x0] =	vst.idx.add.f32.msk $0xffff, v10  }
0x5e: {  	[tilespmem:v19+s22+$0x0] =	vst.idx.add.f32.msk $0xffff, v11  }
0x5f: {  	[tilespmem:v20+s22+$0x0] =	vst.idx.add.f32.msk $0xffff, v12  }
0x60: {  	[tilespmem:v21+s22+$0x0] =	vst.idx.add.f32.msk $0xffff, v13  }
0x61: {  	[tilespmem:v22+s22+$0x0] =	vst.idx.add.f32.msk $0xffff, v14  }
0x62: {  	[tilespmem:v23+s22+$0x0] =	vst.idx.add.f32.msk $0xffff, v16  }
0x63: {  	v8 =	vld.idx.msk [tilespmem:v0+s23+$0x0], $0xffff  }
0x64: {  	v56 =	vld.idx.msk [tilespmem:v9+s23+$0x0], $0xffff  }
0x65: {  	v57 =	vld.idx.msk [tilespmem:v1+s23+$0x0], $0xffff  }
0x66: {  	v58 =	vld.idx.msk [tilespmem:v2+s23+$0x0], $0xffff  }
0x67: {  	v59 =	vld.idx.msk [tilespmem:v3+s23+$0x0], $0xffff  }
0x68: {  	v60 =	vld.idx.msk [tilespmem:v4+s23+$0x0], $0xffff  }
0x69: {  	v61 =	vld.idx.msk [tilespmem:v5+s23+$0x0], $0xffff  }
0x6a: {  	v62 =	vld.idx.msk [tilespmem:v7+s23+$0x0], $0xffff  }
0x6b: {  	[tilespmem:v6+s24+$0x0] =	vst.idx.add.f32.msk $0xffff, v8  }
0x6c: {  	[tilespmem:v17+s24+$0x0] =	vst.idx.add.f32.msk $0xffff, v56  }
0x6d: {  	[tilespmem:v18+s24+$0x0] =	vst.idx.add.f32.msk $0xffff, v57  }
0x6e: {  	[tilespmem:v19+s24+$0x0] =	vst.idx.add.f32.msk $0xffff, v58  }
0x6f: {  	[tilespmem:v20+s24+$0x0] =	vst.idx.add.f32.msk $0xffff, v59  }
0x70: {  	[tilespmem:v21+s24+$0x0] =	vst.idx.add.f32.msk $0xffff, v60  }
0x71: {  	[tilespmem:v22+s24+$0x0] =	vst.idx.add.f32.msk $0xffff, v61  }
0x72: {  	[tilespmem:v23+s24+$0x0] =	vst.idx.add.f32.msk $0xffff, v62  }
0x73: {  	v8 =	vld.idx.msk [tilespmem:v0+s25+$0x0], $0xffff  }
0x74: {  	v10 =	vld.idx.msk [tilespmem:v3+s25+$0x0], $0xffff  }
0x75: {  	v11 =	vld.idx.msk [tilespmem:v4+s25+$0x0], $0xffff  }
0x76: {  	v12 =	vld.idx.msk [tilespmem:v5+s25+$0x0], $0xffff  }
0x77: {  	v13 =	vld.idx.msk [tilespmem:v7+s25+$0x0], $0xffff  }
0x78: {  	[tilespmem:v6+s26+$0x0] =	vst.idx.add.f32.msk $0xffff, v8  }
0x79: {  	v8 =	vld.idx.msk [tilespmem:v2+s25+$0x0], $0xffff  }
0x7a: {  	[tilespmem:v20+s26+$0x0] =	vst.idx.add.f32.msk $0xffff, v10  }
0x7b: {  	[tilespmem:v21+s26+$0x0] =	vst.idx.add.f32.msk $0xffff, v11  }
0x7c: {  	[tilespmem:v22+s26+$0x0] =	vst.idx.add.f32.msk $0xffff, v12  }
0x7d: {  	[tilespmem:v23+s26+$0x0] =	vst.idx.add.f32.msk $0xffff, v13  }
0x7e: {  	v0 =	vld.idx.msk [tilespmem:v0+s28+$0x0], $0xffff  }
0x7f: {  	v3 =	vld.idx.msk [tilespmem:v3+s28+$0x0], $0xffff  }
0x80: {  	v4 =	vld.idx.msk [tilespmem:v4+s28+$0x0], $0xffff  }
0x81: {  	v5 =	vld.idx.msk [tilespmem:v5+s28+$0x0], $0xffff  }
0x82: {  	v63 =	vld.idx.msk [tilespmem:v7+s28+$0x0], $0xffff  }
0x83: {  	[tilespmem:v19+s26+$0x0] =	vst.idx.add.f32.msk $0xffff, v8  }
0x84: {  	[tilespmem:v6+s29+$0x0] =	vst.idx.add.f32.msk $0xffff, v0  }
0x85: {  	v0 =	vld.idx.msk [tilespmem:v9+s25+$0x0], $0xffff  }
0x86: {  	v6 =	vld.idx.msk [tilespmem:v1+s25+$0x0], $0xffff  }
0x87: {  	v2 =	vld.idx.msk [tilespmem:v2+s28+$0x0], $0xffff  }
0x88: {  	[tilespmem:v20+s29+$0x0] =	vst.idx.add.f32.msk $0xffff, v3  }
0x89: {  	[tilespmem:v21+s29+$0x0] =	vst.idx.add.f32.msk $0xffff, v4  }
0x8a: {  	[tilespmem:v17+s26+$0x0] =	vst.idx.add.f32.msk $0xffff, v0  }
0x8b: {  	[tilespmem:v18+s26+$0x0] =	vst.idx.add.f32.msk $0xffff, v6  }
0x8c: {  	v0 =	vld.idx.msk [tilespmem:v9+s28+$0x0], $0xffff  }
0x8d: {  	v1 =	vld.idx.msk [tilespmem:v1+s28+$0x0], $0xffff  }
0x8e: {  	[tilespmem:v22+s29+$0x0] =	vst.idx.add.f32.msk $0xffff, v5  }
0x8f: {  	[tilespmem:v23+s29+$0x0] =	vst.idx.add.f32.msk $0xffff, v63  }
0x90: {  	[tilespmem:v19+s29+$0x0] =	vst.idx.add.f32.msk $0xffff, v2  }
0x91: {  	[tilespmem:v17+s29+$0x0] =	vst.idx.add.f32.msk $0xffff, v0  }
0x92: {  	s14 =	simm.s32 $0x0;
	s15 =	simm.s32 $0x140C0;
	[tilespmem:v18+s29+$0x0] =	vst.idx.add.f32.msk $0xffff, v1  }
.LBB2_3:
0x93: {  	v6 =	vld [tilespmem:s15+$0x30];
	s14 =	sadd.s32 $0x8, s14  }
0x94: {  	v0 =	vld [tilespmem:s15+$0xFFFFFFD0];
	p0 =	slt.u32 s14, $0x1F8  }
0x95: {  	v1 =	vld [tilespmem:s15+$0xFFFFFFE0]  }
0x96: {  	v2 =	vld [tilespmem:s15+$0xFFFFFFF0]  }
0x97: {  	v3 =	vld [tilespmem:s15+$0x0]  }
0x98: {  	s12 =	sadd.s32 $0x80, s12;
	v4 =	vld [tilespmem:s15+$0x10]  }
0x99: {  	v7 =	vld [tilespmem:s12+$0x30]  }
0x9a: {  	v5 =	vld [tilespmem:s15+$0x20]  }
0x9b: {  	v8 =	vld.idx.msk [tilespmem:v6+s2+$0x0], $0xffff  }
0x9c: {  	v9 =	vld [tilespmem:s15+$0xFFFFFFC0]  }
0x9d: {  	v10 =	vld.idx.msk [tilespmem:v0+s2+$0x0], $0xffff  }
0x9e: {  	v11 =	vld.idx.msk [tilespmem:v1+s2+$0x0], $0xffff  }
0x9f: {  	v12 =	vld.idx.msk [tilespmem:v2+s2+$0x0], $0xffff  }
0xa0: {  	v13 =	vld.idx.msk [tilespmem:v3+s2+$0x0], $0xffff  }
0xa1: {  	[tilespmem:v7+s22+$0x0] =	vst.idx.add.f32.msk $0xffff, v8  }
0xa2: {  	v8 =	vld.idx.msk [tilespmem:v6+s23+$0x0], $0xffff  }
0xa3: {  	v14 =	vld.idx.msk [tilespmem:v4+s2+$0x0], $0xffff  }
0xa4: {  	v15 =	vld.idx.msk [tilespmem:v9+s2+$0x0], $0xffff  }
0xa5: {  	v16 =	vld.idx.msk [tilespmem:v5+s2+$0x0], $0xffff  }
0xa6: {  	v17 =	vld [tilespmem:s12+$0xFFFFFFC0]  }
0xa7: {  	v18 =	vld [tilespmem:s12+$0xFFFFFFD0]  }
0xa8: {  	[tilespmem:v7+s24+$0x0] =	vst.idx.add.f32.msk $0xffff, v8  }
0xa9: {  	v8 =	vld.idx.msk [tilespmem:v6+s25+$0x0], $0xffff  }
0xaa: {  	v19 =	vld [tilespmem:s12+$0xFFFFFFE0]  }
0xab: {  	v20 =	vld [tilespmem:s12+$0xFFFFFFF0]  }
0xac: {  	v21 =	vld [tilespmem:s12+$0x0]  }
0xad: {  	v22 =	vld [tilespmem:s12+$0x10]  }
0xae: {  	v23 =	vld [tilespmem:s12+$0x20]  }
0xaf: {  	[tilespmem:v7+s26+$0x0] =	vst.idx.add.f32.msk $0xffff, v8  }
0xb0: {  	v6 =	vld.idx.msk [tilespmem:v6+s28+$0x0], $0xffff  }
0xb1: {  	[tilespmem:v17+s22+$0x0] =	vst.idx.add.f32.msk $0xffff, v15  }
0xb2: {  	[tilespmem:v18+s22+$0x0] =	vst.idx.add.f32.msk $0xffff, v10  }
0xb3: {  	[tilespmem:v19+s22+$0x0] =	vst.idx.add.f32.msk $0xffff, v11  }
0xb4: {  	[tilespmem:v20+s22+$0x0] =	vst.idx.add.f32.msk $0xffff, v12  }
0xb5: {  	[tilespmem:v21+s22+$0x0] =	vst.idx.add.f32.msk $0xffff, v13  }
0xb6: {  	[tilespmem:v7+s29+$0x0] =	vst.idx.add.f32.msk $0xffff, v6  }
0xb7: {  	[tilespmem:v22+s22+$0x0] =	vst.idx.add.f32.msk $0xffff, v14  }
0xb8: {  	[tilespmem:v23+s22+$0x0] =	vst.idx.add.f32.msk $0xffff, v16  }
0xb9: {  	v6 =	vld.idx.msk [tilespmem:v9+s23+$0x0], $0xffff  }
0xba: {  	v7 =	vld.idx.msk [tilespmem:v0+s23+$0x0], $0xffff  }
0xbb: {  	v8 =	vld.idx.msk [tilespmem:v1+s23+$0x0], $0xffff  }
0xbc: {  	v10 =	vld.idx.msk [tilespmem:v2+s23+$0x0], $0xffff  }
0xbd: {  	v11 =	vld.idx.msk [tilespmem:v3+s23+$0x0], $0xffff  }
0xbe: {  	v12 =	vld.idx.msk [tilespmem:v4+s23+$0x0], $0xffff  }
0xbf: {  	v13 =	vld.idx.msk [tilespmem:v5+s23+$0x0], $0xffff  }
0xc0: {  	[tilespmem:v17+s24+$0x0] =	vst.idx.add.f32.msk $0xffff, v6  }
0xc1: {  	[tilespmem:v18+s24+$0x0] =	vst.idx.add.f32.msk $0xffff, v7  }
0xc2: {  	[tilespmem:v19+s24+$0x0] =	vst.idx.add.f32.msk $0xffff, v8  }
0xc3: {  	[tilespmem:v20+s24+$0x0] =	vst.idx.add.f32.msk $0xffff, v10  }
0xc4: {  	[tilespmem:v21+s24+$0x0] =	vst.idx.add.f32.msk $0xffff, v11  }
0xc5: {  	[tilespmem:v22+s24+$0x0] =	vst.idx.add.f32.msk $0xffff, v12  }
0xc6: {  	[tilespmem:v23+s24+$0x0] =	vst.idx.add.f32.msk $0xffff, v13  }
0xc7: {  	v6 =	vld.idx.msk [tilespmem:v9+s25+$0x0], $0xffff  }
0xc8: {  	v7 =	vld.idx.msk [tilespmem:v0+s25+$0x0], $0xffff  }
0xc9: {  	v8 =	vld.idx.msk [tilespmem:v1+s25+$0x0], $0xffff  }
0xca: {  	v10 =	vld.idx.msk [tilespmem:v2+s25+$0x0], $0xffff  }
0xcb: {  	v11 =	vld.idx.msk [tilespmem:v3+s25+$0x0], $0xffff  }
0xcc: {  	v12 =	vld.idx.msk [tilespmem:v4+s25+$0x0], $0xffff  }
0xcd: {  	v13 =	vld.idx.msk [tilespmem:v5+s25+$0x0], $0xffff  }
0xce: {  	[tilespmem:v17+s26+$0x0] =	vst.idx.add.f32.msk $0xffff, v6  }
0xcf: {  	[tilespmem:v18+s26+$0x0] =	vst.idx.add.f32.msk $0xffff, v7  }
0xd0: {  	[tilespmem:v19+s26+$0x0] =	vst.idx.add.f32.msk $0xffff, v8  }
0xd1: {  	[tilespmem:v20+s26+$0x0] =	vst.idx.add.f32.msk $0xffff, v10  }
0xd2: {  	[tilespmem:v21+s26+$0x0] =	vst.idx.add.f32.msk $0xffff, v11  }
0xd3: {  	[tilespmem:v22+s26+$0x0] =	vst.idx.add.f32.msk $0xffff, v12  }
0xd4: {  	[tilespmem:v23+s26+$0x0] =	vst.idx.add.f32.msk $0xffff, v13  }
0xd5: {  	v6 =	vld.idx.msk [tilespmem:v9+s28+$0x0], $0xffff  }
0xd6: {  	v0 =	vld.idx.msk [tilespmem:v0+s28+$0x0], $0xffff  }
0xd7: {  	v1 =	vld.idx.msk [tilespmem:v1+s28+$0x0], $0xffff  }
0xd8: {  	v2 =	vld.idx.msk [tilespmem:v2+s28+$0x0], $0xffff  }
0xd9: {  	v3 =	vld.idx.msk [tilespmem:v3+s28+$0x0], $0xffff  }
0xda: {  	v4 =	vld.idx.msk [tilespmem:v4+s28+$0x0], $0xffff  }
0xdb: {  	v5 =	vld.idx.msk [tilespmem:v5+s28+$0x0], $0xffff  }
0xdc: {  	[tilespmem:v17+s29+$0x0] =	vst.idx.add.f32.msk $0xffff, v6  }
0xdd: {  	[tilespmem:v18+s29+$0x0] =	vst.idx.add.f32.msk $0xffff, v0  }
.Ltmp0:
0xde: {  	[tilespmem:v19+s29+$0x0] =	vst.idx.add.f32.msk $0xffff, v1;
	(pc) =	sbr.rel @p0 .LBB2_3-.Ltmp0, $4  }
0xdf: {  	[tilespmem:v20+s29+$0x0] =	vst.idx.add.f32.msk $0xffff, v2  }
0xe0: {  	[tilespmem:v21+s29+$0x0] =	vst.idx.add.f32.msk $0xffff, v3  }
0xe1: {  	[tilespmem:v22+s29+$0x0] =	vst.idx.add.f32.msk $0xffff, v4  }
0xe2: {  	s15 =	sadd.s32 $0x80, s15;
	[tilespmem:v23+s29+$0x0] =	vst.idx.add.f32.msk $0xffff, v5  }
0xe3: {  	s12 =	sshll.u32 s11, $0x1;
	_ =	swait.ge [sflag:s8], $0x2000  }
0xe4: {  	[sflag:s8] =	ssyncset.done $0x0;
	s12 =	smin.u32 s12, $0x25  }
0xe5: {  	[sflag:s8] =	ssyncadd.s32 $0xFFFFE000;
	s12 =	sshll.u32 s12, $0xE  }
0xe6: {  	_ =	swait.ge [sflag:s8], $0x2000;
	s12 =	sadd.s32 s13, s12  }
0xe7: {  	[sflag:s8] =	ssyncset.done $0x0;
	s12 =	sshrl.u32 s12, $0x3  }
0xe8: {  	[sflag:s8] =	ssyncadd.s32 $0xFFFFE000;
	s14 =	sadd.s32 s3, s12  }
0xe9: {  	[tilespmem:s31], [sflag:$0x1] =	stream.strided.gather [hbm4b:s14+s19], $0x2000, s30, s19, $0x38;
	[tilespmem:$0x1C000] =	vst v63  }
0xea: {  	s15 =	simm.s32 $0x18040;
	s12 =	sadd.s32 s4, s12  }
0xeb: {  	[tilespmem:s0], [sflag:$0x1] =	stream.strided.gather [hbm4b:s12+s19], $0x2000, s30, s19, $0x38;
	[tilespmem:$0x1C000] =	vst v63  }
0xec: {  	v0 =	vld [tilespmem:s15+$0x30]  }
0xed: {  	v1 =	vld [tilespmem:s15+$0xFFFFFFD0]  }
0xee: {  	v2 =	vld [tilespmem:s15+$0xFFFFFFE0]  }
0xef: {  	v3 =	vld [tilespmem:s15+$0xFFFFFFF0]  }
0xf0: {  	v4 =	vld [tilespmem:s15+$0x0]  }
0xf1: {  	s12 =	simm.s32 $0x1A040;
	v5 =	vld [tilespmem:s15+$0x10]  }
0xf2: {  	v6 =	vld [tilespmem:s12+$0x30]  }
0xf3: {  	v7 =	vld [tilespmem:s15+$0x20]  }
0xf4: {  	v9 =	vld [tilespmem:s15+$0xFFFFFFC0]  }
0xf5: {  	v17 =	vld [tilespmem:s12+$0xFFFFFFC0]  }
0xf6: {  	v18 =	vld [tilespmem:s12+$0xFFFFFFD0]  }
0xf7: {  	v19 =	vld [tilespmem:s12+$0xFFFFFFE0]  }
0xf8: {  	v20 =	vld [tilespmem:s12+$0xFFFFFFF0]  }
0xf9: {  	v21 =	vld [tilespmem:s12+$0x0]  }
0xfa: {  	v22 =	vld [tilespmem:s12+$0x10]  }
0xfb: {  	v23 =	vld [tilespmem:s12+$0x20]  }
0xfc: {  	v8 =	vld.idx.msk [tilespmem:v0+s2+$0x0], $0xffff  }
0xfd: {  	v10 =	vld.idx.msk [tilespmem:v1+s2+$0x0], $0xffff  }
0xfe: {  	v11 =	vld.idx.msk [tilespmem:v2+s2+$0x0], $0xffff  }
0xff: {  	v12 =	vld.idx.msk [tilespmem:v3+s2+$0x0], $0xffff  }
0x100: {  	v15 =	vld.idx.msk [tilespmem:v9+s2+$0x0], $0xffff  }
0x101: {  	v13 =	vld.idx.msk [tilespmem:v4+s2+$0x0], $0xffff  }
0x102: {  	v14 =	vld.idx.msk [tilespmem:v5+s2+$0x0], $0xffff  }
0x103: {  	v16 =	vld.idx.msk [tilespmem:v7+s2+$0x0], $0xffff  }
0x104: {  	[tilespmem:v6+s22+$0x0] =	vst.idx.add.f32.msk $0xffff, v8  }
0x105: {  	[tilespmem:v17+s22+$0x0] =	vst.idx.add.f32.msk $0xffff, v15  }
0x106: {  	[tilespmem:v18+s22+$0x0] =	vst.idx.add.f32.msk $0xffff, v10  }
0x107: {  	[tilespmem:v19+s22+$0x0] =	vst.idx.add.f32.msk $0xffff, v11  }
0x108: {  	[tilespmem:v20+s22+$0x0] =	vst.idx.add.f32.msk $0xffff, v12  }
0x109: {  	[tilespmem:v21+s22+$0x0] =	vst.idx.add.f32.msk $0xffff, v13  }
0x10a: {  	[tilespmem:v22+s22+$0x0] =	vst.idx.add.f32.msk $0xffff, v14  }
0x10b: {  	[tilespmem:v23+s22+$0x0] =	vst.idx.add.f32.msk $0xffff, v16  }
0x10c: {  	v8 =	vld.idx.msk [tilespmem:v0+s23+$0x0], $0xffff  }
0x10d: {  	v56 =	vld.idx.msk [tilespmem:v9+s23+$0x0], $0xffff  }
0x10e: {  	v57 =	vld.idx.msk [tilespmem:v1+s23+$0x0], $0xffff  }
0x10f: {  	v58 =	vld.idx.msk [tilespmem:v2+s23+$0x0], $0xffff  }
0x110: {  	v59 =	vld.idx.msk [tilespmem:v3+s23+$0x0], $0xffff  }
0x111: {  	v60 =	vld.idx.msk [tilespmem:v4+s23+$0x0], $0xffff  }
0x112: {  	v61 =	vld.idx.msk [tilespmem:v5+s23+$0x0], $0xffff  }
0x113: {  	v62 =	vld.idx.msk [tilespmem:v7+s23+$0x0], $0xffff  }
0x114: {  	[tilespmem:v6+s24+$0x0] =	vst.idx.add.f32.msk $0xffff, v8  }
0x115: {  	[tilespmem:v17+s24+$0x0] =	vst.idx.add.f32.msk $0xffff, v56  }
0x116: {  	[tilespmem:v18+s24+$0x0] =	vst.idx.add.f32.msk $0xffff, v57  }
0x117: {  	[tilespmem:v19+s24+$0x0] =	vst.idx.add.f32.msk $0xffff, v58  }
0x118: {  	[tilespmem:v20+s24+$0x0] =	vst.idx.add.f32.msk $0xffff, v59  }
0x119: {  	[tilespmem:v21+s24+$0x0] =	vst.idx.add.f32.msk $0xffff, v60  }
0x11a: {  	[tilespmem:v22+s24+$0x0] =	vst.idx.add.f32.msk $0xffff, v61  }
0x11b: {  	[tilespmem:v23+s24+$0x0] =	vst.idx.add.f32.msk $0xffff, v62  }
0x11c: {  	v8 =	vld.idx.msk [tilespmem:v0+s25+$0x0], $0xffff  }
0x11d: {  	v10 =	vld.idx.msk [tilespmem:v3+s25+$0x0], $0xffff  }
0x11e: {  	v11 =	vld.idx.msk [tilespmem:v4+s25+$0x0], $0xffff  }
0x11f: {  	v12 =	vld.idx.msk [tilespmem:v5+s25+$0x0], $0xffff  }
0x120: {  	v13 =	vld.idx.msk [tilespmem:v7+s25+$0x0], $0xffff  }
0x121: {  	[tilespmem:v6+s26+$0x0] =	vst.idx.add.f32.msk $0xffff, v8  }
0x122: {  	v8 =	vld.idx.msk [tilespmem:v2+s25+$0x0], $0xffff  }
0x123: {  	[tilespmem:v20+s26+$0x0] =	vst.idx.add.f32.msk $0xffff, v10  }
0x124: {  	[tilespmem:v21+s26+$0x0] =	vst.idx.add.f32.msk $0xffff, v11  }
0x125: {  	[tilespmem:v22+s26+$0x0] =	vst.idx.add.f32.msk $0xffff, v12  }
0x126: {  	[tilespmem:v23+s26+$0x0] =	vst.idx.add.f32.msk $0xffff, v13  }
0x127: {  	v0 =	vld.idx.msk [tilespmem:v0+s28+$0x0], $0xffff  }
0x128: {  	v3 =	vld.idx.msk [tilespmem:v3+s28+$0x0], $0xffff  }
0x129: {  	v4 =	vld.idx.msk [tilespmem:v4+s28+$0x0], $0xffff  }
0x12a: {  	v5 =	vld.idx.msk [tilespmem:v5+s28+$0x0], $0xffff  }
0x12b: {  	v63 =	vld.idx.msk [tilespmem:v7+s28+$0x0], $0xffff  }
0x12c: {  	[tilespmem:v19+s26+$0x0] =	vst.idx.add.f32.msk $0xffff, v8  }
0x12d: {  	[tilespmem:v6+s29+$0x0] =	vst.idx.add.f32.msk $0xffff, v0  }
0x12e: {  	v0 =	vld.idx.msk [tilespmem:v9+s25+$0x0], $0xffff  }
0x12f: {  	v6 =	vld.idx.msk [tilespmem:v1+s25+$0x0], $0xffff  }
0x130: {  	v2 =	vld.idx.msk [tilespmem:v2+s28+$0x0], $0xffff  }
0x131: {  	[tilespmem:v20+s29+$0x0] =	vst.idx.add.f32.msk $0xffff, v3  }
0x132: {  	[tilespmem:v21+s29+$0x0] =	vst.idx.add.f32.msk $0xffff, v4  }
0x133: {  	[tilespmem:v17+s26+$0x0] =	vst.idx.add.f32.msk $0xffff, v0  }
0x134: {  	[tilespmem:v18+s26+$0x0] =	vst.idx.add.f32.msk $0xffff, v6  }
0x135: {  	v0 =	vld.idx.msk [tilespmem:v9+s28+$0x0], $0xffff  }
0x136: {  	v1 =	vld.idx.msk [tilespmem:v1+s28+$0x0], $0xffff  }
0x137: {  	[tilespmem:v22+s29+$0x0] =	vst.idx.add.f32.msk $0xffff, v5  }
0x138: {  	[tilespmem:v23+s29+$0x0] =	vst.idx.add.f32.msk $0xffff, v63  }
0x139: {  	[tilespmem:v19+s29+$0x0] =	vst.idx.add.f32.msk $0xffff, v2  }
0x13a: {  	[tilespmem:v17+s29+$0x0] =	vst.idx.add.f32.msk $0xffff, v0  }
0x13b: {  	s14 =	simm.s32 $0x0;
	s15 =	simm.s32 $0x180C0;
	[tilespmem:v18+s29+$0x0] =	vst.idx.add.f32.msk $0xffff, v1  }
.LBB2_5:
0x13c: {  	v6 =	vld [tilespmem:s15+$0x30];
	s14 =	sadd.s32 $0x8, s14  }
0x13d: {  	v0 =	vld [tilespmem:s15+$0xFFFFFFD0];
	p0 =	slt.u32 s14, $0x1F8  }
0x13e: {  	v1 =	vld [tilespmem:s15+$0xFFFFFFE0]  }
0x13f: {  	v2 =	vld [tilespmem:s15+$0xFFFFFFF0]  }
0x140: {  	v3 =	vld [tilespmem:s15+$0x0]  }
0x141: {  	s12 =	sadd.s32 $0x80, s12;
	v4 =	vld [tilespmem:s15+$0x10]  }
0x142: {  	v7 =	vld [tilespmem:s12+$0x30]  }
0x143: {  	v5 =	vld [tilespmem:s15+$0x20]  }
0x144: {  	v8 =	vld.idx.msk [tilespmem:v6+s2+$0x0], $0xffff  }
0x145: {  	v9 =	vld [tilespmem:s15+$0xFFFFFFC0]  }
0x146: {  	v10 =	vld.idx.msk [tilespmem:v0+s2+$0x0], $0xffff  }
0x147: {  	v11 =	vld.idx.msk [tilespmem:v1+s2+$0x0], $0xffff  }
0x148: {  	v12 =	vld.idx.msk [tilespmem:v2+s2+$0x0], $0xffff  }
0x149: {  	v13 =	vld.idx.msk [tilespmem:v3+s2+$0x0], $0xffff  }
0x14a: {  	[tilespmem:v7+s22+$0x0] =	vst.idx.add.f32.msk $0xffff, v8  }
0x14b: {  	v8 =	vld.idx.msk [tilespmem:v6+s23+$0x0], $0xffff  }
0x14c: {  	v14 =	vld.idx.msk [tilespmem:v4+s2+$0x0], $0xffff  }
0x14d: {  	v15 =	vld.idx.msk [tilespmem:v9+s2+$0x0], $0xffff  }
0x14e: {  	v16 =	vld.idx.msk [tilespmem:v5+s2+$0x0], $0xffff  }
0x14f: {  	v17 =	vld [tilespmem:s12+$0xFFFFFFC0]  }
0x150: {  	v18 =	vld [tilespmem:s12+$0xFFFFFFD0]  }
0x151: {  	[tilespmem:v7+s24+$0x0] =	vst.idx.add.f32.msk $0xffff, v8  }
0x152: {  	v8 =	vld.idx.msk [tilespmem:v6+s25+$0x0], $0xffff  }
0x153: {  	v19 =	vld [tilespmem:s12+$0xFFFFFFE0]  }
0x154: {  	v20 =	vld [tilespmem:s12+$0xFFFFFFF0]  }
0x155: {  	v21 =	vld [tilespmem:s12+$0x0]  }
0x156: {  	v22 =	vld [tilespmem:s12+$0x10]  }
0x157: {  	v23 =	vld [tilespmem:s12+$0x20]  }
0x158: {  	[tilespmem:v7+s26+$0x0] =	vst.idx.add.f32.msk $0xffff, v8  }
0x159: {  	v6 =	vld.idx.msk [tilespmem:v6+s28+$0x0], $0xffff  }
0x15a: {  	[tilespmem:v17+s22+$0x0] =	vst.idx.add.f32.msk $0xffff, v15  }
0x15b: {  	[tilespmem:v18+s22+$0x0] =	vst.idx.add.f32.msk $0xffff, v10  }
0x15c: {  	[tilespmem:v19+s22+$0x0] =	vst.idx.add.f32.msk $0xffff, v11  }
0x15d: {  	[tilespmem:v20+s22+$0x0] =	vst.idx.add.f32.msk $0xffff, v12  }
0x15e: {  	[tilespmem:v21+s22+$0x0] =	vst.idx.add.f32.msk $0xffff, v13  }
0x15f: {  	[tilespmem:v7+s29+$0x0] =	vst.idx.add.f32.msk $0xffff, v6  }
0x160: {  	[tilespmem:v22+s22+$0x0] =	vst.idx.add.f32.msk $0xffff, v14  }
0x161: {  	[tilespmem:v23+s22+$0x0] =	vst.idx.add.f32.msk $0xffff, v16  }
0x162: {  	v6 =	vld.idx.msk [tilespmem:v9+s23+$0x0], $0xffff  }
0x163: {  	v7 =	vld.idx.msk [tilespmem:v0+s23+$0x0], $0xffff  }
0x164: {  	v8 =	vld.idx.msk [tilespmem:v1+s23+$0x0], $0xffff  }
0x165: {  	v10 =	vld.idx.msk [tilespmem:v2+s23+$0x0], $0xffff  }
0x166: {  	v11 =	vld.idx.msk [tilespmem:v3+s23+$0x0], $0xffff  }
0x167: {  	v12 =	vld.idx.msk [tilespmem:v4+s23+$0x0], $0xffff  }
0x168: {  	v13 =	vld.idx.msk [tilespmem:v5+s23+$0x0], $0xffff  }
0x169: {  	[tilespmem:v17+s24+$0x0] =	vst.idx.add.f32.msk $0xffff, v6  }
0x16a: {  	[tilespmem:v18+s24+$0x0] =	vst.idx.add.f32.msk $0xffff, v7  }
0x16b: {  	[tilespmem:v19+s24+$0x0] =	vst.idx.add.f32.msk $0xffff, v8  }
0x16c: {  	[tilespmem:v20+s24+$0x0] =	vst.idx.add.f32.msk $0xffff, v10  }
0x16d: {  	[tilespmem:v21+s24+$0x0] =	vst.idx.add.f32.msk $0xffff, v11  }
0x16e: {  	[tilespmem:v22+s24+$0x0] =	vst.idx.add.f32.msk $0xffff, v12  }
0x16f: {  	[tilespmem:v23+s24+$0x0] =	vst.idx.add.f32.msk $0xffff, v13  }
0x170: {  	v6 =	vld.idx.msk [tilespmem:v9+s25+$0x0], $0xffff  }
0x171: {  	v7 =	vld.idx.msk [tilespmem:v0+s25+$0x0], $0xffff  }
0x172: {  	v8 =	vld.idx.msk [tilespmem:v1+s25+$0x0], $0xffff  }
0x173: {  	v10 =	vld.idx.msk [tilespmem:v2+s25+$0x0], $0xffff  }
0x174: {  	v11 =	vld.idx.msk [tilespmem:v3+s25+$0x0], $0xffff  }
0x175: {  	v12 =	vld.idx.msk [tilespmem:v4+s25+$0x0], $0xffff  }
0x176: {  	v13 =	vld.idx.msk [tilespmem:v5+s25+$0x0], $0xffff  }
0x177: {  	[tilespmem:v17+s26+$0x0] =	vst.idx.add.f32.msk $0xffff, v6  }
0x178: {  	[tilespmem:v18+s26+$0x0] =	vst.idx.add.f32.msk $0xffff, v7  }
0x179: {  	[tilespmem:v19+s26+$0x0] =	vst.idx.add.f32.msk $0xffff, v8  }
0x17a: {  	[tilespmem:v20+s26+$0x0] =	vst.idx.add.f32.msk $0xffff, v10  }
0x17b: {  	[tilespmem:v21+s26+$0x0] =	vst.idx.add.f32.msk $0xffff, v11  }
0x17c: {  	[tilespmem:v22+s26+$0x0] =	vst.idx.add.f32.msk $0xffff, v12  }
0x17d: {  	[tilespmem:v23+s26+$0x0] =	vst.idx.add.f32.msk $0xffff, v13  }
0x17e: {  	v6 =	vld.idx.msk [tilespmem:v9+s28+$0x0], $0xffff  }
0x17f: {  	v0 =	vld.idx.msk [tilespmem:v0+s28+$0x0], $0xffff  }
0x180: {  	v1 =	vld.idx.msk [tilespmem:v1+s28+$0x0], $0xffff  }
0x181: {  	v2 =	vld.idx.msk [tilespmem:v2+s28+$0x0], $0xffff  }
0x182: {  	v3 =	vld.idx.msk [tilespmem:v3+s28+$0x0], $0xffff  }
0x183: {  	v4 =	vld.idx.msk [tilespmem:v4+s28+$0x0], $0xffff  }
0x184: {  	v5 =	vld.idx.msk [tilespmem:v5+s28+$0x0], $0xffff  }
0x185: {  	[tilespmem:v17+s29+$0x0] =	vst.idx.add.f32.msk $0xffff, v6  }
0x186: {  	[tilespmem:v18+s29+$0x0] =	vst.idx.add.f32.msk $0xffff, v0  }
.Ltmp1:
0x187: {  	[tilespmem:v19+s29+$0x0] =	vst.idx.add.f32.msk $0xffff, v1;
	(pc) =	sbr.rel @p0 .LBB2_5-.Ltmp1, $4  }
0x188: {  	[tilespmem:v20+s29+$0x0] =	vst.idx.add.f32.msk $0xffff, v2  }
0x189: {  	[tilespmem:v21+s29+$0x0] =	vst.idx.add.f32.msk $0xffff, v3  }
0x18a: {  	[tilespmem:v22+s29+$0x0] =	vst.idx.add.f32.msk $0xffff, v4  }
0x18b: {  	s15 =	sadd.s32 $0x80, s15;
	[tilespmem:v23+s29+$0x0] =	vst.idx.add.f32.msk $0xffff, v5  }
0x18c: {  	s11 =	sadd.s32 $0x1, s11  }
0x18d: {  	p0 =	sne.s32 s11, $0x14  }
.Ltmp2:
0x18e: {  	_ = 	snop;
	(pc) =	sbr.rel @p0 .LBB2_2-.Ltmp2, $1  }
0x18f: {  	_ =	sdelay $0x3  }
0x190: {  	_ =	swait.ge [sflag:s1], $0x2000  }
0x191: {  	[sflag:s1] =	ssyncset.done $0x0  }
0x192: {  	[sflag:s1] =	ssyncadd.s32 $0xFFFFE000  }
0x193: {  	_ =	swait.ge [sflag:s1], $0x2000  }
0x194: {  	[sflag:s1] =	ssyncset.done $0x0  }
0x195: {  	s11 =	rddreg [dreg:$0x8];
	[sflag:s1] =	ssyncadd.s32 $0xFFFFE000  }
0x196: {  	[hbm4b:s11+s19] =	stream.strided.scatter [tilespmem:s22], [sflag:$0x3], $0x2800, s20, s19, $0x38;
	[tilespmem:$0x1C000] =	vst v63  }
0x197: {  	_ =	swait.ge [sflag:s21], $0x2800  }
0x198: {  	[sflag:s21] =	ssyncset.done $0x0  }
0x199: {  	s15 =	rddreg [dreg:$0x9];
	[sflag:s21] =	ssyncadd.s32 $0xFFFFD800  }
0x19a: {  	[hbm4b:s15+s19] =	stream.strided.scatter [tilespmem:s24], [sflag:$0x3], $0x2800, s20, s19, $0x38;
	[tilespmem:$0x1C000] =	vst v63  }
0x19b: {  	_ =	swait.ge [sflag:s21], $0x2800  }
0x19c: {  	[sflag:s21] =	ssyncset.done $0x0  }
0x19d: {  	[sflag:s21] =	ssyncadd.s32 $0xFFFFD800  }
0x19e: {  	[hbm4b:s16+s19] =	stream.strided.scatter [tilespmem:s26], [sflag:$0x3], $0x2800, s20, s19, $0x38;
	[tilespmem:$0x1C000] =	vst v63  }
0x19f: {  	s9 =	sadd.s32 $0x1, s9;
	_ =	swait.ge [sflag:s21], $0x2800  }
0x1a0: {  	p0 =	sne.s32 s9, s18;
	[sflag:s21] =	ssyncset.done $0x0  }
.Ltmp3:
0x1a1: {  	[sflag:s21] =	ssyncadd.s32 $0xFFFFD800;
	(pc) =	sbr.rel @p0 .LBB2_1-.Ltmp3, $4  }
0x1a2: {  	[hbm4b:s17+s19] =	stream.strided.scatter [tilespmem:s29], [sflag:$0x3], $0x2800, s20, s19, $0x38;
	[tilespmem:$0x1C000] =	vst v63  }
0x1a3: {  	_ =	swait.ge [sflag:s21], $0x2800  }
0x1a4: {  	[sflag:s21] =	ssyncset.done $0x0  }
0x1a5: {  	[sflag:s21] =	ssyncadd.s32 $0xFFFFD800  }
0x1a6: {  	_ =	sfence.sel $0x180000  }
0x1a7: {  	[bflag:$0x0] =	sbarrier.arrive $0xFFFF  }
0x1a8: {  	_ =	strace $0x9000004D  }
0x1a9: {  	s0 =	stileid.u32;
	[bflag:$0x2] =	sbarrier.arrive $0xFFFF  }
0x1aa: {  	p0 =	sne.s32 s0, $0x0;
	s0 =	rddreg [dreg:$0x1]  }
0x1ab: {  	s0 =	sadd.s32 @!p0 $0x100000, s0  }
0x1ac: {  	[sflag:s0] =	ssyncadd.tile.s32 @!p0 $0x1;
	_ =	shalt  }
.Lfunc_end2:
_tile_overlayer_lowered:
.L_overlay_start_2:
0x1ad: {  	(tag) =	ssettag $0x2  }
0x1ae: {  	s0 =	rddreg [dreg:$0x0];
	s2 =	stileid.u32  }
0x1af: {  	s1 =	rddreg [dreg:$0x1];
	p0 =	sne.s32 s2, $0x0  }
0x1b0: {  	s3 =	rddreg [dreg:$0x2];
	[bflag:$0x3] =	sbarrier.arrive $0xFFFF;
	s2 =	simm.s32 @!p0 $0x1C03  }
0x1b1: {  	[timem:s3], [sflag:s2] =	dma.local @!p0 [hbm:s0], s1  }
0x1b2: {  	s0 =	simm.s32 @!p0 $0x3  }
0x1b3: {  	_ =	swait.ge @!p0 [sflag:s0], s1  }
0x1b4: {  	s1 =	ssub.s32 @!p0 $0x0, s1;
	[sflag:s0] =	ssyncset.done @!p0 $0x0  }
0x1b5: {  	[sflag:s0] =	ssyncadd.s32 @!p0 s1  }
0x1b6: {  	[bflag:$0x3] =	sbarrier.arrive $0xFFFF  }
0x1b7: {  	_ =	shalt  }

// kernel: kernel.8.cloned.1.call-start
scs
__scs_entry_jumppad:
0x0: {  	(pc) =	sbr.rel $0x88, $3  }
0x1: {  	(tag) =	ssettag $0x0;
	lr =	simm.s32 $0x1  }
0x2: {  	[smem:$0x3F91] =	sst lr;
	_ =	strace $0xD0000000  }
0x3: {  	_ = 	snop  }
0x4: {  	_ = 	snop  }
0x5: {  	_ = 	snop  }
0x6: {  	_ = 	snop  }
0x7: {  	_ = 	snop  }
__scs_overlays_trampoline_lowered:
0x8: {  	[smem:$0x3FA0] =	sst s0  }
0x9: {  	[smem:$0x3FA1] =	sst s1  }
0xa: {  	[smem:$0x3FA2] =	sst s2  }
0xb: {  	[smem:$0x3FA3] =	sst s3  }
0xc: {  	[smem:$0x3FA4] =	sst s4  }
0xd: {  	[smem:$0x3FA5] =	sst s5  }
0xe: {  	[smem:$0x3FA6] =	sst s6  }
0xf: {  	[smem:$0x3FA7] =	sst s7  }
0x10: {  	[smem:$0x3FA8] =	sst s8  }
0x11: {  	[smem:$0x3FA9] =	sst s9;
	s0 =	simm.s32 @!p0 $0x0  }
0x12: {  	s1 =	sld [smem:$0x3F8F];
	s0 =	simm.s32 @p0 $0x1  }
0x13: {  	[smem:$0x3FAA] =	sst s0;
	s0 =	simm.s32 @!p1 $0x0  }
0x14: {  	s2 =	sld [smem:$0x3F8E];
	s0 =	simm.s32 @p1 $0x1  }
0x15: {  	[smem:$0x3FAB] =	sst s0;
	s0 =	simm.s32 @!p2 $0x0  }
0x16: {  	s3 =	sld [smem:$0x3FDB];
	s0 =	simm.s32 @p2 $0x1  }
0x17: {  	s4 =	simm.s32 $0x1BF5;
	[smem:$0x3FAD] =	sst s0  }
0x18: {  	s0 =	sld [smem:$0x3F90];
	_ =	swait.ge [sflag:s4], $0x0  }
0x19: {  	s7 =	sld [smem:$0x3F91]  }
0x1a: {  	s8 =	sadd.s32 $0xFFFFE003, lr  }
0x1b: {  	s9 =	sadd.s32 $0xFFFFFEF7, lr;
	s5 =	simm.s32 $0xFFFFFFFF;
	p2 =	slt.u32 s8, $0xFFFFF086  }
0x1c: {  	p1 =	slt.u32 s9, $0xF7A;
	s5 =	simm.s32 @!p2 $0x0  }
0x1d: {  	s5 =	simm.s32 @p1 $0x1;
	p0 =	seq.s32 s7, s2  }
0x1e: {  	s7 =	smul.u32 @!p0 $0xF7A, s2;
	p2 =	seq.s32 @!p0 s5, $0x0  }
0x1f: {  	s9 =	smul.u32 $0xF7A, s1;
	s8 =	simm.s32 @!p0 $0x1BF5;
	p2 =	por !p2, p0  }
0x20: {  	[sflag:s8] =	ssyncset.s32 @!p0 $0xFFFFF086;
	s6 =	sadd.s32 @!p0 s3, s7;
	s7 =	simm.s32 @!p0 $0x108  }
0x21: {  	s3 =	sadd.s32 s3, s9;
	s6 =	sadd.s32 @!p0 $0x88, s6;
	s7 =	simm.s32 @p2 $0x1082  }
0x22: {  	[simem:s7], [sflag:s8] =	dma.local @!p0 [hbm:s6], $0xF7A  }
0x23: {  	s9 =	sor.u32 $0xD0000000, s2;
	s6 =	simm.s32 $0x108;
	_ =	swait.ge @!p0 [sflag:s8], $0x0  }
0x24: {  	s3 =	sadd.s32 $0x88, s3;
	s6 =	simm.s32 @!p1 $0x1082;
	[sflag:s4] =	ssyncset.s32 $0xFFFFF086  }
0x25: {  	[simem:s6], [sflag:s4] =	dma.local [hbm:s3], $0xF7A  }
0x26: {  	[smem:$0x3F91] =	sst s1;
	(tag) =	ssettag s2;
	_ =	strace s9  }
0x27: {  	s1 =	sld [smem:$0x3FA1]  }
0x28: {  	s2 =	sld [smem:$0x3FA2]  }
0x29: {  	s4 =	sld [smem:$0x3FA4]  }
0x2a: {  	p0 =	seq.s32 s5, $0x0;
	s5 =	sld [smem:$0x3FA5]  }
0x2b: {  	s6 =	sld [smem:$0x3FA6]  }
0x2c: {  	s7 =	sld [smem:$0x3FA7]  }
0x2d: {  	s3 =	simm.s32 $0x108;
	s8 =	sld [smem:$0x3FA8]  }
0x2e: {  	s3 =	simm.s32 @!p0 $0x1082;
	s9 =	sld [smem:$0x3FA9]  }
0x2f: {  	lr =	sadd.s32 s0, s3;
	s0 =	sld [smem:$0x3FA0]  }
0x30: {  	s3 =	sld [smem:$0x3FA3]  }
0x31: {  	[smem:$0x3FAC] =	sst s10  }
0x32: {  	s10 =	sld [smem:$0x3FAA];
	_ =	sdelay $0x3  }
0x33: {  	p0 =	seq.s32 s10, $0x1;
	s10 =	sld [smem:$0x3FAC];
	_ =	sdelay $0x3  }
0x34: {  	[smem:$0x3FAC] =	sst s10  }
0x35: {  	s10 =	sld [smem:$0x3FAB];
	_ =	sdelay $0x3  }
0x36: {  	p1 =	seq.s32 s10, $0x1;
	s10 =	sld [smem:$0x3FAC];
	_ =	sdelay $0x3  }
0x37: {  	[smem:$0x3FAC] =	sst s10  }
0x38: {  	s10 =	sld [smem:$0x3FAD]  }
0x39: {  	_ = 	snop;
	(pc) =	sbr.ind lr, $3  }
0x3a: {  	_ = 	snop  }
0x3b: {  	_ = 	snop  }
0x3c: {  	p2 =	seq.s32 s10, $0x1;
	s10 =	sld [smem:$0x3FAC]  }
0x3d: {  	_ =	shalt  }
0x3e: {  	_ =	shalt  }
0x3f: {  	_ =	shalt  }
0x40: {  	_ =	shalt  }
0x41: {  	_ =	shalt  }
0x42: {  	_ =	shalt  }
0x43: {  	_ =	shalt  }
0x44: {  	_ =	shalt  }
0x45: {  	_ =	shalt  }
0x46: {  	_ =	shalt  }
0x47: {  	_ =	shalt  }
0x48: {  	_ =	shalt  }
0x49: {  	_ =	shalt  }
0x4a: {  	_ =	shalt  }
0x4b: {  	_ =	shalt  }
0x4c: {  	_ =	shalt  }
0x4d: {  	_ =	shalt  }
0x4e: {  	_ =	shalt  }
0x4f: {  	_ =	shalt  }
0x50: {  	_ =	shalt  }
0x51: {  	_ =	shalt  }
0x52: {  	_ =	shalt  }
0x53: {  	_ =	shalt  }
0x54: {  	_ =	shalt  }
0x55: {  	_ =	shalt  }
0x56: {  	_ =	shalt  }
0x57: {  	_ =	shalt  }
0x58: {  	_ =	shalt  }
0x59: {  	_ =	shalt  }
0x5a: {  	_ =	shalt  }
0x5b: {  	_ =	shalt  }
0x5c: {  	_ =	shalt  }
0x5d: {  	_ =	shalt  }
0x5e: {  	_ =	shalt  }
0x5f: {  	_ =	shalt  }
0x60: {  	_ =	shalt  }
0x61: {  	_ =	shalt  }
0x62: {  	_ =	shalt  }
0x63: {  	_ =	shalt  }
0x64: {  	_ =	shalt  }
0x65: {  	_ =	shalt  }
0x66: {  	_ =	shalt  }
0x67: {  	_ =	shalt  }
0x68: {  	_ =	shalt  }
0x69: {  	_ =	shalt  }
0x6a: {  	_ =	shalt  }
0x6b: {  	_ =	shalt  }
0x6c: {  	_ =	shalt  }
0x6d: {  	_ =	shalt  }
0x6e: {  	_ =	shalt  }
0x6f: {  	_ =	shalt  }
0x70: {  	_ =	shalt  }
0x71: {  	_ =	shalt  }
0x72: {  	_ =	shalt  }
0x73: {  	_ =	shalt  }
0x74: {  	_ =	shalt  }
0x75: {  	_ =	shalt  }
0x76: {  	_ =	shalt  }
0x77: {  	_ =	shalt  }
0x78: {  	_ =	shalt  }
0x79: {  	_ =	shalt  }
0x7a: {  	_ =	shalt  }
0x7b: {  	_ =	shalt  }
0x7c: {  	_ =	shalt  }
0x7d: {  	_ =	shalt  }
0x7e: {  	_ =	shalt  }
0x7f: {  	_ =	shalt  }
0x80: {  	_ =	shalt  }
0x81: {  	_ =	shalt  }
0x82: {  	_ =	shalt  }
0x83: {  	_ =	shalt  }
0x84: {  	_ =	shalt  }
0x85: {  	_ =	shalt  }
0x86: {  	_ =	shalt  }
0x87: {  	_ =	shalt  }
.Lfunc_end0:
.L_simem_size_0:
called_computation_lowered:
.L_overlay_start_0:
0x88: {  	s2 =	sld [smem:$0x3FD9]  }
0x89: {  	s3 =	sld [smem:$0x3FFE];
	_ =	sdelay $0x1  }
0x8a: {  	s1 =	srdreg.scid  }
0x8b: {  	s0 =	sand.u32 $0x1, s1  }
0x8c: {  	s17 =	sshll.u32 s0, $0xA;
	s2 =	sadd.s32 s3, s2  }
0x8d: {  	s2 =	sadd.s32 s2, s17  }
0x8e: {  	[smem:$0x3FB8] =	sst s2  }
0x8f: {  	_ = 	snop  }
0x90: {  	s2 =	sld [smem:$0x3FD0];
	(tm) =	ssettm $0x1  }
0x91: {  	s18 =	sld [smem:$0x3FFB];
	_ =	sdelay $0x3  }
0x92: {  	_ =	strace s18  }
0x93: {  	s3 =	sld [smem:$0x3FFC];
	_ =	sdelay $0x3  }
0x94: {  	_ =	strace s3  }
0x95: {  	s3 =	sld [smem:$0x3FFD];
	_ =	sdelay $0x3  }
0x96: {  	_ =	strace s3  }
0x97: {  	_ =	strace $0x8FFFFFFF  }
0x98: {  	s19 =	sld [smem:$0x3FDB];
	_ =	sdelay $0x1  }
0x99: {  	s4 =	simm.s32 $_scs_section_size  }
0x9a: {  	s5 =	simm.s32 $_size__tile_overlayer_lowered;
	s6 =	simm.s32 $_tile_overlayer_lowered  }
0x9b: {  	s22 =	simm.s32 $0x1BFF;
	s21 =	sshll.u32 s6, $0x1;
	s3 =	sadd.s32 s4, s19  }
0x9c: {  	s7 =	simm.s32 $0x0;
	s20 =	sshll.u32 s5, $0x1;
	s5 =	sadd.s32 s21, s3  }
0x9d: {  	[timem:s7], [sflag:s22] =	dma.local [hbm:s5], s20  }
0x9e: {  	_ =	swait.ge [sflag:s22], s20  }
0x9f: {  	s4 =	ssub.s32 $0x0, s20;
	[sflag:s22] =	ssyncset.done $0x0  }
0xa0: {  	[sflag:s22] =	ssyncadd.s32 s4;
	_ =	sdelay $0x1  }
0xa1: {  	s23 =	simm.s32 $0x1B8B  }
0xa2: {  	_ =	swait.ge [sflag:s23], $0x1  }
0xa3: {  	[sflag:s23] =	ssyncset.done $0x0  }
0xa4: {  	s25 =	simm.s32 $0x1B8E;
	s24 =	sld [smem:$0x3FFE];
	[sflag:s23] =	ssyncadd.s32 $0xFFFFFFFF  }
0xa5: {  	s26 =	simm.s32 $execute0_lowered;
	[smem:$0x3FD2] =	sst s25  }
0xa6: {  	s5 =	sshll.u32 s26, $0x1;
	_ =	strace $0x80000046;
	[dreg:$0x1] =	wrdreg $0xFFFFFFFF  }
0xa7: {  	s28 =	simm.s32 $_size_execute0_lowered;
	s3 =	sadd.s32 s3, s5;
	[dreg:$0x0] =	wrdreg $0x0  }
0xa8: {  	s5 =	sshll.u32 s28, $0x1;
	[dreg:$0x2] =	wrdreg s3  }
0xa9: {  	[dreg:$0x3] =	wrdreg s5  }
0xaa: {  	[dreg:$0x4] =	wrdreg $0xC0  }
0xab: {  	_ =	task [dreg:s7], $0x5FFFF  }
0xac: {  	[dreg:$0x1] =	wrdreg $0xFFFFFFFF  }
0xad: {  	[dreg:$0x0] =	wrdreg $0x60  }
0xae: {  	[dreg:$0x2] =	wrdreg s24  }
0xaf: {  	[dreg:$0x3] =	wrdreg s2  }
0xb0: {  	[dreg:$0x4] =	wrdreg $0x2D000  }
0xb1: {  	[dreg:$0x5] =	wrdreg $0x9  }
0xb2: {  	_ =	task.clear_ibuf [dreg:s7], $0x6FFFF;
	_ =	strace $0x90000046  }
0xb3: {  	s29 =	simm.s32 $0x9;
	_ =	strace $0x80000048  }
0xb4: {  	_ =	swait.ge [sflag:s29], $0x1  }
0xb5: {  	[sflag:s29] =	ssyncadd.s32 $0xFFFFFFFF  }
0xb6: {  	_ =	strace $0x90000048  }
0xb7: {  	_ =	sfence  }
0xb8: {  	s30 =	sld [smem:$0x0];
	_ =	sdelay $0x2  }
0xb9: {  	s31 =	sshll.u32 s1, $0xD;
	s1 =	sshrl.u32 s1, $0x2  }
0xba: {  	s3 =	sand.u32 $0x4000, s31;
	s1 =	sadd.s32 s1, s30  }
0xbb: {  	s0 =	sor.u32 s3, s0;
	s1 =	sshll.u32 s1, $0x11  }
0xbc: {  	s0 =	sor.u32 s1, s0  }
0xbd: {  	s0 =	sadd.s32 $0x8F2B, s0  }
0xbe: {  	[sflag:s0] =	ssyncadd.remote.s32 $0x1  }
0xbf: {  	_ =	sfence.sel $0xFFFF  }
0xc0: {  	[dreg:$0x0] =	wrdreg $0xFFFFFFFF;
	(pc) =	sbr.abs _section_cstart, $3  }
0xc1: {  	[dreg:$0x1] =	wrdreg $0xFFFFFFFF  }
0xc2: {  	_ =	task.clear_ibuf [dreg:s7], $0x2FFFF;
	_ =	strace $0x9FFFFFFF  }
0xc3: {  	(tm) =	ssettm $0x7FFFFFFF  }
tec
execute0_lowered:
.L_overlay_start_1:
0x0: {  	(tag) =	ssettag $0x1  }
0x1: {  	s0 =	rddreg [dreg:$0x0]  }
0x2: {  	s2 =	rddreg [dreg:$0x1]  }
0x3: {  	s6 =	rddreg [dreg:$0x2]  }
0x4: {  	s1 =	simm.s32 $0x0;
	s4 =	srdreg.scid;
	s16 =	stileid.u32  }
0x5: {  	s28 =	simm.s32 $0x80;
	s29 =	simm.s32 $0x100;
	s8 =	smul.u32 $0xA000, s16  }
0x6: {  	s30 =	simm.s32 $0x5500;
	s31 =	simm.s32 $0x1;
	s10 =	smul.u32 $0x5000, s16  }
0x7: {  	[smem:$0x7FF] =	sst s1;
	s3 =	sadd.s32 $0x17000, s0;
	s12 =	smul.u32 $0x50, s16  }
0x8: {  	s5 =	sand.u32 $0x1, s4;
	s9 =	sshrl.u32 s16, $0x3;
	s26 =	smul.u32 $0x500, s16  }
0x9: {  	s4 =	sadd.s32 $0x2B000, s0;
	s20 =	sshll.u32 s16, $0x7;
	s9 =	smul.u32 $0x50000, s9  }
0xa: {  	_ =	strace $0x80000047;
	s7 =	ssub.s32 $0x2, s5;
	s11 =	sshll.u32 s5, $0x7  }
0xb: {  	s19 =	sshrl.u32 s7, $0x1;
	s22 =	sadd.s32 s4, s12;
	s21 =	sshrl.u32 s9, $0x2  }
0xc: {  	s0 =	ssub.s32 s7, s19;
	s7 =	sand.u32 $0x380, s20;
	s9 =	sadd.s32 s21, s6  }
0xd: {  	s10 =	sshrl.u32 s10, $0x2;
	[dreg:$0x5] =	wrdreg s22;
	s7 =	sadd.s32 s7, s9  }
0xe: {  	s5 =	sor.u32 s11, s8;
	s8 =	simm.s32 $0x0;
	[dreg:$0x4] =	wrdreg s7  }
0xf: {  	s7 =	sadd.s32 s10, s6;
	s6 =	sor.u32 s11, s26;
	s26 =	simm.s32 $0x2  }
0x10: {  	s11 =	simm.s32 $0x2800;
	s23 =	sadd.s32 $0x80, s7;
	s24 =	sadd.s32 $0x100, s7  }
0x11: {  	s25 =	sadd.s32 $0x180, s7;
	s12 =	sadd.s32 $0x200, s7;
	s13 =	sadd.s32 $0x280, s7  }
0x12: {  	s14 =	sadd.s32 $0x300, s7;
	s15 =	sadd.s32 $0x380, s7;
	s16 =	sadd.s32 $0x14000, s7  }
0x13: {  	s17 =	sadd.s32 $0x14080, s7;
	s18 =	sadd.s32 $0x14100, s7;
	s19 =	sadd.s32 $0x14180, s7  }
0x14: {  	s20 =	sadd.s32 $0x14200, s7;
	s21 =	sadd.s32 $0x14280, s7;
	[dreg:$0x6] =	wrdreg s23  }
0x15: {  	s22 =	sadd.s32 $0x14300, s7;
	s6 =	sshrl.u32 s6, $0x3;
	[dreg:$0x7] =	wrdreg s24  }
0x16: {  	[dreg:$0x8] =	wrdreg s25;
	s23 =	sadd.s32 s2, s6;
	s24 =	sadd.s32 $0x14380, s7  }
0x17: {  	v0 =	vimm.f32 $1.000000000e+00;
	s25 =	smax.u32 s0, $0x1;
	s0 =	simm.s32 $0x400;
	s6 =	simm.s32 $0x2A80  }
.LBB2_1:
0x18: {  	[tilespmem:s1], [sflag:$0x2] =	stream.linear.gather [hbm4b:s4+s1], $0x2800, $0x38;
	[tilespmem:$0x5D00] =	vst v63  }
0x19: {  	_ =	swait.ge [sflag:s26], $0x2800  }
0x1a: {  	[sflag:s26] =	ssyncset.done $0x0  }
0x1b: {  	s9 =	simm.s32 $0x0;
	[sflag:s26] =	ssyncadd.s32 $0xFFFFD800  }
.LBB2_2:
0x1c: {  	s2 =	sshll.u32 s9, $0xC  }
0x1d: {  	s2 =	sadd.s32 s5, s2  }
0x1e: {  	s2 =	sshrl.u32 s2, $0x3  }
0x1f: {  	s2 =	sadd.s32 s3, s2  }
0x20: {  	[tilespmem:s30], [sflag:$0x1] =	stream.strided.gather [hbm4b:s2+s28], $0x800, s29, s28, $0x38;
	[tilespmem:$0x5D00] =	vst v63  }
0x21: {  	_ =	swait.ge [sflag:s31], $0x800  }
0x22: {  	[sflag:s31] =	ssyncset.done $0x0  }
0x23: {  	s2 =	simm.s32 $0x5540;
	[sflag:s31] =	ssyncadd.s32 $0xFFFFF800  }
0x24: {  	v2 =	vld [tilespmem:s2+$0xFFFFFFC0]  }
0x25: {  	v3 =	vld [tilespmem:s2+$0x30]  }
0x26: {  	v4 =	vld [tilespmem:s2+$0x20]  }
0x27: {  	v5 =	vld [tilespmem:s2+$0x10]  }
0x28: {  	v6 =	vld [tilespmem:s2+$0x0]  }
0x29: {  	v7 =	vld [tilespmem:s2+$0xFFFFFFF0]  }
0x2a: {  	v8 =	vld [tilespmem:s2+$0xFFFFFFE0]  }
0x2b: {  	v1 =	vld [tilespmem:s2+$0xFFFFFFD0]  }
0x2c: {  	[tilespmem:v2+s1+$0x0] =	vst.idx.add.f32.msk $0xffff, v0  }
0x2d: {  	[tilespmem:v3+s1+$0x0] =	vst.idx.add.f32.msk $0xffff, v0  }
0x2e: {  	[tilespmem:v4+s1+$0x0] =	vst.idx.add.f32.msk $0xffff, v0  }
0x2f: {  	[tilespmem:v5+s1+$0x0] =	vst.idx.add.f32.msk $0xffff, v0  }
0x30: {  	[tilespmem:v6+s1+$0x0] =	vst.idx.add.f32.msk $0xffff, v0  }
0x31: {  	[tilespmem:v7+s1+$0x0] =	vst.idx.add.f32.msk $0xffff, v0  }
0x32: {  	s10 =	simm.s32 $0x0;
	[tilespmem:v8+s1+$0x0] =	vst.idx.add.f32.msk $0xffff, v0  }
.LBB2_3:
0x33: {  	s10 =	sadd.s32 $0x8, s10;
	[tilespmem:v1+s1+$0x0] =	vst.idx.add.f32.msk $0xffff, v0;
	s2 =	sadd.s32 $0x80, s2  }
0x34: {  	v2 =	vld [tilespmem:s2+$0xFFFFFFC0];
	p0 =	slt.u32 s10, $0x78  }
0x35: {  	v3 =	vld [tilespmem:s2+$0x30]  }
0x36: {  	v4 =	vld [tilespmem:s2+$0x20]  }
0x37: {  	v5 =	vld [tilespmem:s2+$0x10]  }
0x38: {  	v6 =	vld [tilespmem:s2+$0x0]  }
0x39: {  	v7 =	vld [tilespmem:s2+$0xFFFFFFF0]  }
0x3a: {  	v8 =	vld [tilespmem:s2+$0xFFFFFFE0]  }
0x3b: {  	v1 =	vld [tilespmem:s2+$0xFFFFFFD0]  }
0x3c: {  	[tilespmem:v2+s1+$0x0] =	vst.idx.add.f32.msk $0xffff, v0  }
0x3d: {  	[tilespmem:v3+s1+$0x0] =	vst.idx.add.f32.msk $0xffff, v0  }
.Ltmp0:
0x3e: {  	[tilespmem:v4+s1+$0x0] =	vst.idx.add.f32.msk $0xffff, v0;
	(pc) =	sbr.rel @p0 .LBB2_3-.Ltmp0, $4  }
0x3f: {  	[tilespmem:v5+s1+$0x0] =	vst.idx.add.f32.msk $0xffff, v0  }
0x40: {  	[tilespmem:v6+s1+$0x0] =	vst.idx.add.f32.msk $0xffff, v0  }
0x41: {  	[tilespmem:v7+s1+$0x0] =	vst.idx.add.f32.msk $0xffff, v0  }
0x42: {  	[tilespmem:v8+s1+$0x0] =	vst.idx.add.f32.msk $0xffff, v0  }
0x43: {  	s9 =	sadd.s32 $0x1, s9  }
0x44: {  	p0 =	sne.s32 s9, $0xA  }
.Ltmp1:
0x45: {  	_ = 	snop;
	(pc) =	sbr.rel @p0 .LBB2_2-.Ltmp1, $2  }
0x46: {  	_ =	sdelay $0x2  }
0x47: {  	[tilespmem:v1+s1+$0x0] =	vst.idx.add.f32.msk $0xffff, v0  }
0x48: {  	s2 =	rddreg [dreg:$0x4]  }
0x49: {  	[spmem:s2] =	stream.strided.scatter [tilespmem:s1], [sflag:$0x2], $0x2800, s0, s28, $0x38;
	[tilespmem:$0x5D00] =	vst v63  }
0x4a: {  	_ =	swait.ge [sflag:s26], $0x2800  }
0x4b: {  	[sflag:s26] =	ssyncset.done $0x0  }
0x4c: {  	[sflag:s26] =	ssyncadd.s32 $0xFFFFD800  }
0x4d: {  	[bflag:$0x0] =	sbarrier.arrive $0xFFFF  }
0x4e: {  	s10 =	rddreg [dreg:$0x5]  }
0x4f: {  	[tilespmem:s11], [sflag:$0x2] =	stream.linear.gather [hbm4b:s10+s1], $0x280, $0x38;
	[tilespmem:$0x5D00] =	vst v63  }
0x50: {  	_ =	swait.ge [sflag:s26], $0x280  }
0x51: {  	[sflag:s26] =	ssyncset.done $0x0  }
0x52: {  	[sflag:s26] =	ssyncadd.s32 $0xFFFFFD80  }
0x53: {  	[tilespmem:s6], [sflag:$0x2] =	stream.strided.gather [spmem:s7], $0x280, s0, s28, $0x38;
	[tilespmem:$0x5D00] =	vst v63  }
0x54: {  	_ =	swait.ge [sflag:s26], $0x280  }
0x55: {  	[sflag:s26] =	ssyncset.done $0x0  }
0x56: {  	s9 =	simm.s32 $0x2840;
	[sflag:s26] =	ssyncadd.s32 $0xFFFFFD80  }
0x57: {  	s10 =	simm.s32 $0x2AC0;
	v2 =	vld [tilespmem:s9+$0x30]  }
0x58: {  	v3 =	vld [tilespmem:s10+$0x30]  }
0x59: {  	v1 =	vld [tilespmem:s10+$0xFFFFFFC0]  }
0x5a: {  	v4 =	vld [tilespmem:s9+$0xFFFFFFD0]  }
0x5b: {  	v5 =	vld [tilespmem:s10+$0xFFFFFFD0]  }
0x5c: {  	v6 =	vld [tilespmem:s9+$0xFFFFFFE0]  }
0x5d: {  	v7 =	vld [tilespmem:s10+$0xFFFFFFE0]  }
0x5e: {  	v8 =	vld [tilespmem:s9+$0xFFFFFFF0]  }
0x5f: {  	v9 =	vld [tilespmem:s10+$0xFFFFFFF0]  }
0x60: {  	v10 =	vld [tilespmem:s9+$0x0]  }
0x61: {  	v11 =	vld [tilespmem:s10+$0x0];
	v3 =	vadd.f32 v3, v2  }
0x62: {  	v5 =	vadd.f32 v5, v4;
	v2 =	vld [tilespmem:s9+$0x10]  }
0x63: {  	v6 =	vadd.f32 v7, v6;
	v4 =	vld [tilespmem:s10+$0x10];
	[tilespmem:s9+$0x30] =	vst v3  }
0x64: {  	v7 =	vadd.f32 v9, v8;
	[tilespmem:s9+$0xFFFFFFD0] =	vst v5;
	v3 =	vld [tilespmem:s9+$0x20]  }
0x65: {  	[tilespmem:s9+$0xFFFFFFE0] =	vst v6;
	v6 =	vld [tilespmem:s10+$0x20]  }
0x66: {  	s2 =	simm.s32 $0x0;
	s11 =	simm.s32 $0x28C0;
	v5 =	vld [tilespmem:s9+$0xFFFFFFC0];
	[tilespmem:s9+$0xFFFFFFF0] =	vst v7;
	v7 =	vadd.f32 v11, v10  }
.LBB2_6:
0x67: {  	v8 =	vld [tilespmem:s11+$0x30];
	s10 =	sadd.s32 $0x80, s10  }
0x68: {  	s2 =	sadd.s32 $0x8, s2;
	v9 =	vld [tilespmem:s10+$0x30];
	[tilespmem:s9+$0x0] =	vst v7;
	v2 =	vadd.f32 v4, v2  }
0x69: {  	p0 =	slt.u32 s2, $0x20;
	v4 =	vld [tilespmem:s10+$0xFFFFFFC0]  }
0x6a: {  	v7 =	vld [tilespmem:s11+$0xFFFFFFD0];
	[tilespmem:s9+$0x10] =	vst v2;
	v2 =	vadd.f32 v6, v3  }
0x6b: {  	v3 =	vld [tilespmem:s10+$0xFFFFFFD0];
	v10 =	vadd.f32 v1, v5  }
0x6c: {  	v5 =	vld [tilespmem:s11+$0xFFFFFFE0];
	[tilespmem:s9+$0x20] =	vst v2  }
0x6d: {  	v2 =	vld [tilespmem:s10+$0xFFFFFFE0];
	v6 =	vadd.f32 v9, v8;
	[tilespmem:s9+$0xFFFFFFC0] =	vst v10;
	s9 =	smov.u32 s11  }
0x6e: {  	v8 =	vld [tilespmem:s11+$0xFFFFFFF0];
	v1 =	vmov v4  }
0x6f: {  	v9 =	vld [tilespmem:s10+$0xFFFFFFF0];
	[tilespmem:s11+$0x30] =	vst v6  }
0x70: {  	v3 =	vadd.f32 v3, v7;
	v7 =	vld [tilespmem:s11+$0x0]  }
0x71: {  	v10 =	vld [tilespmem:s10+$0x0]  }
.Ltmp2:
0x72: {  	[tilespmem:s11+$0xFFFFFFD0] =	vst v3;
	v3 =	vadd.f32 v2, v5;
	v2 =	vld [tilespmem:s11+$0x10];
	(pc) =	sbr.rel @p0 .LBB2_6-.Ltmp2, $4  }
0x73: {  	v4 =	vld [tilespmem:s10+$0x10]  }
0x74: {  	[tilespmem:s11+$0xFFFFFFE0] =	vst v3;
	v8 =	vadd.f32 v9, v8;
	v3 =	vld [tilespmem:s11+$0x20]  }
0x75: {  	v6 =	vld [tilespmem:s10+$0x20]  }
0x76: {  	s11 =	sadd.s32 $0x80, s11;
	v5 =	vld [tilespmem:s9+$0xFFFFFFC0];
	[tilespmem:s9+$0xFFFFFFF0] =	vst v8;
	v7 =	vadd.f32 v10, v7  }
0x77: {  	_ =	sdelay $0x1  }
0x78: {  	v2 =	vadd.f32 v4, v2  }
0x79: {  	[tilespmem:s9+$0x0] =	vst v7;
	v3 =	vadd.f32 v6, v3  }
0x7a: {  	[tilespmem:s9+$0x10] =	vst v2;
	v1 =	vadd.f32 v1, v5  }
0x7b: {  	[tilespmem:s9+$0x20] =	vst v3  }
0x7c: {  	[tilespmem:s9+$0xFFFFFFC0] =	vst v1  }
0x7d: {  	s2 =	rddreg [dreg:$0x6]  }
0x7e: {  	[tilespmem:s6], [sflag:$0x2] =	stream.strided.gather [spmem:s2], $0x280, s0, s28, $0x38;
	[tilespmem:$0x5D00] =	vst v63  }
0x7f: {  	_ =	swait.ge [sflag:s26], $0x280  }
0x80: {  	[sflag:s26] =	ssyncset.done $0x0  }
0x81: {  	s9 =	simm.s32 $0x2840;
	[sflag:s26] =	ssyncadd.s32 $0xFFFFFD80  }
0x82: {  	s10 =	simm.s32 $0x2AC0;
	v2 =	vld [tilespmem:s9+$0x30]  }
0x83: {  	v3 =	vld [tilespmem:s10+$0x30]  }
0x84: {  	v1 =	vld [tilespmem:s10+$0xFFFFFFC0]  }
0x85: {  	v4 =	vld [tilespmem:s9+$0xFFFFFFD0]  }
0x86: {  	v5 =	vld [tilespmem:s10+$0xFFFFFFD0]  }
0x87: {  	v6 =	vld [tilespmem:s9+$0xFFFFFFE0]  }
0x88: {  	v7 =	vld [tilespmem:s10+$0xFFFFFFE0]  }
0x89: {  	v8 =	vld [tilespmem:s9+$0xFFFFFFF0]  }
0x8a: {  	v9 =	vld [tilespmem:s10+$0xFFFFFFF0]  }
0x8b: {  	v10 =	vld [tilespmem:s9+$0x0]  }
0x8c: {  	v11 =	vld [tilespmem:s10+$0x0];
	v3 =	vadd.f32 v3, v2  }
0x8d: {  	v5 =	vadd.f32 v5, v4;
	v2 =	vld [tilespmem:s9+$0x10]  }
0x8e: {  	v6 =	vadd.f32 v7, v6;
	v4 =	vld [tilespmem:s10+$0x10];
	[tilespmem:s9+$0x30] =	vst v3  }
0x8f: {  	v7 =	vadd.f32 v9, v8;
	[tilespmem:s9+$0xFFFFFFD0] =	vst v5;
	v3 =	vld [tilespmem:s9+$0x20]  }
0x90: {  	[tilespmem:s9+$0xFFFFFFE0] =	vst v6;
	v6 =	vld [tilespmem:s10+$0x20]  }
0x91: {  	s11 =	simm.s32 $0x28C0;
	s2 =	simm.s32 $0x0;
	v5 =	vld [tilespmem:s9+$0xFFFFFFC0];
	[tilespmem:s9+$0xFFFFFFF0] =	vst v7;
	v7 =	vadd.f32 v11, v10  }
.LBB2_8:
0x92: {  	v8 =	vld [tilespmem:s11+$0x30];
	s10 =	sadd.s32 $0x80, s10  }
0x93: {  	s2 =	sadd.s32 $0x8, s2;
	v9 =	vld [tilespmem:s10+$0x30];
	[tilespmem:s9+$0x0] =	vst v7;
	v2 =	vadd.f32 v4, v2  }
0x94: {  	p0 =	slt.u32 s2, $0x20;
	v4 =	vld [tilespmem:s10+$0xFFFFFFC0]  }
0x95: {  	v7 =	vld [tilespmem:s11+$0xFFFFFFD0];
	[tilespmem:s9+$0x10] =	vst v2;
	v2 =	vadd.f32 v6, v3  }
0x96: {  	v3 =	vld [tilespmem:s10+$0xFFFFFFD0];
	v10 =	vadd.f32 v1, v5  }
0x97: {  	v5 =	vld [tilespmem:s11+$0xFFFFFFE0];
	[tilespmem:s9+$0x20] =	vst v2  }
0x98: {  	v2 =	vld [tilespmem:s10+$0xFFFFFFE0];
	v6 =	vadd.f32 v9, v8;
	[tilespmem:s9+$0xFFFFFFC0] =	vst v10;
	s9 =	smov.u32 s11  }
0x99: {  	v8 =	vld [tilespmem:s11+$0xFFFFFFF0];
	v1 =	vmov v4  }
0x9a: {  	v9 =	vld [tilespmem:s10+$0xFFFFFFF0];
	[tilespmem:s11+$0x30] =	vst v6  }
0x9b: {  	v3 =	vadd.f32 v3, v7;
	v7 =	vld [tilespmem:s11+$0x0]  }
0x9c: {  	v10 =	vld [tilespmem:s10+$0x0]  }
.Ltmp3:
0x9d: {  	[tilespmem:s11+$0xFFFFFFD0] =	vst v3;
	v3 =	vadd.f32 v2, v5;
	v2 =	vld [tilespmem:s11+$0x10];
	(pc) =	sbr.rel @p0 .LBB2_8-.Ltmp3, $4  }
0x9e: {  	v4 =	vld [tilespmem:s10+$0x10]  }
0x9f: {  	[tilespmem:s11+$0xFFFFFFE0] =	vst v3;
	v8 =	vadd.f32 v9, v8;
	v3 =	vld [tilespmem:s11+$0x20]  }
0xa0: {  	v6 =	vld [tilespmem:s10+$0x20]  }
0xa1: {  	s11 =	sadd.s32 $0x80, s11;
	v5 =	vld [tilespmem:s9+$0xFFFFFFC0];
	[tilespmem:s9+$0xFFFFFFF0] =	vst v8;
	v7 =	vadd.f32 v10, v7  }
0xa2: {  	_ =	sdelay $0x1  }
0xa3: {  	v2 =	vadd.f32 v4, v2  }
0xa4: {  	[tilespmem:s9+$0x0] =	vst v7;
	v3 =	vadd.f32 v6, v3  }
0xa5: {  	[tilespmem:s9+$0x10] =	vst v2;
	v1 =	vadd.f32 v1, v5  }
0xa6: {  	[tilespmem:s9+$0x20] =	vst v3  }
0xa7: {  	[tilespmem:s9+$0xFFFFFFC0] =	vst v1  }
0xa8: {  	s2 =	rddreg [dreg:$0x7]  }
0xa9: {  	[tilespmem:s6], [sflag:$0x2] =	stream.strided.gather [spmem:s2], $0x280, s0, s28, $0x38;
	[tilespmem:$0x5D00] =	vst v63  }
0xaa: {  	_ =	swait.ge [sflag:s26], $0x280  }
0xab: {  	[sflag:s26] =	ssyncset.done $0x0  }
0xac: {  	s9 =	simm.s32 $0x2840;
	[sflag:s26] =	ssyncadd.s32 $0xFFFFFD80  }
0xad: {  	s10 =	simm.s32 $0x2AC0;
	v2 =	vld [tilespmem:s9+$0x30]  }
0xae: {  	v3 =	vld [tilespmem:s10+$0x30]  }
0xaf: {  	v1 =	vld [tilespmem:s10+$0xFFFFFFC0]  }
0xb0: {  	v4 =	vld [tilespmem:s9+$0xFFFFFFD0]  }
0xb1: {  	v5 =	vld [tilespmem:s10+$0xFFFFFFD0]  }
0xb2: {  	v6 =	vld [tilespmem:s9+$0xFFFFFFE0]  }
0xb3: {  	v7 =	vld [tilespmem:s10+$0xFFFFFFE0]  }
0xb4: {  	v8 =	vld [tilespmem:s9+$0xFFFFFFF0]  }
0xb5: {  	v9 =	vld [tilespmem:s10+$0xFFFFFFF0]  }
0xb6: {  	v10 =	vld [tilespmem:s9+$0x0]  }
0xb7: {  	v11 =	vld [tilespmem:s10+$0x0];
	v3 =	vadd.f32 v3, v2  }
0xb8: {  	v5 =	vadd.f32 v5, v4;
	v2 =	vld [tilespmem:s9+$0x10]  }
0xb9: {  	v6 =	vadd.f32 v7, v6;
	v4 =	vld [tilespmem:s10+$0x10];
	[tilespmem:s9+$0x30] =	vst v3  }
0xba: {  	v7 =	vadd.f32 v9, v8;
	[tilespmem:s9+$0xFFFFFFD0] =	vst v5;
	v3 =	vld [tilespmem:s9+$0x20]  }
0xbb: {  	[tilespmem:s9+$0xFFFFFFE0] =	vst v6;
	v6 =	vld [tilespmem:s10+$0x20]  }
0xbc: {  	s11 =	simm.s32 $0x28C0;
	s2 =	simm.s32 $0x0;
	v5 =	vld [tilespmem:s9+$0xFFFFFFC0];
	[tilespmem:s9+$0xFFFFFFF0] =	vst v7;
	v7 =	vadd.f32 v11, v10  }
.LBB2_10:
0xbd: {  	v8 =	vld [tilespmem:s11+$0x30];
	s10 =	sadd.s32 $0x80, s10  }
0xbe: {  	s2 =	sadd.s32 $0x8, s2;
	v9 =	vld [tilespmem:s10+$0x30];
	[tilespmem:s9+$0x0] =	vst v7;
	v2 =	vadd.f32 v4, v2  }
0xbf: {  	p0 =	slt.u32 s2, $0x20;
	v4 =	vld [tilespmem:s10+$0xFFFFFFC0]  }
0xc0: {  	v7 =	vld [tilespmem:s11+$0xFFFFFFD0];
	[tilespmem:s9+$0x10] =	vst v2;
	v2 =	vadd.f32 v6, v3  }
0xc1: {  	v3 =	vld [tilespmem:s10+$0xFFFFFFD0];
	v10 =	vadd.f32 v1, v5  }
0xc2: {  	v5 =	vld [tilespmem:s11+$0xFFFFFFE0];
	[tilespmem:s9+$0x20] =	vst v2  }
0xc3: {  	v2 =	vld [tilespmem:s10+$0xFFFFFFE0];
	v6 =	vadd.f32 v9, v8;
	[tilespmem:s9+$0xFFFFFFC0] =	vst v10;
	s9 =	smov.u32 s11  }
0xc4: {  	v8 =	vld [tilespmem:s11+$0xFFFFFFF0];
	v1 =	vmov v4  }
0xc5: {  	v9 =	vld [tilespmem:s10+$0xFFFFFFF0];
	[tilespmem:s11+$0x30] =	vst v6  }
0xc6: {  	v3 =	vadd.f32 v3, v7;
	v7 =	vld [tilespmem:s11+$0x0]  }
0xc7: {  	v10 =	vld [tilespmem:s10+$0x0]  }
.Ltmp4:
0xc8: {  	[tilespmem:s11+$0xFFFFFFD0] =	vst v3;
	v3 =	vadd.f32 v2, v5;
	v2 =	vld [tilespmem:s11+$0x10];
	(pc) =	sbr.rel @p0 .LBB2_10-.Ltmp4, $4  }
0xc9: {  	v4 =	vld [tilespmem:s10+$0x10]  }
0xca: {  	[tilespmem:s11+$0xFFFFFFE0] =	vst v3;
	v8 =	vadd.f32 v9, v8;
	v3 =	vld [tilespmem:s11+$0x20]  }
0xcb: {  	v6 =	vld [tilespmem:s10+$0x20]  }
0xcc: {  	s11 =	sadd.s32 $0x80, s11;
	v5 =	vld [tilespmem:s9+$0xFFFFFFC0];
	[tilespmem:s9+$0xFFFFFFF0] =	vst v8;
	v7 =	vadd.f32 v10, v7  }
0xcd: {  	_ =	sdelay $0x1  }
0xce: {  	v2 =	vadd.f32 v4, v2  }
0xcf: {  	[tilespmem:s9+$0x0] =	vst v7;
	v3 =	vadd.f32 v6, v3  }
0xd0: {  	[tilespmem:s9+$0x10] =	vst v2;
	v1 =	vadd.f32 v1, v5  }
0xd1: {  	[tilespmem:s9+$0x20] =	vst v3  }
0xd2: {  	[tilespmem:s9+$0xFFFFFFC0] =	vst v1  }
0xd3: {  	s2 =	rddreg [dreg:$0x8]  }
0xd4: {  	[tilespmem:s6], [sflag:$0x2] =	stream.strided.gather [spmem:s2], $0x280, s0, s28, $0x38;
	[tilespmem:$0x5D00] =	vst v63  }
0xd5: {  	_ =	swait.ge [sflag:s26], $0x280  }
0xd6: {  	[sflag:s26] =	ssyncset.done $0x0  }
0xd7: {  	s9 =	simm.s32 $0x2840;
	[sflag:s26] =	ssyncadd.s32 $0xFFFFFD80  }
0xd8: {  	s10 =	simm.s32 $0x2AC0;
	v2 =	vld [tilespmem:s9+$0x30]  }
0xd9: {  	v3 =	vld [tilespmem:s10+$0x30]  }
0xda: {  	v1 =	vld [tilespmem:s10+$0xFFFFFFC0]  }
0xdb: {  	v4 =	vld [tilespmem:s9+$0xFFFFFFD0]  }
0xdc: {  	v5 =	vld [tilespmem:s10+$0xFFFFFFD0]  }
0xdd: {  	v6 =	vld [tilespmem:s9+$0xFFFFFFE0]  }
0xde: {  	v7 =	vld [tilespmem:s10+$0xFFFFFFE0]  }
0xdf: {  	v8 =	vld [tilespmem:s9+$0xFFFFFFF0]  }
0xe0: {  	v9 =	vld [tilespmem:s10+$0xFFFFFFF0]  }
0xe1: {  	v10 =	vld [tilespmem:s9+$0x0]  }
0xe2: {  	v11 =	vld [tilespmem:s10+$0x0];
	v3 =	vadd.f32 v3, v2  }
0xe3: {  	v5 =	vadd.f32 v5, v4;
	v2 =	vld [tilespmem:s9+$0x10]  }
0xe4: {  	v6 =	vadd.f32 v7, v6;
	v4 =	vld [tilespmem:s10+$0x10];
	[tilespmem:s9+$0x30] =	vst v3  }
0xe5: {  	v7 =	vadd.f32 v9, v8;
	[tilespmem:s9+$0xFFFFFFD0] =	vst v5;
	v3 =	vld [tilespmem:s9+$0x20]  }
0xe6: {  	[tilespmem:s9+$0xFFFFFFE0] =	vst v6;
	v6 =	vld [tilespmem:s10+$0x20]  }
0xe7: {  	s11 =	simm.s32 $0x28C0;
	s2 =	simm.s32 $0x0;
	v5 =	vld [tilespmem:s9+$0xFFFFFFC0];
	[tilespmem:s9+$0xFFFFFFF0] =	vst v7;
	v7 =	vadd.f32 v11, v10  }
.LBB2_12:
0xe8: {  	v8 =	vld [tilespmem:s11+$0x30];
	s10 =	sadd.s32 $0x80, s10  }
0xe9: {  	s2 =	sadd.s32 $0x8, s2;
	v9 =	vld [tilespmem:s10+$0x30];
	[tilespmem:s9+$0x0] =	vst v7;
	v2 =	vadd.f32 v4, v2  }
0xea: {  	p0 =	slt.u32 s2, $0x20;
	v4 =	vld [tilespmem:s10+$0xFFFFFFC0]  }
0xeb: {  	v7 =	vld [tilespmem:s11+$0xFFFFFFD0];
	[tilespmem:s9+$0x10] =	vst v2;
	v2 =	vadd.f32 v6, v3  }
0xec: {  	v3 =	vld [tilespmem:s10+$0xFFFFFFD0];
	v10 =	vadd.f32 v1, v5  }
0xed: {  	v5 =	vld [tilespmem:s11+$0xFFFFFFE0];
	[tilespmem:s9+$0x20] =	vst v2  }
0xee: {  	v2 =	vld [tilespmem:s10+$0xFFFFFFE0];
	v6 =	vadd.f32 v9, v8;
	[tilespmem:s9+$0xFFFFFFC0] =	vst v10;
	s9 =	smov.u32 s11  }
0xef: {  	v8 =	vld [tilespmem:s11+$0xFFFFFFF0];
	v1 =	vmov v4  }
0xf0: {  	v9 =	vld [tilespmem:s10+$0xFFFFFFF0];
	[tilespmem:s11+$0x30] =	vst v6  }
0xf1: {  	v3 =	vadd.f32 v3, v7;
	v7 =	vld [tilespmem:s11+$0x0]  }
0xf2: {  	v10 =	vld [tilespmem:s10+$0x0]  }
.Ltmp5:
0xf3: {  	[tilespmem:s11+$0xFFFFFFD0] =	vst v3;
	v3 =	vadd.f32 v2, v5;
	v2 =	vld [tilespmem:s11+$0x10];
	(pc) =	sbr.rel @p0 .LBB2_12-.Ltmp5, $4  }
0xf4: {  	v4 =	vld [tilespmem:s10+$0x10]  }
0xf5: {  	[tilespmem:s11+$0xFFFFFFE0] =	vst v3;
	v8 =	vadd.f32 v9, v8;
	v3 =	vld [tilespmem:s11+$0x20]  }
0xf6: {  	v6 =	vld [tilespmem:s10+$0x20]  }
0xf7: {  	s11 =	sadd.s32 $0x80, s11;
	v5 =	vld [tilespmem:s9+$0xFFFFFFC0];
	[tilespmem:s9+$0xFFFFFFF0] =	vst v8;
	v7 =	vadd.f32 v10, v7  }
0xf8: {  	_ =	sdelay $0x1  }
0xf9: {  	v2 =	vadd.f32 v4, v2  }
0xfa: {  	[tilespmem:s9+$0x0] =	vst v7;
	v3 =	vadd.f32 v6, v3  }
0xfb: {  	[tilespmem:s9+$0x10] =	vst v2;
	v1 =	vadd.f32 v1, v5  }
0xfc: {  	[tilespmem:s9+$0x20] =	vst v3  }
0xfd: {  	[tilespmem:s9+$0xFFFFFFC0] =	vst v1  }
0xfe: {  	[tilespmem:s6], [sflag:$0x2] =	stream.strided.gather [spmem:s12], $0x280, s0, s28, $0x38;
	[tilespmem:$0x5D00] =	vst v63  }
0xff: {  	_ =	swait.ge [sflag:s26], $0x280  }
0x100: {  	[sflag:s26] =	ssyncset.done $0x0  }
0x101: {  	s9 =	simm.s32 $0x2840;
	[sflag:s26] =	ssyncadd.s32 $0xFFFFFD80  }
0x102: {  	s10 =	simm.s32 $0x2AC0;
	v2 =	vld [tilespmem:s9+$0x30]  }
0x103: {  	v3 =	vld [tilespmem:s10+$0x30]  }
0x104: {  	v1 =	vld [tilespmem:s10+$0xFFFFFFC0]  }
0x105: {  	v4 =	vld [tilespmem:s9+$0xFFFFFFD0]  }
0x106: {  	v5 =	vld [tilespmem:s10+$0xFFFFFFD0]  }
0x107: {  	v6 =	vld [tilespmem:s9+$0xFFFFFFE0]  }
0x108: {  	v7 =	vld [tilespmem:s10+$0xFFFFFFE0]  }
0x109: {  	v8 =	vld [tilespmem:s9+$0xFFFFFFF0]  }
0x10a: {  	v9 =	vld [tilespmem:s10+$0xFFFFFFF0]  }
0x10b: {  	v10 =	vld [tilespmem:s9+$0x0]  }
0x10c: {  	v11 =	vld [tilespmem:s10+$0x0];
	v3 =	vadd.f32 v3, v2  }
0x10d: {  	v5 =	vadd.f32 v5, v4;
	v2 =	vld [tilespmem:s9+$0x10]  }
0x10e: {  	v6 =	vadd.f32 v7, v6;
	v4 =	vld [tilespmem:s10+$0x10];
	[tilespmem:s9+$0x30] =	vst v3  }
0x10f: {  	v7 =	vadd.f32 v9, v8;
	[tilespmem:s9+$0xFFFFFFD0] =	vst v5;
	v3 =	vld [tilespmem:s9+$0x20]  }
0x110: {  	[tilespmem:s9+$0xFFFFFFE0] =	vst v6;
	v6 =	vld [tilespmem:s10+$0x20]  }
0x111: {  	s2 =	simm.s32 $0x0;
	s11 =	simm.s32 $0x28C0;
	v5 =	vld [tilespmem:s9+$0xFFFFFFC0];
	[tilespmem:s9+$0xFFFFFFF0] =	vst v7;
	v7 =	vadd.f32 v11, v10  }
.LBB2_14:
0x112: {  	v8 =	vld [tilespmem:s11+$0x30];
	s10 =	sadd.s32 $0x80, s10  }
0x113: {  	s2 =	sadd.s32 $0x8, s2;
	v9 =	vld [tilespmem:s10+$0x30];
	[tilespmem:s9+$0x0] =	vst v7;
	v2 =	vadd.f32 v4, v2  }
0x114: {  	p0 =	slt.u32 s2, $0x20;
	v4 =	vld [tilespmem:s10+$0xFFFFFFC0]  }
0x115: {  	v7 =	vld [tilespmem:s11+$0xFFFFFFD0];
	[tilespmem:s9+$0x10] =	vst v2;
	v2 =	vadd.f32 v6, v3  }
0x116: {  	v3 =	vld [tilespmem:s10+$0xFFFFFFD0];
	v10 =	vadd.f32 v1, v5  }
0x117: {  	v5 =	vld [tilespmem:s11+$0xFFFFFFE0];
	[tilespmem:s9+$0x20] =	vst v2  }
0x118: {  	v2 =	vld [tilespmem:s10+$0xFFFFFFE0];
	v6 =	vadd.f32 v9, v8;
	[tilespmem:s9+$0xFFFFFFC0] =	vst v10;
	s9 =	smov.u32 s11  }
0x119: {  	v8 =	vld [tilespmem:s11+$0xFFFFFFF0];
	v1 =	vmov v4  }
0x11a: {  	v9 =	vld [tilespmem:s10+$0xFFFFFFF0];
	[tilespmem:s11+$0x30] =	vst v6  }
0x11b: {  	v3 =	vadd.f32 v3, v7;
	v7 =	vld [tilespmem:s11+$0x0]  }
0x11c: {  	v10 =	vld [tilespmem:s10+$0x0]  }
.Ltmp6:
0x11d: {  	[tilespmem:s11+$0xFFFFFFD0] =	vst v3;
	v3 =	vadd.f32 v2, v5;
	v2 =	vld [tilespmem:s11+$0x10];
	(pc) =	sbr.rel @p0 .LBB2_14-.Ltmp6, $4  }
0x11e: {  	v4 =	vld [tilespmem:s10+$0x10]  }
0x11f: {  	[tilespmem:s11+$0xFFFFFFE0] =	vst v3;
	v8 =	vadd.f32 v9, v8;
	v3 =	vld [tilespmem:s11+$0x20]  }
0x120: {  	v6 =	vld [tilespmem:s10+$0x20]  }
0x121: {  	s11 =	sadd.s32 $0x80, s11;
	v5 =	vld [tilespmem:s9+$0xFFFFFFC0];
	[tilespmem:s9+$0xFFFFFFF0] =	vst v8;
	v7 =	vadd.f32 v10, v7  }
0x122: {  	_ =	sdelay $0x1  }
0x123: {  	v2 =	vadd.f32 v4, v2  }
0x124: {  	[tilespmem:s9+$0x0] =	vst v7;
	v3 =	vadd.f32 v6, v3  }
0x125: {  	[tilespmem:s9+$0x10] =	vst v2;
	v1 =	vadd.f32 v1, v5  }
0x126: {  	[tilespmem:s9+$0x20] =	vst v3  }
0x127: {  	[tilespmem:s9+$0xFFFFFFC0] =	vst v1  }
0x128: {  	[tilespmem:s6], [sflag:$0x2] =	stream.strided.gather [spmem:s13], $0x280, s0, s28, $0x38;
	[tilespmem:$0x5D00] =	vst v63  }
0x129: {  	_ =	swait.ge [sflag:s26], $0x280  }
0x12a: {  	[sflag:s26] =	ssyncset.done $0x0  }
0x12b: {  	s9 =	simm.s32 $0x2840;
	[sflag:s26] =	ssyncadd.s32 $0xFFFFFD80  }
0x12c: {  	s10 =	simm.s32 $0x2AC0;
	v2 =	vld [tilespmem:s9+$0x30]  }
0x12d: {  	v3 =	vld [tilespmem:s10+$0x30]  }
0x12e: {  	v1 =	vld [tilespmem:s10+$0xFFFFFFC0]  }
0x12f: {  	v4 =	vld [tilespmem:s9+$0xFFFFFFD0]  }
0x130: {  	v5 =	vld [tilespmem:s10+$0xFFFFFFD0]  }
0x131: {  	v6 =	vld [tilespmem:s9+$0xFFFFFFE0]  }
0x132: {  	v7 =	vld [tilespmem:s10+$0xFFFFFFE0]  }
0x133: {  	v8 =	vld [tilespmem:s9+$0xFFFFFFF0]  }
0x134: {  	v9 =	vld [tilespmem:s10+$0xFFFFFFF0]  }
0x135: {  	v10 =	vld [tilespmem:s9+$0x0]  }
0x136: {  	v11 =	vld [tilespmem:s10+$0x0];
	v3 =	vadd.f32 v3, v2  }
0x137: {  	v5 =	vadd.f32 v5, v4;
	v2 =	vld [tilespmem:s9+$0x10]  }
0x138: {  	v6 =	vadd.f32 v7, v6;
	v4 =	vld [tilespmem:s10+$0x10];
	[tilespmem:s9+$0x30] =	vst v3  }
0x139: {  	v7 =	vadd.f32 v9, v8;
	[tilespmem:s9+$0xFFFFFFD0] =	vst v5;
	v3 =	vld [tilespmem:s9+$0x20]  }
0x13a: {  	[tilespmem:s9+$0xFFFFFFE0] =	vst v6;
	v6 =	vld [tilespmem:s10+$0x20]  }
0x13b: {  	s2 =	simm.s32 $0x0;
	s11 =	simm.s32 $0x28C0;
	v5 =	vld [tilespmem:s9+$0xFFFFFFC0];
	[tilespmem:s9+$0xFFFFFFF0] =	vst v7;
	v7 =	vadd.f32 v11, v10  }
.LBB2_16:
0x13c: {  	v8 =	vld [tilespmem:s11+$0x30];
	s10 =	sadd.s32 $0x80, s10  }
0x13d: {  	s2 =	sadd.s32 $0x8, s2;
	v9 =	vld [tilespmem:s10+$0x30];
	[tilespmem:s9+$0x0] =	vst v7;
	v2 =	vadd.f32 v4, v2  }
0x13e: {  	p0 =	slt.u32 s2, $0x20;
	v4 =	vld [tilespmem:s10+$0xFFFFFFC0]  }
0x13f: {  	v7 =	vld [tilespmem:s11+$0xFFFFFFD0];
	[tilespmem:s9+$0x10] =	vst v2;
	v2 =	vadd.f32 v6, v3  }
0x140: {  	v3 =	vld [tilespmem:s10+$0xFFFFFFD0];
	v10 =	vadd.f32 v1, v5  }
0x141: {  	v5 =	vld [tilespmem:s11+$0xFFFFFFE0];
	[tilespmem:s9+$0x20] =	vst v2  }
0x142: {  	v2 =	vld [tilespmem:s10+$0xFFFFFFE0];
	v6 =	vadd.f32 v9, v8;
	[tilespmem:s9+$0xFFFFFFC0] =	vst v10;
	s9 =	smov.u32 s11  }
0x143: {  	v8 =	vld [tilespmem:s11+$0xFFFFFFF0];
	v1 =	vmov v4  }
0x144: {  	v9 =	vld [tilespmem:s10+$0xFFFFFFF0];
	[tilespmem:s11+$0x30] =	vst v6  }
0x145: {  	v3 =	vadd.f32 v3, v7;
	v7 =	vld [tilespmem:s11+$0x0]  }
0x146: {  	v10 =	vld [tilespmem:s10+$0x0]  }
.Ltmp7:
0x147: {  	[tilespmem:s11+$0xFFFFFFD0] =	vst v3;
	v3 =	vadd.f32 v2, v5;
	v2 =	vld [tilespmem:s11+$0x10];
	(pc) =	sbr.rel @p0 .LBB2_16-.Ltmp7, $4  }
0x148: {  	v4 =	vld [tilespmem:s10+$0x10]  }
0x149: {  	[tilespmem:s11+$0xFFFFFFE0] =	vst v3;
	v8 =	vadd.f32 v9, v8;
	v3 =	vld [tilespmem:s11+$0x20]  }
0x14a: {  	v6 =	vld [tilespmem:s10+$0x20]  }
0x14b: {  	s11 =	sadd.s32 $0x80, s11;
	v5 =	vld [tilespmem:s9+$0xFFFFFFC0];
	[tilespmem:s9+$0xFFFFFFF0] =	vst v8;
	v7 =	vadd.f32 v10, v7  }
0x14c: {  	_ =	sdelay $0x1  }
0x14d: {  	v2 =	vadd.f32 v4, v2  }
0x14e: {  	[tilespmem:s9+$0x0] =	vst v7;
	v3 =	vadd.f32 v6, v3  }
0x14f: {  	[tilespmem:s9+$0x10] =	vst v2;
	v1 =	vadd.f32 v1, v5  }
0x150: {  	[tilespmem:s9+$0x20] =	vst v3  }
0x151: {  	[tilespmem:s9+$0xFFFFFFC0] =	vst v1  }
0x152: {  	[tilespmem:s6], [sflag:$0x2] =	stream.strided.gather [spmem:s14], $0x280, s0, s28, $0x38;
	[tilespmem:$0x5D00] =	vst v63  }
0x153: {  	_ =	swait.ge [sflag:s26], $0x280  }
0x154: {  	[sflag:s26] =	ssyncset.done $0x0  }
0x155: {  	s9 =	simm.s32 $0x2840;
	[sflag:s26] =	ssyncadd.s32 $0xFFFFFD80  }
0x156: {  	s10 =	simm.s32 $0x2AC0;
	v2 =	vld [tilespmem:s9+$0x30]  }
0x157: {  	v3 =	vld [tilespmem:s10+$0x30]  }
0x158: {  	v1 =	vld [tilespmem:s10+$0xFFFFFFC0]  }
0x159: {  	v4 =	vld [tilespmem:s9+$0xFFFFFFD0]  }
0x15a: {  	v5 =	vld [tilespmem:s10+$0xFFFFFFD0]  }
0x15b: {  	v6 =	vld [tilespmem:s9+$0xFFFFFFE0]  }
0x15c: {  	v7 =	vld [tilespmem:s10+$0xFFFFFFE0]  }
0x15d: {  	v8 =	vld [tilespmem:s9+$0xFFFFFFF0]  }
0x15e: {  	v9 =	vld [tilespmem:s10+$0xFFFFFFF0]  }
0x15f: {  	v10 =	vld [tilespmem:s9+$0x0]  }
0x160: {  	v11 =	vld [tilespmem:s10+$0x0];
	v3 =	vadd.f32 v3, v2  }
0x161: {  	v5 =	vadd.f32 v5, v4;
	v2 =	vld [tilespmem:s9+$0x10]  }
0x162: {  	v6 =	vadd.f32 v7, v6;
	v4 =	vld [tilespmem:s10+$0x10];
	[tilespmem:s9+$0x30] =	vst v3  }
0x163: {  	v7 =	vadd.f32 v9, v8;
	[tilespmem:s9+$0xFFFFFFD0] =	vst v5;
	v3 =	vld [tilespmem:s9+$0x20]  }
0x164: {  	[tilespmem:s9+$0xFFFFFFE0] =	vst v6;
	v6 =	vld [tilespmem:s10+$0x20]  }
0x165: {  	s2 =	simm.s32 $0x0;
	s11 =	simm.s32 $0x28C0;
	v5 =	vld [tilespmem:s9+$0xFFFFFFC0];
	[tilespmem:s9+$0xFFFFFFF0] =	vst v7;
	v7 =	vadd.f32 v11, v10  }
.LBB2_18:
0x166: {  	v8 =	vld [tilespmem:s11+$0x30];
	s10 =	sadd.s32 $0x80, s10  }
0x167: {  	s2 =	sadd.s32 $0x8, s2;
	v9 =	vld [tilespmem:s10+$0x30];
	[tilespmem:s9+$0x0] =	vst v7;
	v2 =	vadd.f32 v4, v2  }
0x168: {  	p0 =	slt.u32 s2, $0x20;
	v4 =	vld [tilespmem:s10+$0xFFFFFFC0]  }
0x169: {  	v7 =	vld [tilespmem:s11+$0xFFFFFFD0];
	[tilespmem:s9+$0x10] =	vst v2;
	v2 =	vadd.f32 v6, v3  }
0x16a: {  	v3 =	vld [tilespmem:s10+$0xFFFFFFD0];
	v10 =	vadd.f32 v1, v5  }
0x16b: {  	v5 =	vld [tilespmem:s11+$0xFFFFFFE0];
	[tilespmem:s9+$0x20] =	vst v2  }
0x16c: {  	v2 =	vld [tilespmem:s10+$0xFFFFFFE0];
	v6 =	vadd.f32 v9, v8;
	[tilespmem:s9+$0xFFFFFFC0] =	vst v10;
	s9 =	smov.u32 s11  }
0x16d: {  	v8 =	vld [tilespmem:s11+$0xFFFFFFF0];
	v1 =	vmov v4  }
0x16e: {  	v9 =	vld [tilespmem:s10+$0xFFFFFFF0];
	[tilespmem:s11+$0x30] =	vst v6  }
0x16f: {  	v3 =	vadd.f32 v3, v7;
	v7 =	vld [tilespmem:s11+$0x0]  }
0x170: {  	v10 =	vld [tilespmem:s10+$0x0]  }
.Ltmp8:
0x171: {  	[tilespmem:s11+$0xFFFFFFD0] =	vst v3;
	v3 =	vadd.f32 v2, v5;
	v2 =	vld [tilespmem:s11+$0x10];
	(pc) =	sbr.rel @p0 .LBB2_18-.Ltmp8, $4  }
0x172: {  	v4 =	vld [tilespmem:s10+$0x10]  }
0x173: {  	[tilespmem:s11+$0xFFFFFFE0] =	vst v3;
	v8 =	vadd.f32 v9, v8;
	v3 =	vld [tilespmem:s11+$0x20]  }
0x174: {  	v6 =	vld [tilespmem:s10+$0x20]  }
0x175: {  	s11 =	sadd.s32 $0x80, s11;
	v5 =	vld [tilespmem:s9+$0xFFFFFFC0];
	[tilespmem:s9+$0xFFFFFFF0] =	vst v8;
	v7 =	vadd.f32 v10, v7  }
0x176: {  	_ =	sdelay $0x1  }
0x177: {  	v2 =	vadd.f32 v4, v2  }
0x178: {  	[tilespmem:s9+$0x0] =	vst v7;
	v3 =	vadd.f32 v6, v3  }
0x179: {  	[tilespmem:s9+$0x10] =	vst v2;
	v1 =	vadd.f32 v1, v5  }
0x17a: {  	[tilespmem:s9+$0x20] =	vst v3  }
0x17b: {  	[tilespmem:s9+$0xFFFFFFC0] =	vst v1  }
0x17c: {  	[tilespmem:s6], [sflag:$0x2] =	stream.strided.gather [spmem:s15], $0x280, s0, s28, $0x38;
	[tilespmem:$0x5D00] =	vst v63  }
0x17d: {  	_ =	swait.ge [sflag:s26], $0x280  }
0x17e: {  	[sflag:s26] =	ssyncset.done $0x0  }
0x17f: {  	s9 =	simm.s32 $0x2840;
	[sflag:s26] =	ssyncadd.s32 $0xFFFFFD80  }
0x180: {  	s10 =	simm.s32 $0x2AC0;
	v2 =	vld [tilespmem:s9+$0x30]  }
0x181: {  	v3 =	vld [tilespmem:s10+$0x30]  }
0x182: {  	v1 =	vld [tilespmem:s10+$0xFFFFFFC0]  }
0x183: {  	v4 =	vld [tilespmem:s9+$0xFFFFFFD0]  }
0x184: {  	v5 =	vld [tilespmem:s10+$0xFFFFFFD0]  }
0x185: {  	v6 =	vld [tilespmem:s9+$0xFFFFFFE0]  }
0x186: {  	v7 =	vld [tilespmem:s10+$0xFFFFFFE0]  }
0x187: {  	v8 =	vld [tilespmem:s9+$0xFFFFFFF0]  }
0x188: {  	v9 =	vld [tilespmem:s10+$0xFFFFFFF0]  }
0x189: {  	v10 =	vld [tilespmem:s9+$0x0]  }
0x18a: {  	v11 =	vld [tilespmem:s10+$0x0];
	v3 =	vadd.f32 v3, v2  }
0x18b: {  	v5 =	vadd.f32 v5, v4;
	v2 =	vld [tilespmem:s9+$0x10]  }
0x18c: {  	v6 =	vadd.f32 v7, v6;
	v4 =	vld [tilespmem:s10+$0x10];
	[tilespmem:s9+$0x30] =	vst v3  }
0x18d: {  	v7 =	vadd.f32 v9, v8;
	[tilespmem:s9+$0xFFFFFFD0] =	vst v5;
	v3 =	vld [tilespmem:s9+$0x20]  }
0x18e: {  	[tilespmem:s9+$0xFFFFFFE0] =	vst v6;
	v6 =	vld [tilespmem:s10+$0x20]  }
0x18f: {  	s2 =	simm.s32 $0x0;
	s11 =	simm.s32 $0x28C0;
	v5 =	vld [tilespmem:s9+$0xFFFFFFC0];
	[tilespmem:s9+$0xFFFFFFF0] =	vst v7;
	v7 =	vadd.f32 v11, v10  }
.LBB2_20:
0x190: {  	v8 =	vld [tilespmem:s11+$0x30];
	s10 =	sadd.s32 $0x80, s10  }
0x191: {  	s2 =	sadd.s32 $0x8, s2;
	v9 =	vld [tilespmem:s10+$0x30];
	[tilespmem:s9+$0x0] =	vst v7;
	v2 =	vadd.f32 v4, v2  }
0x192: {  	p0 =	slt.u32 s2, $0x20;
	v4 =	vld [tilespmem:s10+$0xFFFFFFC0]  }
0x193: {  	v7 =	vld [tilespmem:s11+$0xFFFFFFD0];
	[tilespmem:s9+$0x10] =	vst v2;
	v2 =	vadd.f32 v6, v3  }
0x194: {  	v3 =	vld [tilespmem:s10+$0xFFFFFFD0];
	v10 =	vadd.f32 v1, v5  }
0x195: {  	v5 =	vld [tilespmem:s11+$0xFFFFFFE0];
	[tilespmem:s9+$0x20] =	vst v2  }
0x196: {  	v2 =	vld [tilespmem:s10+$0xFFFFFFE0];
	v6 =	vadd.f32 v9, v8;
	[tilespmem:s9+$0xFFFFFFC0] =	vst v10;
	s9 =	smov.u32 s11  }
0x197: {  	v8 =	vld [tilespmem:s11+$0xFFFFFFF0];
	v1 =	vmov v4  }
0x198: {  	v9 =	vld [tilespmem:s10+$0xFFFFFFF0];
	[tilespmem:s11+$0x30] =	vst v6  }
0x199: {  	v3 =	vadd.f32 v3, v7;
	v7 =	vld [tilespmem:s11+$0x0]  }
0x19a: {  	v10 =	vld [tilespmem:s10+$0x0]  }
.Ltmp9:
0x19b: {  	[tilespmem:s11+$0xFFFFFFD0] =	vst v3;
	v3 =	vadd.f32 v2, v5;
	v2 =	vld [tilespmem:s11+$0x10];
	(pc) =	sbr.rel @p0 .LBB2_20-.Ltmp9, $4  }
0x19c: {  	v4 =	vld [tilespmem:s10+$0x10]  }
0x19d: {  	[tilespmem:s11+$0xFFFFFFE0] =	vst v3;
	v8 =	vadd.f32 v9, v8;
	v3 =	vld [tilespmem:s11+$0x20]  }
0x19e: {  	v6 =	vld [tilespmem:s10+$0x20]  }
0x19f: {  	s11 =	sadd.s32 $0x80, s11;
	v5 =	vld [tilespmem:s9+$0xFFFFFFC0];
	[tilespmem:s9+$0xFFFFFFF0] =	vst v8;
	v7 =	vadd.f32 v10, v7  }
0x1a0: {  	_ =	sdelay $0x1  }
0x1a1: {  	v2 =	vadd.f32 v4, v2  }
0x1a2: {  	[tilespmem:s9+$0x0] =	vst v7;
	v3 =	vadd.f32 v6, v3  }
0x1a3: {  	[tilespmem:s9+$0x10] =	vst v2;
	v1 =	vadd.f32 v1, v5  }
0x1a4: {  	[tilespmem:s9+$0x20] =	vst v3  }
0x1a5: {  	[tilespmem:s9+$0xFFFFFFC0] =	vst v1  }
0x1a6: {  	[tilespmem:s6], [sflag:$0x2] =	stream.strided.gather [spmem:s16], $0x280, s0, s28, $0x38;
	[tilespmem:$0x5D00] =	vst v63  }
0x1a7: {  	_ =	swait.ge [sflag:s26], $0x280  }
0x1a8: {  	[sflag:s26] =	ssyncset.done $0x0  }
0x1a9: {  	s9 =	simm.s32 $0x2840;
	[sflag:s26] =	ssyncadd.s32 $0xFFFFFD80  }
0x1aa: {  	s10 =	simm.s32 $0x2AC0;
	v2 =	vld [tilespmem:s9+$0x30]  }
0x1ab: {  	v3 =	vld [tilespmem:s10+$0x30]  }
0x1ac: {  	v1 =	vld [tilespmem:s10+$0xFFFFFFC0]  }
0x1ad: {  	v4 =	vld [tilespmem:s9+$0xFFFFFFD0]  }
0x1ae: {  	v5 =	vld [tilespmem:s10+$0xFFFFFFD0]  }
0x1af: {  	v6 =	vld [tilespmem:s9+$0xFFFFFFE0]  }
0x1b0: {  	v7 =	vld [tilespmem:s10+$0xFFFFFFE0]  }
0x1b1: {  	v8 =	vld [tilespmem:s9+$0xFFFFFFF0]  }
0x1b2: {  	v9 =	vld [tilespmem:s10+$0xFFFFFFF0]  }
0x1b3: {  	v10 =	vld [tilespmem:s9+$0x0]  }
0x1b4: {  	v11 =	vld [tilespmem:s10+$0x0];
	v3 =	vadd.f32 v3, v2  }
0x1b5: {  	v5 =	vadd.f32 v5, v4;
	v2 =	vld [tilespmem:s9+$0x10]  }
0x1b6: {  	v6 =	vadd.f32 v7, v6;
	v4 =	vld [tilespmem:s10+$0x10];
	[tilespmem:s9+$0x30] =	vst v3  }
0x1b7: {  	v7 =	vadd.f32 v9, v8;
	[tilespmem:s9+$0xFFFFFFD0] =	vst v5;
	v3 =	vld [tilespmem:s9+$0x20]  }
0x1b8: {  	[tilespmem:s9+$0xFFFFFFE0] =	vst v6;
	v6 =	vld [tilespmem:s10+$0x20]  }
0x1b9: {  	s2 =	simm.s32 $0x0;
	s11 =	simm.s32 $0x28C0;
	v5 =	vld [tilespmem:s9+$0xFFFFFFC0];
	[tilespmem:s9+$0xFFFFFFF0] =	vst v7;
	v7 =	vadd.f32 v11, v10  }
.LBB2_22:
0x1ba: {  	v8 =	vld [tilespmem:s11+$0x30];
	s10 =	sadd.s32 $0x80, s10  }
0x1bb: {  	s2 =	sadd.s32 $0x8, s2;
	v9 =	vld [tilespmem:s10+$0x30];
	[tilespmem:s9+$0x0] =	vst v7;
	v2 =	vadd.f32 v4, v2  }
0x1bc: {  	p0 =	slt.u32 s2, $0x20;
	v4 =	vld [tilespmem:s10+$0xFFFFFFC0]  }
0x1bd: {  	v7 =	vld [tilespmem:s11+$0xFFFFFFD0];
	[tilespmem:s9+$0x10] =	vst v2;
	v2 =	vadd.f32 v6, v3  }
0x1be: {  	v3 =	vld [tilespmem:s10+$0xFFFFFFD0];
	v10 =	vadd.f32 v1, v5  }
0x1bf: {  	v5 =	vld [tilespmem:s11+$0xFFFFFFE0];
	[tilespmem:s9+$0x20] =	vst v2  }
0x1c0: {  	v2 =	vld [tilespmem:s10+$0xFFFFFFE0];
	v6 =	vadd.f32 v9, v8;
	[tilespmem:s9+$0xFFFFFFC0] =	vst v10;
	s9 =	smov.u32 s11  }
0x1c1: {  	v8 =	vld [tilespmem:s11+$0xFFFFFFF0];
	v1 =	vmov v4  }
0x1c2: {  	v9 =	vld [tilespmem:s10+$0xFFFFFFF0];
	[tilespmem:s11+$0x30] =	vst v6  }
0x1c3: {  	v3 =	vadd.f32 v3, v7;
	v7 =	vld [tilespmem:s11+$0x0]  }
0x1c4: {  	v10 =	vld [tilespmem:s10+$0x0]  }
.Ltmp10:
0x1c5: {  	[tilespmem:s11+$0xFFFFFFD0] =	vst v3;
	v3 =	vadd.f32 v2, v5;
	v2 =	vld [tilespmem:s11+$0x10];
	(pc) =	sbr.rel @p0 .LBB2_22-.Ltmp10, $4  }
0x1c6: {  	v4 =	vld [tilespmem:s10+$0x10]  }
0x1c7: {  	[tilespmem:s11+$0xFFFFFFE0] =	vst v3;
	v8 =	vadd.f32 v9, v8;
	v3 =	vld [tilespmem:s11+$0x20]  }
0x1c8: {  	v6 =	vld [tilespmem:s10+$0x20]  }
0x1c9: {  	s11 =	sadd.s32 $0x80, s11;
	v5 =	vld [tilespmem:s9+$0xFFFFFFC0];
	[tilespmem:s9+$0xFFFFFFF0] =	vst v8;
	v7 =	vadd.f32 v10, v7  }
0x1ca: {  	_ =	sdelay $0x1  }
0x1cb: {  	v2 =	vadd.f32 v4, v2  }
0x1cc: {  	[tilespmem:s9+$0x0] =	vst v7;
	v3 =	vadd.f32 v6, v3  }
0x1cd: {  	[tilespmem:s9+$0x10] =	vst v2;
	v1 =	vadd.f32 v1, v5  }
0x1ce: {  	[tilespmem:s9+$0x20] =	vst v3  }
0x1cf: {  	[tilespmem:s9+$0xFFFFFFC0] =	vst v1  }
0x1d0: {  	[tilespmem:s6], [sflag:$0x2] =	stream.strided.gather [spmem:s17], $0x280, s0, s28, $0x38;
	[tilespmem:$0x5D00] =	vst v63  }
0x1d1: {  	_ =	swait.ge [sflag:s26], $0x280  }
0x1d2: {  	[sflag:s26] =	ssyncset.done $0x0  }
0x1d3: {  	s9 =	simm.s32 $0x2840;
	[sflag:s26] =	ssyncadd.s32 $0xFFFFFD80  }
0x1d4: {  	s10 =	simm.s32 $0x2AC0;
	v2 =	vld [tilespmem:s9+$0x30]  }
0x1d5: {  	v3 =	vld [tilespmem:s10+$0x30]  }
0x1d6: {  	v1 =	vld [tilespmem:s10+$0xFFFFFFC0]  }
0x1d7: {  	v4 =	vld [tilespmem:s9+$0xFFFFFFD0]  }
0x1d8: {  	v5 =	vld [tilespmem:s10+$0xFFFFFFD0]  }
0x1d9: {  	v6 =	vld [tilespmem:s9+$0xFFFFFFE0]  }
0x1da: {  	v7 =	vld [tilespmem:s10+$0xFFFFFFE0]  }
0x1db: {  	v8 =	vld [tilespmem:s9+$0xFFFFFFF0]  }
0x1dc: {  	v9 =	vld [tilespmem:s10+$0xFFFFFFF0]  }
0x1dd: {  	v10 =	vld [tilespmem:s9+$0x0]  }
0x1de: {  	v11 =	vld [tilespmem:s10+$0x0];
	v3 =	vadd.f32 v3, v2  }
0x1df: {  	v5 =	vadd.f32 v5, v4;
	v2 =	vld [tilespmem:s9+$0x10]  }
0x1e0: {  	v6 =	vadd.f32 v7, v6;
	v4 =	vld [tilespmem:s10+$0x10];
	[tilespmem:s9+$0x30] =	vst v3  }
0x1e1: {  	v7 =	vadd.f32 v9, v8;
	[tilespmem:s9+$0xFFFFFFD0] =	vst v5;
	v3 =	vld [tilespmem:s9+$0x20]  }
0x1e2: {  	[tilespmem:s9+$0xFFFFFFE0] =	vst v6;
	v6 =	vld [tilespmem:s10+$0x20]  }
0x1e3: {  	s2 =	simm.s32 $0x0;
	s11 =	simm.s32 $0x28C0;
	v5 =	vld [tilespmem:s9+$0xFFFFFFC0];
	[tilespmem:s9+$0xFFFFFFF0] =	vst v7;
	v7 =	vadd.f32 v11, v10  }
.LBB2_24:
0x1e4: {  	v8 =	vld [tilespmem:s11+$0x30];
	s10 =	sadd.s32 $0x80, s10  }
0x1e5: {  	s2 =	sadd.s32 $0x8, s2;
	v9 =	vld [tilespmem:s10+$0x30];
	[tilespmem:s9+$0x0] =	vst v7;
	v2 =	vadd.f32 v4, v2  }
0x1e6: {  	p0 =	slt.u32 s2, $0x20;
	v4 =	vld [tilespmem:s10+$0xFFFFFFC0]  }
0x1e7: {  	v7 =	vld [tilespmem:s11+$0xFFFFFFD0];
	[tilespmem:s9+$0x10] =	vst v2;
	v2 =	vadd.f32 v6, v3  }
0x1e8: {  	v3 =	vld [tilespmem:s10+$0xFFFFFFD0];
	v10 =	vadd.f32 v1, v5  }
0x1e9: {  	v5 =	vld [tilespmem:s11+$0xFFFFFFE0];
	[tilespmem:s9+$0x20] =	vst v2  }
0x1ea: {  	v2 =	vld [tilespmem:s10+$0xFFFFFFE0];
	v6 =	vadd.f32 v9, v8;
	[tilespmem:s9+$0xFFFFFFC0] =	vst v10;
	s9 =	smov.u32 s11  }
0x1eb: {  	v8 =	vld [tilespmem:s11+$0xFFFFFFF0];
	v1 =	vmov v4  }
0x1ec: {  	v9 =	vld [tilespmem:s10+$0xFFFFFFF0];
	[tilespmem:s11+$0x30] =	vst v6  }
0x1ed: {  	v3 =	vadd.f32 v3, v7;
	v7 =	vld [tilespmem:s11+$0x0]  }
0x1ee: {  	v10 =	vld [tilespmem:s10+$0x0]  }
.Ltmp11:
0x1ef: {  	[tilespmem:s11+$0xFFFFFFD0] =	vst v3;
	v3 =	vadd.f32 v2, v5;
	v2 =	vld [tilespmem:s11+$0x10];
	(pc) =	sbr.rel @p0 .LBB2_24-.Ltmp11, $4  }
0x1f0: {  	v4 =	vld [tilespmem:s10+$0x10]  }
0x1f1: {  	[tilespmem:s11+$0xFFFFFFE0] =	vst v3;
	v8 =	vadd.f32 v9, v8;
	v3 =	vld [tilespmem:s11+$0x20]  }
0x1f2: {  	v6 =	vld [tilespmem:s10+$0x20]  }
0x1f3: {  	s11 =	sadd.s32 $0x80, s11;
	v5 =	vld [tilespmem:s9+$0xFFFFFFC0];
	[tilespmem:s9+$0xFFFFFFF0] =	vst v8;
	v7 =	vadd.f32 v10, v7  }
0x1f4: {  	_ =	sdelay $0x1  }
0x1f5: {  	v2 =	vadd.f32 v4, v2  }
0x1f6: {  	[tilespmem:s9+$0x0] =	vst v7;
	v3 =	vadd.f32 v6, v3  }
0x1f7: {  	[tilespmem:s9+$0x10] =	vst v2;
	v1 =	vadd.f32 v1, v5  }
0x1f8: {  	[tilespmem:s9+$0x20] =	vst v3  }
0x1f9: {  	[tilespmem:s9+$0xFFFFFFC0] =	vst v1  }
0x1fa: {  	[tilespmem:s6], [sflag:$0x2] =	stream.strided.gather [spmem:s18], $0x280, s0, s28, $0x38;
	[tilespmem:$0x5D00] =	vst v63  }
0x1fb: {  	_ =	swait.ge [sflag:s26], $0x280  }
0x1fc: {  	[sflag:s26] =	ssyncset.done $0x0  }
0x1fd: {  	s9 =	simm.s32 $0x2840;
	[sflag:s26] =	ssyncadd.s32 $0xFFFFFD80  }
0x1fe: {  	s10 =	simm.s32 $0x2AC0;
	v2 =	vld [tilespmem:s9+$0x30]  }
0x1ff: {  	v3 =	vld [tilespmem:s10+$0x30]  }
0x200: {  	v1 =	vld [tilespmem:s10+$0xFFFFFFC0]  }
0x201: {  	v4 =	vld [tilespmem:s9+$0xFFFFFFD0]  }
0x202: {  	v5 =	vld [tilespmem:s10+$0xFFFFFFD0]  }
0x203: {  	v6 =	vld [tilespmem:s9+$0xFFFFFFE0]  }
0x204: {  	v7 =	vld [tilespmem:s10+$0xFFFFFFE0]  }
0x205: {  	v8 =	vld [tilespmem:s9+$0xFFFFFFF0]  }
0x206: {  	v9 =	vld [tilespmem:s10+$0xFFFFFFF0]  }
0x207: {  	v10 =	vld [tilespmem:s9+$0x0]  }
0x208: {  	v11 =	vld [tilespmem:s10+$0x0];
	v3 =	vadd.f32 v3, v2  }
0x209: {  	v5 =	vadd.f32 v5, v4;
	v2 =	vld [tilespmem:s9+$0x10]  }
0x20a: {  	v6 =	vadd.f32 v7, v6;
	v4 =	vld [tilespmem:s10+$0x10];
	[tilespmem:s9+$0x30] =	vst v3  }
0x20b: {  	v7 =	vadd.f32 v9, v8;
	[tilespmem:s9+$0xFFFFFFD0] =	vst v5;
	v3 =	vld [tilespmem:s9+$0x20]  }
0x20c: {  	[tilespmem:s9+$0xFFFFFFE0] =	vst v6;
	v6 =	vld [tilespmem:s10+$0x20]  }
0x20d: {  	s2 =	simm.s32 $0x0;
	s11 =	simm.s32 $0x28C0;
	v5 =	vld [tilespmem:s9+$0xFFFFFFC0];
	[tilespmem:s9+$0xFFFFFFF0] =	vst v7;
	v7 =	vadd.f32 v11, v10  }
.LBB2_26:
0x20e: {  	v8 =	vld [tilespmem:s11+$0x30];
	s10 =	sadd.s32 $0x80, s10  }
0x20f: {  	s2 =	sadd.s32 $0x8, s2;
	v9 =	vld [tilespmem:s10+$0x30];
	[tilespmem:s9+$0x0] =	vst v7;
	v2 =	vadd.f32 v4, v2  }
0x210: {  	p0 =	slt.u32 s2, $0x20;
	v4 =	vld [tilespmem:s10+$0xFFFFFFC0]  }
0x211: {  	v7 =	vld [tilespmem:s11+$0xFFFFFFD0];
	[tilespmem:s9+$0x10] =	vst v2;
	v2 =	vadd.f32 v6, v3  }
0x212: {  	v3 =	vld [tilespmem:s10+$0xFFFFFFD0];
	v10 =	vadd.f32 v1, v5  }
0x213: {  	v5 =	vld [tilespmem:s11+$0xFFFFFFE0];
	[tilespmem:s9+$0x20] =	vst v2  }
0x214: {  	v2 =	vld [tilespmem:s10+$0xFFFFFFE0];
	v6 =	vadd.f32 v9, v8;
	[tilespmem:s9+$0xFFFFFFC0] =	vst v10;
	s9 =	smov.u32 s11  }
0x215: {  	v8 =	vld [tilespmem:s11+$0xFFFFFFF0];
	v1 =	vmov v4  }
0x216: {  	v9 =	vld [tilespmem:s10+$0xFFFFFFF0];
	[tilespmem:s11+$0x30] =	vst v6  }
0x217: {  	v3 =	vadd.f32 v3, v7;
	v7 =	vld [tilespmem:s11+$0x0]  }
0x218: {  	v10 =	vld [tilespmem:s10+$0x0]  }
.Ltmp12:
0x219: {  	[tilespmem:s11+$0xFFFFFFD0] =	vst v3;
	v3 =	vadd.f32 v2, v5;
	v2 =	vld [tilespmem:s11+$0x10];
	(pc) =	sbr.rel @p0 .LBB2_26-.Ltmp12, $4  }
0x21a: {  	v4 =	vld [tilespmem:s10+$0x10]  }
0x21b: {  	[tilespmem:s11+$0xFFFFFFE0] =	vst v3;
	v8 =	vadd.f32 v9, v8;
	v3 =	vld [tilespmem:s11+$0x20]  }
0x21c: {  	v6 =	vld [tilespmem:s10+$0x20]  }
0x21d: {  	s11 =	sadd.s32 $0x80, s11;
	v5 =	vld [tilespmem:s9+$0xFFFFFFC0];
	[tilespmem:s9+$0xFFFFFFF0] =	vst v8;
	v7 =	vadd.f32 v10, v7  }
0x21e: {  	_ =	sdelay $0x1  }
0x21f: {  	v2 =	vadd.f32 v4, v2  }
0x220: {  	[tilespmem:s9+$0x0] =	vst v7;
	v3 =	vadd.f32 v6, v3  }
0x221: {  	[tilespmem:s9+$0x10] =	vst v2;
	v1 =	vadd.f32 v1, v5  }
0x222: {  	[tilespmem:s9+$0x20] =	vst v3  }
0x223: {  	[tilespmem:s9+$0xFFFFFFC0] =	vst v1  }
0x224: {  	[tilespmem:s6], [sflag:$0x2] =	stream.strided.gather [spmem:s19], $0x280, s0, s28, $0x38;
	[tilespmem:$0x5D00] =	vst v63  }
0x225: {  	_ =	swait.ge [sflag:s26], $0x280  }
0x226: {  	[sflag:s26] =	ssyncset.done $0x0  }
0x227: {  	s9 =	simm.s32 $0x2840;
	[sflag:s26] =	ssyncadd.s32 $0xFFFFFD80  }
0x228: {  	s10 =	simm.s32 $0x2AC0;
	v2 =	vld [tilespmem:s9+$0x30]  }
0x229: {  	v3 =	vld [tilespmem:s10+$0x30]  }
0x22a: {  	v1 =	vld [tilespmem:s10+$0xFFFFFFC0]  }
0x22b: {  	v4 =	vld [tilespmem:s9+$0xFFFFFFD0]  }
0x22c: {  	v5 =	vld [tilespmem:s10+$0xFFFFFFD0]  }
0x22d: {  	v6 =	vld [tilespmem:s9+$0xFFFFFFE0]  }
0x22e: {  	v7 =	vld [tilespmem:s10+$0xFFFFFFE0]  }
0x22f: {  	v8 =	vld [tilespmem:s9+$0xFFFFFFF0]  }
0x230: {  	v9 =	vld [tilespmem:s10+$0xFFFFFFF0]  }
0x231: {  	v10 =	vld [tilespmem:s9+$0x0]  }
0x232: {  	v11 =	vld [tilespmem:s10+$0x0];
	v3 =	vadd.f32 v3, v2  }
0x233: {  	v5 =	vadd.f32 v5, v4;
	v2 =	vld [tilespmem:s9+$0x10]  }
0x234: {  	v6 =	vadd.f32 v7, v6;
	v4 =	vld [tilespmem:s10+$0x10];
	[tilespmem:s9+$0x30] =	vst v3  }
0x235: {  	v7 =	vadd.f32 v9, v8;
	[tilespmem:s9+$0xFFFFFFD0] =	vst v5;
	v3 =	vld [tilespmem:s9+$0x20]  }
0x236: {  	[tilespmem:s9+$0xFFFFFFE0] =	vst v6;
	v6 =	vld [tilespmem:s10+$0x20]  }
0x237: {  	s2 =	simm.s32 $0x0;
	s11 =	simm.s32 $0x28C0;
	v5 =	vld [tilespmem:s9+$0xFFFFFFC0];
	[tilespmem:s9+$0xFFFFFFF0] =	vst v7;
	v7 =	vadd.f32 v11, v10  }
.LBB2_28:
0x238: {  	v8 =	vld [tilespmem:s11+$0x30];
	s10 =	sadd.s32 $0x80, s10  }
0x239: {  	s2 =	sadd.s32 $0x8, s2;
	v9 =	vld [tilespmem:s10+$0x30];
	[tilespmem:s9+$0x0] =	vst v7;
	v2 =	vadd.f32 v4, v2  }
0x23a: {  	p0 =	slt.u32 s2, $0x20;
	v4 =	vld [tilespmem:s10+$0xFFFFFFC0]  }
0x23b: {  	v7 =	vld [tilespmem:s11+$0xFFFFFFD0];
	[tilespmem:s9+$0x10] =	vst v2;
	v2 =	vadd.f32 v6, v3  }
0x23c: {  	v3 =	vld [tilespmem:s10+$0xFFFFFFD0];
	v10 =	vadd.f32 v1, v5  }
0x23d: {  	v5 =	vld [tilespmem:s11+$0xFFFFFFE0];
	[tilespmem:s9+$0x20] =	vst v2  }
0x23e: {  	v2 =	vld [tilespmem:s10+$0xFFFFFFE0];
	v6 =	vadd.f32 v9, v8;
	[tilespmem:s9+$0xFFFFFFC0] =	vst v10;
	s9 =	smov.u32 s11  }
0x23f: {  	v8 =	vld [tilespmem:s11+$0xFFFFFFF0];
	v1 =	vmov v4  }
0x240: {  	v9 =	vld [tilespmem:s10+$0xFFFFFFF0];
	[tilespmem:s11+$0x30] =	vst v6  }
0x241: {  	v3 =	vadd.f32 v3, v7;
	v7 =	vld [tilespmem:s11+$0x0]  }
0x242: {  	v10 =	vld [tilespmem:s10+$0x0]  }
.Ltmp13:
0x243: {  	[tilespmem:s11+$0xFFFFFFD0] =	vst v3;
	v3 =	vadd.f32 v2, v5;
	v2 =	vld [tilespmem:s11+$0x10];
	(pc) =	sbr.rel @p0 .LBB2_28-.Ltmp13, $4  }
0x244: {  	v4 =	vld [tilespmem:s10+$0x10]  }
0x245: {  	[tilespmem:s11+$0xFFFFFFE0] =	vst v3;
	v8 =	vadd.f32 v9, v8;
	v3 =	vld [tilespmem:s11+$0x20]  }
0x246: {  	v6 =	vld [tilespmem:s10+$0x20]  }
0x247: {  	s11 =	sadd.s32 $0x80, s11;
	v5 =	vld [tilespmem:s9+$0xFFFFFFC0];
	[tilespmem:s9+$0xFFFFFFF0] =	vst v8;
	v7 =	vadd.f32 v10, v7  }
0x248: {  	_ =	sdelay $0x1  }
0x249: {  	v2 =	vadd.f32 v4, v2  }
0x24a: {  	[tilespmem:s9+$0x0] =	vst v7;
	v3 =	vadd.f32 v6, v3  }
0x24b: {  	[tilespmem:s9+$0x10] =	vst v2;
	v1 =	vadd.f32 v1, v5  }
0x24c: {  	[tilespmem:s9+$0x20] =	vst v3  }
0x24d: {  	[tilespmem:s9+$0xFFFFFFC0] =	vst v1  }
0x24e: {  	[tilespmem:s6], [sflag:$0x2] =	stream.strided.gather [spmem:s20], $0x280, s0, s28, $0x38;
	[tilespmem:$0x5D00] =	vst v63  }
0x24f: {  	_ =	swait.ge [sflag:s26], $0x280  }
0x250: {  	[sflag:s26] =	ssyncset.done $0x0  }
0x251: {  	s9 =	simm.s32 $0x2840;
	[sflag:s26] =	ssyncadd.s32 $0xFFFFFD80  }
0x252: {  	s10 =	simm.s32 $0x2AC0;
	v2 =	vld [tilespmem:s9+$0x30]  }
0x253: {  	v3 =	vld [tilespmem:s10+$0x30]  }
0x254: {  	v1 =	vld [tilespmem:s10+$0xFFFFFFC0]  }
0x255: {  	v4 =	vld [tilespmem:s9+$0xFFFFFFD0]  }
0x256: {  	v5 =	vld [tilespmem:s10+$0xFFFFFFD0]  }
0x257: {  	v6 =	vld [tilespmem:s9+$0xFFFFFFE0]  }
0x258: {  	v7 =	vld [tilespmem:s10+$0xFFFFFFE0]  }
0x259: {  	v8 =	vld [tilespmem:s9+$0xFFFFFFF0]  }
0x25a: {  	v9 =	vld [tilespmem:s10+$0xFFFFFFF0]  }
0x25b: {  	v10 =	vld [tilespmem:s9+$0x0]  }
0x25c: {  	v11 =	vld [tilespmem:s10+$0x0];
	v3 =	vadd.f32 v3, v2  }
0x25d: {  	v5 =	vadd.f32 v5, v4;
	v2 =	vld [tilespmem:s9+$0x10]  }
0x25e: {  	v6 =	vadd.f32 v7, v6;
	v4 =	vld [tilespmem:s10+$0x10];
	[tilespmem:s9+$0x30] =	vst v3  }
0x25f: {  	v7 =	vadd.f32 v9, v8;
	[tilespmem:s9+$0xFFFFFFD0] =	vst v5;
	v3 =	vld [tilespmem:s9+$0x20]  }
0x260: {  	[tilespmem:s9+$0xFFFFFFE0] =	vst v6;
	v6 =	vld [tilespmem:s10+$0x20]  }
0x261: {  	s2 =	simm.s32 $0x0;
	s11 =	simm.s32 $0x28C0;
	v5 =	vld [tilespmem:s9+$0xFFFFFFC0];
	[tilespmem:s9+$0xFFFFFFF0] =	vst v7;
	v7 =	vadd.f32 v11, v10  }
.LBB2_30:
0x262: {  	v8 =	vld [tilespmem:s11+$0x30];
	s10 =	sadd.s32 $0x80, s10  }
0x263: {  	s2 =	sadd.s32 $0x8, s2;
	v9 =	vld [tilespmem:s10+$0x30];
	[tilespmem:s9+$0x0] =	vst v7;
	v2 =	vadd.f32 v4, v2  }
0x264: {  	p0 =	slt.u32 s2, $0x20;
	v4 =	vld [tilespmem:s10+$0xFFFFFFC0]  }
0x265: {  	v7 =	vld [tilespmem:s11+$0xFFFFFFD0];
	[tilespmem:s9+$0x10] =	vst v2;
	v2 =	vadd.f32 v6, v3  }
0x266: {  	v3 =	vld [tilespmem:s10+$0xFFFFFFD0];
	v10 =	vadd.f32 v1, v5  }
0x267: {  	v5 =	vld [tilespmem:s11+$0xFFFFFFE0];
	[tilespmem:s9+$0x20] =	vst v2  }
0x268: {  	v2 =	vld [tilespmem:s10+$0xFFFFFFE0];
	v6 =	vadd.f32 v9, v8;
	[tilespmem:s9+$0xFFFFFFC0] =	vst v10;
	s9 =	smov.u32 s11  }
0x269: {  	v8 =	vld [tilespmem:s11+$0xFFFFFFF0];
	v1 =	vmov v4  }
0x26a: {  	v9 =	vld [tilespmem:s10+$0xFFFFFFF0];
	[tilespmem:s11+$0x30] =	vst v6  }
0x26b: {  	v3 =	vadd.f32 v3, v7;
	v7 =	vld [tilespmem:s11+$0x0]  }
0x26c: {  	v10 =	vld [tilespmem:s10+$0x0]  }
.Ltmp14:
0x26d: {  	[tilespmem:s11+$0xFFFFFFD0] =	vst v3;
	v3 =	vadd.f32 v2, v5;
	v2 =	vld [tilespmem:s11+$0x10];
	(pc) =	sbr.rel @p0 .LBB2_30-.Ltmp14, $4  }
0x26e: {  	v4 =	vld [tilespmem:s10+$0x10]  }
0x26f: {  	[tilespmem:s11+$0xFFFFFFE0] =	vst v3;
	v8 =	vadd.f32 v9, v8;
	v3 =	vld [tilespmem:s11+$0x20]  }
0x270: {  	v6 =	vld [tilespmem:s10+$0x20]  }
0x271: {  	s11 =	sadd.s32 $0x80, s11;
	v5 =	vld [tilespmem:s9+$0xFFFFFFC0];
	[tilespmem:s9+$0xFFFFFFF0] =	vst v8;
	v7 =	vadd.f32 v10, v7  }
0x272: {  	_ =	sdelay $0x1  }
0x273: {  	v2 =	vadd.f32 v4, v2  }
0x274: {  	[tilespmem:s9+$0x0] =	vst v7;
	v3 =	vadd.f32 v6, v3  }
0x275: {  	[tilespmem:s9+$0x10] =	vst v2;
	v1 =	vadd.f32 v1, v5  }
0x276: {  	[tilespmem:s9+$0x20] =	vst v3  }
0x277: {  	[tilespmem:s9+$0xFFFFFFC0] =	vst v1  }
0x278: {  	[tilespmem:s6], [sflag:$0x2] =	stream.strided.gather [spmem:s21], $0x280, s0, s28, $0x38;
	[tilespmem:$0x5D00] =	vst v63  }
0x279: {  	_ =	swait.ge [sflag:s26], $0x280  }
0x27a: {  	[sflag:s26] =	ssyncset.done $0x0  }
0x27b: {  	s9 =	simm.s32 $0x2840;
	[sflag:s26] =	ssyncadd.s32 $0xFFFFFD80  }
0x27c: {  	s10 =	simm.s32 $0x2AC0;
	v2 =	vld [tilespmem:s9+$0x30]  }
0x27d: {  	v3 =	vld [tilespmem:s10+$0x30]  }
0x27e: {  	v1 =	vld [tilespmem:s10+$0xFFFFFFC0]  }
0x27f: {  	v4 =	vld [tilespmem:s9+$0xFFFFFFD0]  }
0x280: {  	v5 =	vld [tilespmem:s10+$0xFFFFFFD0]  }
0x281: {  	v6 =	vld [tilespmem:s9+$0xFFFFFFE0]  }
0x282: {  	v7 =	vld [tilespmem:s10+$0xFFFFFFE0]  }
0x283: {  	v8 =	vld [tilespmem:s9+$0xFFFFFFF0]  }
0x284: {  	v9 =	vld [tilespmem:s10+$0xFFFFFFF0]  }
0x285: {  	v10 =	vld [tilespmem:s9+$0x0]  }
0x286: {  	v11 =	vld [tilespmem:s10+$0x0];
	v3 =	vadd.f32 v3, v2  }
0x287: {  	v5 =	vadd.f32 v5, v4;
	v2 =	vld [tilespmem:s9+$0x10]  }
0x288: {  	v6 =	vadd.f32 v7, v6;
	v4 =	vld [tilespmem:s10+$0x10];
	[tilespmem:s9+$0x30] =	vst v3  }
0x289: {  	v7 =	vadd.f32 v9, v8;
	[tilespmem:s9+$0xFFFFFFD0] =	vst v5;
	v3 =	vld [tilespmem:s9+$0x20]  }
0x28a: {  	[tilespmem:s9+$0xFFFFFFE0] =	vst v6;
	v6 =	vld [tilespmem:s10+$0x20]  }
0x28b: {  	s2 =	simm.s32 $0x0;
	s11 =	simm.s32 $0x28C0;
	v5 =	vld [tilespmem:s9+$0xFFFFFFC0];
	[tilespmem:s9+$0xFFFFFFF0] =	vst v7;
	v7 =	vadd.f32 v11, v10  }
.LBB2_32:
0x28c: {  	v8 =	vld [tilespmem:s11+$0x30];
	s10 =	sadd.s32 $0x80, s10  }
0x28d: {  	s2 =	sadd.s32 $0x8, s2;
	v9 =	vld [tilespmem:s10+$0x30];
	[tilespmem:s9+$0x0] =	vst v7;
	v2 =	vadd.f32 v4, v2  }
0x28e: {  	p0 =	slt.u32 s2, $0x20;
	v4 =	vld [tilespmem:s10+$0xFFFFFFC0]  }
0x28f: {  	v7 =	vld [tilespmem:s11+$0xFFFFFFD0];
	[tilespmem:s9+$0x10] =	vst v2;
	v2 =	vadd.f32 v6, v3  }
0x290: {  	v3 =	vld [tilespmem:s10+$0xFFFFFFD0];
	v10 =	vadd.f32 v1, v5  }
0x291: {  	v5 =	vld [tilespmem:s11+$0xFFFFFFE0];
	[tilespmem:s9+$0x20] =	vst v2  }
0x292: {  	v2 =	vld [tilespmem:s10+$0xFFFFFFE0];
	v6 =	vadd.f32 v9, v8;
	[tilespmem:s9+$0xFFFFFFC0] =	vst v10;
	s9 =	smov.u32 s11  }
0x293: {  	v8 =	vld [tilespmem:s11+$0xFFFFFFF0];
	v1 =	vmov v4  }
0x294: {  	v9 =	vld [tilespmem:s10+$0xFFFFFFF0];
	[tilespmem:s11+$0x30] =	vst v6  }
0x295: {  	v3 =	vadd.f32 v3, v7;
	v7 =	vld [tilespmem:s11+$0x0]  }
0x296: {  	v10 =	vld [tilespmem:s10+$0x0]  }
.Ltmp15:
0x297: {  	[tilespmem:s11+$0xFFFFFFD0] =	vst v3;
	v3 =	vadd.f32 v2, v5;
	v2 =	vld [tilespmem:s11+$0x10];
	(pc) =	sbr.rel @p0 .LBB2_32-.Ltmp15, $4  }
0x298: {  	v4 =	vld [tilespmem:s10+$0x10]  }
0x299: {  	[tilespmem:s11+$0xFFFFFFE0] =	vst v3;
	v8 =	vadd.f32 v9, v8;
	v3 =	vld [tilespmem:s11+$0x20]  }
0x29a: {  	v6 =	vld [tilespmem:s10+$0x20]  }
0x29b: {  	s11 =	sadd.s32 $0x80, s11;
	v5 =	vld [tilespmem:s9+$0xFFFFFFC0];
	[tilespmem:s9+$0xFFFFFFF0] =	vst v8;
	v7 =	vadd.f32 v10, v7  }
0x29c: {  	_ =	sdelay $0x1  }
0x29d: {  	v2 =	vadd.f32 v4, v2  }
0x29e: {  	[tilespmem:s9+$0x0] =	vst v7;
	v3 =	vadd.f32 v6, v3  }
0x29f: {  	[tilespmem:s9+$0x10] =	vst v2;
	v1 =	vadd.f32 v1, v5  }
0x2a0: {  	[tilespmem:s9+$0x20] =	vst v3  }
0x2a1: {  	[tilespmem:s9+$0xFFFFFFC0] =	vst v1  }
0x2a2: {  	[tilespmem:s6], [sflag:$0x2] =	stream.strided.gather [spmem:s22], $0x280, s0, s28, $0x38;
	[tilespmem:$0x5D00] =	vst v63  }
0x2a3: {  	_ =	swait.ge [sflag:s26], $0x280  }
0x2a4: {  	[sflag:s26] =	ssyncset.done $0x0  }
0x2a5: {  	s9 =	simm.s32 $0x2840;
	[sflag:s26] =	ssyncadd.s32 $0xFFFFFD80  }
0x2a6: {  	s10 =	simm.s32 $0x2AC0;
	v2 =	vld [tilespmem:s9+$0x30]  }
0x2a7: {  	v3 =	vld [tilespmem:s10+$0x30]  }
0x2a8: {  	v1 =	vld [tilespmem:s10+$0xFFFFFFC0]  }
0x2a9: {  	v4 =	vld [tilespmem:s9+$0xFFFFFFD0]  }
0x2aa: {  	v5 =	vld [tilespmem:s10+$0xFFFFFFD0]  }
0x2ab: {  	v6 =	vld [tilespmem:s9+$0xFFFFFFE0]  }
0x2ac: {  	v7 =	vld [tilespmem:s10+$0xFFFFFFE0]  }
0x2ad: {  	v8 =	vld [tilespmem:s9+$0xFFFFFFF0]  }
0x2ae: {  	v9 =	vld [tilespmem:s10+$0xFFFFFFF0]  }
0x2af: {  	v10 =	vld [tilespmem:s9+$0x0]  }
0x2b0: {  	v11 =	vld [tilespmem:s10+$0x0];
	v3 =	vadd.f32 v3, v2  }
0x2b1: {  	v5 =	vadd.f32 v5, v4;
	v2 =	vld [tilespmem:s9+$0x10]  }
0x2b2: {  	v6 =	vadd.f32 v7, v6;
	v4 =	vld [tilespmem:s10+$0x10];
	[tilespmem:s9+$0x30] =	vst v3  }
0x2b3: {  	v7 =	vadd.f32 v9, v8;
	[tilespmem:s9+$0xFFFFFFD0] =	vst v5;
	v3 =	vld [tilespmem:s9+$0x20]  }
0x2b4: {  	[tilespmem:s9+$0xFFFFFFE0] =	vst v6;
	v6 =	vld [tilespmem:s10+$0x20]  }
0x2b5: {  	s2 =	simm.s32 $0x0;
	s11 =	simm.s32 $0x28C0;
	v5 =	vld [tilespmem:s9+$0xFFFFFFC0];
	[tilespmem:s9+$0xFFFFFFF0] =	vst v7;
	v7 =	vadd.f32 v11, v10  }
.LBB2_34:
0x2b6: {  	v8 =	vld [tilespmem:s11+$0x30];
	s10 =	sadd.s32 $0x80, s10  }
0x2b7: {  	s2 =	sadd.s32 $0x8, s2;
	v9 =	vld [tilespmem:s10+$0x30];
	[tilespmem:s9+$0x0] =	vst v7;
	v2 =	vadd.f32 v4, v2  }
0x2b8: {  	p0 =	slt.u32 s2, $0x20;
	v4 =	vld [tilespmem:s10+$0xFFFFFFC0]  }
0x2b9: {  	v7 =	vld [tilespmem:s11+$0xFFFFFFD0];
	[tilespmem:s9+$0x10] =	vst v2;
	v2 =	vadd.f32 v6, v3  }
0x2ba: {  	v3 =	vld [tilespmem:s10+$0xFFFFFFD0];
	v10 =	vadd.f32 v1, v5  }
0x2bb: {  	v5 =	vld [tilespmem:s11+$0xFFFFFFE0];
	[tilespmem:s9+$0x20] =	vst v2  }
0x2bc: {  	v2 =	vld [tilespmem:s10+$0xFFFFFFE0];
	v6 =	vadd.f32 v9, v8;
	[tilespmem:s9+$0xFFFFFFC0] =	vst v10;
	s9 =	smov.u32 s11  }
0x2bd: {  	v8 =	vld [tilespmem:s11+$0xFFFFFFF0];
	v1 =	vmov v4  }
0x2be: {  	v9 =	vld [tilespmem:s10+$0xFFFFFFF0];
	[tilespmem:s11+$0x30] =	vst v6  }
0x2bf: {  	v3 =	vadd.f32 v3, v7;
	v7 =	vld [tilespmem:s11+$0x0]  }
0x2c0: {  	v10 =	vld [tilespmem:s10+$0x0]  }
.Ltmp16:
0x2c1: {  	[tilespmem:s11+$0xFFFFFFD0] =	vst v3;
	v3 =	vadd.f32 v2, v5;
	v2 =	vld [tilespmem:s11+$0x10];
	(pc) =	sbr.rel @p0 .LBB2_34-.Ltmp16, $4  }
0x2c2: {  	v4 =	vld [tilespmem:s10+$0x10]  }
0x2c3: {  	[tilespmem:s11+$0xFFFFFFE0] =	vst v3;
	v8 =	vadd.f32 v9, v8;
	v3 =	vld [tilespmem:s11+$0x20]  }
0x2c4: {  	v6 =	vld [tilespmem:s10+$0x20]  }
0x2c5: {  	s11 =	sadd.s32 $0x80, s11;
	v5 =	vld [tilespmem:s9+$0xFFFFFFC0];
	[tilespmem:s9+$0xFFFFFFF0] =	vst v8;
	v7 =	vadd.f32 v10, v7  }
0x2c6: {  	_ =	sdelay $0x1  }
0x2c7: {  	v2 =	vadd.f32 v4, v2  }
0x2c8: {  	[tilespmem:s9+$0x0] =	vst v7;
	v3 =	vadd.f32 v6, v3  }
0x2c9: {  	[tilespmem:s9+$0x10] =	vst v2;
	v1 =	vadd.f32 v1, v5  }
0x2ca: {  	[tilespmem:s9+$0x20] =	vst v3  }
0x2cb: {  	[tilespmem:s9+$0xFFFFFFC0] =	vst v1  }
0x2cc: {  	[tilespmem:s6], [sflag:$0x2] =	stream.strided.gather [spmem:s24], $0x280, s0, s28, $0x38;
	[tilespmem:$0x5D00] =	vst v63  }
0x2cd: {  	_ =	swait.ge [sflag:s26], $0x280  }
0x2ce: {  	[sflag:s26] =	ssyncset.done $0x0  }
0x2cf: {  	s9 =	simm.s32 $0x2840;
	[sflag:s26] =	ssyncadd.s32 $0xFFFFFD80  }
0x2d0: {  	s10 =	simm.s32 $0x2AC0;
	v2 =	vld [tilespmem:s9+$0x30]  }
0x2d1: {  	v3 =	vld [tilespmem:s10+$0x30]  }
0x2d2: {  	v1 =	vld [tilespmem:s10+$0xFFFFFFC0]  }
0x2d3: {  	v4 =	vld [tilespmem:s9+$0xFFFFFFD0]  }
0x2d4: {  	v5 =	vld [tilespmem:s10+$0xFFFFFFD0]  }
0x2d5: {  	v6 =	vld [tilespmem:s9+$0xFFFFFFE0]  }
0x2d6: {  	v7 =	vld [tilespmem:s10+$0xFFFFFFE0]  }
0x2d7: {  	v8 =	vld [tilespmem:s9+$0xFFFFFFF0]  }
0x2d8: {  	v9 =	vld [tilespmem:s10+$0xFFFFFFF0]  }
0x2d9: {  	v10 =	vld [tilespmem:s9+$0x0]  }
0x2da: {  	v11 =	vld [tilespmem:s10+$0x0];
	v3 =	vadd.f32 v3, v2  }
0x2db: {  	v5 =	vadd.f32 v5, v4;
	v2 =	vld [tilespmem:s9+$0x10]  }
0x2dc: {  	v6 =	vadd.f32 v7, v6;
	v4 =	vld [tilespmem:s10+$0x10];
	[tilespmem:s9+$0x30] =	vst v3  }
0x2dd: {  	v7 =	vadd.f32 v9, v8;
	[tilespmem:s9+$0xFFFFFFD0] =	vst v5;
	v3 =	vld [tilespmem:s9+$0x20]  }
0x2de: {  	[tilespmem:s9+$0xFFFFFFE0] =	vst v6;
	v6 =	vld [tilespmem:s10+$0x20]  }
0x2df: {  	s2 =	simm.s32 $0x0;
	s11 =	simm.s32 $0x28C0;
	v5 =	vld [tilespmem:s9+$0xFFFFFFC0];
	[tilespmem:s9+$0xFFFFFFF0] =	vst v7;
	v7 =	vadd.f32 v11, v10  }
.LBB2_36:
0x2e0: {  	v8 =	vld [tilespmem:s11+$0x30];
	s10 =	sadd.s32 $0x80, s10  }
0x2e1: {  	s2 =	sadd.s32 $0x8, s2;
	v9 =	vld [tilespmem:s10+$0x30];
	[tilespmem:s9+$0x0] =	vst v7;
	v2 =	vadd.f32 v4, v2  }
0x2e2: {  	p0 =	slt.u32 s2, $0x20;
	v4 =	vld [tilespmem:s10+$0xFFFFFFC0]  }
0x2e3: {  	v7 =	vld [tilespmem:s11+$0xFFFFFFD0];
	[tilespmem:s9+$0x10] =	vst v2;
	v2 =	vadd.f32 v6, v3  }
0x2e4: {  	v3 =	vld [tilespmem:s10+$0xFFFFFFD0];
	v10 =	vadd.f32 v1, v5  }
0x2e5: {  	v5 =	vld [tilespmem:s11+$0xFFFFFFE0];
	[tilespmem:s9+$0x20] =	vst v2  }
0x2e6: {  	v2 =	vld [tilespmem:s10+$0xFFFFFFE0];
	v6 =	vadd.f32 v9, v8;
	[tilespmem:s9+$0xFFFFFFC0] =	vst v10;
	s9 =	smov.u32 s11  }
0x2e7: {  	v8 =	vld [tilespmem:s11+$0xFFFFFFF0];
	v1 =	vmov v4  }
0x2e8: {  	v9 =	vld [tilespmem:s10+$0xFFFFFFF0];
	[tilespmem:s11+$0x30] =	vst v6  }
0x2e9: {  	v3 =	vadd.f32 v3, v7;
	v7 =	vld [tilespmem:s11+$0x0]  }
0x2ea: {  	v10 =	vld [tilespmem:s10+$0x0]  }
.Ltmp17:
0x2eb: {  	[tilespmem:s11+$0xFFFFFFD0] =	vst v3;
	v3 =	vadd.f32 v2, v5;
	v2 =	vld [tilespmem:s11+$0x10];
	(pc) =	sbr.rel @p0 .LBB2_36-.Ltmp17, $4  }
0x2ec: {  	v4 =	vld [tilespmem:s10+$0x10]  }
0x2ed: {  	[tilespmem:s11+$0xFFFFFFE0] =	vst v3;
	v8 =	vadd.f32 v9, v8;
	v3 =	vld [tilespmem:s11+$0x20]  }
0x2ee: {  	v6 =	vld [tilespmem:s10+$0x20]  }
0x2ef: {  	s11 =	sadd.s32 $0x80, s11;
	v5 =	vld [tilespmem:s9+$0xFFFFFFC0];
	[tilespmem:s9+$0xFFFFFFF0] =	vst v8;
	v7 =	vadd.f32 v10, v7  }
0x2f0: {  	_ =	sdelay $0x1  }
0x2f1: {  	v2 =	vadd.f32 v4, v2  }
0x2f2: {  	[tilespmem:s9+$0x0] =	vst v7;
	v3 =	vadd.f32 v6, v3  }
0x2f3: {  	s8 =	sadd.s32 $0x1, s8;
	[tilespmem:s9+$0x10] =	vst v2;
	v1 =	vadd.f32 v1, v5  }
0x2f4: {  	p0 =	sne.s32 s8, s25;
	[tilespmem:s9+$0x20] =	vst v3  }
.Ltmp18:
0x2f5: {  	s11 =	simm.s32 $0x2800;
	[tilespmem:s9+$0xFFFFFFC0] =	vst v1;
	(pc) =	sbr.rel @p0 .LBB2_1-.Ltmp18, $4  }
0x2f6: {  	[hbm4b:s23+s28] =	stream.strided.scatter [tilespmem:s11], [sflag:$0x2], $0x280, s29, s28, $0x38;
	[tilespmem:$0x5D00] =	vst v63  }
0x2f7: {  	_ =	swait.ge [sflag:s26], $0x280  }
0x2f8: {  	[sflag:s26] =	ssyncset.done $0x0  }
0x2f9: {  	[sflag:s26] =	ssyncadd.s32 $0xFFFFFD80  }
0x2fa: {  	_ =	sfence.sel $0x180000  }
0x2fb: {  	[bflag:$0x0] =	sbarrier.arrive $0xFFFF  }
0x2fc: {  	_ =	strace $0x90000047  }
0x2fd: {  	s0 =	stileid.u32;
	[bflag:$0x2] =	sbarrier.arrive $0xFFFF  }
0x2fe: {  	p0 =	sne.s32 s0, $0x0;
	s0 =	rddreg [dreg:$0x3]  }
0x2ff: {  	s0 =	sadd.s32 @!p0 $0x100000, s0  }
0x300: {  	[sflag:s0] =	ssyncadd.tile.s32 @!p0 $0x1;
	_ =	shalt  }
.Lfunc_end2:
_tile_overlayer_lowered:
.L_overlay_start_2:
0x301: {  	(tag) =	ssettag $0x2  }
0x302: {  	s0 =	rddreg [dreg:$0x0];
	s2 =	stileid.u32  }
0x303: {  	s1 =	rddreg [dreg:$0x1];
	p0 =	sne.s32 s2, $0x0  }
0x304: {  	s3 =	rddreg [dreg:$0x2];
	[bflag:$0x3] =	sbarrier.arrive $0xFFFF;
	s2 =	simm.s32 @!p0 $0x1C02  }
0x305: {  	[timem:s3], [sflag:s2] =	dma.local @!p0 [hbm:s0], s1  }
0x306: {  	s0 =	simm.s32 @!p0 $0x2  }
0x307: {  	_ =	swait.ge @!p0 [sflag:s0], s1  }
0x308: {  	s1 =	ssub.s32 @!p0 $0x0, s1;
	[sflag:s0] =	ssyncset.done @!p0 $0x0  }
0x309: {  	[sflag:s0] =	ssyncadd.s32 @!p0 s1  }
0x30a: {  	[bflag:$0x3] =	sbarrier.arrive $0xFFFF  }
0x30b: {  	_ =	shalt  }

</sc_bundles>
